<compile_context>
chip_gen: v7x
topology: tpu7x:2x2x1
jax: 0.10.2.dev20260603
libtpu: 0.0.44.dev20260713+nightly
codegen_flags: <defaults>
</compile_context>

<pallas_src>
import functools

import jax
import jax.numpy as jnp
from jax import lax
from jax.experimental import pallas as pl
from jax.experimental.pallas import tpu as pltpu
from jax.experimental.pallas import tpu_sc as plsc

NT_LIST = ('paper', 'author')
N = 10000
D = 128
NH = 8
HD = 16
E = 640000
NC = 2
NS = 16
CHUNK = 40
EPC = E // NC
EPS_ = EPC // NS
DEN0 = N
NTOT = N + N // 8
NROWS = 704
TAIL0 = NROWS * (NS - 1)

_EPS = 1e-5


def _edge_body(ke_hbm, qp_hbm, ve_hbm, src_hbm, dst_hbm, z128_hbm,
               acc_out,
               shared_acc,
               idx_s, idx_d, idx_dp, idx_d2, krows, qrows, vrows, exb,
               sem1, sem2, sem3):
    c = lax.axis_index("c")
    s = lax.axis_index("s")
    iota = lax.iota(jnp.int32, 16)
    zero16 = jnp.zeros((16,), jnp.float32)

    r0 = s * NROWS

    @pl.when(s < NS - 1)
    def _zero_main():
        pltpu.sync_copy(z128_hbm.at[pl.ds(r0, NROWS)],
                        shared_acc.at[pl.ds(r0, NROWS)])

    @pl.when(s == NS - 1)
    def _zero_tail():
        pltpu.sync_copy(z128_hbm.at[pl.ds(TAIL0, NTOT - TAIL0)],
                        shared_acc.at[pl.ds(TAIL0, NTOT - TAIL0)])

    plsc.subcore_barrier()

    base = c * EPC + s * EPS_

    def chunk_body(i, _):
        e0 = base + i * CHUNK
        pltpu.sync_copy(src_hbm.at[pl.ds(e0, CHUNK)], idx_s)
        pltpu.sync_copy(dst_hbm.at[pl.ds(e0, CHUNK)], idx_d)
        cp1 = pltpu.async_copy(ke_hbm.at[idx_s], krows, sem1)
        cp2 = pltpu.async_copy(qp_hbm.at[idx_d], qrows, sem2)
        cp3 = pltpu.async_copy(ve_hbm.at[idx_s], vrows, sem3)
        for g in (0, 16, 24):
            dv = idx_d[pl.ds(g, 16)]
            idx_dp[pl.ds(g, 16)] = dv
            idx_d2[pl.ds(g, 16)] = DEN0 + jnp.right_shift(dv, 3)
        cp1.wait()
        cp2.wait()
        cp3.wait()

        def edge_body(e, _):
            scores = jnp.zeros((16,), jnp.float32)
            for h in range(NH):
                kv = krows[e, pl.ds(h * HD, HD)]
                qv = qrows[e, pl.ds(h * HD, HD)]
                sh = jnp.sum(kv * qv)
                scores = scores + jnp.where(iota == h, sh, 0.0)
            exv = jnp.exp(scores)
            for h in range(NH):
                exb[e, pl.ds(h * HD, HD)] = zero16
            dvec = idx_dp[pl.ds(e, 16)]
            goff = (dvec[0] & 7) * HD
            exb[e, pl.ds(goff, HD)] = exv
            for h in range(NH):
                vrows[e, pl.ds(h * HD, HD)] = vrows[e, pl.ds(h * HD, HD)] * exv[h]
            return _

        lax.fori_loop(0, CHUNK, edge_body, None, unroll=4)
        pltpu.sync_copy(vrows, shared_acc.at[idx_d], add=True)
        pltpu.sync_copy(exb, shared_acc.at[idx_d2], add=True)
        return _

    lax.fori_loop(0, EPS_ // CHUNK, chunk_body, None)
    plsc.subcore_barrier()

    @pl.when(s < NS - 1)
    def _dump_main():
        pltpu.sync_copy(shared_acc.at[pl.ds(r0, NROWS)],
                        acc_out.at[c, pl.ds(r0, NROWS)])

    @pl.when(s == NS - 1)
    def _dump_tail():
        pltpu.sync_copy(shared_acc.at[pl.ds(TAIL0, NTOT - TAIL0)],
                        acc_out.at[c, pl.ds(TAIL0, NTOT - TAIL0)])


@functools.cache
def _edge_call():
  return pl.kernel(
    _edge_body,
    out_type=jax.ShapeDtypeStruct((NC, NTOT, D), jnp.float32),
    mesh=plsc.VectorSubcoreMesh(
        core_axis_name="c", subcore_axis_name="s", num_cores=NC, num_subcores=NS
    ),
    scratch_types=[
        pltpu.VMEM_SHARED((NTOT, D), jnp.float32),
        pltpu.VMEM((CHUNK,), jnp.int32),
        pltpu.VMEM((CHUNK,), jnp.int32),
        pltpu.VMEM((CHUNK + 16,), jnp.int32),
        pltpu.VMEM((CHUNK,), jnp.int32),
        pltpu.VMEM((CHUNK, D), jnp.float32),
        pltpu.VMEM((CHUNK, D), jnp.float32),
        pltpu.VMEM((CHUNK, D), jnp.float32),
        pltpu.VMEM((CHUNK, D), jnp.float32),
        pltpu.SemaphoreType.DMA,
        pltpu.SemaphoreType.DMA,
        pltpu.SemaphoreType.DMA,
    ],
    compiler_params=pltpu.CompilerParams(needs_layout_passes=False),
  )


def _ln2(x, g, b):
    mu = jnp.mean(x, axis=-1, keepdims=True)
    var = jnp.mean((x - mu) ** 2, axis=-1, keepdims=True)
    return (x - mu) * lax.rsqrt(var + _EPS) * g + b


def _pre_body(x, qg, qb, qW, qbl, kg, kb, kW, kbl, vg, vb, vW, vbl,
              relk, relv, rscale, tb, tW, tbl, gg, gb, gW, gbl,
              qp_o, ke_o, ve_o, misc_o):
    xin = x[...]
    scale = (1.0 / (1.0 + jnp.exp(-rscale[0, 0])) + 1.0) / (HD ** 0.5)
    q = _ln2(xin, qg[...], qb[...]) @ qW[...] + qbl[...]
    qp_o[...] = q * scale
    ke_o[...] = _ln2(xin, kg[...], kb[...]) @ kW[...] + kbl[...] + relk[...]
    ve_o[...] = _ln2(xin, vg[...], vb[...]) @ vW[...] + vbl[...] + relv[...]
    topo_row = tb[...] @ tW[...] + tbl[...]
    xmean = jnp.mean(xin, axis=0, keepdims=True)
    gctx_row = _ln2(xmean, gg[...], gb[...]) @ gW[...] + gbl[...]
    misc_o[...] = jnp.concatenate([topo_row, gctx_row], axis=0)


_pre_call = pl.pallas_call(
    _pre_body,
    out_shape=(
        jax.ShapeDtypeStruct((N, D), jnp.float32),
        jax.ShapeDtypeStruct((N, D), jnp.float32),
        jax.ShapeDtypeStruct((N, D), jnp.float32),
        jax.ShapeDtypeStruct((2, D), jnp.float32),
    ),
)


BLK = 2000


def _post_body(x, a0, a1, d0, d1, misc,
               og, ob, oW, obl, Wm, bm, W1g, b1g, W2g, b2g,
               fg, fb, fW1, fb1, fW2, fb2, n1g, n1b, n2g, n2b,
               out_o):
    xin = x[...]
    acc = a0[...] + a1[...]
    den = d0[...] + d1[...]
    cols = []
    for h in range(NH):
        dh = den[:, h:h + 1]
        cols.append(jnp.where(dh > 0.0, acc[:, h * HD:(h + 1) * HD] / dh, 0.0))
    local = jnp.concatenate(cols, axis=1)
    loc = _ln2(local, og[...], ob[...]) @ oW[...] + obl[...]
    meta = 1.0 / (1.0 + jnp.exp(-(xin @ Wm[...] + bm[...])))
    topo = jnp.broadcast_to(misc[0:1, :], (BLK, D))
    gctx = jnp.broadcast_to(misc[1:2, :], (BLK, D))
    cat = jnp.concatenate([loc, meta, topo, gctx], axis=1)
    glog = jnp.maximum(cat @ W1g[...] + b1g[...], 0.0) @ W2g[...] + b2g[...]
    gm = jnp.max(glog, axis=-1, keepdims=True)
    ge = jnp.exp(glog - gm)
    gate = ge / jnp.sum(ge, axis=-1, keepdims=True)
    combined = (gate[:, 0:1] * loc + gate[:, 1:2] * meta
                + gate[:, 2:3] * topo + gate[:, 3:4] * gctx)
    hn = _ln2(xin + combined, n1g[...], n1b[...])
    ffin = _ln2(hn, fg[...], fb[...]) @ fW1[...] + fb1[...]
    ffact = 0.5 * ffin * (1.0 + lax.erf(ffin * (2.0 ** -0.5)))
    ff = ffact @ fW2[...] + fb2[...]
    out_o[...] = _ln2(hn + ff, n2g[...], n2b[...])


def _full(shape):
    return pl.BlockSpec(shape, lambda i: tuple(0 for _ in shape))


_post_call = pl.pallas_call(
    _post_body,
    grid=(N // BLK,),
    in_specs=[
        pl.BlockSpec((BLK, D), lambda i: (i, 0)),
        pl.BlockSpec((BLK, D), lambda i: (i, 0)),
        pl.BlockSpec((BLK, D), lambda i: (i, 0)),
        pl.BlockSpec((BLK, 16), lambda i: (i, 0)),
        pl.BlockSpec((BLK, 16), lambda i: (i, 0)),
        _full((2, D)),
        _full((1, D)), _full((1, D)), _full((D, D)), _full((1, D)),
        _full((D, D)), _full((1, D)),
        _full((4 * D, D)), _full((1, D)),
        _full((D, 4)), _full((1, 4)),
        _full((1, D)), _full((1, D)),
        _full((D, 4 * D)), _full((1, 4 * D)),
        _full((4 * D, D)), _full((1, D)),
        _full((1, D)), _full((1, D)),
        _full((1, D)), _full((1, D)),
    ],
    out_specs=pl.BlockSpec((BLK, D), lambda i: (i, 0)),
    out_shape=jax.ShapeDtypeStruct((N, D), jnp.float32),
)


def _row(v):
    return v.reshape(1, -1)


def kernel(x_paper, x_author, edge_index_ap, edge_index_pa, params):
    h = {'paper': x_paper, 'author': x_author}
    rel_of_dst = {'paper': 0, 'author': 1}
    rel_of_src = {'paper': 1, 'author': 0}

    proj = {}
    for nt in NT_LIST:
        p = params[nt]
        rd = rel_of_dst[nt]
        rs = rel_of_src[nt]
        qp, ke, ve, misc = _pre_call(
            h[nt],
            _row(p['q']['g']), _row(p['q']['b']), p['q']['W'], _row(p['q']['bl']),
            _row(p['k']['g']), _row(p['k']['b']), p['k']['W'], _row(p['k']['bl']),
            _row(p['v']['g']), _row(p['v']['b']), p['v']['W'], _row(p['v']['bl']),
            _row(params['rel_k'][rs]), _row(params['rel_v'][rs]),
            params['rel_scale'][rd].reshape(1, 1),
            _row(p['topo']['b']), p['topo']['W'], _row(p['topo']['bl']),
            _row(p['glob']['g']), _row(p['glob']['b']), p['glob']['W'],
            _row(p['glob']['bl']),
        )
        proj[nt] = (qp, ke, ve, misc)

    z128 = jnp.zeros((NTOT, D), jnp.float32)
    edges = {0: edge_index_ap, 1: edge_index_pa}
    agg = {}
    for src_t, dst_t, rid in (('author', 'paper', 0), ('paper', 'author', 1)):
        ei = edges[rid]
        full = _edge_call()(
            proj[src_t][1], proj[dst_t][0], proj[src_t][2],
            ei[0], ei[1], z128,
        )
        acc = full[:, :N, :]
        den = full[:, N:, :].reshape(NC, N, 16)
        agg[dst_t] = (acc, den)

    outs = []
    for nt in NT_LIST:
        p = params[nt]
        acc, den = agg[nt]
        out = _post_call(
            h[nt], acc[0], acc[1], den[0], den[1], proj[nt][3],
            _row(p['out']['g']), _row(p['out']['b']), p['out']['W'],
            _row(p['out']['bl']),
            p['mgate']['W'][:D], _row(p['mgate']['b']),
            p['bg1']['W'], _row(p['bg1']['b']),
            p['bg2']['W'], _row(p['bg2']['b']),
            _row(p['ffn_g']), _row(p['ffn_b']),
            p['ffn_W1'], _row(p['ffn_b1']),
            p['ffn_W2'], _row(p['ffn_b2']),
            _row(p['n1g']), _row(p['n1b']),
            _row(p['n2g']), _row(p['n2b']),
        )
        outs.append(out)
    return jnp.stack(outs, axis=0)

# --- scband reference (transcript-rebuilt; emitter-appended) ---
"""Pipeline reference for scband-rlghgtlayer-17300128269022 (READ-ONLY COPY).

The authoritative reference and input builder live on the scoring server;
editing this copy changes nothing except your own understanding.
"""

import jax, jax.numpy as jnp
import numpy as np

NT = ['paper', 'author']
N_NODES = {'paper': 10000, 'author': 10000}
H_DIM = 128
OUT_DIM = 128
N_HEADS = 8
HEAD_DIM = OUT_DIM // N_HEADS
N_EDGES = 640000
ETYPES = [('author', 'paper', 0), ('paper', 'author', 1)]


def _ln(x, g, b, eps=1e-5):
    mu = jnp.mean(x, axis=-1, keepdims=True)
    var = jnp.mean((x - mu) ** 2, axis=-1, keepdims=True)
    return (x - mu) / jnp.sqrt(var + eps) * g + b


def _lnlin(x, p):
    return _ln(x, p['g'], p['b']) @ p['W'] + p['bl']


def _make_lnlin(key, din, dout):
    return {'g': jnp.ones((din,), jnp.float32), 'b': jnp.zeros((din,), jnp.float32),
            'W': jax.random.normal(key, (din, dout), jnp.float32) * 0.02,
            'bl': jnp.zeros((dout,), jnp.float32)}


def _make_lin(key, din, dout):
    return {'W': jax.random.normal(key, (din, dout), jnp.float32) * 0.02,
            'b': jnp.zeros((dout,), jnp.float32)}


def _make_params(key):
    ks = iter(jax.random.split(key, 40))
    params = {'rel_k': jax.random.normal(next(ks), (2, OUT_DIM), jnp.float32) * 0.02,
              'rel_v': jax.random.normal(next(ks), (2, OUT_DIM), jnp.float32) * 0.02,
              'rel_bias': jax.random.normal(next(ks), (2, N_HEADS), jnp.float32) * 0.02,
              'rel_scale': jax.random.normal(next(ks), (2, 1), jnp.float32) * 0.02}
    for nt in NT:
        params[nt] = {
            'q': _make_lnlin(next(ks), H_DIM, OUT_DIM),
            'k': _make_lnlin(next(ks), H_DIM, OUT_DIM),
            'v': _make_lnlin(next(ks), H_DIM, OUT_DIM),
            'out': _make_lnlin(next(ks), OUT_DIM, H_DIM),
            'topo': _make_lnlin(next(ks), H_DIM, H_DIM),
            'glob': _make_lnlin(next(ks), H_DIM, H_DIM),
            'mgate': _make_lin(next(ks), 2 * H_DIM, H_DIM),
            'bg1': _make_lin(next(ks), 4 * H_DIM, H_DIM),
            'bg2': _make_lin(next(ks), H_DIM, 4),
            'ffn_g': jnp.ones((H_DIM,), jnp.float32), 'ffn_b': jnp.zeros((H_DIM,), jnp.float32),
            'ffn_W1': jax.random.normal(next(ks), (H_DIM, 4 * H_DIM), jnp.float32) * 0.02,
            'ffn_b1': jnp.zeros((4 * H_DIM,), jnp.float32),
            'ffn_W2': jax.random.normal(next(ks), (4 * H_DIM, H_DIM), jnp.float32) * 0.02,
            'ffn_b2': jnp.zeros((H_DIM,), jnp.float32),
            'n1g': jnp.ones((H_DIM,), jnp.float32), 'n1b': jnp.zeros((H_DIM,), jnp.float32),
            'n2g': jnp.ones((H_DIM,), jnp.float32), 'n2b': jnp.zeros((H_DIM,), jnp.float32)}
    return params


def setup_inputs(seed: int = 0):
    key = jax.random.key(seed)
    kx1, kx2, ke1, ke2, kp = jax.random.split(key, 5)
    return {'x_paper': jax.random.normal(kx1, (N_NODES['paper'], H_DIM), jnp.float32),
            'x_author': jax.random.normal(kx2, (N_NODES['author'], H_DIM), jnp.float32),
            'edge_index_ap': jax.random.randint(ke1, (2, N_EDGES), 0, N_NODES['paper'], jnp.int32),
            'edge_index_pa': jax.random.randint(ke2, (2, N_EDGES), 0, N_NODES['author'], jnp.int32),
            'params': _make_params(kp)}


def _forward(x_paper, x_author, params, edge_index_ap, edge_index_pa):
    h = {'paper': x_paper, 'author': x_author}
    edges = {0: edge_index_ap, 1: edge_index_pa}
    local = {nt: jnp.zeros((N_NODES[nt], OUT_DIM), jnp.float32) for nt in NT}
    for src_t, dst_t, rid in ETYPES:
        ei = edges[rid]
        src, dst = ei[0], ei[1]
        q = _lnlin(h[dst_t], params[dst_t]['q']).reshape(-1, N_HEADS, HEAD_DIM)
        k = _lnlin(h[src_t], params[src_t]['k']).reshape(-1, N_HEADS, HEAD_DIM)
        v = _lnlin(h[src_t], params[src_t]['v']).reshape(-1, N_HEADS, HEAD_DIM)
        k = k + params['rel_k'][rid].reshape(1, N_HEADS, HEAD_DIM)
        v = v + params['rel_v'][rid].reshape(1, N_HEADS, HEAD_DIM)
        bias = params['rel_bias'][rid].reshape(1, N_HEADS)
        scale = jax.nn.sigmoid(params['rel_scale'][rid]).reshape(1, 1) + 1.0
        score = jnp.sum(k[src] * q[dst], axis=-1) / (HEAD_DIM ** 0.5)
        score = score * scale + bias
        n_dst = N_NODES[dst_t]
        smax = jax.ops.segment_max(score, dst, num_segments=n_dst)
        smax = jnp.where(jnp.isfinite(smax), smax, 0.0)
        ex = jnp.exp(score - smax[dst])
        den = jax.ops.segment_sum(ex, dst, num_segments=n_dst)
        attn = ex / den[dst]
        msg = v[src] * attn[:, :, None]
        out = jax.ops.segment_sum(msg, dst, num_segments=n_dst).reshape(n_dst, OUT_DIM)
        local[dst_t] = local[dst_t] + out
    outs = []
    for nt in NT:
        p = params[nt]
        loc = _lnlin(local[nt], p['out'])
        meta_msg = jnp.zeros_like(loc)
        meta = jax.nn.sigmoid(jnp.concatenate([h[nt], meta_msg], axis=-1) @ p['mgate']['W'] + p['mgate']['b'])
        topo = _lnlin(meta_msg, p['topo'])
        gctx = _lnlin(jnp.mean(h[nt], axis=0, keepdims=True), p['glob'])
        gctx = jnp.tile(gctx, (h[nt].shape[0], 1))
        cat = jnp.concatenate([loc, meta, topo, gctx], axis=-1)
        glog = jax.nn.relu(cat @ p['bg1']['W'] + p['bg1']['b']) @ p['bg2']['W'] + p['bg2']['b']
        gate = jax.nn.softmax(glog, axis=-1)
        stack = jnp.stack([loc, meta, topo, gctx], axis=1)
        combined = jnp.sum(gate[:, :, None] * stack, axis=1)
        hn = _ln(h[nt] + combined, p['n1g'], p['n1b'])
        ff = jax.nn.gelu(_ln(hn, p['ffn_g'], p['ffn_b']) @ p['ffn_W1'] + p['ffn_b1'], approximate=False) @ p['ffn_W2'] + p['ffn_b2']
        hn = _ln(hn + ff, p['n2g'], p['n2b'])
        outs.append(hn)
    return jnp.stack(outs, axis=0)


def reference(x_paper, x_author, edge_index_ap, edge_index_pa, params):
    return _forward(x_paper, x_author, params, edge_index_ap, edge_index_pa)

if __name__ == "__main__":
    import jax
    _d = setup_inputs()
    print(jax.jit(kernel)(*tuple(_d.values())))

</pallas_src>

<mosaic_0001>
#map = affine_map<(d0, d1) -> (0, 0)>
#map1 = affine_map<(d0, d1) -> (0)>
#map2 = affine_map<(d0, d1) -> (0, 0, 0)>
module attributes {stable_mosaic.version = 14 : i64} {
  func.func @_edge_body(%arg0: i32, %arg1: i32, %arg2: memref<10000x128xf32, #tpu.memory_space<hbm>>, %arg3: memref<10000x128xf32, #tpu.memory_space<hbm>>, %arg4: memref<10000x128xf32, #tpu.memory_space<hbm>>, %arg5: memref<640000xi32, #tpu.memory_space<hbm>>, %arg6: memref<640000xi32, #tpu.memory_space<hbm>>, %arg7: memref<11250x128xf32, #tpu.memory_space<hbm>>, %arg8: memref<2x11250x128xf32, #tpu.memory_space<hbm>>, %arg9: memref<11250x128xf32, #tpu.memory_space<vmem_shared>>, %arg10: memref<40xi32, #tpu.memory_space<vmem>>, %arg11: memref<40xi32, #tpu.memory_space<vmem>>, %arg12: memref<56xi32, #tpu.memory_space<vmem>>, %arg13: memref<40xi32, #tpu.memory_space<vmem>>, %arg14: memref<40x128xf32, #tpu.memory_space<vmem>>, %arg15: memref<40x128xf32, #tpu.memory_space<vmem>>, %arg16: memref<40x128xf32, #tpu.memory_space<vmem>>, %arg17: memref<40x128xf32, #tpu.memory_space<vmem>>, %arg18: memref<!tpu.dma_semaphore, #tpu.memory_space<semaphore_mem>>, %arg19: memref<!tpu.dma_semaphore, #tpu.memory_space<semaphore_mem>>, %arg20: memref<!tpu.dma_semaphore, #tpu.memory_space<semaphore_mem>>) attributes {dimension_semantics = [#tpu.dimension_semantics<core_parallel>, #tpu.dimension_semantics<subcore_parallel>], iteration_bounds = array<i64: 2, 16>, scalar_prefetch = 0 : i64, scratch_operands = 12 : i64, tpu.core_type = #tpu.core_type<sc_vector_subcore>, window_params = [{transform_indices = #map}, {transform_indices = #map}, {transform_indices = #map}, {transform_indices = #map1}, {transform_indices = #map1}, {transform_indices = #map}, {transform_indices = #map2}]} {
    %iota3A = tpu.iota {dimensions = array<i32: 0>} : vector<16xi32>
    %broadcast_in_dim3A = arith.constant 0.000000e+00 : f32
    %broadcast_in_dim3A_0 = vector.broadcast %broadcast_in_dim3A : f32 to vector<16xf32>
    %mul3A = arith.constant 704 : i32
    %mul3A_1 = arith.muli %arg1, %mul3A : i32
    %lt3A = arith.constant 15 : i32
    %lt3A_2 = arith.cmpi slt, %arg1, %lt3A : i32
    %convert_element_type3A = arith.extui %lt3A_2 : i1 to i32
    %cond3A = arith.constant 0 : i32
    %cond3A_3 = arith.cmpi ne, %convert_element_type3A, %cond3A : i32
    scf.if %cond3A_3 {
      "tpu.region"() ({
        %run_scoped3A = tpu.sem_alloc : memref<!tpu.dma_semaphore, #tpu.memory_space<semaphore_mem>>
        %dma_start3A = arith.constant 0 : i32
        %dma_start3A_27 = tpu.memref_slice %arg9[%mul3A_1, %dma_start3A] : memref<11250x128xf32, #tpu.memory_space<vmem_shared>> -> memref<704x128xf32, #tpu.memory_space<vmem_shared>>
        %dma_start3A_28 = arith.constant 0 : i32
        %dma_start3A_29 = tpu.memref_slice %arg7[%mul3A_1, %dma_start3A_28] : memref<11250x128xf32, #tpu.memory_space<hbm>> -> memref<704x128xf32, #tpu.memory_space<hbm>>
        tpu.enqueue_dma source(%dma_start3A_29 : memref<704x128xf32, #tpu.memory_space<hbm>>) target(%dma_start3A_27 : memref<704x128xf32, #tpu.memory_space<vmem_shared>>) target_semaphore(%run_scoped3A : memref<!tpu.dma_semaphore, #tpu.memory_space<semaphore_mem>>)
        %dma_wait3A = arith.constant 0 : i32
        %dma_wait3A_30 = tpu.memref_slice %arg9[%mul3A_1, %dma_wait3A] : memref<11250x128xf32, #tpu.memory_space<vmem_shared>> -> memref<704x128xf32, #tpu.memory_space<vmem_shared>>
        %dma_wait3A_31 = arith.constant 0 : i32
        %dma_wait3A_32 = tpu.memref_slice %arg7[%mul3A_1, %dma_wait3A_31] : memref<11250x128xf32, #tpu.memory_space<hbm>> -> memref<704x128xf32, #tpu.memory_space<hbm>>
        tpu.wait_dma2 semaphore(%run_scoped3A : memref<!tpu.dma_semaphore, #tpu.memory_space<semaphore_mem>>) src(%dma_wait3A_32 : memref<704x128xf32, #tpu.memory_space<hbm>>) dst(%dma_wait3A_30 : memref<704x128xf32, #tpu.memory_space<vmem_shared>>)
        tpu.yield
      }) : () -> ()
    } else {
    }
    %eq3A = arith.constant 15 : i32
    %eq3A_4 = arith.cmpi eq, %arg1, %eq3A : i32
    %convert_element_type3A_5 = arith.extui %eq3A_4 : i1 to i32
    %cond3A_6 = arith.constant 0 : i32
    %cond3A_7 = arith.cmpi ne, %convert_element_type3A_5, %cond3A_6 : i32
    scf.if %cond3A_7 {
      "tpu.region"() ({
        %run_scoped3A = tpu.sem_alloc : memref<!tpu.dma_semaphore, #tpu.memory_space<semaphore_mem>>
        %dma_start3A = arith.constant 10560 : i32
        %dma_start3A_27 = arith.constant 0 : i32
        %dma_start3A_28 = tpu.memref_slice %arg9[%dma_start3A, %dma_start3A_27] : memref<11250x128xf32, #tpu.memory_space<vmem_shared>> -> memref<690x128xf32, #tpu.memory_space<vmem_shared>>
        %dma_start3A_29 = arith.constant 10560 : i32
        %dma_start3A_30 = arith.constant 0 : i32
        %dma_start3A_31 = tpu.memref_slice %arg7[%dma_start3A_29, %dma_start3A_30] : memref<11250x128xf32, #tpu.memory_space<hbm>> -> memref<690x128xf32, #tpu.memory_space<hbm>>
        tpu.enqueue_dma source(%dma_start3A_31 : memref<690x128xf32, #tpu.memory_space<hbm>>) target(%dma_start3A_28 : memref<690x128xf32, #tpu.memory_space<vmem_shared>>) target_semaphore(%run_scoped3A : memref<!tpu.dma_semaphore, #tpu.memory_space<semaphore_mem>>)
        %dma_wait3A = arith.constant 10560 : i32
        %dma_wait3A_32 = arith.constant 0 : i32
        %dma_wait3A_33 = tpu.memref_slice %arg9[%dma_wait3A, %dma_wait3A_32] : memref<11250x128xf32, #tpu.memory_space<vmem_shared>> -> memref<690x128xf32, #tpu.memory_space<vmem_shared>>
        %dma_wait3A_34 = arith.constant 10560 : i32
        %dma_wait3A_35 = arith.constant 0 : i32
        %dma_wait3A_36 = tpu.memref_slice %arg7[%dma_wait3A_34, %dma_wait3A_35] : memref<11250x128xf32, #tpu.memory_space<hbm>> -> memref<690x128xf32, #tpu.memory_space<hbm>>
        tpu.wait_dma2 semaphore(%run_scoped3A : memref<!tpu.dma_semaphore, #tpu.memory_space<semaphore_mem>>) src(%dma_wait3A_36 : memref<690x128xf32, #tpu.memory_space<hbm>>) dst(%dma_wait3A_33 : memref<690x128xf32, #tpu.memory_space<vmem_shared>>)
        tpu.yield
      }) : () -> ()
    } else {
    }
    %barrier3A = arith.constant 0 : index
    tpu.barrier barrier_id(%barrier3A)
    %mul3A_8 = arith.constant 320000 : i32
    %mul3A_9 = arith.muli %arg0, %mul3A_8 : i32
    %mul3A_10 = arith.constant 20000 : i32
    %mul3A_11 = arith.muli %arg1, %mul3A_10 : i32
    %add3A = arith.addi %mul3A_9, %mul3A_11 : i32
    %scan3A = arith.constant 0 : i32
    %scan3A_12 = arith.constant 500 : i32
    %scan3A_13 = arith.addi %scan3A, %scan3A_12 : i32
    %scan3A_14 = arith.constant 1 : i32
    scf.for %scan3A_27 = %scan3A to %scan3A_13 step %scan3A_14  : i32 {
      %mul3A_28 = arith.constant 40 : i32
      %mul3A_29 = arith.muli %scan3A_27, %mul3A_28 : i32
      %add3A_30 = arith.addi %add3A, %mul3A_29 : i32
      "tpu.region"() ({
        %run_scoped3A = tpu.sem_alloc : memref<!tpu.dma_semaphore, #tpu.memory_space<semaphore_mem>>
        %dma_start3A_85 = tpu.memref_slice %arg5[%add3A_30] : memref<640000xi32, #tpu.memory_space<hbm>> -> memref<40xi32, #tpu.memory_space<hbm>>
        %dma_start3A_86 = tpu.memref_slice %arg5[%add3A_30] : memref<640000xi32, #tpu.memory_space<hbm>> -> memref<40xi32, #tpu.memory_space<hbm>>
        tpu.enqueue_dma source(%dma_start3A_86 : memref<40xi32, #tpu.memory_space<hbm>>) target(%arg10 : memref<40xi32, #tpu.memory_space<vmem>>) target_semaphore(%run_scoped3A : memref<!tpu.dma_semaphore, #tpu.memory_space<semaphore_mem>>)
        %dma_wait3A_87 = tpu.memref_slice %arg5[%add3A_30] : memref<640000xi32, #tpu.memory_space<hbm>> -> memref<40xi32, #tpu.memory_space<hbm>>
        %dma_wait3A_88 = tpu.memref_slice %arg5[%add3A_30] : memref<640000xi32, #tpu.memory_space<hbm>> -> memref<40xi32, #tpu.memory_space<hbm>>
        tpu.wait_dma2 semaphore(%run_scoped3A : memref<!tpu.dma_semaphore, #tpu.memory_space<semaphore_mem>>) src(%dma_wait3A_88 : memref<40xi32, #tpu.memory_space<hbm>>) dst(%arg10 : memref<40xi32, #tpu.memory_space<vmem>>)
        tpu.yield
      }) : () -> ()
      "tpu.region"() ({
        %run_scoped3A = tpu.sem_alloc : memref<!tpu.dma_semaphore, #tpu.memory_space<semaphore_mem>>
        %dma_start3A_85 = tpu.memref_slice %arg6[%add3A_30] : memref<640000xi32, #tpu.memory_space<hbm>> -> memref<40xi32, #tpu.memory_space<hbm>>
        %dma_start3A_86 = tpu.memref_slice %arg6[%add3A_30] : memref<640000xi32, #tpu.memory_space<hbm>> -> memref<40xi32, #tpu.memory_space<hbm>>
        tpu.enqueue_dma source(%dma_start3A_86 : memref<40xi32, #tpu.memory_space<hbm>>) target(%arg11 : memref<40xi32, #tpu.memory_space<vmem>>) target_semaphore(%run_scoped3A : memref<!tpu.dma_semaphore, #tpu.memory_space<semaphore_mem>>)
        %dma_wait3A_87 = tpu.memref_slice %arg6[%add3A_30] : memref<640000xi32, #tpu.memory_space<hbm>> -> memref<40xi32, #tpu.memory_space<hbm>>
        %dma_wait3A_88 = tpu.memref_slice %arg6[%add3A_30] : memref<640000xi32, #tpu.memory_space<hbm>> -> memref<40xi32, #tpu.memory_space<hbm>>
        tpu.wait_dma2 semaphore(%run_scoped3A : memref<!tpu.dma_semaphore, #tpu.memory_space<semaphore_mem>>) src(%dma_wait3A_88 : memref<40xi32, #tpu.memory_space<hbm>>) dst(%arg11 : memref<40xi32, #tpu.memory_space<vmem>>)
        tpu.yield
      }) : () -> ()
      %dma_start3A = arith.constant 0 : i32
      %dma_start3A_31 = arith.constant 0 : i32
      %dma_start3A_32 = tpu.memref_slice %arg2[%dma_start3A, %dma_start3A_31] : memref<10000x128xf32, #tpu.memory_space<hbm>> -> memref<10000x128xf32, #tpu.memory_space<hbm>>
      tpu.enqueue_indirect_dma source(%dma_start3A_32 : memref<10000x128xf32, #tpu.memory_space<hbm>>) target(%arg14 : memref<40x128xf32, #tpu.memory_space<vmem>>) offsets(%arg10 : memref<40xi32, #tpu.memory_space<vmem>>) semaphore(%arg18 : memref<!tpu.dma_semaphore, #tpu.memory_space<semaphore_mem>>)
      %dma_start3A_33 = arith.constant 0 : i32
      %dma_start3A_34 = arith.constant 0 : i32
      %dma_start3A_35 = tpu.memref_slice %arg3[%dma_start3A_33, %dma_start3A_34] : memref<10000x128xf32, #tpu.memory_space<hbm>> -> memref<10000x128xf32, #tpu.memory_space<hbm>>
      tpu.enqueue_indirect_dma source(%dma_start3A_35 : memref<10000x128xf32, #tpu.memory_space<hbm>>) target(%arg15 : memref<40x128xf32, #tpu.memory_space<vmem>>) offsets(%arg11 : memref<40xi32, #tpu.memory_space<vmem>>) semaphore(%arg19 : memref<!tpu.dma_semaphore, #tpu.memory_space<semaphore_mem>>)
      %dma_start3A_36 = arith.constant 0 : i32
      %dma_start3A_37 = arith.constant 0 : i32
      %dma_start3A_38 = tpu.memref_slice %arg4[%dma_start3A_36, %dma_start3A_37] : memref<10000x128xf32, #tpu.memory_space<hbm>> -> memref<10000x128xf32, #tpu.memory_space<hbm>>
      tpu.enqueue_indirect_dma source(%dma_start3A_38 : memref<10000x128xf32, #tpu.memory_space<hbm>>) target(%arg16 : memref<40x128xf32, #tpu.memory_space<vmem>>) offsets(%arg10 : memref<40xi32, #tpu.memory_space<vmem>>) semaphore(%arg20 : memref<!tpu.dma_semaphore, #tpu.memory_space<semaphore_mem>>)
      %get3A = arith.constant 0 : index
      %get3A_39 = tpu.vector_load %arg11[%get3A] {strides = array<i32>} : memref<40xi32, #tpu.memory_space<vmem>>, vector<16xi32>,
      %swap3A = arith.constant 0 : index
      %swap3A_40 = tpu.vector_load %arg12[%swap3A] {strides = array<i32>} : memref<56xi32, #tpu.memory_space<vmem>>, vector<16xi32>,
      tpu.vector_store %arg12[%swap3A], %get3A_39 {strides = array<i32>} : memref<56xi32, #tpu.memory_space<vmem>>, vector<16xi32>,
      %shift_right_arithmetic3A = arith.constant 3 : i32
      %shift_right_arithmetic3A_41 = vector.broadcast %shift_right_arithmetic3A : i32 to vector<16xi32>
      %shift_right_arithmetic3A_42 = arith.shrsi %get3A_39, %shift_right_arithmetic3A_41 : vector<16xi32>
      %add3A_43 = arith.constant 10000 : i32
      %add3A_44 = vector.broadcast %add3A_43 : i32 to vector<16xi32>
      %add3A_45 = arith.addi %add3A_44, %shift_right_arithmetic3A_42 : vector<16xi32>
      %swap3A_46 = arith.constant 0 : index
      %swap3A_47 = tpu.vector_load %arg13[%swap3A_46] {strides = array<i32>} : memref<40xi32, #tpu.memory_space<vmem>>, vector<16xi32>,
      tpu.vector_store %arg13[%swap3A_46], %add3A_45 {strides = array<i32>} : memref<40xi32, #tpu.memory_space<vmem>>, vector<16xi32>,
      %get3A_48 = arith.constant 16 : index
      %get3A_49 = tpu.vector_load %arg11[%get3A_48] {strides = array<i32>} : memref<40xi32, #tpu.memory_space<vmem>>, vector<16xi32>,
      %swap3A_50 = arith.constant 16 : index
      %swap3A_51 = tpu.vector_load %arg12[%swap3A_50] {strides = array<i32>} : memref<56xi32, #tpu.memory_space<vmem>>, vector<16xi32>,
      tpu.vector_store %arg12[%swap3A_50], %get3A_49 {strides = array<i32>} : memref<56xi32, #tpu.memory_space<vmem>>, vector<16xi32>,
      %shift_right_arithmetic3A_52 = arith.constant 3 : i32
      %shift_right_arithmetic3A_53 = vector.broadcast %shift_right_arithmetic3A_52 : i32 to vector<16xi32>
      %shift_right_arithmetic3A_54 = arith.shrsi %get3A_49, %shift_right_arithmetic3A_53 : vector<16xi32>
      %add3A_55 = arith.constant 10000 : i32
      %add3A_56 = vector.broadcast %add3A_55 : i32 to vector<16xi32>
      %add3A_57 = arith.addi %add3A_56, %shift_right_arithmetic3A_54 : vector<16xi32>
      %swap3A_58 = arith.constant 16 : index
      %swap3A_59 = tpu.vector_load %arg13[%swap3A_58] {strides = array<i32>} : memref<40xi32, #tpu.memory_space<vmem>>, vector<16xi32>,
      tpu.vector_store %arg13[%swap3A_58], %add3A_57 {strides = array<i32>} : memref<40xi32, #tpu.memory_space<vmem>>, vector<16xi32>,
      %get3A_60 = arith.constant 24 : index
      %get3A_61 = tpu.vector_load %arg11[%get3A_60] {strides = array<i32>} : memref<40xi32, #tpu.memory_space<vmem>>, vector<16xi32>,
      %swap3A_62 = arith.constant 24 : index
      %swap3A_63 = tpu.vector_load %arg12[%swap3A_62] {strides = array<i32>} : memref<56xi32, #tpu.memory_space<vmem>>, vector<16xi32>,
      tpu.vector_store %arg12[%swap3A_62], %get3A_61 {strides = array<i32>} : memref<56xi32, #tpu.memory_space<vmem>>, vector<16xi32>,
      %shift_right_arithmetic3A_64 = arith.constant 3 : i32
      %shift_right_arithmetic3A_65 = vector.broadcast %shift_right_arithmetic3A_64 : i32 to vector<16xi32>
      %shift_right_arithmetic3A_66 = arith.shrsi %get3A_61, %shift_right_arithmetic3A_65 : vector<16xi32>
      %add3A_67 = arith.constant 10000 : i32
      %add3A_68 = vector.broadcast %add3A_67 : i32 to vector<16xi32>
      %add3A_69 = arith.addi %add3A_68, %shift_right_arithmetic3A_66 : vector<16xi32>
      %swap3A_70 = arith.constant 24 : index
      %swap3A_71 = tpu.vector_load %arg13[%swap3A_70] {strides = array<i32>} : memref<40xi32, #tpu.memory_space<vmem>>, vector<16xi32>,
      tpu.vector_store %arg13[%swap3A_70], %add3A_69 {strides = array<i32>} : memref<40xi32, #tpu.memory_space<vmem>>, vector<16xi32>,
      %dma_wait3A = arith.constant 0 : i32
      %dma_wait3A_72 = arith.constant 0 : i32
      %dma_wait3A_73 = tpu.memref_slice %arg2[%dma_wait3A, %dma_wait3A_72] : memref<10000x128xf32, #tpu.memory_space<hbm>> -> memref<10000x128xf32, #tpu.memory_space<hbm>>
      tpu.wait_indirect_dma semaphore(%arg18 : memref<!tpu.dma_semaphore, #tpu.memory_space<semaphore_mem>>) src(%dma_wait3A_73 : memref<10000x128xf32, #tpu.memory_space<hbm>>) dst(%arg14 : memref<40x128xf32, #tpu.memory_space<vmem>>)
      %dma_wait3A_74 = arith.constant 0 : i32
      %dma_wait3A_75 = arith.constant 0 : i32
      %dma_wait3A_76 = tpu.memref_slice %arg3[%dma_wait3A_74, %dma_wait3A_75] : memref<10000x128xf32, #tpu.memory_space<hbm>> -> memref<10000x128xf32, #tpu.memory_space<hbm>>
      tpu.wait_indirect_dma semaphore(%arg19 : memref<!tpu.dma_semaphore, #tpu.memory_space<semaphore_mem>>) src(%dma_wait3A_76 : memref<10000x128xf32, #tpu.memory_space<hbm>>) dst(%arg15 : memref<40x128xf32, #tpu.memory_space<vmem>>)
      %dma_wait3A_77 = arith.constant 0 : i32
      %dma_wait3A_78 = arith.constant 0 : i32
      %dma_wait3A_79 = tpu.memref_slice %arg4[%dma_wait3A_77, %dma_wait3A_78] : memref<10000x128xf32, #tpu.memory_space<hbm>> -> memref<10000x128xf32, #tpu.memory_space<hbm>>
      tpu.wait_indirect_dma semaphore(%arg20 : memref<!tpu.dma_semaphore, #tpu.memory_space<semaphore_mem>>) src(%dma_wait3A_79 : memref<10000x128xf32, #tpu.memory_space<hbm>>) dst(%arg16 : memref<40x128xf32, #tpu.memory_space<vmem>>)
      %scan3A_80 = arith.constant 0 : i32
      %scan3A_81 = arith.constant 40 : i32
      %scan3A_82 = arith.addi %scan3A_80, %scan3A_81 : i32
      %scan3A_83 = arith.constant 4 : i32
      scf.for %scan3A_85 = %scan3A_80 to %scan3A_82 step %scan3A_83  : i32 {
        %broadcast_in_dim3A_86 = arith.constant 0.000000e+00 : f32
        %broadcast_in_dim3A_87 = vector.broadcast %broadcast_in_dim3A_86 : f32 to vector<16xf32>
        %get3A_88 = arith.index_cast %scan3A_85 : i32 to index
        %get3A_89 = arith.constant 0 : index
        %get3A_90 = tpu.vector_load %arg14[%get3A_88, %get3A_89] {strides = array<i32>} : memref<40x128xf32, #tpu.memory_space<vmem>>, vector<16xf32>,
        %get3A_91 = arith.index_cast %scan3A_85 : i32 to index
        %get3A_92 = arith.constant 0 : index
        %get3A_93 = tpu.vector_load %arg15[%get3A_91, %get3A_92] {strides = array<i32>} : memref<40x128xf32, #tpu.memory_space<vmem>>, vector<16xf32>,
        %mul3A_94 = arith.mulf %get3A_90, %get3A_93 : vector<16xf32>
        %reduce_sum3A = arith.constant true
        %reduce_sum3A_95 = vector.broadcast %reduce_sum3A : i1 to vector<16xi1>
        %reduce_sum3A_96 = tpu.scan <sum>, %mul3A_94 masked %reduce_sum3A_95 : vector<16xf32>, vector<16xi1> -> vector<16xf32>
        %reduce_sum3A_97 = vector.extract %reduce_sum3A_96[15] : f32 from vector<16xf32>
        %eq3A_98 = arith.constant 0 : i32
        %eq3A_99 = vector.broadcast %eq3A_98 : i32 to vector<16xi32>
        %eq3A_100 = arith.cmpi eq, %iota3A, %eq3A_99 : vector<16xi32>
        %jit3A = arith.constant 0.000000e+00 : f32
        %broadcast_in_dim3A_101 = vector.broadcast %reduce_sum3A_97 : f32 to vector<16xf32>
        %broadcast_in_dim3A_102 = vector.broadcast %jit3A : f32 to vector<16xf32>
        %select_n3A = arith.select %eq3A_100, %broadcast_in_dim3A_101, %broadcast_in_dim3A_102 : vector<16xi1>, vector<16xf32>
        %add3A_103 = arith.addf %broadcast_in_dim3A_87, %select_n3A : vector<16xf32>
        %get3A_104 = arith.index_cast %scan3A_85 : i32 to index
        %get3A_105 = arith.constant 16 : index
        %get3A_106 = tpu.vector_load %arg14[%get3A_104, %get3A_105] {strides = array<i32>} : memref<40x128xf32, #tpu.memory_space<vmem>>, vector<16xf32>,
        %get3A_107 = arith.index_cast %scan3A_85 : i32 to index
        %get3A_108 = arith.constant 16 : index
        %get3A_109 = tpu.vector_load %arg15[%get3A_107, %get3A_108] {strides = array<i32>} : memref<40x128xf32, #tpu.memory_space<vmem>>, vector<16xf32>,
        %mul3A_110 = arith.mulf %get3A_106, %get3A_109 : vector<16xf32>
        %reduce_sum3A_111 = arith.constant true
        %reduce_sum3A_112 = vector.broadcast %reduce_sum3A_111 : i1 to vector<16xi1>
        %reduce_sum3A_113 = tpu.scan <sum>, %mul3A_110 masked %reduce_sum3A_112 : vector<16xf32>, vector<16xi1> -> vector<16xf32>
        %reduce_sum3A_114 = vector.extract %reduce_sum3A_113[15] : f32 from vector<16xf32>
        %eq3A_115 = arith.constant 1 : i32
        %eq3A_116 = vector.broadcast %eq3A_115 : i32 to vector<16xi32>
        %eq3A_117 = arith.cmpi eq, %iota3A, %eq3A_116 : vector<16xi32>
        %jit3A_118 = arith.constant 0.000000e+00 : f32
        %broadcast_in_dim3A_119 = vector.broadcast %reduce_sum3A_114 : f32 to vector<16xf32>
        %broadcast_in_dim3A_120 = vector.broadcast %jit3A_118 : f32 to vector<16xf32>
        %select_n3A_121 = arith.select %eq3A_117, %broadcast_in_dim3A_119, %broadcast_in_dim3A_120 : vector<16xi1>, vector<16xf32>
        %add3A_122 = arith.addf %add3A_103, %select_n3A_121 : vector<16xf32>
        %get3A_123 = arith.index_cast %scan3A_85 : i32 to index
        %get3A_124 = arith.constant 32 : index
        %get3A_125 = tpu.vector_load %arg14[%get3A_123, %get3A_124] {strides = array<i32>} : memref<40x128xf32, #tpu.memory_space<vmem>>, vector<16xf32>,
        %get3A_126 = arith.index_cast %scan3A_85 : i32 to index
        %get3A_127 = arith.constant 32 : index
        %get3A_128 = tpu.vector_load %arg15[%get3A_126, %get3A_127] {strides = array<i32>} : memref<40x128xf32, #tpu.memory_space<vmem>>, vector<16xf32>,
        %mul3A_129 = arith.mulf %get3A_125, %get3A_128 : vector<16xf32>
        %reduce_sum3A_130 = arith.constant true
        %reduce_sum3A_131 = vector.broadcast %reduce_sum3A_130 : i1 to vector<16xi1>
        %reduce_sum3A_132 = tpu.scan <sum>, %mul3A_129 masked %reduce_sum3A_131 : vector<16xf32>, vector<16xi1> -> vector<16xf32>
        %reduce_sum3A_133 = vector.extract %reduce_sum3A_132[15] : f32 from vector<16xf32>
        %eq3A_134 = arith.constant 2 : i32
        %eq3A_135 = vector.broadcast %eq3A_134 : i32 to vector<16xi32>
        %eq3A_136 = arith.cmpi eq, %iota3A, %eq3A_135 : vector<16xi32>
        %jit3A_137 = arith.constant 0.000000e+00 : f32
        %broadcast_in_dim3A_138 = vector.broadcast %reduce_sum3A_133 : f32 to vector<16xf32>
        %broadcast_in_dim3A_139 = vector.broadcast %jit3A_137 : f32 to vector<16xf32>
        %select_n3A_140 = arith.select %eq3A_136, %broadcast_in_dim3A_138, %broadcast_in_dim3A_139 : vector<16xi1>, vector<16xf32>
        %add3A_141 = arith.addf %add3A_122, %select_n3A_140 : vector<16xf32>
        %get3A_142 = arith.index_cast %scan3A_85 : i32 to index
        %get3A_143 = arith.constant 48 : index
        %get3A_144 = tpu.vector_load %arg14[%get3A_142, %get3A_143] {strides = array<i32>} : memref<40x128xf32, #tpu.memory_space<vmem>>, vector<16xf32>,
        %get3A_145 = arith.index_cast %scan3A_85 : i32 to index
        %get3A_146 = arith.constant 48 : index
        %get3A_147 = tpu.vector_load %arg15[%get3A_145, %get3A_146] {strides = array<i32>} : memref<40x128xf32, #tpu.memory_space<vmem>>, vector<16xf32>,
        %mul3A_148 = arith.mulf %get3A_144, %get3A_147 : vector<16xf32>
        %reduce_sum3A_149 = arith.constant true
        %reduce_sum3A_150 = vector.broadcast %reduce_sum3A_149 : i1 to vector<16xi1>
        %reduce_sum3A_151 = tpu.scan <sum>, %mul3A_148 masked %reduce_sum3A_150 : vector<16xf32>, vector<16xi1> -> vector<16xf32>
        %reduce_sum3A_152 = vector.extract %reduce_sum3A_151[15] : f32 from vector<16xf32>
        %eq3A_153 = arith.constant 3 : i32
        %eq3A_154 = vector.broadcast %eq3A_153 : i32 to vector<16xi32>
        %eq3A_155 = arith.cmpi eq, %iota3A, %eq3A_154 : vector<16xi32>
        %jit3A_156 = arith.constant 0.000000e+00 : f32
        %broadcast_in_dim3A_157 = vector.broadcast %reduce_sum3A_152 : f32 to vector<16xf32>
        %broadcast_in_dim3A_158 = vector.broadcast %jit3A_156 : f32 to vector<16xf32>
        %select_n3A_159 = arith.select %eq3A_155, %broadcast_in_dim3A_157, %broadcast_in_dim3A_158 : vector<16xi1>, vector<16xf32>
        %add3A_160 = arith.addf %add3A_141, %select_n3A_159 : vector<16xf32>
        %get3A_161 = arith.index_cast %scan3A_85 : i32 to index
        %get3A_162 = arith.constant 64 : index
        %get3A_163 = tpu.vector_load %arg14[%get3A_161, %get3A_162] {strides = array<i32>} : memref<40x128xf32, #tpu.memory_space<vmem>>, vector<16xf32>,
        %get3A_164 = arith.index_cast %scan3A_85 : i32 to index
        %get3A_165 = arith.constant 64 : index
        %get3A_166 = tpu.vector_load %arg15[%get3A_164, %get3A_165] {strides = array<i32>} : memref<40x128xf32, #tpu.memory_space<vmem>>, vector<16xf32>,
        %mul3A_167 = arith.mulf %get3A_163, %get3A_166 : vector<16xf32>
        %reduce_sum3A_168 = arith.constant true
        %reduce_sum3A_169 = vector.broadcast %reduce_sum3A_168 : i1 to vector<16xi1>
        %reduce_sum3A_170 = tpu.scan <sum>, %mul3A_167 masked %reduce_sum3A_169 : vector<16xf32>, vector<16xi1> -> vector<16xf32>
        %reduce_sum3A_171 = vector.extract %reduce_sum3A_170[15] : f32 from vector<16xf32>
        %eq3A_172 = arith.constant 4 : i32
        %eq3A_173 = vector.broadcast %eq3A_172 : i32 to vector<16xi32>
        %eq3A_174 = arith.cmpi eq, %iota3A, %eq3A_173 : vector<16xi32>
        %jit3A_175 = arith.constant 0.000000e+00 : f32
        %broadcast_in_dim3A_176 = vector.broadcast %reduce_sum3A_171 : f32 to vector<16xf32>
        %broadcast_in_dim3A_177 = vector.broadcast %jit3A_175 : f32 to vector<16xf32>
        %select_n3A_178 = arith.select %eq3A_174, %broadcast_in_dim3A_176, %broadcast_in_dim3A_177 : vector<16xi1>, vector<16xf32>
        %add3A_179 = arith.addf %add3A_160, %select_n3A_178 : vector<16xf32>
        %get3A_180 = arith.index_cast %scan3A_85 : i32 to index
        %get3A_181 = arith.constant 80 : index
        %get3A_182 = tpu.vector_load %arg14[%get3A_180, %get3A_181] {strides = array<i32>} : memref<40x128xf32, #tpu.memory_space<vmem>>, vector<16xf32>,
        %get3A_183 = arith.index_cast %scan3A_85 : i32 to index
        %get3A_184 = arith.constant 80 : index
        %get3A_185 = tpu.vector_load %arg15[%get3A_183, %get3A_184] {strides = array<i32>} : memref<40x128xf32, #tpu.memory_space<vmem>>, vector<16xf32>,
        %mul3A_186 = arith.mulf %get3A_182, %get3A_185 : vector<16xf32>
        %reduce_sum3A_187 = arith.constant true
        %reduce_sum3A_188 = vector.broadcast %reduce_sum3A_187 : i1 to vector<16xi1>
        %reduce_sum3A_189 = tpu.scan <sum>, %mul3A_186 masked %reduce_sum3A_188 : vector<16xf32>, vector<16xi1> -> vector<16xf32>
        %reduce_sum3A_190 = vector.extract %reduce_sum3A_189[15] : f32 from vector<16xf32>
        %eq3A_191 = arith.constant 5 : i32
        %eq3A_192 = vector.broadcast %eq3A_191 : i32 to vector<16xi32>
        %eq3A_193 = arith.cmpi eq, %iota3A, %eq3A_192 : vector<16xi32>
        %jit3A_194 = arith.constant 0.000000e+00 : f32
        %broadcast_in_dim3A_195 = vector.broadcast %reduce_sum3A_190 : f32 to vector<16xf32>
        %broadcast_in_dim3A_196 = vector.broadcast %jit3A_194 : f32 to vector<16xf32>
        %select_n3A_197 = arith.select %eq3A_193, %broadcast_in_dim3A_195, %broadcast_in_dim3A_196 : vector<16xi1>, vector<16xf32>
        %add3A_198 = arith.addf %add3A_179, %select_n3A_197 : vector<16xf32>
        %get3A_199 = arith.index_cast %scan3A_85 : i32 to index
        %get3A_200 = arith.constant 96 : index
        %get3A_201 = tpu.vector_load %arg14[%get3A_199, %get3A_200] {strides = array<i32>} : memref<40x128xf32, #tpu.memory_space<vmem>>, vector<16xf32>,
        %get3A_202 = arith.index_cast %scan3A_85 : i32 to index
        %get3A_203 = arith.constant 96 : index
        %get3A_204 = tpu.vector_load %arg15[%get3A_202, %get3A_203] {strides = array<i32>} : memref<40x128xf32, #tpu.memory_space<vmem>>, vector<16xf32>,
        %mul3A_205 = arith.mulf %get3A_201, %get3A_204 : vector<16xf32>
        %reduce_sum3A_206 = arith.constant true
        %reduce_sum3A_207 = vector.broadcast %reduce_sum3A_206 : i1 to vector<16xi1>
        %reduce_sum3A_208 = tpu.scan <sum>, %mul3A_205 masked %reduce_sum3A_207 : vector<16xf32>, vector<16xi1> -> vector<16xf32>
        %reduce_sum3A_209 = vector.extract %reduce_sum3A_208[15] : f32 from vector<16xf32>
        %eq3A_210 = arith.constant 6 : i32
        %eq3A_211 = vector.broadcast %eq3A_210 : i32 to vector<16xi32>
        %eq3A_212 = arith.cmpi eq, %iota3A, %eq3A_211 : vector<16xi32>
        %jit3A_213 = arith.constant 0.000000e+00 : f32
        %broadcast_in_dim3A_214 = vector.broadcast %reduce_sum3A_209 : f32 to vector<16xf32>
        %broadcast_in_dim3A_215 = vector.broadcast %jit3A_213 : f32 to vector<16xf32>
        %select_n3A_216 = arith.select %eq3A_212, %broadcast_in_dim3A_214, %broadcast_in_dim3A_215 : vector<16xi1>, vector<16xf32>
        %add3A_217 = arith.addf %add3A_198, %select_n3A_216 : vector<16xf32>
        %get3A_218 = arith.index_cast %scan3A_85 : i32 to index
        %get3A_219 = arith.constant 112 : index
        %get3A_220 = tpu.vector_load %arg14[%get3A_218, %get3A_219] {strides = array<i32>} : memref<40x128xf32, #tpu.memory_space<vmem>>, vector<16xf32>,
        %get3A_221 = arith.index_cast %scan3A_85 : i32 to index
        %get3A_222 = arith.constant 112 : index
        %get3A_223 = tpu.vector_load %arg15[%get3A_221, %get3A_222] {strides = array<i32>} : memref<40x128xf32, #tpu.memory_space<vmem>>, vector<16xf32>,
        %mul3A_224 = arith.mulf %get3A_220, %get3A_223 : vector<16xf32>
        %reduce_sum3A_225 = arith.constant true
        %reduce_sum3A_226 = vector.broadcast %reduce_sum3A_225 : i1 to vector<16xi1>
        %reduce_sum3A_227 = tpu.scan <sum>, %mul3A_224 masked %reduce_sum3A_226 : vector<16xf32>, vector<16xi1> -> vector<16xf32>
        %reduce_sum3A_228 = vector.extract %reduce_sum3A_227[15] : f32 from vector<16xf32>
        %eq3A_229 = arith.constant 7 : i32
        %eq3A_230 = vector.broadcast %eq3A_229 : i32 to vector<16xi32>
        %eq3A_231 = arith.cmpi eq, %iota3A, %eq3A_230 : vector<16xi32>
        %jit3A_232 = arith.constant 0.000000e+00 : f32
        %broadcast_in_dim3A_233 = vector.broadcast %reduce_sum3A_228 : f32 to vector<16xf32>
        %broadcast_in_dim3A_234 = vector.broadcast %jit3A_232 : f32 to vector<16xf32>
        %select_n3A_235 = arith.select %eq3A_231, %broadcast_in_dim3A_233, %broadcast_in_dim3A_234 : vector<16xi1>, vector<16xf32>
        %add3A_236 = arith.addf %add3A_217, %select_n3A_235 : vector<16xf32>
        %exp3A = math.exp %add3A_236 : vector<16xf32>
        %swap3A_237 = arith.index_cast %scan3A_85 : i32 to index
        %swap3A_238 = arith.constant 0 : index
        %swap3A_239 = tpu.vector_load %arg17[%swap3A_237, %swap3A_238] {strides = array<i32>} : memref<40x128xf32, #tpu.memory_space<vmem>>, vector<16xf32>,
        tpu.vector_store %arg17[%swap3A_237, %swap3A_238], %broadcast_in_dim3A_0 {strides = array<i32>} : memref<40x128xf32, #tpu.memory_space<vmem>>, vector<16xf32>,
        %swap3A_240 = arith.index_cast %scan3A_85 : i32 to index
        %swap3A_241 = arith.constant 16 : index
        %swap3A_242 = tpu.vector_load %arg17[%swap3A_240, %swap3A_241] {strides = array<i32>} : memref<40x128xf32, #tpu.memory_space<vmem>>, vector<16xf32>,
        tpu.vector_store %arg17[%swap3A_240, %swap3A_241], %broadcast_in_dim3A_0 {strides = array<i32>} : memref<40x128xf32, #tpu.memory_space<vmem>>, vector<16xf32>,
        %swap3A_243 = arith.index_cast %scan3A_85 : i32 to index
        %swap3A_244 = arith.constant 32 : index
        %swap3A_245 = tpu.vector_load %arg17[%swap3A_243, %swap3A_244] {strides = array<i32>} : memref<40x128xf32, #tpu.memory_space<vmem>>, vector<16xf32>,
        tpu.vector_store %arg17[%swap3A_243, %swap3A_244], %broadcast_in_dim3A_0 {strides = array<i32>} : memref<40x128xf32, #tpu.memory_space<vmem>>, vector<16xf32>,
        %swap3A_246 = arith.index_cast %scan3A_85 : i32 to index
        %swap3A_247 = arith.constant 48 : index
        %swap3A_248 = tpu.vector_load %arg17[%swap3A_246, %swap3A_247] {strides = array<i32>} : memref<40x128xf32, #tpu.memory_space<vmem>>, vector<16xf32>,
        tpu.vector_store %arg17[%swap3A_246, %swap3A_247], %broadcast_in_dim3A_0 {strides = array<i32>} : memref<40x128xf32, #tpu.memory_space<vmem>>, vector<16xf32>,
        %swap3A_249 = arith.index_cast %scan3A_85 : i32 to index
        %swap3A_250 = arith.constant 64 : index
        %swap3A_251 = tpu.vector_load %arg17[%swap3A_249, %swap3A_250] {strides = array<i32>} : memref<40x128xf32, #tpu.memory_space<vmem>>, vector<16xf32>,
        tpu.vector_store %arg17[%swap3A_249, %swap3A_250], %broadcast_in_dim3A_0 {strides = array<i32>} : memref<40x128xf32, #tpu.memory_space<vmem>>, vector<16xf32>,
        %swap3A_252 = arith.index_cast %scan3A_85 : i32 to index
        %swap3A_253 = arith.constant 80 : index
        %swap3A_254 = tpu.vector_load %arg17[%swap3A_252, %swap3A_253] {strides = array<i32>} : memref<40x128xf32, #tpu.memory_space<vmem>>, vector<16xf32>,
        tpu.vector_store %arg17[%swap3A_252, %swap3A_253], %broadcast_in_dim3A_0 {strides = array<i32>} : memref<40x128xf32, #tpu.memory_space<vmem>>, vector<16xf32>,
        %swap3A_255 = arith.index_cast %scan3A_85 : i32 to index
        %swap3A_256 = arith.constant 96 : index
        %swap3A_257 = tpu.vector_load %arg17[%swap3A_255, %swap3A_256] {strides = array<i32>} : memref<40x128xf32, #tpu.memory_space<vmem>>, vector<16xf32>,
        tpu.vector_store %arg17[%swap3A_255, %swap3A_256], %broadcast_in_dim3A_0 {strides = array<i32>} : memref<40x128xf32, #tpu.memory_space<vmem>>, vector<16xf32>,
        %swap3A_258 = arith.index_cast %scan3A_85 : i32 to index
        %swap3A_259 = arith.constant 112 : index
        %swap3A_260 = tpu.vector_load %arg17[%swap3A_258, %swap3A_259] {strides = array<i32>} : memref<40x128xf32, #tpu.memory_space<vmem>>, vector<16xf32>,
        tpu.vector_store %arg17[%swap3A_258, %swap3A_259], %broadcast_in_dim3A_0 {strides = array<i32>} : memref<40x128xf32, #tpu.memory_space<vmem>>, vector<16xf32>,
        %get3A_261 = arith.index_cast %scan3A_85 : i32 to index
        %get3A_262 = tpu.vector_load %arg12[%get3A_261] {strides = array<i32>} : memref<56xi32, #tpu.memory_space<vmem>>, vector<16xi32>,
        %slice3A = vector.extract_strided_slice %get3A_262 {offsets = [0], sizes = [1], strides = [1]} : vector<16xi32> to vector<1xi32>
        %squeeze3A = vector.extract %slice3A[0] : i32 from vector<1xi32>
        %and3A = arith.constant 7 : i32
        %and3A_263 = arith.andi %squeeze3A, %and3A : i32
        %mul3A_264 = arith.constant 16 : i32
        %mul3A_265 = arith.muli %and3A_263, %mul3A_264 : i32
        %swap3A_266 = arith.index_cast %scan3A_85 : i32 to index
        %swap3A_267 = arith.index_cast %mul3A_265 : i32 to index
        %swap3A_268 = tpu.vector_load %arg17[%swap3A_266, %swap3A_267] {strides = array<i32>} : memref<40x128xf32, #tpu.memory_space<vmem>>, vector<16xf32>,
        tpu.vector_store %arg17[%swap3A_266, %swap3A_267], %exp3A {strides = array<i32>} : memref<40x128xf32, #tpu.memory_space<vmem>>, vector<16xf32>,
        %get3A_269 = arith.index_cast %scan3A_85 : i32 to index
        %get3A_270 = arith.constant 0 : index
        %get3A_271 = tpu.vector_load %arg16[%get3A_269, %get3A_270] {strides = array<i32>} : memref<40x128xf32, #tpu.memory_space<vmem>>, vector<16xf32>,
        %slice3A_272 = vector.extract_strided_slice %exp3A {offsets = [0], sizes = [1], strides = [1]} : vector<16xf32> to vector<1xf32>
        %squeeze3A_273 = vector.extract %slice3A_272[0] : f32 from vector<1xf32>
        %mul3A_274 = vector.broadcast %squeeze3A_273 : f32 to vector<16xf32>
        %mul3A_275 = arith.mulf %get3A_271, %mul3A_274 : vector<16xf32>
        %swap3A_276 = arith.index_cast %scan3A_85 : i32 to index
        %swap3A_277 = arith.constant 0 : index
        %swap3A_278 = tpu.vector_load %arg16[%swap3A_276, %swap3A_277] {strides = array<i32>} : memref<40x128xf32, #tpu.memory_space<vmem>>, vector<16xf32>,
        tpu.vector_store %arg16[%swap3A_276, %swap3A_277], %mul3A_275 {strides = array<i32>} : memref<40x128xf32, #tpu.memory_space<vmem>>, vector<16xf32>,
        %get3A_279 = arith.index_cast %scan3A_85 : i32 to index
        %get3A_280 = arith.constant 16 : index
        %get3A_281 = tpu.vector_load %arg16[%get3A_279, %get3A_280] {strides = array<i32>} : memref<40x128xf32, #tpu.memory_space<vmem>>, vector<16xf32>,
        %slice3A_282 = vector.extract_strided_slice %exp3A {offsets = [1], sizes = [1], strides = [1]} : vector<16xf32> to vector<1xf32>
        %squeeze3A_283 = vector.extract %slice3A_282[0] : f32 from vector<1xf32>
        %mul3A_284 = vector.broadcast %squeeze3A_283 : f32 to vector<16xf32>
        %mul3A_285 = arith.mulf %get3A_281, %mul3A_284 : vector<16xf32>
        %swap3A_286 = arith.index_cast %scan3A_85 : i32 to index
        %swap3A_287 = arith.constant 16 : index
        %swap3A_288 = tpu.vector_load %arg16[%swap3A_286, %swap3A_287] {strides = array<i32>} : memref<40x128xf32, #tpu.memory_space<vmem>>, vector<16xf32>,
        tpu.vector_store %arg16[%swap3A_286, %swap3A_287], %mul3A_285 {strides = array<i32>} : memref<40x128xf32, #tpu.memory_space<vmem>>, vector<16xf32>,
        %get3A_289 = arith.index_cast %scan3A_85 : i32 to index
        %get3A_290 = arith.constant 32 : index
        %get3A_291 = tpu.vector_load %arg16[%get3A_289, %get3A_290] {strides = array<i32>} : memref<40x128xf32, #tpu.memory_space<vmem>>, vector<16xf32>,
        %slice3A_292 = vector.extract_strided_slice %exp3A {offsets = [2], sizes = [1], strides = [1]} : vector<16xf32> to vector<1xf32>
        %squeeze3A_293 = vector.extract %slice3A_292[0] : f32 from vector<1xf32>
        %mul3A_294 = vector.broadcast %squeeze3A_293 : f32 to vector<16xf32>
        %mul3A_295 = arith.mulf %get3A_291, %mul3A_294 : vector<16xf32>
        %swap3A_296 = arith.index_cast %scan3A_85 : i32 to index
        %swap3A_297 = arith.constant 32 : index
        %swap3A_298 = tpu.vector_load %arg16[%swap3A_296, %swap3A_297] {strides = array<i32>} : memref<40x128xf32, #tpu.memory_space<vmem>>, vector<16xf32>,
        tpu.vector_store %arg16[%swap3A_296, %swap3A_297], %mul3A_295 {strides = array<i32>} : memref<40x128xf32, #tpu.memory_space<vmem>>, vector<16xf32>,
        %get3A_299 = arith.index_cast %scan3A_85 : i32 to index
        %get3A_300 = arith.constant 48 : index
        %get3A_301 = tpu.vector_load %arg16[%get3A_299, %get3A_300] {strides = array<i32>} : memref<40x128xf32, #tpu.memory_space<vmem>>, vector<16xf32>,
        %slice3A_302 = vector.extract_strided_slice %exp3A {offsets = [3], sizes = [1], strides = [1]} : vector<16xf32> to vector<1xf32>
        %squeeze3A_303 = vector.extract %slice3A_302[0] : f32 from vector<1xf32>
        %mul3A_304 = vector.broadcast %squeeze3A_303 : f32 to vector<16xf32>
        %mul3A_305 = arith.mulf %get3A_301, %mul3A_304 : vector<16xf32>
        %swap3A_306 = arith.index_cast %scan3A_85 : i32 to index
        %swap3A_307 = arith.constant 48 : index
        %swap3A_308 = tpu.vector_load %arg16[%swap3A_306, %swap3A_307] {strides = array<i32>} : memref<40x128xf32, #tpu.memory_space<vmem>>, vector<16xf32>,
        tpu.vector_store %arg16[%swap3A_306, %swap3A_307], %mul3A_305 {strides = array<i32>} : memref<40x128xf32, #tpu.memory_space<vmem>>, vector<16xf32>,
        %get3A_309 = arith.index_cast %scan3A_85 : i32 to index
        %get3A_310 = arith.constant 64 : index
        %get3A_311 = tpu.vector_load %arg16[%get3A_309, %get3A_310] {strides = array<i32>} : memref<40x128xf32, #tpu.memory_space<vmem>>, vector<16xf32>,
        %slice3A_312 = vector.extract_strided_slice %exp3A {offsets = [4], sizes = [1], strides = [1]} : vector<16xf32> to vector<1xf32>
        %squeeze3A_313 = vector.extract %slice3A_312[0] : f32 from vector<1xf32>
        %mul3A_314 = vector.broadcast %squeeze3A_313 : f32 to vector<16xf32>
        %mul3A_315 = arith.mulf %get3A_311, %mul3A_314 : vector<16xf32>
        %swap3A_316 = arith.index_cast %scan3A_85 : i32 to index
        %swap3A_317 = arith.constant 64 : index
        %swap3A_318 = tpu.vector_load %arg16[%swap3A_316, %swap3A_317] {strides = array<i32>} : memref<40x128xf32, #tpu.memory_space<vmem>>, vector<16xf32>,
        tpu.vector_store %arg16[%swap3A_316, %swap3A_317], %mul3A_315 {strides = array<i32>} : memref<40x128xf32, #tpu.memory_space<vmem>>, vector<16xf32>,
        %get3A_319 = arith.index_cast %scan3A_85 : i32 to index
        %get3A_320 = arith.constant 80 : index
        %get3A_321 = tpu.vector_load %arg16[%get3A_319, %get3A_320] {strides = array<i32>} : memref<40x128xf32, #tpu.memory_space<vmem>>, vector<16xf32>,
        %slice3A_322 = vector.extract_strided_slice %exp3A {offsets = [5], sizes = [1], strides = [1]} : vector<16xf32> to vector<1xf32>
        %squeeze3A_323 = vector.extract %slice3A_322[0] : f32 from vector<1xf32>
        %mul3A_324 = vector.broadcast %squeeze3A_323 : f32 to vector<16xf32>
        %mul3A_325 = arith.mulf %get3A_321, %mul3A_324 : vector<16xf32>
        %swap3A_326 = arith.index_cast %scan3A_85 : i32 to index
        %swap3A_327 = arith.constant 80 : index
        %swap3A_328 = tpu.vector_load %arg16[%swap3A_326, %swap3A_327] {strides = array<i32>} : memref<40x128xf32, #tpu.memory_space<vmem>>, vector<16xf32>,
        tpu.vector_store %arg16[%swap3A_326, %swap3A_327], %mul3A_325 {strides = array<i32>} : memref<40x128xf32, #tpu.memory_space<vmem>>, vector<16xf32>,
        %get3A_329 = arith.index_cast %scan3A_85 : i32 to index
        %get3A_330 = arith.constant 96 : index
        %get3A_331 = tpu.vector_load %arg16[%get3A_329, %get3A_330] {strides = array<i32>} : memref<40x128xf32, #tpu.memory_space<vmem>>, vector<16xf32>,
        %slice3A_332 = vector.extract_strided_slice %exp3A {offsets = [6], sizes = [1], strides = [1]} : vector<16xf32> to vector<1xf32>
        %squeeze3A_333 = vector.extract %slice3A_332[0] : f32 from vector<1xf32>
        %mul3A_334 = vector.broadcast %squeeze3A_333 : f32 to vector<16xf32>
        %mul3A_335 = arith.mulf %get3A_331, %mul3A_334 : vector<16xf32>
        %swap3A_336 = arith.index_cast %scan3A_85 : i32 to index
        %swap3A_337 = arith.constant 96 : index
        %swap3A_338 = tpu.vector_load %arg16[%swap3A_336, %swap3A_337] {strides = array<i32>} : memref<40x128xf32, #tpu.memory_space<vmem>>, vector<16xf32>,
        tpu.vector_store %arg16[%swap3A_336, %swap3A_337], %mul3A_335 {strides = array<i32>} : memref<40x128xf32, #tpu.memory_space<vmem>>, vector<16xf32>,
        %get3A_339 = arith.index_cast %scan3A_85 : i32 to index
        %get3A_340 = arith.constant 112 : index
        %get3A_341 = tpu.vector_load %arg16[%get3A_339, %get3A_340] {strides = array<i32>} : memref<40x128xf32, #tpu.memory_space<vmem>>, vector<16xf32>,
        %slice3A_342 = vector.extract_strided_slice %exp3A {offsets = [7], sizes = [1], strides = [1]} : vector<16xf32> to vector<1xf32>
        %squeeze3A_343 = vector.extract %slice3A_342[0] : f32 from vector<1xf32>
        %mul3A_344 = vector.broadcast %squeeze3A_343 : f32 to vector<16xf32>
        %mul3A_345 = arith.mulf %get3A_341, %mul3A_344 : vector<16xf32>
        %swap3A_346 = arith.index_cast %scan3A_85 : i32 to index
        %swap3A_347 = arith.constant 112 : index
        %swap3A_348 = tpu.vector_load %arg16[%swap3A_346, %swap3A_347] {strides = array<i32>} : memref<40x128xf32, #tpu.memory_space<vmem>>, vector<16xf32>,
        tpu.vector_store %arg16[%swap3A_346, %swap3A_347], %mul3A_345 {strides = array<i32>} : memref<40x128xf32, #tpu.memory_space<vmem>>, vector<16xf32>,
        %scan3A_349 = arith.constant 1 : i32
        %scan3A_350 = arith.addi %scan3A_85, %scan3A_349 : i32
        %broadcast_in_dim3A_351 = arith.constant 0.000000e+00 : f32
        %broadcast_in_dim3A_352 = vector.broadcast %broadcast_in_dim3A_351 : f32 to vector<16xf32>
        %get3A_353 = arith.index_cast %scan3A_350 : i32 to index
        %get3A_354 = arith.constant 0 : index
        %get3A_355 = tpu.vector_load %arg14[%get3A_353, %get3A_354] {strides = array<i32>} : memref<40x128xf32, #tpu.memory_space<vmem>>, vector<16xf32>,
        %get3A_356 = arith.index_cast %scan3A_350 : i32 to index
        %get3A_357 = arith.constant 0 : index
        %get3A_358 = tpu.vector_load %arg15[%get3A_356, %get3A_357] {strides = array<i32>} : memref<40x128xf32, #tpu.memory_space<vmem>>, vector<16xf32>,
        %mul3A_359 = arith.mulf %get3A_355, %get3A_358 : vector<16xf32>
        %reduce_sum3A_360 = arith.constant true
        %reduce_sum3A_361 = vector.broadcast %reduce_sum3A_360 : i1 to vector<16xi1>
        %reduce_sum3A_362 = tpu.scan <sum>, %mul3A_359 masked %reduce_sum3A_361 : vector<16xf32>, vector<16xi1> -> vector<16xf32>
        %reduce_sum3A_363 = vector.extract %reduce_sum3A_362[15] : f32 from vector<16xf32>
        %eq3A_364 = arith.constant 0 : i32
        %eq3A_365 = vector.broadcast %eq3A_364 : i32 to vector<16xi32>
        %eq3A_366 = arith.cmpi eq, %iota3A, %eq3A_365 : vector<16xi32>
        %jit3A_367 = arith.constant 0.000000e+00 : f32
        %broadcast_in_dim3A_368 = vector.broadcast %reduce_sum3A_363 : f32 to vector<16xf32>
        %broadcast_in_dim3A_369 = vector.broadcast %jit3A_367 : f32 to vector<16xf32>
        %select_n3A_370 = arith.select %eq3A_366, %broadcast_in_dim3A_368, %broadcast_in_dim3A_369 : vector<16xi1>, vector<16xf32>
        %add3A_371 = arith.addf %broadcast_in_dim3A_352, %select_n3A_370 : vector<16xf32>
        %get3A_372 = arith.index_cast %scan3A_350 : i32 to index
        %get3A_373 = arith.constant 16 : index
        %get3A_374 = tpu.vector_load %arg14[%get3A_372, %get3A_373] {strides = array<i32>} : memref<40x128xf32, #tpu.memory_space<vmem>>, vector<16xf32>,
        %get3A_375 = arith.index_cast %scan3A_350 : i32 to index
        %get3A_376 = arith.constant 16 : index
        %get3A_377 = tpu.vector_load %arg15[%get3A_375, %get3A_376] {strides = array<i32>} : memref<40x128xf32, #tpu.memory_space<vmem>>, vector<16xf32>,
        %mul3A_378 = arith.mulf %get3A_374, %get3A_377 : vector<16xf32>
        %reduce_sum3A_379 = arith.constant true
        %reduce_sum3A_380 = vector.broadcast %reduce_sum3A_379 : i1 to vector<16xi1>
        %reduce_sum3A_381 = tpu.scan <sum>, %mul3A_378 masked %reduce_sum3A_380 : vector<16xf32>, vector<16xi1> -> vector<16xf32>
        %reduce_sum3A_382 = vector.extract %reduce_sum3A_381[15] : f32 from vector<16xf32>
        %eq3A_383 = arith.constant 1 : i32
        %eq3A_384 = vector.broadcast %eq3A_383 : i32 to vector<16xi32>
        %eq3A_385 = arith.cmpi eq, %iota3A, %eq3A_384 : vector<16xi32>
        %jit3A_386 = arith.constant 0.000000e+00 : f32
        %broadcast_in_dim3A_387 = vector.broadcast %reduce_sum3A_382 : f32 to vector<16xf32>
        %broadcast_in_dim3A_388 = vector.broadcast %jit3A_386 : f32 to vector<16xf32>
        %select_n3A_389 = arith.select %eq3A_385, %broadcast_in_dim3A_387, %broadcast_in_dim3A_388 : vector<16xi1>, vector<16xf32>
        %add3A_390 = arith.addf %add3A_371, %select_n3A_389 : vector<16xf32>
        %get3A_391 = arith.index_cast %scan3A_350 : i32 to index
        %get3A_392 = arith.constant 32 : index
        %get3A_393 = tpu.vector_load %arg14[%get3A_391, %get3A_392] {strides = array<i32>} : memref<40x128xf32, #tpu.memory_space<vmem>>, vector<16xf32>,
        %get3A_394 = arith.index_cast %scan3A_350 : i32 to index
        %get3A_395 = arith.constant 32 : index
        %get3A_396 = tpu.vector_load %arg15[%get3A_394, %get3A_395] {strides = array<i32>} : memref<40x128xf32, #tpu.memory_space<vmem>>, vector<16xf32>,
        %mul3A_397 = arith.mulf %get3A_393, %get3A_396 : vector<16xf32>
        %reduce_sum3A_398 = arith.constant true
        %reduce_sum3A_399 = vector.broadcast %reduce_sum3A_398 : i1 to vector<16xi1>
        %reduce_sum3A_400 = tpu.scan <sum>, %mul3A_397 masked %reduce_sum3A_399 : vector<16xf32>, vector<16xi1> -> vector<16xf32>
        %reduce_sum3A_401 = vector.extract %reduce_sum3A_400[15] : f32 from vector<16xf32>
        %eq3A_402 = arith.constant 2 : i32
        %eq3A_403 = vector.broadcast %eq3A_402 : i32 to vector<16xi32>
        %eq3A_404 = arith.cmpi eq, %iota3A, %eq3A_403 : vector<16xi32>
        %jit3A_405 = arith.constant 0.000000e+00 : f32
        %broadcast_in_dim3A_406 = vector.broadcast %reduce_sum3A_401 : f32 to vector<16xf32>
        %broadcast_in_dim3A_407 = vector.broadcast %jit3A_405 : f32 to vector<16xf32>
        %select_n3A_408 = arith.select %eq3A_404, %broadcast_in_dim3A_406, %broadcast_in_dim3A_407 : vector<16xi1>, vector<16xf32>
        %add3A_409 = arith.addf %add3A_390, %select_n3A_408 : vector<16xf32>
        %get3A_410 = arith.index_cast %scan3A_350 : i32 to index
        %get3A_411 = arith.constant 48 : index
        %get3A_412 = tpu.vector_load %arg14[%get3A_410, %get3A_411] {strides = array<i32>} : memref<40x128xf32, #tpu.memory_space<vmem>>, vector<16xf32>,
        %get3A_413 = arith.index_cast %scan3A_350 : i32 to index
        %get3A_414 = arith.constant 48 : index
        %get3A_415 = tpu.vector_load %arg15[%get3A_413, %get3A_414] {strides = array<i32>} : memref<40x128xf32, #tpu.memory_space<vmem>>, vector<16xf32>,
        %mul3A_416 = arith.mulf %get3A_412, %get3A_415 : vector<16xf32>
        %reduce_sum3A_417 = arith.constant true
        %reduce_sum3A_418 = vector.broadcast %reduce_sum3A_417 : i1 to vector<16xi1>
        %reduce_sum3A_419 = tpu.scan <sum>, %mul3A_416 masked %reduce_sum3A_418 : vector<16xf32>, vector<16xi1> -> vector<16xf32>
        %reduce_sum3A_420 = vector.extract %reduce_sum3A_419[15] : f32 from vector<16xf32>
        %eq3A_421 = arith.constant 3 : i32
        %eq3A_422 = vector.broadcast %eq3A_421 : i32 to vector<16xi32>
        %eq3A_423 = arith.cmpi eq, %iota3A, %eq3A_422 : vector<16xi32>
        %jit3A_424 = arith.constant 0.000000e+00 : f32
        %broadcast_in_dim3A_425 = vector.broadcast %reduce_sum3A_420 : f32 to vector<16xf32>
        %broadcast_in_dim3A_426 = vector.broadcast %jit3A_424 : f32 to vector<16xf32>
        %select_n3A_427 = arith.select %eq3A_423, %broadcast_in_dim3A_425, %broadcast_in_dim3A_426 : vector<16xi1>, vector<16xf32>
        %add3A_428 = arith.addf %add3A_409, %select_n3A_427 : vector<16xf32>
        %get3A_429 = arith.index_cast %scan3A_350 : i32 to index
        %get3A_430 = arith.constant 64 : index
        %get3A_431 = tpu.vector_load %arg14[%get3A_429, %get3A_430] {strides = array<i32>} : memref<40x128xf32, #tpu.memory_space<vmem>>, vector<16xf32>,
        %get3A_432 = arith.index_cast %scan3A_350 : i32 to index
        %get3A_433 = arith.constant 64 : index
        %get3A_434 = tpu.vector_load %arg15[%get3A_432, %get3A_433] {strides = array<i32>} : memref<40x128xf32, #tpu.memory_space<vmem>>, vector<16xf32>,
        %mul3A_435 = arith.mulf %get3A_431, %get3A_434 : vector<16xf32>
        %reduce_sum3A_436 = arith.constant true
        %reduce_sum3A_437 = vector.broadcast %reduce_sum3A_436 : i1 to vector<16xi1>
        %reduce_sum3A_438 = tpu.scan <sum>, %mul3A_435 masked %reduce_sum3A_437 : vector<16xf32>, vector<16xi1> -> vector<16xf32>
        %reduce_sum3A_439 = vector.extract %reduce_sum3A_438[15] : f32 from vector<16xf32>
        %eq3A_440 = arith.constant 4 : i32
        %eq3A_441 = vector.broadcast %eq3A_440 : i32 to vector<16xi32>
        %eq3A_442 = arith.cmpi eq, %iota3A, %eq3A_441 : vector<16xi32>
        %jit3A_443 = arith.constant 0.000000e+00 : f32
        %broadcast_in_dim3A_444 = vector.broadcast %reduce_sum3A_439 : f32 to vector<16xf32>
        %broadcast_in_dim3A_445 = vector.broadcast %jit3A_443 : f32 to vector<16xf32>
        %select_n3A_446 = arith.select %eq3A_442, %broadcast_in_dim3A_444, %broadcast_in_dim3A_445 : vector<16xi1>, vector<16xf32>
        %add3A_447 = arith.addf %add3A_428, %select_n3A_446 : vector<16xf32>
        %get3A_448 = arith.index_cast %scan3A_350 : i32 to index
        %get3A_449 = arith.constant 80 : index
        %get3A_450 = tpu.vector_load %arg14[%get3A_448, %get3A_449] {strides = array<i32>} : memref<40x128xf32, #tpu.memory_space<vmem>>, vector<16xf32>,
        %get3A_451 = arith.index_cast %scan3A_350 : i32 to index
        %get3A_452 = arith.constant 80 : index
        %get3A_453 = tpu.vector_load %arg15[%get3A_451, %get3A_452] {strides = array<i32>} : memref<40x128xf32, #tpu.memory_space<vmem>>, vector<16xf32>,
        %mul3A_454 = arith.mulf %get3A_450, %get3A_453 : vector<16xf32>
        %reduce_sum3A_455 = arith.constant true
        %reduce_sum3A_456 = vector.broadcast %reduce_sum3A_455 : i1 to vector<16xi1>
        %reduce_sum3A_457 = tpu.scan <sum>, %mul3A_454 masked %reduce_sum3A_456 : vector<16xf32>, vector<16xi1> -> vector<16xf32>
        %reduce_sum3A_458 = vector.extract %reduce_sum3A_457[15] : f32 from vector<16xf32>
        %eq3A_459 = arith.constant 5 : i32
        %eq3A_460 = vector.broadcast %eq3A_459 : i32 to vector<16xi32>
        %eq3A_461 = arith.cmpi eq, %iota3A, %eq3A_460 : vector<16xi32>
        %jit3A_462 = arith.constant 0.000000e+00 : f32
        %broadcast_in_dim3A_463 = vector.broadcast %reduce_sum3A_458 : f32 to vector<16xf32>
        %broadcast_in_dim3A_464 = vector.broadcast %jit3A_462 : f32 to vector<16xf32>
        %select_n3A_465 = arith.select %eq3A_461, %broadcast_in_dim3A_463, %broadcast_in_dim3A_464 : vector<16xi1>, vector<16xf32>
        %add3A_466 = arith.addf %add3A_447, %select_n3A_465 : vector<16xf32>
        %get3A_467 = arith.index_cast %scan3A_350 : i32 to index
        %get3A_468 = arith.constant 96 : index
        %get3A_469 = tpu.vector_load %arg14[%get3A_467, %get3A_468] {strides = array<i32>} : memref<40x128xf32, #tpu.memory_space<vmem>>, vector<16xf32>,
        %get3A_470 = arith.index_cast %scan3A_350 : i32 to index
        %get3A_471 = arith.constant 96 : index
        %get3A_472 = tpu.vector_load %arg15[%get3A_470, %get3A_471] {strides = array<i32>} : memref<40x128xf32, #tpu.memory_space<vmem>>, vector<16xf32>,
        %mul3A_473 = arith.mulf %get3A_469, %get3A_472 : vector<16xf32>
        %reduce_sum3A_474 = arith.constant true
        %reduce_sum3A_475 = vector.broadcast %reduce_sum3A_474 : i1 to vector<16xi1>
        %reduce_sum3A_476 = tpu.scan <sum>, %mul3A_473 masked %reduce_sum3A_475 : vector<16xf32>, vector<16xi1> -> vector<16xf32>
        %reduce_sum3A_477 = vector.extract %reduce_sum3A_476[15] : f32 from vector<16xf32>
        %eq3A_478 = arith.constant 6 : i32
        %eq3A_479 = vector.broadcast %eq3A_478 : i32 to vector<16xi32>
        %eq3A_480 = arith.cmpi eq, %iota3A, %eq3A_479 : vector<16xi32>
        %jit3A_481 = arith.constant 0.000000e+00 : f32
        %broadcast_in_dim3A_482 = vector.broadcast %reduce_sum3A_477 : f32 to vector<16xf32>
        %broadcast_in_dim3A_483 = vector.broadcast %jit3A_481 : f32 to vector<16xf32>
        %select_n3A_484 = arith.select %eq3A_480, %broadcast_in_dim3A_482, %broadcast_in_dim3A_483 : vector<16xi1>, vector<16xf32>
        %add3A_485 = arith.addf %add3A_466, %select_n3A_484 : vector<16xf32>
        %get3A_486 = arith.index_cast %scan3A_350 : i32 to index
        %get3A_487 = arith.constant 112 : index
        %get3A_488 = tpu.vector_load %arg14[%get3A_486, %get3A_487] {strides = array<i32>} : memref<40x128xf32, #tpu.memory_space<vmem>>, vector<16xf32>,
        %get3A_489 = arith.index_cast %scan3A_350 : i32 to index
        %get3A_490 = arith.constant 112 : index
        %get3A_491 = tpu.vector_load %arg15[%get3A_489, %get3A_490] {strides = array<i32>} : memref<40x128xf32, #tpu.memory_space<vmem>>, vector<16xf32>,
        %mul3A_492 = arith.mulf %get3A_488, %get3A_491 : vector<16xf32>
        %reduce_sum3A_493 = arith.constant true
        %reduce_sum3A_494 = vector.broadcast %reduce_sum3A_493 : i1 to vector<16xi1>
        %reduce_sum3A_495 = tpu.scan <sum>, %mul3A_492 masked %reduce_sum3A_494 : vector<16xf32>, vector<16xi1> -> vector<16xf32>
        %reduce_sum3A_496 = vector.extract %reduce_sum3A_495[15] : f32 from vector<16xf32>
        %eq3A_497 = arith.constant 7 : i32
        %eq3A_498 = vector.broadcast %eq3A_497 : i32 to vector<16xi32>
        %eq3A_499 = arith.cmpi eq, %iota3A, %eq3A_498 : vector<16xi32>
        %jit3A_500 = arith.constant 0.000000e+00 : f32
        %broadcast_in_dim3A_501 = vector.broadcast %reduce_sum3A_496 : f32 to vector<16xf32>
        %broadcast_in_dim3A_502 = vector.broadcast %jit3A_500 : f32 to vector<16xf32>
        %select_n3A_503 = arith.select %eq3A_499, %broadcast_in_dim3A_501, %broadcast_in_dim3A_502 : vector<16xi1>, vector<16xf32>
        %add3A_504 = arith.addf %add3A_485, %select_n3A_503 : vector<16xf32>
        %exp3A_505 = math.exp %add3A_504 : vector<16xf32>
        %swap3A_506 = arith.index_cast %scan3A_350 : i32 to index
        %swap3A_507 = arith.constant 0 : index
        %swap3A_508 = tpu.vector_load %arg17[%swap3A_506, %swap3A_507] {strides = array<i32>} : memref<40x128xf32, #tpu.memory_space<vmem>>, vector<16xf32>,
        tpu.vector_store %arg17[%swap3A_506, %swap3A_507], %broadcast_in_dim3A_0 {strides = array<i32>} : memref<40x128xf32, #tpu.memory_space<vmem>>, vector<16xf32>,
        %swap3A_509 = arith.index_cast %scan3A_350 : i32 to index
        %swap3A_510 = arith.constant 16 : index
        %swap3A_511 = tpu.vector_load %arg17[%swap3A_509, %swap3A_510] {strides = array<i32>} : memref<40x128xf32, #tpu.memory_space<vmem>>, vector<16xf32>,
        tpu.vector_store %arg17[%swap3A_509, %swap3A_510], %broadcast_in_dim3A_0 {strides = array<i32>} : memref<40x128xf32, #tpu.memory_space<vmem>>, vector<16xf32>,
        %swap3A_512 = arith.index_cast %scan3A_350 : i32 to index
        %swap3A_513 = arith.constant 32 : index
        %swap3A_514 = tpu.vector_load %arg17[%swap3A_512, %swap3A_513] {strides = array<i32>} : memref<40x128xf32, #tpu.memory_space<vmem>>, vector<16xf32>,
        tpu.vector_store %arg17[%swap3A_512, %swap3A_513], %broadcast_in_dim3A_0 {strides = array<i32>} : memref<40x128xf32, #tpu.memory_space<vmem>>, vector<16xf32>,
        %swap3A_515 = arith.index_cast %scan3A_350 : i32 to index
        %swap3A_516 = arith.constant 48 : index
        %swap3A_517 = tpu.vector_load %arg17[%swap3A_515, %swap3A_516] {strides = array<i32>} : memref<40x128xf32, #tpu.memory_space<vmem>>, vector<16xf32>,
        tpu.vector_store %arg17[%swap3A_515, %swap3A_516], %broadcast_in_dim3A_0 {strides = array<i32>} : memref<40x128xf32, #tpu.memory_space<vmem>>, vector<16xf32>,
        %swap3A_518 = arith.index_cast %scan3A_350 : i32 to index
        %swap3A_519 = arith.constant 64 : index
        %swap3A_520 = tpu.vector_load %arg17[%swap3A_518, %swap3A_519] {strides = array<i32>} : memref<40x128xf32, #tpu.memory_space<vmem>>, vector<16xf32>,
        tpu.vector_store %arg17[%swap3A_518, %swap3A_519], %broadcast_in_dim3A_0 {strides = array<i32>} : memref<40x128xf32, #tpu.memory_space<vmem>>, vector<16xf32>,
        %swap3A_521 = arith.index_cast %scan3A_350 : i32 to index
        %swap3A_522 = arith.constant 80 : index
        %swap3A_523 = tpu.vector_load %arg17[%swap3A_521, %swap3A_522] {strides = array<i32>} : memref<40x128xf32, #tpu.memory_space<vmem>>, vector<16xf32>,
        tpu.vector_store %arg17[%swap3A_521, %swap3A_522], %broadcast_in_dim3A_0 {strides = array<i32>} : memref<40x128xf32, #tpu.memory_space<vmem>>, vector<16xf32>,
        %swap3A_524 = arith.index_cast %scan3A_350 : i32 to index
        %swap3A_525 = arith.constant 96 : index
        %swap3A_526 = tpu.vector_load %arg17[%swap3A_524, %swap3A_525] {strides = array<i32>} : memref<40x128xf32, #tpu.memory_space<vmem>>, vector<16xf32>,
        tpu.vector_store %arg17[%swap3A_524, %swap3A_525], %broadcast_in_dim3A_0 {strides = array<i32>} : memref<40x128xf32, #tpu.memory_space<vmem>>, vector<16xf32>,
        %swap3A_527 = arith.index_cast %scan3A_350 : i32 to index
        %swap3A_528 = arith.constant 112 : index
        %swap3A_529 = tpu.vector_load %arg17[%swap3A_527, %swap3A_528] {strides = array<i32>} : memref<40x128xf32, #tpu.memory_space<vmem>>, vector<16xf32>,
        tpu.vector_store %arg17[%swap3A_527, %swap3A_528], %broadcast_in_dim3A_0 {strides = array<i32>} : memref<40x128xf32, #tpu.memory_space<vmem>>, vector<16xf32>,
        %get3A_530 = arith.index_cast %scan3A_350 : i32 to index
        %get3A_531 = tpu.vector_load %arg12[%get3A_530] {strides = array<i32>} : memref<56xi32, #tpu.memory_space<vmem>>, vector<16xi32>,
        %slice3A_532 = vector.extract_strided_slice %get3A_531 {offsets = [0], sizes = [1], strides = [1]} : vector<16xi32> to vector<1xi32>
        %squeeze3A_533 = vector.extract %slice3A_532[0] : i32 from vector<1xi32>
        %and3A_534 = arith.constant 7 : i32
        %and3A_535 = arith.andi %squeeze3A_533, %and3A_534 : i32
        %mul3A_536 = arith.constant 16 : i32
        %mul3A_537 = arith.muli %and3A_535, %mul3A_536 : i32
        %swap3A_538 = arith.index_cast %scan3A_350 : i32 to index
        %swap3A_539 = arith.index_cast %mul3A_537 : i32 to index
        %swap3A_540 = tpu.vector_load %arg17[%swap3A_538, %swap3A_539] {strides = array<i32>} : memref<40x128xf32, #tpu.memory_space<vmem>>, vector<16xf32>,
        tpu.vector_store %arg17[%swap3A_538, %swap3A_539], %exp3A_505 {strides = array<i32>} : memref<40x128xf32, #tpu.memory_space<vmem>>, vector<16xf32>,
        %get3A_541 = arith.index_cast %scan3A_350 : i32 to index
        %get3A_542 = arith.constant 0 : index
        %get3A_543 = tpu.vector_load %arg16[%get3A_541, %get3A_542] {strides = array<i32>} : memref<40x128xf32, #tpu.memory_space<vmem>>, vector<16xf32>,
        %slice3A_544 = vector.extract_strided_slice %exp3A_505 {offsets = [0], sizes = [1], strides = [1]} : vector<16xf32> to vector<1xf32>
        %squeeze3A_545 = vector.extract %slice3A_544[0] : f32 from vector<1xf32>
        %mul3A_546 = vector.broadcast %squeeze3A_545 : f32 to vector<16xf32>
        %mul3A_547 = arith.mulf %get3A_543, %mul3A_546 : vector<16xf32>
        %swap3A_548 = arith.index_cast %scan3A_350 : i32 to index
        %swap3A_549 = arith.constant 0 : index
        %swap3A_550 = tpu.vector_load %arg16[%swap3A_548, %swap3A_549] {strides = array<i32>} : memref<40x128xf32, #tpu.memory_space<vmem>>, vector<16xf32>,
        tpu.vector_store %arg16[%swap3A_548, %swap3A_549], %mul3A_547 {strides = array<i32>} : memref<40x128xf32, #tpu.memory_space<vmem>>, vector<16xf32>,
        %get3A_551 = arith.index_cast %scan3A_350 : i32 to index
        %get3A_552 = arith.constant 16 : index
        %get3A_553 = tpu.vector_load %arg16[%get3A_551, %get3A_552] {strides = array<i32>} : memref<40x128xf32, #tpu.memory_space<vmem>>, vector<16xf32>,
        %slice3A_554 = vector.extract_strided_slice %exp3A_505 {offsets = [1], sizes = [1], strides = [1]} : vector<16xf32> to vector<1xf32>
        %squeeze3A_555 = vector.extract %slice3A_554[0] : f32 from vector<1xf32>
        %mul3A_556 = vector.broadcast %squeeze3A_555 : f32 to vector<16xf32>
        %mul3A_557 = arith.mulf %get3A_553, %mul3A_556 : vector<16xf32>
        %swap3A_558 = arith.index_cast %scan3A_350 : i32 to index
        %swap3A_559 = arith.constant 16 : index
        %swap3A_560 = tpu.vector_load %arg16[%swap3A_558, %swap3A_559] {strides = array<i32>} : memref<40x128xf32, #tpu.memory_space<vmem>>, vector<16xf32>,
        tpu.vector_store %arg16[%swap3A_558, %swap3A_559], %mul3A_557 {strides = array<i32>} : memref<40x128xf32, #tpu.memory_space<vmem>>, vector<16xf32>,
        %get3A_561 = arith.index_cast %scan3A_350 : i32 to index
        %get3A_562 = arith.constant 32 : index
        %get3A_563 = tpu.vector_load %arg16[%get3A_561, %get3A_562] {strides = array<i32>} : memref<40x128xf32, #tpu.memory_space<vmem>>, vector<16xf32>,
        %slice3A_564 = vector.extract_strided_slice %exp3A_505 {offsets = [2], sizes = [1], strides = [1]} : vector<16xf32> to vector<1xf32>
        %squeeze3A_565 = vector.extract %slice3A_564[0] : f32 from vector<1xf32>
        %mul3A_566 = vector.broadcast %squeeze3A_565 : f32 to vector<16xf32>
        %mul3A_567 = arith.mulf %get3A_563, %mul3A_566 : vector<16xf32>
        %swap3A_568 = arith.index_cast %scan3A_350 : i32 to index
        %swap3A_569 = arith.constant 32 : index
        %swap3A_570 = tpu.vector_load %arg16[%swap3A_568, %swap3A_569] {strides = array<i32>} : memref<40x128xf32, #tpu.memory_space<vmem>>, vector<16xf32>,
        tpu.vector_store %arg16[%swap3A_568, %swap3A_569], %mul3A_567 {strides = array<i32>} : memref<40x128xf32, #tpu.memory_space<vmem>>, vector<16xf32>,
        %get3A_571 = arith.index_cast %scan3A_350 : i32 to index
        %get3A_572 = arith.constant 48 : index
        %get3A_573 = tpu.vector_load %arg16[%get3A_571, %get3A_572] {strides = array<i32>} : memref<40x128xf32, #tpu.memory_space<vmem>>, vector<16xf32>,
        %slice3A_574 = vector.extract_strided_slice %exp3A_505 {offsets = [3], sizes = [1], strides = [1]} : vector<16xf32> to vector<1xf32>
        %squeeze3A_575 = vector.extract %slice3A_574[0] : f32 from vector<1xf32>
        %mul3A_576 = vector.broadcast %squeeze3A_575 : f32 to vector<16xf32>
        %mul3A_577 = arith.mulf %get3A_573, %mul3A_576 : vector<16xf32>
        %swap3A_578 = arith.index_cast %scan3A_350 : i32 to index
        %swap3A_579 = arith.constant 48 : index
        %swap3A_580 = tpu.vector_load %arg16[%swap3A_578, %swap3A_579] {strides = array<i32>} : memref<40x128xf32, #tpu.memory_space<vmem>>, vector<16xf32>,
        tpu.vector_store %arg16[%swap3A_578, %swap3A_579], %mul3A_577 {strides = array<i32>} : memref<40x128xf32, #tpu.memory_space<vmem>>, vector<16xf32>,
        %get3A_581 = arith.index_cast %scan3A_350 : i32 to index
        %get3A_582 = arith.constant 64 : index
        %get3A_583 = tpu.vector_load %arg16[%get3A_581, %get3A_582] {strides = array<i32>} : memref<40x128xf32, #tpu.memory_space<vmem>>, vector<16xf32>,
        %slice3A_584 = vector.extract_strided_slice %exp3A_505 {offsets = [4], sizes = [1], strides = [1]} : vector<16xf32> to vector<1xf32>
        %squeeze3A_585 = vector.extract %slice3A_584[0] : f32 from vector<1xf32>
        %mul3A_586 = vector.broadcast %squeeze3A_585 : f32 to vector<16xf32>
        %mul3A_587 = arith.mulf %get3A_583, %mul3A_586 : vector<16xf32>
        %swap3A_588 = arith.index_cast %scan3A_350 : i32 to index
        %swap3A_589 = arith.constant 64 : index
        %swap3A_590 = tpu.vector_load %arg16[%swap3A_588, %swap3A_589] {strides = array<i32>} : memref<40x128xf32, #tpu.memory_space<vmem>>, vector<16xf32>,
        tpu.vector_store %arg16[%swap3A_588, %swap3A_589], %mul3A_587 {strides = array<i32>} : memref<40x128xf32, #tpu.memory_space<vmem>>, vector<16xf32>,
        %get3A_591 = arith.index_cast %scan3A_350 : i32 to index
        %get3A_592 = arith.constant 80 : index
        %get3A_593 = tpu.vector_load %arg16[%get3A_591, %get3A_592] {strides = array<i32>} : memref<40x128xf32, #tpu.memory_space<vmem>>, vector<16xf32>,
        %slice3A_594 = vector.extract_strided_slice %exp3A_505 {offsets = [5], sizes = [1], strides = [1]} : vector<16xf32> to vector<1xf32>
        %squeeze3A_595 = vector.extract %slice3A_594[0] : f32 from vector<1xf32>
        %mul3A_596 = vector.broadcast %squeeze3A_595 : f32 to vector<16xf32>
        %mul3A_597 = arith.mulf %get3A_593, %mul3A_596 : vector<16xf32>
        %swap3A_598 = arith.index_cast %scan3A_350 : i32 to index
        %swap3A_599 = arith.constant 80 : index
        %swap3A_600 = tpu.vector_load %arg16[%swap3A_598, %swap3A_599] {strides = array<i32>} : memref<40x128xf32, #tpu.memory_space<vmem>>, vector<16xf32>,
        tpu.vector_store %arg16[%swap3A_598, %swap3A_599], %mul3A_597 {strides = array<i32>} : memref<40x128xf32, #tpu.memory_space<vmem>>, vector<16xf32>,
        %get3A_601 = arith.index_cast %scan3A_350 : i32 to index
        %get3A_602 = arith.constant 96 : index
        %get3A_603 = tpu.vector_load %arg16[%get3A_601, %get3A_602] {strides = array<i32>} : memref<40x128xf32, #tpu.memory_space<vmem>>, vector<16xf32>,
        %slice3A_604 = vector.extract_strided_slice %exp3A_505 {offsets = [6], sizes = [1], strides = [1]} : vector<16xf32> to vector<1xf32>
        %squeeze3A_605 = vector.extract %slice3A_604[0] : f32 from vector<1xf32>
        %mul3A_606 = vector.broadcast %squeeze3A_605 : f32 to vector<16xf32>
        %mul3A_607 = arith.mulf %get3A_603, %mul3A_606 : vector<16xf32>
        %swap3A_608 = arith.index_cast %scan3A_350 : i32 to index
        %swap3A_609 = arith.constant 96 : index
        %swap3A_610 = tpu.vector_load %arg16[%swap3A_608, %swap3A_609] {strides = array<i32>} : memref<40x128xf32, #tpu.memory_space<vmem>>, vector<16xf32>,
        tpu.vector_store %arg16[%swap3A_608, %swap3A_609], %mul3A_607 {strides = array<i32>} : memref<40x128xf32, #tpu.memory_space<vmem>>, vector<16xf32>,
        %get3A_611 = arith.index_cast %scan3A_350 : i32 to index
        %get3A_612 = arith.constant 112 : index
        %get3A_613 = tpu.vector_load %arg16[%get3A_611, %get3A_612] {strides = array<i32>} : memref<40x128xf32, #tpu.memory_space<vmem>>, vector<16xf32>,
        %slice3A_614 = vector.extract_strided_slice %exp3A_505 {offsets = [7], sizes = [1], strides = [1]} : vector<16xf32> to vector<1xf32>
        %squeeze3A_615 = vector.extract %slice3A_614[0] : f32 from vector<1xf32>
        %mul3A_616 = vector.broadcast %squeeze3A_615 : f32 to vector<16xf32>
        %mul3A_617 = arith.mulf %get3A_613, %mul3A_616 : vector<16xf32>
        %swap3A_618 = arith.index_cast %scan3A_350 : i32 to index
        %swap3A_619 = arith.constant 112 : index
        %swap3A_620 = tpu.vector_load %arg16[%swap3A_618, %swap3A_619] {strides = array<i32>} : memref<40x128xf32, #tpu.memory_space<vmem>>, vector<16xf32>,
        tpu.vector_store %arg16[%swap3A_618, %swap3A_619], %mul3A_617 {strides = array<i32>} : memref<40x128xf32, #tpu.memory_space<vmem>>, vector<16xf32>,
        %scan3A_621 = arith.constant 2 : i32
        %scan3A_622 = arith.addi %scan3A_85, %scan3A_621 : i32
        %broadcast_in_dim3A_623 = arith.constant 0.000000e+00 : f32
        %broadcast_in_dim3A_624 = vector.broadcast %broadcast_in_dim3A_623 : f32 to vector<16xf32>
        %get3A_625 = arith.index_cast %scan3A_622 : i32 to index
        %get3A_626 = arith.constant 0 : index
        %get3A_627 = tpu.vector_load %arg14[%get3A_625, %get3A_626] {strides = array<i32>} : memref<40x128xf32, #tpu.memory_space<vmem>>, vector<16xf32>,
        %get3A_628 = arith.index_cast %scan3A_622 : i32 to index
        %get3A_629 = arith.constant 0 : index
        %get3A_630 = tpu.vector_load %arg15[%get3A_628, %get3A_629] {strides = array<i32>} : memref<40x128xf32, #tpu.memory_space<vmem>>, vector<16xf32>,
        %mul3A_631 = arith.mulf %get3A_627, %get3A_630 : vector<16xf32>
        %reduce_sum3A_632 = arith.constant true
        %reduce_sum3A_633 = vector.broadcast %reduce_sum3A_632 : i1 to vector<16xi1>
        %reduce_sum3A_634 = tpu.scan <sum>, %mul3A_631 masked %reduce_sum3A_633 : vector<16xf32>, vector<16xi1> -> vector<16xf32>
        %reduce_sum3A_635 = vector.extract %reduce_sum3A_634[15] : f32 from vector<16xf32>
        %eq3A_636 = arith.constant 0 : i32
        %eq3A_637 = vector.broadcast %eq3A_636 : i32 to vector<16xi32>
        %eq3A_638 = arith.cmpi eq, %iota3A, %eq3A_637 : vector<16xi32>
        %jit3A_639 = arith.constant 0.000000e+00 : f32
        %broadcast_in_dim3A_640 = vector.broadcast %reduce_sum3A_635 : f32 to vector<16xf32>
        %broadcast_in_dim3A_641 = vector.broadcast %jit3A_639 : f32 to vector<16xf32>
        %select_n3A_642 = arith.select %eq3A_638, %broadcast_in_dim3A_640, %broadcast_in_dim3A_641 : vector<16xi1>, vector<16xf32>
        %add3A_643 = arith.addf %broadcast_in_dim3A_624, %select_n3A_642 : vector<16xf32>
        %get3A_644 = arith.index_cast %scan3A_622 : i32 to index
        %get3A_645 = arith.constant 16 : index
        %get3A_646 = tpu.vector_load %arg14[%get3A_644, %get3A_645] {strides = array<i32>} : memref<40x128xf32, #tpu.memory_space<vmem>>, vector<16xf32>,
        %get3A_647 = arith.index_cast %scan3A_622 : i32 to index
        %get3A_648 = arith.constant 16 : index
        %get3A_649 = tpu.vector_load %arg15[%get3A_647, %get3A_648] {strides = array<i32>} : memref<40x128xf32, #tpu.memory_space<vmem>>, vector<16xf32>,
        %mul3A_650 = arith.mulf %get3A_646, %get3A_649 : vector<16xf32>
        %reduce_sum3A_651 = arith.constant true
        %reduce_sum3A_652 = vector.broadcast %reduce_sum3A_651 : i1 to vector<16xi1>
        %reduce_sum3A_653 = tpu.scan <sum>, %mul3A_650 masked %reduce_sum3A_652 : vector<16xf32>, vector<16xi1> -> vector<16xf32>
        %reduce_sum3A_654 = vector.extract %reduce_sum3A_653[15] : f32 from vector<16xf32>
        %eq3A_655 = arith.constant 1 : i32
        %eq3A_656 = vector.broadcast %eq3A_655 : i32 to vector<16xi32>
        %eq3A_657 = arith.cmpi eq, %iota3A, %eq3A_656 : vector<16xi32>
        %jit3A_658 = arith.constant 0.000000e+00 : f32
        %broadcast_in_dim3A_659 = vector.broadcast %reduce_sum3A_654 : f32 to vector<16xf32>
        %broadcast_in_dim3A_660 = vector.broadcast %jit3A_658 : f32 to vector<16xf32>
        %select_n3A_661 = arith.select %eq3A_657, %broadcast_in_dim3A_659, %broadcast_in_dim3A_660 : vector<16xi1>, vector<16xf32>
        %add3A_662 = arith.addf %add3A_643, %select_n3A_661 : vector<16xf32>
        %get3A_663 = arith.index_cast %scan3A_622 : i32 to index
        %get3A_664 = arith.constant 32 : index
        %get3A_665 = tpu.vector_load %arg14[%get3A_663, %get3A_664] {strides = array<i32>} : memref<40x128xf32, #tpu.memory_space<vmem>>, vector<16xf32>,
        %get3A_666 = arith.index_cast %scan3A_622 : i32 to index
        %get3A_667 = arith.constant 32 : index
        %get3A_668 = tpu.vector_load %arg15[%get3A_666, %get3A_667] {strides = array<i32>} : memref<40x128xf32, #tpu.memory_space<vmem>>, vector<16xf32>,
        %mul3A_669 = arith.mulf %get3A_665, %get3A_668 : vector<16xf32>
        %reduce_sum3A_670 = arith.constant true
        %reduce_sum3A_671 = vector.broadcast %reduce_sum3A_670 : i1 to vector<16xi1>
        %reduce_sum3A_672 = tpu.scan <sum>, %mul3A_669 masked %reduce_sum3A_671 : vector<16xf32>, vector<16xi1> -> vector<16xf32>
        %reduce_sum3A_673 = vector.extract %reduce_sum3A_672[15] : f32 from vector<16xf32>
        %eq3A_674 = arith.constant 2 : i32
        %eq3A_675 = vector.broadcast %eq3A_674 : i32 to vector<16xi32>
        %eq3A_676 = arith.cmpi eq, %iota3A, %eq3A_675 : vector<16xi32>
        %jit3A_677 = arith.constant 0.000000e+00 : f32
        %broadcast_in_dim3A_678 = vector.broadcast %reduce_sum3A_673 : f32 to vector<16xf32>
        %broadcast_in_dim3A_679 = vector.broadcast %jit3A_677 : f32 to vector<16xf32>
        %select_n3A_680 = arith.select %eq3A_676, %broadcast_in_dim3A_678, %broadcast_in_dim3A_679 : vector<16xi1>, vector<16xf32>
        %add3A_681 = arith.addf %add3A_662, %select_n3A_680 : vector<16xf32>
        %get3A_682 = arith.index_cast %scan3A_622 : i32 to index
        %get3A_683 = arith.constant 48 : index
        %get3A_684 = tpu.vector_load %arg14[%get3A_682, %get3A_683] {strides = array<i32>} : memref<40x128xf32, #tpu.memory_space<vmem>>, vector<16xf32>,
        %get3A_685 = arith.index_cast %scan3A_622 : i32 to index
        %get3A_686 = arith.constant 48 : index
        %get3A_687 = tpu.vector_load %arg15[%get3A_685, %get3A_686] {strides = array<i32>} : memref<40x128xf32, #tpu.memory_space<vmem>>, vector<16xf32>,
        %mul3A_688 = arith.mulf %get3A_684, %get3A_687 : vector<16xf32>
        %reduce_sum3A_689 = arith.constant true
        %reduce_sum3A_690 = vector.broadcast %reduce_sum3A_689 : i1 to vector<16xi1>
        %reduce_sum3A_691 = tpu.scan <sum>, %mul3A_688 masked %reduce_sum3A_690 : vector<16xf32>, vector<16xi1> -> vector<16xf32>
        %reduce_sum3A_692 = vector.extract %reduce_sum3A_691[15] : f32 from vector<16xf32>
        %eq3A_693 = arith.constant 3 : i32
        %eq3A_694 = vector.broadcast %eq3A_693 : i32 to vector<16xi32>
        %eq3A_695 = arith.cmpi eq, %iota3A, %eq3A_694 : vector<16xi32>
        %jit3A_696 = arith.constant 0.000000e+00 : f32
        %broadcast_in_dim3A_697 = vector.broadcast %reduce_sum3A_692 : f32 to vector<16xf32>
        %broadcast_in_dim3A_698 = vector.broadcast %jit3A_696 : f32 to vector<16xf32>
        %select_n3A_699 = arith.select %eq3A_695, %broadcast_in_dim3A_697, %broadcast_in_dim3A_698 : vector<16xi1>, vector<16xf32>
        %add3A_700 = arith.addf %add3A_681, %select_n3A_699 : vector<16xf32>
        %get3A_701 = arith.index_cast %scan3A_622 : i32 to index
        %get3A_702 = arith.constant 64 : index
        %get3A_703 = tpu.vector_load %arg14[%get3A_701, %get3A_702] {strides = array<i32>} : memref<40x128xf32, #tpu.memory_space<vmem>>, vector<16xf32>,
        %get3A_704 = arith.index_cast %scan3A_622 : i32 to index
        %get3A_705 = arith.constant 64 : index
        %get3A_706 = tpu.vector_load %arg15[%get3A_704, %get3A_705] {strides = array<i32>} : memref<40x128xf32, #tpu.memory_space<vmem>>, vector<16xf32>,
        %mul3A_707 = arith.mulf %get3A_703, %get3A_706 : vector<16xf32>
        %reduce_sum3A_708 = arith.constant true
        %reduce_sum3A_709 = vector.broadcast %reduce_sum3A_708 : i1 to vector<16xi1>
        %reduce_sum3A_710 = tpu.scan <sum>, %mul3A_707 masked %reduce_sum3A_709 : vector<16xf32>, vector<16xi1> -> vector<16xf32>
        %reduce_sum3A_711 = vector.extract %reduce_sum3A_710[15] : f32 from vector<16xf32>
        %eq3A_712 = arith.constant 4 : i32
        %eq3A_713 = vector.broadcast %eq3A_712 : i32 to vector<16xi32>
        %eq3A_714 = arith.cmpi eq, %iota3A, %eq3A_713 : vector<16xi32>
        %jit3A_715 = arith.constant 0.000000e+00 : f32
        %broadcast_in_dim3A_716 = vector.broadcast %reduce_sum3A_711 : f32 to vector<16xf32>
        %broadcast_in_dim3A_717 = vector.broadcast %jit3A_715 : f32 to vector<16xf32>
        %select_n3A_718 = arith.select %eq3A_714, %broadcast_in_dim3A_716, %broadcast_in_dim3A_717 : vector<16xi1>, vector<16xf32>
        %add3A_719 = arith.addf %add3A_700, %select_n3A_718 : vector<16xf32>
        %get3A_720 = arith.index_cast %scan3A_622 : i32 to index
        %get3A_721 = arith.constant 80 : index
        %get3A_722 = tpu.vector_load %arg14[%get3A_720, %get3A_721] {strides = array<i32>} : memref<40x128xf32, #tpu.memory_space<vmem>>, vector<16xf32>,
        %get3A_723 = arith.index_cast %scan3A_622 : i32 to index
        %get3A_724 = arith.constant 80 : index
        %get3A_725 = tpu.vector_load %arg15[%get3A_723, %get3A_724] {strides = array<i32>} : memref<40x128xf32, #tpu.memory_space<vmem>>, vector<16xf32>,
        %mul3A_726 = arith.mulf %get3A_722, %get3A_725 : vector<16xf32>
        %reduce_sum3A_727 = arith.constant true
        %reduce_sum3A_728 = vector.broadcast %reduce_sum3A_727 : i1 to vector<16xi1>
        %reduce_sum3A_729 = tpu.scan <sum>, %mul3A_726 masked %reduce_sum3A_728 : vector<16xf32>, vector<16xi1> -> vector<16xf32>
        %reduce_sum3A_730 = vector.extract %reduce_sum3A_729[15] : f32 from vector<16xf32>
        %eq3A_731 = arith.constant 5 : i32
        %eq3A_732 = vector.broadcast %eq3A_731 : i32 to vector<16xi32>
        %eq3A_733 = arith.cmpi eq, %iota3A, %eq3A_732 : vector<16xi32>
        %jit3A_734 = arith.constant 0.000000e+00 : f32
        %broadcast_in_dim3A_735 = vector.broadcast %reduce_sum3A_730 : f32 to vector<16xf32>
        %broadcast_in_dim3A_736 = vector.broadcast %jit3A_734 : f32 to vector<16xf32>
        %select_n3A_737 = arith.select %eq3A_733, %broadcast_in_dim3A_735, %broadcast_in_dim3A_736 : vector<16xi1>, vector<16xf32>
        %add3A_738 = arith.addf %add3A_719, %select_n3A_737 : vector<16xf32>
        %get3A_739 = arith.index_cast %scan3A_622 : i32 to index
        %get3A_740 = arith.constant 96 : index
        %get3A_741 = tpu.vector_load %arg14[%get3A_739, %get3A_740] {strides = array<i32>} : memref<40x128xf32, #tpu.memory_space<vmem>>, vector<16xf32>,
        %get3A_742 = arith.index_cast %scan3A_622 : i32 to index
        %get3A_743 = arith.constant 96 : index
        %get3A_744 = tpu.vector_load %arg15[%get3A_742, %get3A_743] {strides = array<i32>} : memref<40x128xf32, #tpu.memory_space<vmem>>, vector<16xf32>,
        %mul3A_745 = arith.mulf %get3A_741, %get3A_744 : vector<16xf32>
        %reduce_sum3A_746 = arith.constant true
        %reduce_sum3A_747 = vector.broadcast %reduce_sum3A_746 : i1 to vector<16xi1>
        %reduce_sum3A_748 = tpu.scan <sum>, %mul3A_745 masked %reduce_sum3A_747 : vector<16xf32>, vector<16xi1> -> vector<16xf32>
        %reduce_sum3A_749 = vector.extract %reduce_sum3A_748[15] : f32 from vector<16xf32>
        %eq3A_750 = arith.constant 6 : i32
        %eq3A_751 = vector.broadcast %eq3A_750 : i32 to vector<16xi32>
        %eq3A_752 = arith.cmpi eq, %iota3A, %eq3A_751 : vector<16xi32>
        %jit3A_753 = arith.constant 0.000000e+00 : f32
        %broadcast_in_dim3A_754 = vector.broadcast %reduce_sum3A_749 : f32 to vector<16xf32>
        %broadcast_in_dim3A_755 = vector.broadcast %jit3A_753 : f32 to vector<16xf32>
        %select_n3A_756 = arith.select %eq3A_752, %broadcast_in_dim3A_754, %broadcast_in_dim3A_755 : vector<16xi1>, vector<16xf32>
        %add3A_757 = arith.addf %add3A_738, %select_n3A_756 : vector<16xf32>
        %get3A_758 = arith.index_cast %scan3A_622 : i32 to index
        %get3A_759 = arith.constant 112 : index
        %get3A_760 = tpu.vector_load %arg14[%get3A_758, %get3A_759] {strides = array<i32>} : memref<40x128xf32, #tpu.memory_space<vmem>>, vector<16xf32>,
        %get3A_761 = arith.index_cast %scan3A_622 : i32 to index
        %get3A_762 = arith.constant 112 : index
        %get3A_763 = tpu.vector_load %arg15[%get3A_761, %get3A_762] {strides = array<i32>} : memref<40x128xf32, #tpu.memory_space<vmem>>, vector<16xf32>,
        %mul3A_764 = arith.mulf %get3A_760, %get3A_763 : vector<16xf32>
        %reduce_sum3A_765 = arith.constant true
        %reduce_sum3A_766 = vector.broadcast %reduce_sum3A_765 : i1 to vector<16xi1>
        %reduce_sum3A_767 = tpu.scan <sum>, %mul3A_764 masked %reduce_sum3A_766 : vector<16xf32>, vector<16xi1> -> vector<16xf32>
        %reduce_sum3A_768 = vector.extract %reduce_sum3A_767[15] : f32 from vector<16xf32>
        %eq3A_769 = arith.constant 7 : i32
        %eq3A_770 = vector.broadcast %eq3A_769 : i32 to vector<16xi32>
        %eq3A_771 = arith.cmpi eq, %iota3A, %eq3A_770 : vector<16xi32>
        %jit3A_772 = arith.constant 0.000000e+00 : f32
        %broadcast_in_dim3A_773 = vector.broadcast %reduce_sum3A_768 : f32 to vector<16xf32>
        %broadcast_in_dim3A_774 = vector.broadcast %jit3A_772 : f32 to vector<16xf32>
        %select_n3A_775 = arith.select %eq3A_771, %broadcast_in_dim3A_773, %broadcast_in_dim3A_774 : vector<16xi1>, vector<16xf32>
        %add3A_776 = arith.addf %add3A_757, %select_n3A_775 : vector<16xf32>
        %exp3A_777 = math.exp %add3A_776 : vector<16xf32>
        %swap3A_778 = arith.index_cast %scan3A_622 : i32 to index
        %swap3A_779 = arith.constant 0 : index
        %swap3A_780 = tpu.vector_load %arg17[%swap3A_778, %swap3A_779] {strides = array<i32>} : memref<40x128xf32, #tpu.memory_space<vmem>>, vector<16xf32>,
        tpu.vector_store %arg17[%swap3A_778, %swap3A_779], %broadcast_in_dim3A_0 {strides = array<i32>} : memref<40x128xf32, #tpu.memory_space<vmem>>, vector<16xf32>,
        %swap3A_781 = arith.index_cast %scan3A_622 : i32 to index
        %swap3A_782 = arith.constant 16 : index
        %swap3A_783 = tpu.vector_load %arg17[%swap3A_781, %swap3A_782] {strides = array<i32>} : memref<40x128xf32, #tpu.memory_space<vmem>>, vector<16xf32>,
        tpu.vector_store %arg17[%swap3A_781, %swap3A_782], %broadcast_in_dim3A_0 {strides = array<i32>} : memref<40x128xf32, #tpu.memory_space<vmem>>, vector<16xf32>,
        %swap3A_784 = arith.index_cast %scan3A_622 : i32 to index
        %swap3A_785 = arith.constant 32 : index
        %swap3A_786 = tpu.vector_load %arg17[%swap3A_784, %swap3A_785] {strides = array<i32>} : memref<40x128xf32, #tpu.memory_space<vmem>>, vector<16xf32>,
        tpu.vector_store %arg17[%swap3A_784, %swap3A_785], %broadcast_in_dim3A_0 {strides = array<i32>} : memref<40x128xf32, #tpu.memory_space<vmem>>, vector<16xf32>,
        %swap3A_787 = arith.index_cast %scan3A_622 : i32 to index
        %swap3A_788 = arith.constant 48 : index
        %swap3A_789 = tpu.vector_load %arg17[%swap3A_787, %swap3A_788] {strides = array<i32>} : memref<40x128xf32, #tpu.memory_space<vmem>>, vector<16xf32>,
        tpu.vector_store %arg17[%swap3A_787, %swap3A_788], %broadcast_in_dim3A_0 {strides = array<i32>} : memref<40x128xf32, #tpu.memory_space<vmem>>, vector<16xf32>,
        %swap3A_790 = arith.index_cast %scan3A_622 : i32 to index
        %swap3A_791 = arith.constant 64 : index
        %swap3A_792 = tpu.vector_load %arg17[%swap3A_790, %swap3A_791] {strides = array<i32>} : memref<40x128xf32, #tpu.memory_space<vmem>>, vector<16xf32>,
        tpu.vector_store %arg17[%swap3A_790, %swap3A_791], %broadcast_in_dim3A_0 {strides = array<i32>} : memref<40x128xf32, #tpu.memory_space<vmem>>, vector<16xf32>,
        %swap3A_793 = arith.index_cast %scan3A_622 : i32 to index
        %swap3A_794 = arith.constant 80 : index
        %swap3A_795 = tpu.vector_load %arg17[%swap3A_793, %swap3A_794] {strides = array<i32>} : memref<40x128xf32, #tpu.memory_space<vmem>>, vector<16xf32>,
        tpu.vector_store %arg17[%swap3A_793, %swap3A_794], %broadcast_in_dim3A_0 {strides = array<i32>} : memref<40x128xf32, #tpu.memory_space<vmem>>, vector<16xf32>,
        %swap3A_796 = arith.index_cast %scan3A_622 : i32 to index
        %swap3A_797 = arith.constant 96 : index
        %swap3A_798 = tpu.vector_load %arg17[%swap3A_796, %swap3A_797] {strides = array<i32>} : memref<40x128xf32, #tpu.memory_space<vmem>>, vector<16xf32>,
        tpu.vector_store %arg17[%swap3A_796, %swap3A_797], %broadcast_in_dim3A_0 {strides = array<i32>} : memref<40x128xf32, #tpu.memory_space<vmem>>, vector<16xf32>,
        %swap3A_799 = arith.index_cast %scan3A_622 : i32 to index
        %swap3A_800 = arith.constant 112 : index
        %swap3A_801 = tpu.vector_load %arg17[%swap3A_799, %swap3A_800] {strides = array<i32>} : memref<40x128xf32, #tpu.memory_space<vmem>>, vector<16xf32>,
        tpu.vector_store %arg17[%swap3A_799, %swap3A_800], %broadcast_in_dim3A_0 {strides = array<i32>} : memref<40x128xf32, #tpu.memory_space<vmem>>, vector<16xf32>,
        %get3A_802 = arith.index_cast %scan3A_622 : i32 to index
        %get3A_803 = tpu.vector_load %arg12[%get3A_802] {strides = array<i32>} : memref<56xi32, #tpu.memory_space<vmem>>, vector<16xi32>,
        %slice3A_804 = vector.extract_strided_slice %get3A_803 {offsets = [0], sizes = [1], strides = [1]} : vector<16xi32> to vector<1xi32>
        %squeeze3A_805 = vector.extract %slice3A_804[0] : i32 from vector<1xi32>
        %and3A_806 = arith.constant 7 : i32
        %and3A_807 = arith.andi %squeeze3A_805, %and3A_806 : i32
        %mul3A_808 = arith.constant 16 : i32
        %mul3A_809 = arith.muli %and3A_807, %mul3A_808 : i32
        %swap3A_810 = arith.index_cast %scan3A_622 : i32 to index
        %swap3A_811 = arith.index_cast %mul3A_809 : i32 to index
        %swap3A_812 = tpu.vector_load %arg17[%swap3A_810, %swap3A_811] {strides = array<i32>} : memref<40x128xf32, #tpu.memory_space<vmem>>, vector<16xf32>,
        tpu.vector_store %arg17[%swap3A_810, %swap3A_811], %exp3A_777 {strides = array<i32>} : memref<40x128xf32, #tpu.memory_space<vmem>>, vector<16xf32>,
        %get3A_813 = arith.index_cast %scan3A_622 : i32 to index
        %get3A_814 = arith.constant 0 : index
        %get3A_815 = tpu.vector_load %arg16[%get3A_813, %get3A_814] {strides = array<i32>} : memref<40x128xf32, #tpu.memory_space<vmem>>, vector<16xf32>,
        %slice3A_816 = vector.extract_strided_slice %exp3A_777 {offsets = [0], sizes = [1], strides = [1]} : vector<16xf32> to vector<1xf32>
        %squeeze3A_817 = vector.extract %slice3A_816[0] : f32 from vector<1xf32>
        %mul3A_818 = vector.broadcast %squeeze3A_817 : f32 to vector<16xf32>
        %mul3A_819 = arith.mulf %get3A_815, %mul3A_818 : vector<16xf32>
        %swap3A_820 = arith.index_cast %scan3A_622 : i32 to index
        %swap3A_821 = arith.constant 0 : index
        %swap3A_822 = tpu.vector_load %arg16[%swap3A_820, %swap3A_821] {strides = array<i32>} : memref<40x128xf32, #tpu.memory_space<vmem>>, vector<16xf32>,
        tpu.vector_store %arg16[%swap3A_820, %swap3A_821], %mul3A_819 {strides = array<i32>} : memref<40x128xf32, #tpu.memory_space<vmem>>, vector<16xf32>,
        %get3A_823 = arith.index_cast %scan3A_622 : i32 to index
        %get3A_824 = arith.constant 16 : index
        %get3A_825 = tpu.vector_load %arg16[%get3A_823, %get3A_824] {strides = array<i32>} : memref<40x128xf32, #tpu.memory_space<vmem>>, vector<16xf32>,
        %slice3A_826 = vector.extract_strided_slice %exp3A_777 {offsets = [1], sizes = [1], strides = [1]} : vector<16xf32> to vector<1xf32>
        %squeeze3A_827 = vector.extract %slice3A_826[0] : f32 from vector<1xf32>
        %mul3A_828 = vector.broadcast %squeeze3A_827 : f32 to vector<16xf32>
        %mul3A_829 = arith.mulf %get3A_825, %mul3A_828 : vector<16xf32>
        %swap3A_830 = arith.index_cast %scan3A_622 : i32 to index
        %swap3A_831 = arith.constant 16 : index
        %swap3A_832 = tpu.vector_load %arg16[%swap3A_830, %swap3A_831] {strides = array<i32>} : memref<40x128xf32, #tpu.memory_space<vmem>>, vector<16xf32>,
        tpu.vector_store %arg16[%swap3A_830, %swap3A_831], %mul3A_829 {strides = array<i32>} : memref<40x128xf32, #tpu.memory_space<vmem>>, vector<16xf32>,
        %get3A_833 = arith.index_cast %scan3A_622 : i32 to index
        %get3A_834 = arith.constant 32 : index
        %get3A_835 = tpu.vector_load %arg16[%get3A_833, %get3A_834] {strides = array<i32>} : memref<40x128xf32, #tpu.memory_space<vmem>>, vector<16xf32>,
        %slice3A_836 = vector.extract_strided_slice %exp3A_777 {offsets = [2], sizes = [1], strides = [1]} : vector<16xf32> to vector<1xf32>
        %squeeze3A_837 = vector.extract %slice3A_836[0] : f32 from vector<1xf32>
        %mul3A_838 = vector.broadcast %squeeze3A_837 : f32 to vector<16xf32>
        %mul3A_839 = arith.mulf %get3A_835, %mul3A_838 : vector<16xf32>
        %swap3A_840 = arith.index_cast %scan3A_622 : i32 to index
        %swap3A_841 = arith.constant 32 : index
        %swap3A_842 = tpu.vector_load %arg16[%swap3A_840, %swap3A_841] {strides = array<i32>} : memref<40x128xf32, #tpu.memory_space<vmem>>, vector<16xf32>,
        tpu.vector_store %arg16[%swap3A_840, %swap3A_841], %mul3A_839 {strides = array<i32>} : memref<40x128xf32, #tpu.memory_space<vmem>>, vector<16xf32>,
        %get3A_843 = arith.index_cast %scan3A_622 : i32 to index
        %get3A_844 = arith.constant 48 : index
        %get3A_845 = tpu.vector_load %arg16[%get3A_843, %get3A_844] {strides = array<i32>} : memref<40x128xf32, #tpu.memory_space<vmem>>, vector<16xf32>,
        %slice3A_846 = vector.extract_strided_slice %exp3A_777 {offsets = [3], sizes = [1], strides = [1]} : vector<16xf32> to vector<1xf32>
        %squeeze3A_847 = vector.extract %slice3A_846[0] : f32 from vector<1xf32>
        %mul3A_848 = vector.broadcast %squeeze3A_847 : f32 to vector<16xf32>
        %mul3A_849 = arith.mulf %get3A_845, %mul3A_848 : vector<16xf32>
        %swap3A_850 = arith.index_cast %scan3A_622 : i32 to index
        %swap3A_851 = arith.constant 48 : index
        %swap3A_852 = tpu.vector_load %arg16[%swap3A_850, %swap3A_851] {strides = array<i32>} : memref<40x128xf32, #tpu.memory_space<vmem>>, vector<16xf32>,
        tpu.vector_store %arg16[%swap3A_850, %swap3A_851], %mul3A_849 {strides = array<i32>} : memref<40x128xf32, #tpu.memory_space<vmem>>, vector<16xf32>,
        %get3A_853 = arith.index_cast %scan3A_622 : i32 to index
        %get3A_854 = arith.constant 64 : index
        %get3A_855 = tpu.vector_load %arg16[%get3A_853, %get3A_854] {strides = array<i32>} : memref<40x128xf32, #tpu.memory_space<vmem>>, vector<16xf32>,
        %slice3A_856 = vector.extract_strided_slice %exp3A_777 {offsets = [4], sizes = [1], strides = [1]} : vector<16xf32> to vector<1xf32>
        %squeeze3A_857 = vector.extract %slice3A_856[0] : f32 from vector<1xf32>
        %mul3A_858 = vector.broadcast %squeeze3A_857 : f32 to vector<16xf32>
        %mul3A_859 = arith.mulf %get3A_855, %mul3A_858 : vector<16xf32>
        %swap3A_860 = arith.index_cast %scan3A_622 : i32 to index
        %swap3A_861 = arith.constant 64 : index
        %swap3A_862 = tpu.vector_load %arg16[%swap3A_860, %swap3A_861] {strides = array<i32>} : memref<40x128xf32, #tpu.memory_space<vmem>>, vector<16xf32>,
        tpu.vector_store %arg16[%swap3A_860, %swap3A_861], %mul3A_859 {strides = array<i32>} : memref<40x128xf32, #tpu.memory_space<vmem>>, vector<16xf32>,
        %get3A_863 = arith.index_cast %scan3A_622 : i32 to index
        %get3A_864 = arith.constant 80 : index
        %get3A_865 = tpu.vector_load %arg16[%get3A_863, %get3A_864] {strides = array<i32>} : memref<40x128xf32, #tpu.memory_space<vmem>>, vector<16xf32>,
        %slice3A_866 = vector.extract_strided_slice %exp3A_777 {offsets = [5], sizes = [1], strides = [1]} : vector<16xf32> to vector<1xf32>
        %squeeze3A_867 = vector.extract %slice3A_866[0] : f32 from vector<1xf32>
        %mul3A_868 = vector.broadcast %squeeze3A_867 : f32 to vector<16xf32>
        %mul3A_869 = arith.mulf %get3A_865, %mul3A_868 : vector<16xf32>
        %swap3A_870 = arith.index_cast %scan3A_622 : i32 to index
        %swap3A_871 = arith.constant 80 : index
        %swap3A_872 = tpu.vector_load %arg16[%swap3A_870, %swap3A_871] {strides = array<i32>} : memref<40x128xf32, #tpu.memory_space<vmem>>, vector<16xf32>,
        tpu.vector_store %arg16[%swap3A_870, %swap3A_871], %mul3A_869 {strides = array<i32>} : memref<40x128xf32, #tpu.memory_space<vmem>>, vector<16xf32>,
        %get3A_873 = arith.index_cast %scan3A_622 : i32 to index
        %get3A_874 = arith.constant 96 : index
        %get3A_875 = tpu.vector_load %arg16[%get3A_873, %get3A_874] {strides = array<i32>} : memref<40x128xf32, #tpu.memory_space<vmem>>, vector<16xf32>,
        %slice3A_876 = vector.extract_strided_slice %exp3A_777 {offsets = [6], sizes = [1], strides = [1]} : vector<16xf32> to vector<1xf32>
        %squeeze3A_877 = vector.extract %slice3A_876[0] : f32 from vector<1xf32>
        %mul3A_878 = vector.broadcast %squeeze3A_877 : f32 to vector<16xf32>
        %mul3A_879 = arith.mulf %get3A_875, %mul3A_878 : vector<16xf32>
        %swap3A_880 = arith.index_cast %scan3A_622 : i32 to index
        %swap3A_881 = arith.constant 96 : index
        %swap3A_882 = tpu.vector_load %arg16[%swap3A_880, %swap3A_881] {strides = array<i32>} : memref<40x128xf32, #tpu.memory_space<vmem>>, vector<16xf32>,
        tpu.vector_store %arg16[%swap3A_880, %swap3A_881], %mul3A_879 {strides = array<i32>} : memref<40x128xf32, #tpu.memory_space<vmem>>, vector<16xf32>,
        %get3A_883 = arith.index_cast %scan3A_622 : i32 to index
        %get3A_884 = arith.constant 112 : index
        %get3A_885 = tpu.vector_load %arg16[%get3A_883, %get3A_884] {strides = array<i32>} : memref<40x128xf32, #tpu.memory_space<vmem>>, vector<16xf32>,
        %slice3A_886 = vector.extract_strided_slice %exp3A_777 {offsets = [7], sizes = [1], strides = [1]} : vector<16xf32> to vector<1xf32>
        %squeeze3A_887 = vector.extract %slice3A_886[0] : f32 from vector<1xf32>
        %mul3A_888 = vector.broadcast %squeeze3A_887 : f32 to vector<16xf32>
        %mul3A_889 = arith.mulf %get3A_885, %mul3A_888 : vector<16xf32>
        %swap3A_890 = arith.index_cast %scan3A_622 : i32 to index
        %swap3A_891 = arith.constant 112 : index
        %swap3A_892 = tpu.vector_load %arg16[%swap3A_890, %swap3A_891] {strides = array<i32>} : memref<40x128xf32, #tpu.memory_space<vmem>>, vector<16xf32>,
        tpu.vector_store %arg16[%swap3A_890, %swap3A_891], %mul3A_889 {strides = array<i32>} : memref<40x128xf32, #tpu.memory_space<vmem>>, vector<16xf32>,
        %scan3A_893 = arith.constant 3 : i32
        %scan3A_894 = arith.addi %scan3A_85, %scan3A_893 : i32
        %broadcast_in_dim3A_895 = arith.constant 0.000000e+00 : f32
        %broadcast_in_dim3A_896 = vector.broadcast %broadcast_in_dim3A_895 : f32 to vector<16xf32>
        %get3A_897 = arith.index_cast %scan3A_894 : i32 to index
        %get3A_898 = arith.constant 0 : index
        %get3A_899 = tpu.vector_load %arg14[%get3A_897, %get3A_898] {strides = array<i32>} : memref<40x128xf32, #tpu.memory_space<vmem>>, vector<16xf32>,
        %get3A_900 = arith.index_cast %scan3A_894 : i32 to index
        %get3A_901 = arith.constant 0 : index
        %get3A_902 = tpu.vector_load %arg15[%get3A_900, %get3A_901] {strides = array<i32>} : memref<40x128xf32, #tpu.memory_space<vmem>>, vector<16xf32>,
        %mul3A_903 = arith.mulf %get3A_899, %get3A_902 : vector<16xf32>
        %reduce_sum3A_904 = arith.constant true
        %reduce_sum3A_905 = vector.broadcast %reduce_sum3A_904 : i1 to vector<16xi1>
        %reduce_sum3A_906 = tpu.scan <sum>, %mul3A_903 masked %reduce_sum3A_905 : vector<16xf32>, vector<16xi1> -> vector<16xf32>
        %reduce_sum3A_907 = vector.extract %reduce_sum3A_906[15] : f32 from vector<16xf32>
        %eq3A_908 = arith.constant 0 : i32
        %eq3A_909 = vector.broadcast %eq3A_908 : i32 to vector<16xi32>
        %eq3A_910 = arith.cmpi eq, %iota3A, %eq3A_909 : vector<16xi32>
        %jit3A_911 = arith.constant 0.000000e+00 : f32
        %broadcast_in_dim3A_912 = vector.broadcast %reduce_sum3A_907 : f32 to vector<16xf32>
        %broadcast_in_dim3A_913 = vector.broadcast %jit3A_911 : f32 to vector<16xf32>
        %select_n3A_914 = arith.select %eq3A_910, %broadcast_in_dim3A_912, %broadcast_in_dim3A_913 : vector<16xi1>, vector<16xf32>
        %add3A_915 = arith.addf %broadcast_in_dim3A_896, %select_n3A_914 : vector<16xf32>
        %get3A_916 = arith.index_cast %scan3A_894 : i32 to index
        %get3A_917 = arith.constant 16 : index
        %get3A_918 = tpu.vector_load %arg14[%get3A_916, %get3A_917] {strides = array<i32>} : memref<40x128xf32, #tpu.memory_space<vmem>>, vector<16xf32>,
        %get3A_919 = arith.index_cast %scan3A_894 : i32 to index
        %get3A_920 = arith.constant 16 : index
        %get3A_921 = tpu.vector_load %arg15[%get3A_919, %get3A_920] {strides = array<i32>} : memref<40x128xf32, #tpu.memory_space<vmem>>, vector<16xf32>,
        %mul3A_922 = arith.mulf %get3A_918, %get3A_921 : vector<16xf32>
        %reduce_sum3A_923 = arith.constant true
        %reduce_sum3A_924 = vector.broadcast %reduce_sum3A_923 : i1 to vector<16xi1>
        %reduce_sum3A_925 = tpu.scan <sum>, %mul3A_922 masked %reduce_sum3A_924 : vector<16xf32>, vector<16xi1> -> vector<16xf32>
        %reduce_sum3A_926 = vector.extract %reduce_sum3A_925[15] : f32 from vector<16xf32>
        %eq3A_927 = arith.constant 1 : i32
        %eq3A_928 = vector.broadcast %eq3A_927 : i32 to vector<16xi32>
        %eq3A_929 = arith.cmpi eq, %iota3A, %eq3A_928 : vector<16xi32>
        %jit3A_930 = arith.constant 0.000000e+00 : f32
        %broadcast_in_dim3A_931 = vector.broadcast %reduce_sum3A_926 : f32 to vector<16xf32>
        %broadcast_in_dim3A_932 = vector.broadcast %jit3A_930 : f32 to vector<16xf32>
        %select_n3A_933 = arith.select %eq3A_929, %broadcast_in_dim3A_931, %broadcast_in_dim3A_932 : vector<16xi1>, vector<16xf32>
        %add3A_934 = arith.addf %add3A_915, %select_n3A_933 : vector<16xf32>
        %get3A_935 = arith.index_cast %scan3A_894 : i32 to index
        %get3A_936 = arith.constant 32 : index
        %get3A_937 = tpu.vector_load %arg14[%get3A_935, %get3A_936] {strides = array<i32>} : memref<40x128xf32, #tpu.memory_space<vmem>>, vector<16xf32>,
        %get3A_938 = arith.index_cast %scan3A_894 : i32 to index
        %get3A_939 = arith.constant 32 : index
        %get3A_940 = tpu.vector_load %arg15[%get3A_938, %get3A_939] {strides = array<i32>} : memref<40x128xf32, #tpu.memory_space<vmem>>, vector<16xf32>,
        %mul3A_941 = arith.mulf %get3A_937, %get3A_940 : vector<16xf32>
        %reduce_sum3A_942 = arith.constant true
        %reduce_sum3A_943 = vector.broadcast %reduce_sum3A_942 : i1 to vector<16xi1>
        %reduce_sum3A_944 = tpu.scan <sum>, %mul3A_941 masked %reduce_sum3A_943 : vector<16xf32>, vector<16xi1> -> vector<16xf32>
        %reduce_sum3A_945 = vector.extract %reduce_sum3A_944[15] : f32 from vector<16xf32>
        %eq3A_946 = arith.constant 2 : i32
        %eq3A_947 = vector.broadcast %eq3A_946 : i32 to vector<16xi32>
        %eq3A_948 = arith.cmpi eq, %iota3A, %eq3A_947 : vector<16xi32>
        %jit3A_949 = arith.constant 0.000000e+00 : f32
        %broadcast_in_dim3A_950 = vector.broadcast %reduce_sum3A_945 : f32 to vector<16xf32>
        %broadcast_in_dim3A_951 = vector.broadcast %jit3A_949 : f32 to vector<16xf32>
        %select_n3A_952 = arith.select %eq3A_948, %broadcast_in_dim3A_950, %broadcast_in_dim3A_951 : vector<16xi1>, vector<16xf32>
        %add3A_953 = arith.addf %add3A_934, %select_n3A_952 : vector<16xf32>
        %get3A_954 = arith.index_cast %scan3A_894 : i32 to index
        %get3A_955 = arith.constant 48 : index
        %get3A_956 = tpu.vector_load %arg14[%get3A_954, %get3A_955] {strides = array<i32>} : memref<40x128xf32, #tpu.memory_space<vmem>>, vector<16xf32>,
        %get3A_957 = arith.index_cast %scan3A_894 : i32 to index
        %get3A_958 = arith.constant 48 : index
        %get3A_959 = tpu.vector_load %arg15[%get3A_957, %get3A_958] {strides = array<i32>} : memref<40x128xf32, #tpu.memory_space<vmem>>, vector<16xf32>,
        %mul3A_960 = arith.mulf %get3A_956, %get3A_959 : vector<16xf32>
        %reduce_sum3A_961 = arith.constant true
        %reduce_sum3A_962 = vector.broadcast %reduce_sum3A_961 : i1 to vector<16xi1>
        %reduce_sum3A_963 = tpu.scan <sum>, %mul3A_960 masked %reduce_sum3A_962 : vector<16xf32>, vector<16xi1> -> vector<16xf32>
        %reduce_sum3A_964 = vector.extract %reduce_sum3A_963[15] : f32 from vector<16xf32>
        %eq3A_965 = arith.constant 3 : i32
        %eq3A_966 = vector.broadcast %eq3A_965 : i32 to vector<16xi32>
        %eq3A_967 = arith.cmpi eq, %iota3A, %eq3A_966 : vector<16xi32>
        %jit3A_968 = arith.constant 0.000000e+00 : f32
        %broadcast_in_dim3A_969 = vector.broadcast %reduce_sum3A_964 : f32 to vector<16xf32>
        %broadcast_in_dim3A_970 = vector.broadcast %jit3A_968 : f32 to vector<16xf32>
        %select_n3A_971 = arith.select %eq3A_967, %broadcast_in_dim3A_969, %broadcast_in_dim3A_970 : vector<16xi1>, vector<16xf32>
        %add3A_972 = arith.addf %add3A_953, %select_n3A_971 : vector<16xf32>
        %get3A_973 = arith.index_cast %scan3A_894 : i32 to index
        %get3A_974 = arith.constant 64 : index
        %get3A_975 = tpu.vector_load %arg14[%get3A_973, %get3A_974] {strides = array<i32>} : memref<40x128xf32, #tpu.memory_space<vmem>>, vector<16xf32>,
        %get3A_976 = arith.index_cast %scan3A_894 : i32 to index
        %get3A_977 = arith.constant 64 : index
        %get3A_978 = tpu.vector_load %arg15[%get3A_976, %get3A_977] {strides = array<i32>} : memref<40x128xf32, #tpu.memory_space<vmem>>, vector<16xf32>,
        %mul3A_979 = arith.mulf %get3A_975, %get3A_978 : vector<16xf32>
        %reduce_sum3A_980 = arith.constant true
        %reduce_sum3A_981 = vector.broadcast %reduce_sum3A_980 : i1 to vector<16xi1>
        %reduce_sum3A_982 = tpu.scan <sum>, %mul3A_979 masked %reduce_sum3A_981 : vector<16xf32>, vector<16xi1> -> vector<16xf32>
        %reduce_sum3A_983 = vector.extract %reduce_sum3A_982[15] : f32 from vector<16xf32>
        %eq3A_984 = arith.constant 4 : i32
        %eq3A_985 = vector.broadcast %eq3A_984 : i32 to vector<16xi32>
        %eq3A_986 = arith.cmpi eq, %iota3A, %eq3A_985 : vector<16xi32>
        %jit3A_987 = arith.constant 0.000000e+00 : f32
        %broadcast_in_dim3A_988 = vector.broadcast %reduce_sum3A_983 : f32 to vector<16xf32>
        %broadcast_in_dim3A_989 = vector.broadcast %jit3A_987 : f32 to vector<16xf32>
        %select_n3A_990 = arith.select %eq3A_986, %broadcast_in_dim3A_988, %broadcast_in_dim3A_989 : vector<16xi1>, vector<16xf32>
        %add3A_991 = arith.addf %add3A_972, %select_n3A_990 : vector<16xf32>
        %get3A_992 = arith.index_cast %scan3A_894 : i32 to index
        %get3A_993 = arith.constant 80 : index
        %get3A_994 = tpu.vector_load %arg14[%get3A_992, %get3A_993] {strides = array<i32>} : memref<40x128xf32, #tpu.memory_space<vmem>>, vector<16xf32>,
        %get3A_995 = arith.index_cast %scan3A_894 : i32 to index
        %get3A_996 = arith.constant 80 : index
        %get3A_997 = tpu.vector_load %arg15[%get3A_995, %get3A_996] {strides = array<i32>} : memref<40x128xf32, #tpu.memory_space<vmem>>, vector<16xf32>,
        %mul3A_998 = arith.mulf %get3A_994, %get3A_997 : vector<16xf32>
        %reduce_sum3A_999 = arith.constant true
        %reduce_sum3A_1000 = vector.broadcast %reduce_sum3A_999 : i1 to vector<16xi1>
        %reduce_sum3A_1001 = tpu.scan <sum>, %mul3A_998 masked %reduce_sum3A_1000 : vector<16xf32>, vector<16xi1> -> vector<16xf32>
        %reduce_sum3A_1002 = vector.extract %reduce_sum3A_1001[15] : f32 from vector<16xf32>
        %eq3A_1003 = arith.constant 5 : i32
        %eq3A_1004 = vector.broadcast %eq3A_1003 : i32 to vector<16xi32>
        %eq3A_1005 = arith.cmpi eq, %iota3A, %eq3A_1004 : vector<16xi32>
        %jit3A_1006 = arith.constant 0.000000e+00 : f32
        %broadcast_in_dim3A_1007 = vector.broadcast %reduce_sum3A_1002 : f32 to vector<16xf32>
        %broadcast_in_dim3A_1008 = vector.broadcast %jit3A_1006 : f32 to vector<16xf32>
        %select_n3A_1009 = arith.select %eq3A_1005, %broadcast_in_dim3A_1007, %broadcast_in_dim3A_1008 : vector<16xi1>, vector<16xf32>
        %add3A_1010 = arith.addf %add3A_991, %select_n3A_1009 : vector<16xf32>
        %get3A_1011 = arith.index_cast %scan3A_894 : i32 to index
        %get3A_1012 = arith.constant 96 : index
        %get3A_1013 = tpu.vector_load %arg14[%get3A_1011, %get3A_1012] {strides = array<i32>} : memref<40x128xf32, #tpu.memory_space<vmem>>, vector<16xf32>,
        %get3A_1014 = arith.index_cast %scan3A_894 : i32 to index
        %get3A_1015 = arith.constant 96 : index
        %get3A_1016 = tpu.vector_load %arg15[%get3A_1014, %get3A_1015] {strides = array<i32>} : memref<40x128xf32, #tpu.memory_space<vmem>>, vector<16xf32>,
        %mul3A_1017 = arith.mulf %get3A_1013, %get3A_1016 : vector<16xf32>
        %reduce_sum3A_1018 = arith.constant true
        %reduce_sum3A_1019 = vector.broadcast %reduce_sum3A_1018 : i1 to vector<16xi1>
        %reduce_sum3A_1020 = tpu.scan <sum>, %mul3A_1017 masked %reduce_sum3A_1019 : vector<16xf32>, vector<16xi1> -> vector<16xf32>
        %reduce_sum3A_1021 = vector.extract %reduce_sum3A_1020[15] : f32 from vector<16xf32>
        %eq3A_1022 = arith.constant 6 : i32
        %eq3A_1023 = vector.broadcast %eq3A_1022 : i32 to vector<16xi32>
        %eq3A_1024 = arith.cmpi eq, %iota3A, %eq3A_1023 : vector<16xi32>
        %jit3A_1025 = arith.constant 0.000000e+00 : f32
        %broadcast_in_dim3A_1026 = vector.broadcast %reduce_sum3A_1021 : f32 to vector<16xf32>
        %broadcast_in_dim3A_1027 = vector.broadcast %jit3A_1025 : f32 to vector<16xf32>
        %select_n3A_1028 = arith.select %eq3A_1024, %broadcast_in_dim3A_1026, %broadcast_in_dim3A_1027 : vector<16xi1>, vector<16xf32>
        %add3A_1029 = arith.addf %add3A_1010, %select_n3A_1028 : vector<16xf32>
        %get3A_1030 = arith.index_cast %scan3A_894 : i32 to index
        %get3A_1031 = arith.constant 112 : index
        %get3A_1032 = tpu.vector_load %arg14[%get3A_1030, %get3A_1031] {strides = array<i32>} : memref<40x128xf32, #tpu.memory_space<vmem>>, vector<16xf32>,
        %get3A_1033 = arith.index_cast %scan3A_894 : i32 to index
        %get3A_1034 = arith.constant 112 : index
        %get3A_1035 = tpu.vector_load %arg15[%get3A_1033, %get3A_1034] {strides = array<i32>} : memref<40x128xf32, #tpu.memory_space<vmem>>, vector<16xf32>,
        %mul3A_1036 = arith.mulf %get3A_1032, %get3A_1035 : vector<16xf32>
        %reduce_sum3A_1037 = arith.constant true
        %reduce_sum3A_1038 = vector.broadcast %reduce_sum3A_1037 : i1 to vector<16xi1>
        %reduce_sum3A_1039 = tpu.scan <sum>, %mul3A_1036 masked %reduce_sum3A_1038 : vector<16xf32>, vector<16xi1> -> vector<16xf32>
        %reduce_sum3A_1040 = vector.extract %reduce_sum3A_1039[15] : f32 from vector<16xf32>
        %eq3A_1041 = arith.constant 7 : i32
        %eq3A_1042 = vector.broadcast %eq3A_1041 : i32 to vector<16xi32>
        %eq3A_1043 = arith.cmpi eq, %iota3A, %eq3A_1042 : vector<16xi32>
        %jit3A_1044 = arith.constant 0.000000e+00 : f32
        %broadcast_in_dim3A_1045 = vector.broadcast %reduce_sum3A_1040 : f32 to vector<16xf32>
        %broadcast_in_dim3A_1046 = vector.broadcast %jit3A_1044 : f32 to vector<16xf32>
        %select_n3A_1047 = arith.select %eq3A_1043, %broadcast_in_dim3A_1045, %broadcast_in_dim3A_1046 : vector<16xi1>, vector<16xf32>
        %add3A_1048 = arith.addf %add3A_1029, %select_n3A_1047 : vector<16xf32>
        %exp3A_1049 = math.exp %add3A_1048 : vector<16xf32>
        %swap3A_1050 = arith.index_cast %scan3A_894 : i32 to index
        %swap3A_1051 = arith.constant 0 : index
        %swap3A_1052 = tpu.vector_load %arg17[%swap3A_1050, %swap3A_1051] {strides = array<i32>} : memref<40x128xf32, #tpu.memory_space<vmem>>, vector<16xf32>,
        tpu.vector_store %arg17[%swap3A_1050, %swap3A_1051], %broadcast_in_dim3A_0 {strides = array<i32>} : memref<40x128xf32, #tpu.memory_space<vmem>>, vector<16xf32>,
        %swap3A_1053 = arith.index_cast %scan3A_894 : i32 to index
        %swap3A_1054 = arith.constant 16 : index
        %swap3A_1055 = tpu.vector_load %arg17[%swap3A_1053, %swap3A_1054] {strides = array<i32>} : memref<40x128xf32, #tpu.memory_space<vmem>>, vector<16xf32>,
        tpu.vector_store %arg17[%swap3A_1053, %swap3A_1054], %broadcast_in_dim3A_0 {strides = array<i32>} : memref<40x128xf32, #tpu.memory_space<vmem>>, vector<16xf32>,
        %swap3A_1056 = arith.index_cast %scan3A_894 : i32 to index
        %swap3A_1057 = arith.constant 32 : index
        %swap3A_1058 = tpu.vector_load %arg17[%swap3A_1056, %swap3A_1057] {strides = array<i32>} : memref<40x128xf32, #tpu.memory_space<vmem>>, vector<16xf32>,
        tpu.vector_store %arg17[%swap3A_1056, %swap3A_1057], %broadcast_in_dim3A_0 {strides = array<i32>} : memref<40x128xf32, #tpu.memory_space<vmem>>, vector<16xf32>,
        %swap3A_1059 = arith.index_cast %scan3A_894 : i32 to index
        %swap3A_1060 = arith.constant 48 : index
        %swap3A_1061 = tpu.vector_load %arg17[%swap3A_1059, %swap3A_1060] {strides = array<i32>} : memref<40x128xf32, #tpu.memory_space<vmem>>, vector<16xf32>,
        tpu.vector_store %arg17[%swap3A_1059, %swap3A_1060], %broadcast_in_dim3A_0 {strides = array<i32>} : memref<40x128xf32, #tpu.memory_space<vmem>>, vector<16xf32>,
        %swap3A_1062 = arith.index_cast %scan3A_894 : i32 to index
        %swap3A_1063 = arith.constant 64 : index
        %swap3A_1064 = tpu.vector_load %arg17[%swap3A_1062, %swap3A_1063] {strides = array<i32>} : memref<40x128xf32, #tpu.memory_space<vmem>>, vector<16xf32>,
        tpu.vector_store %arg17[%swap3A_1062, %swap3A_1063], %broadcast_in_dim3A_0 {strides = array<i32>} : memref<40x128xf32, #tpu.memory_space<vmem>>, vector<16xf32>,
        %swap3A_1065 = arith.index_cast %scan3A_894 : i32 to index
        %swap3A_1066 = arith.constant 80 : index
        %swap3A_1067 = tpu.vector_load %arg17[%swap3A_1065, %swap3A_1066] {strides = array<i32>} : memref<40x128xf32, #tpu.memory_space<vmem>>, vector<16xf32>,
        tpu.vector_store %arg17[%swap3A_1065, %swap3A_1066], %broadcast_in_dim3A_0 {strides = array<i32>} : memref<40x128xf32, #tpu.memory_space<vmem>>, vector<16xf32>,
        %swap3A_1068 = arith.index_cast %scan3A_894 : i32 to index
        %swap3A_1069 = arith.constant 96 : index
        %swap3A_1070 = tpu.vector_load %arg17[%swap3A_1068, %swap3A_1069] {strides = array<i32>} : memref<40x128xf32, #tpu.memory_space<vmem>>, vector<16xf32>,
        tpu.vector_store %arg17[%swap3A_1068, %swap3A_1069], %broadcast_in_dim3A_0 {strides = array<i32>} : memref<40x128xf32, #tpu.memory_space<vmem>>, vector<16xf32>,
        %swap3A_1071 = arith.index_cast %scan3A_894 : i32 to index
        %swap3A_1072 = arith.constant 112 : index
        %swap3A_1073 = tpu.vector_load %arg17[%swap3A_1071, %swap3A_1072] {strides = array<i32>} : memref<40x128xf32, #tpu.memory_space<vmem>>, vector<16xf32>,
        tpu.vector_store %arg17[%swap3A_1071, %swap3A_1072], %broadcast_in_dim3A_0 {strides = array<i32>} : memref<40x128xf32, #tpu.memory_space<vmem>>, vector<16xf32>,
        %get3A_1074 = arith.index_cast %scan3A_894 : i32 to index
        %get3A_1075 = tpu.vector_load %arg12[%get3A_1074] {strides = array<i32>} : memref<56xi32, #tpu.memory_space<vmem>>, vector<16xi32>,
        %slice3A_1076 = vector.extract_strided_slice %get3A_1075 {offsets = [0], sizes = [1], strides = [1]} : vector<16xi32> to vector<1xi32>
        %squeeze3A_1077 = vector.extract %slice3A_1076[0] : i32 from vector<1xi32>
        %and3A_1078 = arith.constant 7 : i32
        %and3A_1079 = arith.andi %squeeze3A_1077, %and3A_1078 : i32
        %mul3A_1080 = arith.constant 16 : i32
        %mul3A_1081 = arith.muli %and3A_1079, %mul3A_1080 : i32
        %swap3A_1082 = arith.index_cast %scan3A_894 : i32 to index
        %swap3A_1083 = arith.index_cast %mul3A_1081 : i32 to index
        %swap3A_1084 = tpu.vector_load %arg17[%swap3A_1082, %swap3A_1083] {strides = array<i32>} : memref<40x128xf32, #tpu.memory_space<vmem>>, vector<16xf32>,
        tpu.vector_store %arg17[%swap3A_1082, %swap3A_1083], %exp3A_1049 {strides = array<i32>} : memref<40x128xf32, #tpu.memory_space<vmem>>, vector<16xf32>,
        %get3A_1085 = arith.index_cast %scan3A_894 : i32 to index
        %get3A_1086 = arith.constant 0 : index
        %get3A_1087 = tpu.vector_load %arg16[%get3A_1085, %get3A_1086] {strides = array<i32>} : memref<40x128xf32, #tpu.memory_space<vmem>>, vector<16xf32>,
        %slice3A_1088 = vector.extract_strided_slice %exp3A_1049 {offsets = [0], sizes = [1], strides = [1]} : vector<16xf32> to vector<1xf32>
        %squeeze3A_1089 = vector.extract %slice3A_1088[0] : f32 from vector<1xf32>
        %mul3A_1090 = vector.broadcast %squeeze3A_1089 : f32 to vector<16xf32>
        %mul3A_1091 = arith.mulf %get3A_1087, %mul3A_1090 : vector<16xf32>
        %swap3A_1092 = arith.index_cast %scan3A_894 : i32 to index
        %swap3A_1093 = arith.constant 0 : index
        %swap3A_1094 = tpu.vector_load %arg16[%swap3A_1092, %swap3A_1093] {strides = array<i32>} : memref<40x128xf32, #tpu.memory_space<vmem>>, vector<16xf32>,
        tpu.vector_store %arg16[%swap3A_1092, %swap3A_1093], %mul3A_1091 {strides = array<i32>} : memref<40x128xf32, #tpu.memory_space<vmem>>, vector<16xf32>,
        %get3A_1095 = arith.index_cast %scan3A_894 : i32 to index
        %get3A_1096 = arith.constant 16 : index
        %get3A_1097 = tpu.vector_load %arg16[%get3A_1095, %get3A_1096] {strides = array<i32>} : memref<40x128xf32, #tpu.memory_space<vmem>>, vector<16xf32>,
        %slice3A_1098 = vector.extract_strided_slice %exp3A_1049 {offsets = [1], sizes = [1], strides = [1]} : vector<16xf32> to vector<1xf32>
        %squeeze3A_1099 = vector.extract %slice3A_1098[0] : f32 from vector<1xf32>
        %mul3A_1100 = vector.broadcast %squeeze3A_1099 : f32 to vector<16xf32>
        %mul3A_1101 = arith.mulf %get3A_1097, %mul3A_1100 : vector<16xf32>
        %swap3A_1102 = arith.index_cast %scan3A_894 : i32 to index
        %swap3A_1103 = arith.constant 16 : index
        %swap3A_1104 = tpu.vector_load %arg16[%swap3A_1102, %swap3A_1103] {strides = array<i32>} : memref<40x128xf32, #tpu.memory_space<vmem>>, vector<16xf32>,
        tpu.vector_store %arg16[%swap3A_1102, %swap3A_1103], %mul3A_1101 {strides = array<i32>} : memref<40x128xf32, #tpu.memory_space<vmem>>, vector<16xf32>,
        %get3A_1105 = arith.index_cast %scan3A_894 : i32 to index
        %get3A_1106 = arith.constant 32 : index
        %get3A_1107 = tpu.vector_load %arg16[%get3A_1105, %get3A_1106] {strides = array<i32>} : memref<40x128xf32, #tpu.memory_space<vmem>>, vector<16xf32>,
        %slice3A_1108 = vector.extract_strided_slice %exp3A_1049 {offsets = [2], sizes = [1], strides = [1]} : vector<16xf32> to vector<1xf32>
        %squeeze3A_1109 = vector.extract %slice3A_1108[0] : f32 from vector<1xf32>
        %mul3A_1110 = vector.broadcast %squeeze3A_1109 : f32 to vector<16xf32>
        %mul3A_1111 = arith.mulf %get3A_1107, %mul3A_1110 : vector<16xf32>
        %swap3A_1112 = arith.index_cast %scan3A_894 : i32 to index
        %swap3A_1113 = arith.constant 32 : index
        %swap3A_1114 = tpu.vector_load %arg16[%swap3A_1112, %swap3A_1113] {strides = array<i32>} : memref<40x128xf32, #tpu.memory_space<vmem>>, vector<16xf32>,
        tpu.vector_store %arg16[%swap3A_1112, %swap3A_1113], %mul3A_1111 {strides = array<i32>} : memref<40x128xf32, #tpu.memory_space<vmem>>, vector<16xf32>,
        %get3A_1115 = arith.index_cast %scan3A_894 : i32 to index
        %get3A_1116 = arith.constant 48 : index
        %get3A_1117 = tpu.vector_load %arg16[%get3A_1115, %get3A_1116] {strides = array<i32>} : memref<40x128xf32, #tpu.memory_space<vmem>>, vector<16xf32>,
        %slice3A_1118 = vector.extract_strided_slice %exp3A_1049 {offsets = [3], sizes = [1], strides = [1]} : vector<16xf32> to vector<1xf32>
        %squeeze3A_1119 = vector.extract %slice3A_1118[0] : f32 from vector<1xf32>
        %mul3A_1120 = vector.broadcast %squeeze3A_1119 : f32 to vector<16xf32>
        %mul3A_1121 = arith.mulf %get3A_1117, %mul3A_1120 : vector<16xf32>
        %swap3A_1122 = arith.index_cast %scan3A_894 : i32 to index
        %swap3A_1123 = arith.constant 48 : index
        %swap3A_1124 = tpu.vector_load %arg16[%swap3A_1122, %swap3A_1123] {strides = array<i32>} : memref<40x128xf32, #tpu.memory_space<vmem>>, vector<16xf32>,
        tpu.vector_store %arg16[%swap3A_1122, %swap3A_1123], %mul3A_1121 {strides = array<i32>} : memref<40x128xf32, #tpu.memory_space<vmem>>, vector<16xf32>,
        %get3A_1125 = arith.index_cast %scan3A_894 : i32 to index
        %get3A_1126 = arith.constant 64 : index
        %get3A_1127 = tpu.vector_load %arg16[%get3A_1125, %get3A_1126] {strides = array<i32>} : memref<40x128xf32, #tpu.memory_space<vmem>>, vector<16xf32>,
        %slice3A_1128 = vector.extract_strided_slice %exp3A_1049 {offsets = [4], sizes = [1], strides = [1]} : vector<16xf32> to vector<1xf32>
        %squeeze3A_1129 = vector.extract %slice3A_1128[0] : f32 from vector<1xf32>
        %mul3A_1130 = vector.broadcast %squeeze3A_1129 : f32 to vector<16xf32>
        %mul3A_1131 = arith.mulf %get3A_1127, %mul3A_1130 : vector<16xf32>
        %swap3A_1132 = arith.index_cast %scan3A_894 : i32 to index
        %swap3A_1133 = arith.constant 64 : index
        %swap3A_1134 = tpu.vector_load %arg16[%swap3A_1132, %swap3A_1133] {strides = array<i32>} : memref<40x128xf32, #tpu.memory_space<vmem>>, vector<16xf32>,
        tpu.vector_store %arg16[%swap3A_1132, %swap3A_1133], %mul3A_1131 {strides = array<i32>} : memref<40x128xf32, #tpu.memory_space<vmem>>, vector<16xf32>,
        %get3A_1135 = arith.index_cast %scan3A_894 : i32 to index
        %get3A_1136 = arith.constant 80 : index
        %get3A_1137 = tpu.vector_load %arg16[%get3A_1135, %get3A_1136] {strides = array<i32>} : memref<40x128xf32, #tpu.memory_space<vmem>>, vector<16xf32>,
        %slice3A_1138 = vector.extract_strided_slice %exp3A_1049 {offsets = [5], sizes = [1], strides = [1]} : vector<16xf32> to vector<1xf32>
        %squeeze3A_1139 = vector.extract %slice3A_1138[0] : f32 from vector<1xf32>
        %mul3A_1140 = vector.broadcast %squeeze3A_1139 : f32 to vector<16xf32>
        %mul3A_1141 = arith.mulf %get3A_1137, %mul3A_1140 : vector<16xf32>
        %swap3A_1142 = arith.index_cast %scan3A_894 : i32 to index
        %swap3A_1143 = arith.constant 80 : index
        %swap3A_1144 = tpu.vector_load %arg16[%swap3A_1142, %swap3A_1143] {strides = array<i32>} : memref<40x128xf32, #tpu.memory_space<vmem>>, vector<16xf32>,
        tpu.vector_store %arg16[%swap3A_1142, %swap3A_1143], %mul3A_1141 {strides = array<i32>} : memref<40x128xf32, #tpu.memory_space<vmem>>, vector<16xf32>,
        %get3A_1145 = arith.index_cast %scan3A_894 : i32 to index
        %get3A_1146 = arith.constant 96 : index
        %get3A_1147 = tpu.vector_load %arg16[%get3A_1145, %get3A_1146] {strides = array<i32>} : memref<40x128xf32, #tpu.memory_space<vmem>>, vector<16xf32>,
        %slice3A_1148 = vector.extract_strided_slice %exp3A_1049 {offsets = [6], sizes = [1], strides = [1]} : vector<16xf32> to vector<1xf32>
        %squeeze3A_1149 = vector.extract %slice3A_1148[0] : f32 from vector<1xf32>
        %mul3A_1150 = vector.broadcast %squeeze3A_1149 : f32 to vector<16xf32>
        %mul3A_1151 = arith.mulf %get3A_1147, %mul3A_1150 : vector<16xf32>
        %swap3A_1152 = arith.index_cast %scan3A_894 : i32 to index
        %swap3A_1153 = arith.constant 96 : index
        %swap3A_1154 = tpu.vector_load %arg16[%swap3A_1152, %swap3A_1153] {strides = array<i32>} : memref<40x128xf32, #tpu.memory_space<vmem>>, vector<16xf32>,
        tpu.vector_store %arg16[%swap3A_1152, %swap3A_1153], %mul3A_1151 {strides = array<i32>} : memref<40x128xf32, #tpu.memory_space<vmem>>, vector<16xf32>,
        %get3A_1155 = arith.index_cast %scan3A_894 : i32 to index
        %get3A_1156 = arith.constant 112 : index
        %get3A_1157 = tpu.vector_load %arg16[%get3A_1155, %get3A_1156] {strides = array<i32>} : memref<40x128xf32, #tpu.memory_space<vmem>>, vector<16xf32>,
        %slice3A_1158 = vector.extract_strided_slice %exp3A_1049 {offsets = [7], sizes = [1], strides = [1]} : vector<16xf32> to vector<1xf32>
        %squeeze3A_1159 = vector.extract %slice3A_1158[0] : f32 from vector<1xf32>
        %mul3A_1160 = vector.broadcast %squeeze3A_1159 : f32 to vector<16xf32>
        %mul3A_1161 = arith.mulf %get3A_1157, %mul3A_1160 : vector<16xf32>
        %swap3A_1162 = arith.index_cast %scan3A_894 : i32 to index
        %swap3A_1163 = arith.constant 112 : index
        %swap3A_1164 = tpu.vector_load %arg16[%swap3A_1162, %swap3A_1163] {strides = array<i32>} : memref<40x128xf32, #tpu.memory_space<vmem>>, vector<16xf32>,
        tpu.vector_store %arg16[%swap3A_1162, %swap3A_1163], %mul3A_1161 {strides = array<i32>} : memref<40x128xf32, #tpu.memory_space<vmem>>, vector<16xf32>,
      }
      %scan3A_84 = arith.constant 40 : i32
      "tpu.region"() ({
        %run_scoped3A = tpu.sem_alloc : memref<!tpu.dma_semaphore, #tpu.memory_space<semaphore_mem>>
        %dma_start3A_85 = arith.constant 0 : i32
        %dma_start3A_86 = arith.constant 0 : i32
        %dma_start3A_87 = tpu.memref_slice %arg9[%dma_start3A_85, %dma_start3A_86] : memref<11250x128xf32, #tpu.memory_space<vmem_shared>> -> memref<11250x128xf32, #tpu.memory_space<vmem_shared>>
        tpu.enqueue_indirect_dma source(%arg16 : memref<40x128xf32, #tpu.memory_space<vmem>>) target(%dma_start3A_87 : memref<11250x128xf32, #tpu.memory_space<vmem_shared>>) offsets(%arg11 : memref<40xi32, #tpu.memory_space<vmem>>) semaphore(%run_scoped3A : memref<!tpu.dma_semaphore, #tpu.memory_space<semaphore_mem>>) {add = true}
        %dma_wait3A_88 = arith.constant 0 : i32
        %dma_wait3A_89 = arith.constant 0 : i32
        %dma_wait3A_90 = tpu.memref_slice %arg9[%dma_wait3A_88, %dma_wait3A_89] : memref<11250x128xf32, #tpu.memory_space<vmem_shared>> -> memref<11250x128xf32, #tpu.memory_space<vmem_shared>>
        tpu.wait_indirect_dma semaphore(%run_scoped3A : memref<!tpu.dma_semaphore, #tpu.memory_space<semaphore_mem>>) src(%arg16 : memref<40x128xf32, #tpu.memory_space<vmem>>) dst(%dma_wait3A_90 : memref<11250x128xf32, #tpu.memory_space<vmem_shared>>)
        tpu.yield
      }) : () -> ()
      "tpu.region"() ({
        %run_scoped3A = tpu.sem_alloc : memref<!tpu.dma_semaphore, #tpu.memory_space<semaphore_mem>>
        %dma_start3A_85 = arith.constant 0 : i32
        %dma_start3A_86 = arith.constant 0 : i32
        %dma_start3A_87 = tpu.memref_slice %arg9[%dma_start3A_85, %dma_start3A_86] : memref<11250x128xf32, #tpu.memory_space<vmem_shared>> -> memref<11250x128xf32, #tpu.memory_space<vmem_shared>>
        tpu.enqueue_indirect_dma source(%arg17 : memref<40x128xf32, #tpu.memory_space<vmem>>) target(%dma_start3A_87 : memref<11250x128xf32, #tpu.memory_space<vmem_shared>>) offsets(%arg13 : memref<40xi32, #tpu.memory_space<vmem>>) semaphore(%run_scoped3A : memref<!tpu.dma_semaphore, #tpu.memory_space<semaphore_mem>>) {add = true}
        %dma_wait3A_88 = arith.constant 0 : i32
        %dma_wait3A_89 = arith.constant 0 : i32
        %dma_wait3A_90 = tpu.memref_slice %arg9[%dma_wait3A_88, %dma_wait3A_89] : memref<11250x128xf32, #tpu.memory_space<vmem_shared>> -> memref<11250x128xf32, #tpu.memory_space<vmem_shared>>
        tpu.wait_indirect_dma semaphore(%run_scoped3A : memref<!tpu.dma_semaphore, #tpu.memory_space<semaphore_mem>>) src(%arg17 : memref<40x128xf32, #tpu.memory_space<vmem>>) dst(%dma_wait3A_90 : memref<11250x128xf32, #tpu.memory_space<vmem_shared>>)
        tpu.yield
      }) : () -> ()
    }
    %scan3A_15 = arith.constant 500 : i32
    %barrier3A_16 = arith.constant 0 : index
    tpu.barrier barrier_id(%barrier3A_16)
    %lt3A_17 = arith.constant 15 : i32
    %lt3A_18 = arith.cmpi slt, %arg1, %lt3A_17 : i32
    %convert_element_type3A_19 = arith.extui %lt3A_18 : i1 to i32
    %cond3A_20 = arith.constant 0 : i32
    %cond3A_21 = arith.cmpi ne, %convert_element_type3A_19, %cond3A_20 : i32
    scf.if %cond3A_21 {
      "tpu.region"() ({
        %run_scoped3A = tpu.sem_alloc : memref<!tpu.dma_semaphore, #tpu.memory_space<semaphore_mem>>
        %dma_start3A = arith.constant 0 : i32
        %dma_start3A_27 = tpu.memref_slice %arg8[%arg0, %mul3A_1, %dma_start3A] : memref<2x11250x128xf32, #tpu.memory_space<hbm>> -> memref<1x704x128xf32, #tpu.memory_space<hbm>>
        %dma_start3A_28 = tpu.memref_squeeze %dma_start3A_27 : memref<1x704x128xf32, #tpu.memory_space<hbm>> -> memref<704x128xf32, #tpu.memory_space<hbm>>
        %dma_start3A_29 = arith.constant 0 : i32
        %dma_start3A_30 = tpu.memref_slice %arg9[%mul3A_1, %dma_start3A_29] : memref<11250x128xf32, #tpu.memory_space<vmem_shared>> -> memref<704x128xf32, #tpu.memory_space<vmem_shared>>
        tpu.enqueue_dma source(%dma_start3A_30 : memref<704x128xf32, #tpu.memory_space<vmem_shared>>) target(%dma_start3A_28 : memref<704x128xf32, #tpu.memory_space<hbm>>) target_semaphore(%run_scoped3A : memref<!tpu.dma_semaphore, #tpu.memory_space<semaphore_mem>>)
        %dma_wait3A = arith.constant 0 : i32
        %dma_wait3A_31 = tpu.memref_slice %arg8[%arg0, %mul3A_1, %dma_wait3A] : memref<2x11250x128xf32, #tpu.memory_space<hbm>> -> memref<1x704x128xf32, #tpu.memory_space<hbm>>
        %dma_wait3A_32 = tpu.memref_squeeze %dma_wait3A_31 : memref<1x704x128xf32, #tpu.memory_space<hbm>> -> memref<704x128xf32, #tpu.memory_space<hbm>>
        %dma_wait3A_33 = arith.constant 0 : i32
        %dma_wait3A_34 = tpu.memref_slice %arg9[%mul3A_1, %dma_wait3A_33] : memref<11250x128xf32, #tpu.memory_space<vmem_shared>> -> memref<704x128xf32, #tpu.memory_space<vmem_shared>>
        tpu.wait_dma2 semaphore(%run_scoped3A : memref<!tpu.dma_semaphore, #tpu.memory_space<semaphore_mem>>) src(%dma_wait3A_34 : memref<704x128xf32, #tpu.memory_space<vmem_shared>>) dst(%dma_wait3A_32 : memref<704x128xf32, #tpu.memory_space<hbm>>)
        tpu.yield
      }) : () -> ()
    } else {
    }
    %eq3A_22 = arith.constant 15 : i32
    %eq3A_23 = arith.cmpi eq, %arg1, %eq3A_22 : i32
    %convert_element_type3A_24 = arith.extui %eq3A_23 : i1 to i32
    %cond3A_25 = arith.constant 0 : i32
    %cond3A_26 = arith.cmpi ne, %convert_element_type3A_24, %cond3A_25 : i32
    scf.if %cond3A_26 {
      "tpu.region"() ({
        %run_scoped3A = tpu.sem_alloc : memref<!tpu.dma_semaphore, #tpu.memory_space<semaphore_mem>>
        %dma_start3A = arith.constant 10560 : i32
        %dma_start3A_27 = arith.constant 0 : i32
        %dma_start3A_28 = tpu.memref_slice %arg8[%arg0, %dma_start3A, %dma_start3A_27] : memref<2x11250x128xf32, #tpu.memory_space<hbm>> -> memref<1x690x128xf32, #tpu.memory_space<hbm>>
        %dma_start3A_29 = tpu.memref_squeeze %dma_start3A_28 : memref<1x690x128xf32, #tpu.memory_space<hbm>> -> memref<690x128xf32, #tpu.memory_space<hbm>>
        %dma_start3A_30 = arith.constant 10560 : i32
        %dma_start3A_31 = arith.constant 0 : i32
        %dma_start3A_32 = tpu.memref_slice %arg9[%dma_start3A_30, %dma_start3A_31] : memref<11250x128xf32, #tpu.memory_space<vmem_shared>> -> memref<690x128xf32, #tpu.memory_space<vmem_shared>>
        tpu.enqueue_dma source(%dma_start3A_32 : memref<690x128xf32, #tpu.memory_space<vmem_shared>>) target(%dma_start3A_29 : memref<690x128xf32, #tpu.memory_space<hbm>>) target_semaphore(%run_scoped3A : memref<!tpu.dma_semaphore, #tpu.memory_space<semaphore_mem>>)
        %dma_wait3A = arith.constant 10560 : i32
        %dma_wait3A_33 = arith.constant 0 : i32
        %dma_wait3A_34 = tpu.memref_slice %arg8[%arg0, %dma_wait3A, %dma_wait3A_33] : memref<2x11250x128xf32, #tpu.memory_space<hbm>> -> memref<1x690x128xf32, #tpu.memory_space<hbm>>
        %dma_wait3A_35 = tpu.memref_squeeze %dma_wait3A_34 : memref<1x690x128xf32, #tpu.memory_space<hbm>> -> memref<690x128xf32, #tpu.memory_space<hbm>>
        %dma_wait3A_36 = arith.constant 10560 : i32
        %dma_wait3A_37 = arith.constant 0 : i32
        %dma_wait3A_38 = tpu.memref_slice %arg9[%dma_wait3A_36, %dma_wait3A_37] : memref<11250x128xf32, #tpu.memory_space<vmem_shared>> -> memref<690x128xf32, #tpu.memory_space<vmem_shared>>
        tpu.wait_dma2 semaphore(%run_scoped3A : memref<!tpu.dma_semaphore, #tpu.memory_space<semaphore_mem>>) src(%dma_wait3A_38 : memref<690x128xf32, #tpu.memory_space<vmem_shared>>) dst(%dma_wait3A_35 : memref<690x128xf32, #tpu.memory_space<hbm>>)
        tpu.yield
      }) : () -> ()
    } else {
    }
    return
  }
}

#map = affine_map<(d0, d1) -> (0, 0)>
#map1 = affine_map<(d0, d1) -> (0)>
#map2 = affine_map<(d0, d1) -> (0, 0, 0)>
module attributes {stable_mosaic.version = 14 : i64} {
  func.func @_edge_body(%arg0: i32, %arg1: i32, %arg2: memref<10000x128xf32, #tpu.memory_space<hbm>>, %arg3: memref<10000x128xf32, #tpu.memory_space<hbm>>, %arg4: memref<10000x128xf32, #tpu.memory_space<hbm>>, %arg5: memref<640000xi32, #tpu.memory_space<hbm>>, %arg6: memref<640000xi32, #tpu.memory_space<hbm>>, %arg7: memref<11250x128xf32, #tpu.memory_space<hbm>>, %arg8: memref<2x11250x128xf32, #tpu.memory_space<hbm>>, %arg9: memref<11250x128xf32, #tpu.memory_space<vmem_shared>>, %arg10: memref<40xi32, #tpu.memory_space<vmem>>, %arg11: memref<40xi32, #tpu.memory_space<vmem>>, %arg12: memref<56xi32, #tpu.memory_space<vmem>>, %arg13: memref<40xi32, #tpu.memory_space<vmem>>, %arg14: memref<40x128xf32, #tpu.memory_space<vmem>>, %arg15: memref<40x128xf32, #tpu.memory_space<vmem>>, %arg16: memref<40x128xf32, #tpu.memory_space<vmem>>, %arg17: memref<40x128xf32, #tpu.memory_space<vmem>>, %arg18: memref<!tpu.dma_semaphore, #tpu.memory_space<semaphore_mem>>, %arg19: memref<!tpu.dma_semaphore, #tpu.memory_space<semaphore_mem>>, %arg20: memref<!tpu.dma_semaphore, #tpu.memory_space<semaphore_mem>>) attributes {dimension_semantics = [#tpu.dimension_semantics<core_parallel>, #tpu.dimension_semantics<subcore_parallel>], iteration_bounds = array<i64: 2, 16>, scalar_prefetch = 0 : i64, scratch_operands = 12 : i64, tpu.core_type = #tpu.core_type<sc_vector_subcore>, window_params = [{transform_indices = #map}, {transform_indices = #map}, {transform_indices = #map}, {transform_indices = #map1}, {transform_indices = #map1}, {transform_indices = #map}, {transform_indices = #map2}]} {
    %iota3A = tpu.iota {dimensions = array<i32: 0>} : vector<16xi32>
    %broadcast_in_dim3A = arith.constant 0.000000e+00 : f32
    %broadcast_in_dim3A_0 = vector.broadcast %broadcast_in_dim3A : f32 to vector<16xf32>
    %mul3A = arith.constant 704 : i32
    %mul3A_1 = arith.muli %arg1, %mul3A : i32
    %lt3A = arith.constant 15 : i32
    %lt3A_2 = arith.cmpi slt, %arg1, %lt3A : i32
    %convert_element_type3A = arith.extui %lt3A_2 : i1 to i32
    %cond3A = arith.constant 0 : i32
    %cond3A_3 = arith.cmpi ne, %convert_element_type3A, %cond3A : i32
    scf.if %cond3A_3 {
      "tpu.region"() ({
        %run_scoped3A = tpu.sem_alloc : memref<!tpu.dma_semaphore, #tpu.memory_space<semaphore_mem>>
        %dma_start3A = arith.constant 0 : i32
        %dma_start3A_27 = tpu.memref_slice %arg9[%mul3A_1, %dma_start3A] : memref<11250x128xf32, #tpu.memory_space<vmem_shared>> -> memref<704x128xf32, #tpu.memory_space<vmem_shared>>
        %dma_start3A_28 = arith.constant 0 : i32
        %dma_start3A_29 = tpu.memref_slice %arg7[%mul3A_1, %dma_start3A_28] : memref<11250x128xf32, #tpu.memory_space<hbm>> -> memref<704x128xf32, #tpu.memory_space<hbm>>
        tpu.enqueue_dma source(%dma_start3A_29 : memref<704x128xf32, #tpu.memory_space<hbm>>) target(%dma_start3A_27 : memref<704x128xf32, #tpu.memory_space<vmem_shared>>) target_semaphore(%run_scoped3A : memref<!tpu.dma_semaphore, #tpu.memory_space<semaphore_mem>>)
        %dma_wait3A = arith.constant 0 : i32
        %dma_wait3A_30 = tpu.memref_slice %arg9[%mul3A_1, %dma_wait3A] : memref<11250x128xf32, #tpu.memory_space<vmem_shared>> -> memref<704x128xf32, #tpu.memory_space<vmem_shared>>
        %dma_wait3A_31 = arith.constant 0 : i32
        %dma_wait3A_32 = tpu.memref_slice %arg7[%mul3A_1, %dma_wait3A_31] : memref<11250x128xf32, #tpu.memory_space<hbm>> -> memref<704x128xf32, #tpu.memory_space<hbm>>
        tpu.wait_dma2 semaphore(%run_scoped3A : memref<!tpu.dma_semaphore, #tpu.memory_space<semaphore_mem>>) src(%dma_wait3A_32 : memref<704x128xf32, #tpu.memory_space<hbm>>) dst(%dma_wait3A_30 : memref<704x128xf32, #tpu.memory_space<vmem_shared>>)
        tpu.yield
      }) : () -> ()
    } else {
    }
    %eq3A = arith.constant 15 : i32
    %eq3A_4 = arith.cmpi eq, %arg1, %eq3A : i32
    %convert_element_type3A_5 = arith.extui %eq3A_4 : i1 to i32
    %cond3A_6 = arith.constant 0 : i32
    %cond3A_7 = arith.cmpi ne, %convert_element_type3A_5, %cond3A_6 : i32
    scf.if %cond3A_7 {
      "tpu.region"() ({
        %run_scoped3A = tpu.sem_alloc : memref<!tpu.dma_semaphore, #tpu.memory_space<semaphore_mem>>
        %dma_start3A = arith.constant 10560 : i32
        %dma_start3A_27 = arith.constant 0 : i32
        %dma_start3A_28 = tpu.memref_slice %arg9[%dma_start3A, %dma_start3A_27] : memref<11250x128xf32, #tpu.memory_space<vmem_shared>> -> memref<690x128xf32, #tpu.memory_space<vmem_shared>>
        %dma_start3A_29 = arith.constant 10560 : i32
        %dma_start3A_30 = arith.constant 0 : i32
        %dma_start3A_31 = tpu.memref_slice %arg7[%dma_start3A_29, %dma_start3A_30] : memref<11250x128xf32, #tpu.memory_space<hbm>> -> memref<690x128xf32, #tpu.memory_space<hbm>>
        tpu.enqueue_dma source(%dma_start3A_31 : memref<690x128xf32, #tpu.memory_space<hbm>>) target(%dma_start3A_28 : memref<690x128xf32, #tpu.memory_space<vmem_shared>>) target_semaphore(%run_scoped3A : memref<!tpu.dma_semaphore, #tpu.memory_space<semaphore_mem>>)
        %dma_wait3A = arith.constant 10560 : i32
        %dma_wait3A_32 = arith.constant 0 : i32
        %dma_wait3A_33 = tpu.memref_slice %arg9[%dma_wait3A, %dma_wait3A_32] : memref<11250x128xf32, #tpu.memory_space<vmem_shared>> -> memref<690x128xf32, #tpu.memory_space<vmem_shared>>
        %dma_wait3A_34 = arith.constant 10560 : i32
        %dma_wait3A_35 = arith.constant 0 : i32
        %dma_wait3A_36 = tpu.memref_slice %arg7[%dma_wait3A_34, %dma_wait3A_35] : memref<11250x128xf32, #tpu.memory_space<hbm>> -> memref<690x128xf32, #tpu.memory_space<hbm>>
        tpu.wait_dma2 semaphore(%run_scoped3A : memref<!tpu.dma_semaphore, #tpu.memory_space<semaphore_mem>>) src(%dma_wait3A_36 : memref<690x128xf32, #tpu.memory_space<hbm>>) dst(%dma_wait3A_33 : memref<690x128xf32, #tpu.memory_space<vmem_shared>>)
        tpu.yield
      }) : () -> ()
    } else {
    }
    %barrier3A = arith.constant 0 : index
    tpu.barrier barrier_id(%barrier3A)
    %mul3A_8 = arith.constant 320000 : i32
    %mul3A_9 = arith.muli %arg0, %mul3A_8 : i32
    %mul3A_10 = arith.constant 20000 : i32
    %mul3A_11 = arith.muli %arg1, %mul3A_10 : i32
    %add3A = arith.addi %mul3A_9, %mul3A_11 : i32
    %scan3A = arith.constant 0 : i32
    %scan3A_12 = arith.constant 500 : i32
    %scan3A_13 = arith.addi %scan3A, %scan3A_12 : i32
    %scan3A_14 = arith.constant 1 : i32
    scf.for %scan3A_27 = %scan3A to %scan3A_13 step %scan3A_14  : i32 {
      %mul3A_28 = arith.constant 40 : i32
      %mul3A_29 = arith.muli %scan3A_27, %mul3A_28 : i32
      %add3A_30 = arith.addi %add3A, %mul3A_29 : i32
      "tpu.region"() ({
        %run_scoped3A = tpu.sem_alloc : memref<!tpu.dma_semaphore, #tpu.memory_space<semaphore_mem>>
        %dma_start3A_85 = tpu.memref_slice %arg5[%add3A_30] : memref<640000xi32, #tpu.memory_space<hbm>> -> memref<40xi32, #tpu.memory_space<hbm>>
        %dma_start3A_86 = tpu.memref_slice %arg5[%add3A_30] : memref<640000xi32, #tpu.memory_space<hbm>> -> memref<40xi32, #tpu.memory_space<hbm>>
        tpu.enqueue_dma source(%dma_start3A_86 : memref<40xi32, #tpu.memory_space<hbm>>) target(%arg10 : memref<40xi32, #tpu.memory_space<vmem>>) target_semaphore(%run_scoped3A : memref<!tpu.dma_semaphore, #tpu.memory_space<semaphore_mem>>)
        %dma_wait3A_87 = tpu.memref_slice %arg5[%add3A_30] : memref<640000xi32, #tpu.memory_space<hbm>> -> memref<40xi32, #tpu.memory_space<hbm>>
        %dma_wait3A_88 = tpu.memref_slice %arg5[%add3A_30] : memref<640000xi32, #tpu.memory_space<hbm>> -> memref<40xi32, #tpu.memory_space<hbm>>
        tpu.wait_dma2 semaphore(%run_scoped3A : memref<!tpu.dma_semaphore, #tpu.memory_space<semaphore_mem>>) src(%dma_wait3A_88 : memref<40xi32, #tpu.memory_space<hbm>>) dst(%arg10 : memref<40xi32, #tpu.memory_space<vmem>>)
        tpu.yield
      }) : () -> ()
      "tpu.region"() ({
        %run_scoped3A = tpu.sem_alloc : memref<!tpu.dma_semaphore, #tpu.memory_space<semaphore_mem>>
        %dma_start3A_85 = tpu.memref_slice %arg6[%add3A_30] : memref<640000xi32, #tpu.memory_space<hbm>> -> memref<40xi32, #tpu.memory_space<hbm>>
        %dma_start3A_86 = tpu.memref_slice %arg6[%add3A_30] : memref<640000xi32, #tpu.memory_space<hbm>> -> memref<40xi32, #tpu.memory_space<hbm>>
        tpu.enqueue_dma source(%dma_start3A_86 : memref<40xi32, #tpu.memory_space<hbm>>) target(%arg11 : memref<40xi32, #tpu.memory_space<vmem>>) target_semaphore(%run_scoped3A : memref<!tpu.dma_semaphore, #tpu.memory_space<semaphore_mem>>)
        %dma_wait3A_87 = tpu.memref_slice %arg6[%add3A_30] : memref<640000xi32, #tpu.memory_space<hbm>> -> memref<40xi32, #tpu.memory_space<hbm>>
        %dma_wait3A_88 = tpu.memref_slice %arg6[%add3A_30] : memref<640000xi32, #tpu.memory_space<hbm>> -> memref<40xi32, #tpu.memory_space<hbm>>
        tpu.wait_dma2 semaphore(%run_scoped3A : memref<!tpu.dma_semaphore, #tpu.memory_space<semaphore_mem>>) src(%dma_wait3A_88 : memref<40xi32, #tpu.memory_space<hbm>>) dst(%arg11 : memref<40xi32, #tpu.memory_space<vmem>>)
        tpu.yield
      }) : () -> ()
      %dma_start3A = arith.constant 0 : i32
      %dma_start3A_31 = arith.constant 0 : i32
      %dma_start3A_32 = tpu.memref_slice %arg2[%dma_start3A, %dma_start3A_31] : memref<10000x128xf32, #tpu.memory_space<hbm>> -> memref<10000x128xf32, #tpu.memory_space<hbm>>
      tpu.enqueue_indirect_dma source(%dma_start3A_32 : memref<10000x128xf32, #tpu.memory_space<hbm>>) target(%arg14 : memref<40x128xf32, #tpu.memory_space<vmem>>) offsets(%arg10 : memref<40xi32, #tpu.memory_space<vmem>>) semaphore(%arg18 : memref<!tpu.dma_semaphore, #tpu.memory_space<semaphore_mem>>)
      %dma_start3A_33 = arith.constant 0 : i32
      %dma_start3A_34 = arith.constant 0 : i32
      %dma_start3A_35 = tpu.memref_slice %arg3[%dma_start3A_33, %dma_start3A_34] : memref<10000x128xf32, #tpu.memory_space<hbm>> -> memref<10000x128xf32, #tpu.memory_space<hbm>>
      tpu.enqueue_indirect_dma source(%dma_start3A_35 : memref<10000x128xf32, #tpu.memory_space<hbm>>) target(%arg15 : memref<40x128xf32, #tpu.memory_space<vmem>>) offsets(%arg11 : memref<40xi32, #tpu.memory_space<vmem>>) semaphore(%arg19 : memref<!tpu.dma_semaphore, #tpu.memory_space<semaphore_mem>>)
      %dma_start3A_36 = arith.constant 0 : i32
      %dma_start3A_37 = arith.constant 0 : i32
      %dma_start3A_38 = tpu.memref_slice %arg4[%dma_start3A_36, %dma_start3A_37] : memref<10000x128xf32, #tpu.memory_space<hbm>> -> memref<10000x128xf32, #tpu.memory_space<hbm>>
      tpu.enqueue_indirect_dma source(%dma_start3A_38 : memref<10000x128xf32, #tpu.memory_space<hbm>>) target(%arg16 : memref<40x128xf32, #tpu.memory_space<vmem>>) offsets(%arg10 : memref<40xi32, #tpu.memory_space<vmem>>) semaphore(%arg20 : memref<!tpu.dma_semaphore, #tpu.memory_space<semaphore_mem>>)
      %get3A = arith.constant 0 : index
      %get3A_39 = tpu.vector_load %arg11[%get3A] {strides = array<i32>} : memref<40xi32, #tpu.memory_space<vmem>>, vector<16xi32>,
      %swap3A = arith.constant 0 : index
      %swap3A_40 = tpu.vector_load %arg12[%swap3A] {strides = array<i32>} : memref<56xi32, #tpu.memory_space<vmem>>, vector<16xi32>,
      tpu.vector_store %arg12[%swap3A], %get3A_39 {strides = array<i32>} : memref<56xi32, #tpu.memory_space<vmem>>, vector<16xi32>,
      %shift_right_arithmetic3A = arith.constant 3 : i32
      %shift_right_arithmetic3A_41 = vector.broadcast %shift_right_arithmetic3A : i32 to vector<16xi32>
      %shift_right_arithmetic3A_42 = arith.shrsi %get3A_39, %shift_right_arithmetic3A_41 : vector<16xi32>
      %add3A_43 = arith.constant 10000 : i32
      %add3A_44 = vector.broadcast %add3A_43 : i32 to vector<16xi32>
      %add3A_45 = arith.addi %add3A_44, %shift_right_arithmetic3A_42 : vector<16xi32>
      %swap3A_46 = arith.constant 0 : index
      %swap3A_47 = tpu.vector_load %arg13[%swap3A_46] {strides = array<i32>} : memref<40xi32, #tpu.memory_space<vmem>>, vector<16xi32>,
      tpu.vector_store %arg13[%swap3A_46], %add3A_45 {strides = array<i32>} : memref<40xi32, #tpu.memory_space<vmem>>, vector<16xi32>,
      %get3A_48 = arith.constant 16 : index
      %get3A_49 = tpu.vector_load %arg11[%get3A_48] {strides = array<i32>} : memref<40xi32, #tpu.memory_space<vmem>>, vector<16xi32>,
      %swap3A_50 = arith.constant 16 : index
      %swap3A_51 = tpu.vector_load %arg12[%swap3A_50] {strides = array<i32>} : memref<56xi32, #tpu.memory_space<vmem>>, vector<16xi32>,
      tpu.vector_store %arg12[%swap3A_50], %get3A_49 {strides = array<i32>} : memref<56xi32, #tpu.memory_space<vmem>>, vector<16xi32>,
      %shift_right_arithmetic3A_52 = arith.constant 3 : i32
      %shift_right_arithmetic3A_53 = vector.broadcast %shift_right_arithmetic3A_52 : i32 to vector<16xi32>
      %shift_right_arithmetic3A_54 = arith.shrsi %get3A_49, %shift_right_arithmetic3A_53 : vector<16xi32>
      %add3A_55 = arith.constant 10000 : i32
      %add3A_56 = vector.broadcast %add3A_55 : i32 to vector<16xi32>
      %add3A_57 = arith.addi %add3A_56, %shift_right_arithmetic3A_54 : vector<16xi32>
      %swap3A_58 = arith.constant 16 : index
      %swap3A_59 = tpu.vector_load %arg13[%swap3A_58] {strides = array<i32>} : memref<40xi32, #tpu.memory_space<vmem>>, vector<16xi32>,
      tpu.vector_store %arg13[%swap3A_58], %add3A_57 {strides = array<i32>} : memref<40xi32, #tpu.memory_space<vmem>>, vector<16xi32>,
      %get3A_60 = arith.constant 24 : index
      %get3A_61 = tpu.vector_load %arg11[%get3A_60] {strides = array<i32>} : memref<40xi32, #tpu.memory_space<vmem>>, vector<16xi32>,
      %swap3A_62 = arith.constant 24 : index
      %swap3A_63 = tpu.vector_load %arg12[%swap3A_62] {strides = array<i32>} : memref<56xi32, #tpu.memory_space<vmem>>, vector<16xi32>,
      tpu.vector_store %arg12[%swap3A_62], %get3A_61 {strides = array<i32>} : memref<56xi32, #tpu.memory_space<vmem>>, vector<16xi32>,
      %shift_right_arithmetic3A_64 = arith.constant 3 : i32
      %shift_right_arithmetic3A_65 = vector.broadcast %shift_right_arithmetic3A_64 : i32 to vector<16xi32>
      %shift_right_arithmetic3A_66 = arith.shrsi %get3A_61, %shift_right_arithmetic3A_65 : vector<16xi32>
      %add3A_67 = arith.constant 10000 : i32
      %add3A_68 = vector.broadcast %add3A_67 : i32 to vector<16xi32>
      %add3A_69 = arith.addi %add3A_68, %shift_right_arithmetic3A_66 : vector<16xi32>
      %swap3A_70 = arith.constant 24 : index
      %swap3A_71 = tpu.vector_load %arg13[%swap3A_70] {strides = array<i32>} : memref<40xi32, #tpu.memory_space<vmem>>, vector<16xi32>,
      tpu.vector_store %arg13[%swap3A_70], %add3A_69 {strides = array<i32>} : memref<40xi32, #tpu.memory_space<vmem>>, vector<16xi32>,
      %dma_wait3A = arith.constant 0 : i32
      %dma_wait3A_72 = arith.constant 0 : i32
      %dma_wait3A_73 = tpu.memref_slice %arg2[%dma_wait3A, %dma_wait3A_72] : memref<10000x128xf32, #tpu.memory_space<hbm>> -> memref<10000x128xf32, #tpu.memory_space<hbm>>
      tpu.wait_indirect_dma semaphore(%arg18 : memref<!tpu.dma_semaphore, #tpu.memory_space<semaphore_mem>>) src(%dma_wait3A_73 : memref<10000x128xf32, #tpu.memory_space<hbm>>) dst(%arg14 : memref<40x128xf32, #tpu.memory_space<vmem>>)
      %dma_wait3A_74 = arith.constant 0 : i32
      %dma_wait3A_75 = arith.constant 0 : i32
      %dma_wait3A_76 = tpu.memref_slice %arg3[%dma_wait3A_74, %dma_wait3A_75] : memref<10000x128xf32, #tpu.memory_space<hbm>> -> memref<10000x128xf32, #tpu.memory_space<hbm>>
      tpu.wait_indirect_dma semaphore(%arg19 : memref<!tpu.dma_semaphore, #tpu.memory_space<semaphore_mem>>) src(%dma_wait3A_76 : memref<10000x128xf32, #tpu.memory_space<hbm>>) dst(%arg15 : memref<40x128xf32, #tpu.memory_space<vmem>>)
      %dma_wait3A_77 = arith.constant 0 : i32
      %dma_wait3A_78 = arith.constant 0 : i32
      %dma_wait3A_79 = tpu.memref_slice %arg4[%dma_wait3A_77, %dma_wait3A_78] : memref<10000x128xf32, #tpu.memory_space<hbm>> -> memref<10000x128xf32, #tpu.memory_space<hbm>>
      tpu.wait_indirect_dma semaphore(%arg20 : memref<!tpu.dma_semaphore, #tpu.memory_space<semaphore_mem>>) src(%dma_wait3A_79 : memref<10000x128xf32, #tpu.memory_space<hbm>>) dst(%arg16 : memref<40x128xf32, #tpu.memory_space<vmem>>)
      %scan3A_80 = arith.constant 0 : i32
      %scan3A_81 = arith.constant 40 : i32
      %scan3A_82 = arith.addi %scan3A_80, %scan3A_81 : i32
      %scan3A_83 = arith.constant 4 : i32
      scf.for %scan3A_85 = %scan3A_80 to %scan3A_82 step %scan3A_83  : i32 {
        %broadcast_in_dim3A_86 = arith.constant 0.000000e+00 : f32
        %broadcast_in_dim3A_87 = vector.broadcast %broadcast_in_dim3A_86 : f32 to vector<16xf32>
        %get3A_88 = arith.index_cast %scan3A_85 : i32 to index
        %get3A_89 = arith.constant 0 : index
        %get3A_90 = tpu.vector_load %arg14[%get3A_88, %get3A_89] {strides = array<i32>} : memref<40x128xf32, #tpu.memory_space<vmem>>, vector<16xf32>,
        %get3A_91 = arith.index_cast %scan3A_85 : i32 to index
        %get3A_92 = arith.constant 0 : index
        %get3A_93 = tpu.vector_load %arg15[%get3A_91, %get3A_92] {strides = array<i32>} : memref<40x128xf32, #tpu.memory_space<vmem>>, vector<16xf32>,
        %mul3A_94 = arith.mulf %get3A_90, %get3A_93 : vector<16xf32>
        %reduce_sum3A = arith.constant true
        %reduce_sum3A_95 = vector.broadcast %reduce_sum3A : i1 to vector<16xi1>
        %reduce_sum3A_96 = tpu.scan <sum>, %mul3A_94 masked %reduce_sum3A_95 : vector<16xf32>, vector<16xi1> -> vector<16xf32>
        %reduce_sum3A_97 = vector.extract %reduce_sum3A_96[15] : f32 from vector<16xf32>
        %eq3A_98 = arith.constant 0 : i32
        %eq3A_99 = vector.broadcast %eq3A_98 : i32 to vector<16xi32>
        %eq3A_100 = arith.cmpi eq, %iota3A, %eq3A_99 : vector<16xi32>
        %jit3A = arith.constant 0.000000e+00 : f32
        %broadcast_in_dim3A_101 = vector.broadcast %reduce_sum3A_97 : f32 to vector<16xf32>
        %broadcast_in_dim3A_102 = vector.broadcast %jit3A : f32 to vector<16xf32>
        %select_n3A = arith.select %eq3A_100, %broadcast_in_dim3A_101, %broadcast_in_dim3A_102 : vector<16xi1>, vector<16xf32>
        %add3A_103 = arith.addf %broadcast_in_dim3A_87, %select_n3A : vector<16xf32>
        %get3A_104 = arith.index_cast %scan3A_85 : i32 to index
        %get3A_105 = arith.constant 16 : index
        %get3A_106 = tpu.vector_load %arg14[%get3A_104, %get3A_105] {strides = array<i32>} : memref<40x128xf32, #tpu.memory_space<vmem>>, vector<16xf32>,
        %get3A_107 = arith.index_cast %scan3A_85 : i32 to index
        %get3A_108 = arith.constant 16 : index
        %get3A_109 = tpu.vector_load %arg15[%get3A_107, %get3A_108] {strides = array<i32>} : memref<40x128xf32, #tpu.memory_space<vmem>>, vector<16xf32>,
        %mul3A_110 = arith.mulf %get3A_106, %get3A_109 : vector<16xf32>
        %reduce_sum3A_111 = arith.constant true
        %reduce_sum3A_112 = vector.broadcast %reduce_sum3A_111 : i1 to vector<16xi1>
        %reduce_sum3A_113 = tpu.scan <sum>, %mul3A_110 masked %reduce_sum3A_112 : vector<16xf32>, vector<16xi1> -> vector<16xf32>
        %reduce_sum3A_114 = vector.extract %reduce_sum3A_113[15] : f32 from vector<16xf32>
        %eq3A_115 = arith.constant 1 : i32
        %eq3A_116 = vector.broadcast %eq3A_115 : i32 to vector<16xi32>
        %eq3A_117 = arith.cmpi eq, %iota3A, %eq3A_116 : vector<16xi32>
        %jit3A_118 = arith.constant 0.000000e+00 : f32
        %broadcast_in_dim3A_119 = vector.broadcast %reduce_sum3A_114 : f32 to vector<16xf32>
        %broadcast_in_dim3A_120 = vector.broadcast %jit3A_118 : f32 to vector<16xf32>
        %select_n3A_121 = arith.select %eq3A_117, %broadcast_in_dim3A_119, %broadcast_in_dim3A_120 : vector<16xi1>, vector<16xf32>
        %add3A_122 = arith.addf %add3A_103, %select_n3A_121 : vector<16xf32>
        %get3A_123 = arith.index_cast %scan3A_85 : i32 to index
        %get3A_124 = arith.constant 32 : index
        %get3A_125 = tpu.vector_load %arg14[%get3A_123, %get3A_124] {strides = array<i32>} : memref<40x128xf32, #tpu.memory_space<vmem>>, vector<16xf32>,
        %get3A_126 = arith.index_cast %scan3A_85 : i32 to index
        %get3A_127 = arith.constant 32 : index
        %get3A_128 = tpu.vector_load %arg15[%get3A_126, %get3A_127] {strides = array<i32>} : memref<40x128xf32, #tpu.memory_space<vmem>>, vector<16xf32>,
        %mul3A_129 = arith.mulf %get3A_125, %get3A_128 : vector<16xf32>
        %reduce_sum3A_130 = arith.constant true
        %reduce_sum3A_131 = vector.broadcast %reduce_sum3A_130 : i1 to vector<16xi1>
        %reduce_sum3A_132 = tpu.scan <sum>, %mul3A_129 masked %reduce_sum3A_131 : vector<16xf32>, vector<16xi1> -> vector<16xf32>
        %reduce_sum3A_133 = vector.extract %reduce_sum3A_132[15] : f32 from vector<16xf32>
        %eq3A_134 = arith.constant 2 : i32
        %eq3A_135 = vector.broadcast %eq3A_134 : i32 to vector<16xi32>
        %eq3A_136 = arith.cmpi eq, %iota3A, %eq3A_135 : vector<16xi32>
        %jit3A_137 = arith.constant 0.000000e+00 : f32
        %broadcast_in_dim3A_138 = vector.broadcast %reduce_sum3A_133 : f32 to vector<16xf32>
        %broadcast_in_dim3A_139 = vector.broadcast %jit3A_137 : f32 to vector<16xf32>
        %select_n3A_140 = arith.select %eq3A_136, %broadcast_in_dim3A_138, %broadcast_in_dim3A_139 : vector<16xi1>, vector<16xf32>
        %add3A_141 = arith.addf %add3A_122, %select_n3A_140 : vector<16xf32>
        %get3A_142 = arith.index_cast %scan3A_85 : i32 to index
        %get3A_143 = arith.constant 48 : index
        %get3A_144 = tpu.vector_load %arg14[%get3A_142, %get3A_143] {strides = array<i32>} : memref<40x128xf32, #tpu.memory_space<vmem>>, vector<16xf32>,
        %get3A_145 = arith.index_cast %scan3A_85 : i32 to index
        %get3A_146 = arith.constant 48 : index
        %get3A_147 = tpu.vector_load %arg15[%get3A_145, %get3A_146] {strides = array<i32>} : memref<40x128xf32, #tpu.memory_space<vmem>>, vector<16xf32>,
        %mul3A_148 = arith.mulf %get3A_144, %get3A_147 : vector<16xf32>
        %reduce_sum3A_149 = arith.constant true
        %reduce_sum3A_150 = vector.broadcast %reduce_sum3A_149 : i1 to vector<16xi1>
        %reduce_sum3A_151 = tpu.scan <sum>, %mul3A_148 masked %reduce_sum3A_150 : vector<16xf32>, vector<16xi1> -> vector<16xf32>
        %reduce_sum3A_152 = vector.extract %reduce_sum3A_151[15] : f32 from vector<16xf32>
        %eq3A_153 = arith.constant 3 : i32
        %eq3A_154 = vector.broadcast %eq3A_153 : i32 to vector<16xi32>
        %eq3A_155 = arith.cmpi eq, %iota3A, %eq3A_154 : vector<16xi32>
        %jit3A_156 = arith.constant 0.000000e+00 : f32
        %broadcast_in_dim3A_157 = vector.broadcast %reduce_sum3A_152 : f32 to vector<16xf32>
        %broadcast_in_dim3A_158 = vector.broadcast %jit3A_156 : f32 to vector<16xf32>
        %select_n3A_159 = arith.select %eq3A_155, %broadcast_in_dim3A_157, %broadcast_in_dim3A_158 : vector<16xi1>, vector<16xf32>
        %add3A_160 = arith.addf %add3A_141, %select_n3A_159 : vector<16xf32>
        %get3A_161 = arith.index_cast %scan3A_85 : i32 to index
        %get3A_162 = arith.constant 64 : index
        %get3A_163 = tpu.vector_load %arg14[%get3A_161, %get3A_162] {strides = array<i32>} : memref<40x128xf32, #tpu.memory_space<vmem>>, vector<16xf32>,
        %get3A_164 = arith.index_cast %scan3A_85 : i32 to index
        %get3A_165 = arith.constant 64 : index
        %get3A_166 = tpu.vector_load %arg15[%get3A_164, %get3A_165] {strides = array<i32>} : memref<40x128xf32, #tpu.memory_space<vmem>>, vector<16xf32>,
        %mul3A_167 = arith.mulf %get3A_163, %get3A_166 : vector<16xf32>
        %reduce_sum3A_168 = arith.constant true
        %reduce_sum3A_169 = vector.broadcast %reduce_sum3A_168 : i1 to vector<16xi1>
        %reduce_sum3A_170 = tpu.scan <sum>, %mul3A_167 masked %reduce_sum3A_169 : vector<16xf32>, vector<16xi1> -> vector<16xf32>
        %reduce_sum3A_171 = vector.extract %reduce_sum3A_170[15] : f32 from vector<16xf32>
        %eq3A_172 = arith.constant 4 : i32
        %eq3A_173 = vector.broadcast %eq3A_172 : i32 to vector<16xi32>
        %eq3A_174 = arith.cmpi eq, %iota3A, %eq3A_173 : vector<16xi32>
        %jit3A_175 = arith.constant 0.000000e+00 : f32
        %broadcast_in_dim3A_176 = vector.broadcast %reduce_sum3A_171 : f32 to vector<16xf32>
        %broadcast_in_dim3A_177 = vector.broadcast %jit3A_175 : f32 to vector<16xf32>
        %select_n3A_178 = arith.select %eq3A_174, %broadcast_in_dim3A_176, %broadcast_in_dim3A_177 : vector<16xi1>, vector<16xf32>
        %add3A_179 = arith.addf %add3A_160, %select_n3A_178 : vector<16xf32>
        %get3A_180 = arith.index_cast %scan3A_85 : i32 to index
        %get3A_181 = arith.constant 80 : index
        %get3A_182 = tpu.vector_load %arg14[%get3A_180, %get3A_181] {strides = array<i32>} : memref<40x128xf32, #tpu.memory_space<vmem>>, vector<16xf32>,
        %get3A_183 = arith.index_cast %scan3A_85 : i32 to index
        %get3A_184 = arith.constant 80 : index
        %get3A_185 = tpu.vector_load %arg15[%get3A_183, %get3A_184] {strides = array<i32>} : memref<40x128xf32, #tpu.memory_space<vmem>>, vector<16xf32>,
        %mul3A_186 = arith.mulf %get3A_182, %get3A_185 : vector<16xf32>
        %reduce_sum3A_187 = arith.constant true
        %reduce_sum3A_188 = vector.broadcast %reduce_sum3A_187 : i1 to vector<16xi1>
        %reduce_sum3A_189 = tpu.scan <sum>, %mul3A_186 masked %reduce_sum3A_188 : vector<16xf32>, vector<16xi1> -> vector<16xf32>
        %reduce_sum3A_190 = vector.extract %reduce_sum3A_189[15] : f32 from vector<16xf32>
        %eq3A_191 = arith.constant 5 : i32
        %eq3A_192 = vector.broadcast %eq3A_191 : i32 to vector<16xi32>
        %eq3A_193 = arith.cmpi eq, %iota3A, %eq3A_192 : vector<16xi32>
        %jit3A_194 = arith.constant 0.000000e+00 : f32
        %broadcast_in_dim3A_195 = vector.broadcast %reduce_sum3A_190 : f32 to vector<16xf32>
        %broadcast_in_dim3A_196 = vector.broadcast %jit3A_194 : f32 to vector<16xf32>
        %select_n3A_197 = arith.select %eq3A_193, %broadcast_in_dim3A_195, %broadcast_in_dim3A_196 : vector<16xi1>, vector<16xf32>
        %add3A_198 = arith.addf %add3A_179, %select_n3A_197 : vector<16xf32>
        %get3A_199 = arith.index_cast %scan3A_85 : i32 to index
        %get3A_200 = arith.constant 96 : index
        %get3A_201 = tpu.vector_load %arg14[%get3A_199, %get3A_200] {strides = array<i32>} : memref<40x128xf32, #tpu.memory_space<vmem>>, vector<16xf32>,
        %get3A_202 = arith.index_cast %scan3A_85 : i32 to index
        %get3A_203 = arith.constant 96 : index
        %get3A_204 = tpu.vector_load %arg15[%get3A_202, %get3A_203] {strides = array<i32>} : memref<40x128xf32, #tpu.memory_space<vmem>>, vector<16xf32>,
        %mul3A_205 = arith.mulf %get3A_201, %get3A_204 : vector<16xf32>
        %reduce_sum3A_206 = arith.constant true
        %reduce_sum3A_207 = vector.broadcast %reduce_sum3A_206 : i1 to vector<16xi1>
        %reduce_sum3A_208 = tpu.scan <sum>, %mul3A_205 masked %reduce_sum3A_207 : vector<16xf32>, vector<16xi1> -> vector<16xf32>
        %reduce_sum3A_209 = vector.extract %reduce_sum3A_208[15] : f32 from vector<16xf32>
        %eq3A_210 = arith.constant 6 : i32
        %eq3A_211 = vector.broadcast %eq3A_210 : i32 to vector<16xi32>
        %eq3A_212 = arith.cmpi eq, %iota3A, %eq3A_211 : vector<16xi32>
        %jit3A_213 = arith.constant 0.000000e+00 : f32
        %broadcast_in_dim3A_214 = vector.broadcast %reduce_sum3A_209 : f32 to vector<16xf32>
        %broadcast_in_dim3A_215 = vector.broadcast %jit3A_213 : f32 to vector<16xf32>
        %select_n3A_216 = arith.select %eq3A_212, %broadcast_in_dim3A_214, %broadcast_in_dim3A_215 : vector<16xi1>, vector<16xf32>
        %add3A_217 = arith.addf %add3A_198, %select_n3A_216 : vector<16xf32>
        %get3A_218 = arith.index_cast %scan3A_85 : i32 to index
        %get3A_219 = arith.constant 112 : index
        %get3A_220 = tpu.vector_load %arg14[%get3A_218, %get3A_219] {strides = array<i32>} : memref<40x128xf32, #tpu.memory_space<vmem>>, vector<16xf32>,
        %get3A_221 = arith.index_cast %scan3A_85 : i32 to index
        %get3A_222 = arith.constant 112 : index
        %get3A_223 = tpu.vector_load %arg15[%get3A_221, %get3A_222] {strides = array<i32>} : memref<40x128xf32, #tpu.memory_space<vmem>>, vector<16xf32>,
        %mul3A_224 = arith.mulf %get3A_220, %get3A_223 : vector<16xf32>
        %reduce_sum3A_225 = arith.constant true
        %reduce_sum3A_226 = vector.broadcast %reduce_sum3A_225 : i1 to vector<16xi1>
        %reduce_sum3A_227 = tpu.scan <sum>, %mul3A_224 masked %reduce_sum3A_226 : vector<16xf32>, vector<16xi1> -> vector<16xf32>
        %reduce_sum3A_228 = vector.extract %reduce_sum3A_227[15] : f32 from vector<16xf32>
        %eq3A_229 = arith.constant 7 : i32
        %eq3A_230 = vector.broadcast %eq3A_229 : i32 to vector<16xi32>
        %eq3A_231 = arith.cmpi eq, %iota3A, %eq3A_230 : vector<16xi32>
        %jit3A_232 = arith.constant 0.000000e+00 : f32
        %broadcast_in_dim3A_233 = vector.broadcast %reduce_sum3A_228 : f32 to vector<16xf32>
        %broadcast_in_dim3A_234 = vector.broadcast %jit3A_232 : f32 to vector<16xf32>
        %select_n3A_235 = arith.select %eq3A_231, %broadcast_in_dim3A_233, %broadcast_in_dim3A_234 : vector<16xi1>, vector<16xf32>
        %add3A_236 = arith.addf %add3A_217, %select_n3A_235 : vector<16xf32>
        %exp3A = math.exp %add3A_236 : vector<16xf32>
        %swap3A_237 = arith.index_cast %scan3A_85 : i32 to index
        %swap3A_238 = arith.constant 0 : index
        %swap3A_239 = tpu.vector_load %arg17[%swap3A_237, %swap3A_238] {strides = array<i32>} : memref<40x128xf32, #tpu.memory_space<vmem>>, vector<16xf32>,
        tpu.vector_store %arg17[%swap3A_237, %swap3A_238], %broadcast_in_dim3A_0 {strides = array<i32>} : memref<40x128xf32, #tpu.memory_space<vmem>>, vector<16xf32>,
        %swap3A_240 = arith.index_cast %scan3A_85 : i32 to index
        %swap3A_241 = arith.constant 16 : index
        %swap3A_242 = tpu.vector_load %arg17[%swap3A_240, %swap3A_241] {strides = array<i32>} : memref<40x128xf32, #tpu.memory_space<vmem>>, vector<16xf32>,
        tpu.vector_store %arg17[%swap3A_240, %swap3A_241], %broadcast_in_dim3A_0 {strides = array<i32>} : memref<40x128xf32, #tpu.memory_space<vmem>>, vector<16xf32>,
        %swap3A_243 = arith.index_cast %scan3A_85 : i32 to index
        %swap3A_244 = arith.constant 32 : index
        %swap3A_245 = tpu.vector_load %arg17[%swap3A_243, %swap3A_244] {strides = array<i32>} : memref<40x128xf32, #tpu.memory_space<vmem>>, vector<16xf32>,
        tpu.vector_store %arg17[%swap3A_243, %swap3A_244], %broadcast_in_dim3A_0 {strides = array<i32>} : memref<40x128xf32, #tpu.memory_space<vmem>>, vector<16xf32>,
        %swap3A_246 = arith.index_cast %scan3A_85 : i32 to index
        %swap3A_247 = arith.constant 48 : index
        %swap3A_248 = tpu.vector_load %arg17[%swap3A_246, %swap3A_247] {strides = array<i32>} : memref<40x128xf32, #tpu.memory_space<vmem>>, vector<16xf32>,
        tpu.vector_store %arg17[%swap3A_246, %swap3A_247], %broadcast_in_dim3A_0 {strides = array<i32>} : memref<40x128xf32, #tpu.memory_space<vmem>>, vector<16xf32>,
        %swap3A_249 = arith.index_cast %scan3A_85 : i32 to index
        %swap3A_250 = arith.constant 64 : index
        %swap3A_251 = tpu.vector_load %arg17[%swap3A_249, %swap3A_250] {strides = array<i32>} : memref<40x128xf32, #tpu.memory_space<vmem>>, vector<16xf32>,
        tpu.vector_store %arg17[%swap3A_249, %swap3A_250], %broadcast_in_dim3A_0 {strides = array<i32>} : memref<40x128xf32, #tpu.memory_space<vmem>>, vector<16xf32>,
        %swap3A_252 = arith.index_cast %scan3A_85 : i32 to index
        %swap3A_253 = arith.constant 80 : index
        %swap3A_254 = tpu.vector_load %arg17[%swap3A_252, %swap3A_253] {strides = array<i32>} : memref<40x128xf32, #tpu.memory_space<vmem>>, vector<16xf32>,
        tpu.vector_store %arg17[%swap3A_252, %swap3A_253], %broadcast_in_dim3A_0 {strides = array<i32>} : memref<40x128xf32, #tpu.memory_space<vmem>>, vector<16xf32>,
        %swap3A_255 = arith.index_cast %scan3A_85 : i32 to index
        %swap3A_256 = arith.constant 96 : index
        %swap3A_257 = tpu.vector_load %arg17[%swap3A_255, %swap3A_256] {strides = array<i32>} : memref<40x128xf32, #tpu.memory_space<vmem>>, vector<16xf32>,
        tpu.vector_store %arg17[%swap3A_255, %swap3A_256], %broadcast_in_dim3A_0 {strides = array<i32>} : memref<40x128xf32, #tpu.memory_space<vmem>>, vector<16xf32>,
        %swap3A_258 = arith.index_cast %scan3A_85 : i32 to index
        %swap3A_259 = arith.constant 112 : index
        %swap3A_260 = tpu.vector_load %arg17[%swap3A_258, %swap3A_259] {strides = array<i32>} : memref<40x128xf32, #tpu.memory_space<vmem>>, vector<16xf32>,
        tpu.vector_store %arg17[%swap3A_258, %swap3A_259], %broadcast_in_dim3A_0 {strides = array<i32>} : memref<40x128xf32, #tpu.memory_space<vmem>>, vector<16xf32>,
        %get3A_261 = arith.index_cast %scan3A_85 : i32 to index
        %get3A_262 = tpu.vector_load %arg12[%get3A_261] {strides = array<i32>} : memref<56xi32, #tpu.memory_space<vmem>>, vector<16xi32>,
        %slice3A = vector.extract_strided_slice %get3A_262 {offsets = [0], sizes = [1], strides = [1]} : vector<16xi32> to vector<1xi32>
        %squeeze3A = vector.extract %slice3A[0] : i32 from vector<1xi32>
        %and3A = arith.constant 7 : i32
        %and3A_263 = arith.andi %squeeze3A, %and3A : i32
        %mul3A_264 = arith.constant 16 : i32
        %mul3A_265 = arith.muli %and3A_263, %mul3A_264 : i32
        %swap3A_266 = arith.index_cast %scan3A_85 : i32 to index
        %swap3A_267 = arith.index_cast %mul3A_265 : i32 to index
        %swap3A_268 = tpu.vector_load %arg17[%swap3A_266, %swap3A_267] {strides = array<i32>} : memref<40x128xf32, #tpu.memory_space<vmem>>, vector<16xf32>,
        tpu.vector_store %arg17[%swap3A_266, %swap3A_267], %exp3A {strides = array<i32>} : memref<40x128xf32, #tpu.memory_space<vmem>>, vector<16xf32>,
        %get3A_269 = arith.index_cast %scan3A_85 : i32 to index
        %get3A_270 = arith.constant 0 : index
        %get3A_271 = tpu.vector_load %arg16[%get3A_269, %get3A_270] {strides = array<i32>} : memref<40x128xf32, #tpu.memory_space<vmem>>, vector<16xf32>,
        %slice3A_272 = vector.extract_strided_slice %exp3A {offsets = [0], sizes = [1], strides = [1]} : vector<16xf32> to vector<1xf32>
        %squeeze3A_273 = vector.extract %slice3A_272[0] : f32 from vector<1xf32>
        %mul3A_274 = vector.broadcast %squeeze3A_273 : f32 to vector<16xf32>
        %mul3A_275 = arith.mulf %get3A_271, %mul3A_274 : vector<16xf32>
        %swap3A_276 = arith.index_cast %scan3A_85 : i32 to index
        %swap3A_277 = arith.constant 0 : index
        %swap3A_278 = tpu.vector_load %arg16[%swap3A_276, %swap3A_277] {strides = array<i32>} : memref<40x128xf32, #tpu.memory_space<vmem>>, vector<16xf32>,
        tpu.vector_store %arg16[%swap3A_276, %swap3A_277], %mul3A_275 {strides = array<i32>} : memref<40x128xf32, #tpu.memory_space<vmem>>, vector<16xf32>,
        %get3A_279 = arith.index_cast %scan3A_85 : i32 to index
        %get3A_280 = arith.constant 16 : index
        %get3A_281 = tpu.vector_load %arg16[%get3A_279, %get3A_280] {strides = array<i32>} : memref<40x128xf32, #tpu.memory_space<vmem>>, vector<16xf32>,
        %slice3A_282 = vector.extract_strided_slice %exp3A {offsets = [1], sizes = [1], strides = [1]} : vector<16xf32> to vector<1xf32>
        %squeeze3A_283 = vector.extract %slice3A_282[0] : f32 from vector<1xf32>
        %mul3A_284 = vector.broadcast %squeeze3A_283 : f32 to vector<16xf32>
        %mul3A_285 = arith.mulf %get3A_281, %mul3A_284 : vector<16xf32>
        %swap3A_286 = arith.index_cast %scan3A_85 : i32 to index
        %swap3A_287 = arith.constant 16 : index
        %swap3A_288 = tpu.vector_load %arg16[%swap3A_286, %swap3A_287] {strides = array<i32>} : memref<40x128xf32, #tpu.memory_space<vmem>>, vector<16xf32>,
        tpu.vector_store %arg16[%swap3A_286, %swap3A_287], %mul3A_285 {strides = array<i32>} : memref<40x128xf32, #tpu.memory_space<vmem>>, vector<16xf32>,
        %get3A_289 = arith.index_cast %scan3A_85 : i32 to index
        %get3A_290 = arith.constant 32 : index
        %get3A_291 = tpu.vector_load %arg16[%get3A_289, %get3A_290] {strides = array<i32>} : memref<40x128xf32, #tpu.memory_space<vmem>>, vector<16xf32>,
        %slice3A_292 = vector.extract_strided_slice %exp3A {offsets = [2], sizes = [1], strides = [1]} : vector<16xf32> to vector<1xf32>
        %squeeze3A_293 = vector.extract %slice3A_292[0] : f32 from vector<1xf32>
        %mul3A_294 = vector.broadcast %squeeze3A_293 : f32 to vector<16xf32>
        %mul3A_295 = arith.mulf %get3A_291, %mul3A_294 : vector<16xf32>
        %swap3A_296 = arith.index_cast %scan3A_85 : i32 to index
        %swap3A_297 = arith.constant 32 : index
        %swap3A_298 = tpu.vector_load %arg16[%swap3A_296, %swap3A_297] {strides = array<i32>} : memref<40x128xf32, #tpu.memory_space<vmem>>, vector<16xf32>,
        tpu.vector_store %arg16[%swap3A_296, %swap3A_297], %mul3A_295 {strides = array<i32>} : memref<40x128xf32, #tpu.memory_space<vmem>>, vector<16xf32>,
        %get3A_299 = arith.index_cast %scan3A_85 : i32 to index
        %get3A_300 = arith.constant 48 : index
        %get3A_301 = tpu.vector_load %arg16[%get3A_299, %get3A_300] {strides = array<i32>} : memref<40x128xf32, #tpu.memory_space<vmem>>, vector<16xf32>,
        %slice3A_302 = vector.extract_strided_slice %exp3A {offsets = [3], sizes = [1], strides = [1]} : vector<16xf32> to vector<1xf32>
        %squeeze3A_303 = vector.extract %slice3A_302[0] : f32 from vector<1xf32>
        %mul3A_304 = vector.broadcast %squeeze3A_303 : f32 to vector<16xf32>
        %mul3A_305 = arith.mulf %get3A_301, %mul3A_304 : vector<16xf32>
        %swap3A_306 = arith.index_cast %scan3A_85 : i32 to index
        %swap3A_307 = arith.constant 48 : index
        %swap3A_308 = tpu.vector_load %arg16[%swap3A_306, %swap3A_307] {strides = array<i32>} : memref<40x128xf32, #tpu.memory_space<vmem>>, vector<16xf32>,
        tpu.vector_store %arg16[%swap3A_306, %swap3A_307], %mul3A_305 {strides = array<i32>} : memref<40x128xf32, #tpu.memory_space<vmem>>, vector<16xf32>,
        %get3A_309 = arith.index_cast %scan3A_85 : i32 to index
        %get3A_310 = arith.constant 64 : index
        %get3A_311 = tpu.vector_load %arg16[%get3A_309, %get3A_310] {strides = array<i32>} : memref<40x128xf32, #tpu.memory_space<vmem>>, vector<16xf32>,
        %slice3A_312 = vector.extract_strided_slice %exp3A {offsets = [4], sizes = [1], strides = [1]} : vector<16xf32> to vector<1xf32>
        %squeeze3A_313 = vector.extract %slice3A_312[0] : f32 from vector<1xf32>
        %mul3A_314 = vector.broadcast %squeeze3A_313 : f32 to vector<16xf32>
        %mul3A_315 = arith.mulf %get3A_311, %mul3A_314 : vector<16xf32>
        %swap3A_316 = arith.index_cast %scan3A_85 : i32 to index
        %swap3A_317 = arith.constant 64 : index
        %swap3A_318 = tpu.vector_load %arg16[%swap3A_316, %swap3A_317] {strides = array<i32>} : memref<40x128xf32, #tpu.memory_space<vmem>>, vector<16xf32>,
        tpu.vector_store %arg16[%swap3A_316, %swap3A_317], %mul3A_315 {strides = array<i32>} : memref<40x128xf32, #tpu.memory_space<vmem>>, vector<16xf32>,
        %get3A_319 = arith.index_cast %scan3A_85 : i32 to index
        %get3A_320 = arith.constant 80 : index
        %get3A_321 = tpu.vector_load %arg16[%get3A_319, %get3A_320] {strides = array<i32>} : memref<40x128xf32, #tpu.memory_space<vmem>>, vector<16xf32>,
        %slice3A_322 = vector.extract_strided_slice %exp3A {offsets = [5], sizes = [1], strides = [1]} : vector<16xf32> to vector<1xf32>
        %squeeze3A_323 = vector.extract %slice3A_322[0] : f32 from vector<1xf32>
        %mul3A_324 = vector.broadcast %squeeze3A_323 : f32 to vector<16xf32>
        %mul3A_325 = arith.mulf %get3A_321, %mul3A_324 : vector<16xf32>
        %swap3A_326 = arith.index_cast %scan3A_85 : i32 to index
        %swap3A_327 = arith.constant 80 : index
        %swap3A_328 = tpu.vector_load %arg16[%swap3A_326, %swap3A_327] {strides = array<i32>} : memref<40x128xf32, #tpu.memory_space<vmem>>, vector<16xf32>,
        tpu.vector_store %arg16[%swap3A_326, %swap3A_327], %mul3A_325 {strides = array<i32>} : memref<40x128xf32, #tpu.memory_space<vmem>>, vector<16xf32>,
        %get3A_329 = arith.index_cast %scan3A_85 : i32 to index
        %get3A_330 = arith.constant 96 : index
        %get3A_331 = tpu.vector_load %arg16[%get3A_329, %get3A_330] {strides = array<i32>} : memref<40x128xf32, #tpu.memory_space<vmem>>, vector<16xf32>,
        %slice3A_332 = vector.extract_strided_slice %exp3A {offsets = [6], sizes = [1], strides = [1]} : vector<16xf32> to vector<1xf32>
        %squeeze3A_333 = vector.extract %slice3A_332[0] : f32 from vector<1xf32>
        %mul3A_334 = vector.broadcast %squeeze3A_333 : f32 to vector<16xf32>
        %mul3A_335 = arith.mulf %get3A_331, %mul3A_334 : vector<16xf32>
        %swap3A_336 = arith.index_cast %scan3A_85 : i32 to index
        %swap3A_337 = arith.constant 96 : index
        %swap3A_338 = tpu.vector_load %arg16[%swap3A_336, %swap3A_337] {strides = array<i32>} : memref<40x128xf32, #tpu.memory_space<vmem>>, vector<16xf32>,
        tpu.vector_store %arg16[%swap3A_336, %swap3A_337], %mul3A_335 {strides = array<i32>} : memref<40x128xf32, #tpu.memory_space<vmem>>, vector<16xf32>,
        %get3A_339 = arith.index_cast %scan3A_85 : i32 to index
        %get3A_340 = arith.constant 112 : index
        %get3A_341 = tpu.vector_load %arg16[%get3A_339, %get3A_340] {strides = array<i32>} : memref<40x128xf32, #tpu.memory_space<vmem>>, vector<16xf32>,
        %slice3A_342 = vector.extract_strided_slice %exp3A {offsets = [7], sizes = [1], strides = [1]} : vector<16xf32> to vector<1xf32>
        %squeeze3A_343 = vector.extract %slice3A_342[0] : f32 from vector<1xf32>
        %mul3A_344 = vector.broadcast %squeeze3A_343 : f32 to vector<16xf32>
        %mul3A_345 = arith.mulf %get3A_341, %mul3A_344 : vector<16xf32>
        %swap3A_346 = arith.index_cast %scan3A_85 : i32 to index
        %swap3A_347 = arith.constant 112 : index
        %swap3A_348 = tpu.vector_load %arg16[%swap3A_346, %swap3A_347] {strides = array<i32>} : memref<40x128xf32, #tpu.memory_space<vmem>>, vector<16xf32>,
        tpu.vector_store %arg16[%swap3A_346, %swap3A_347], %mul3A_345 {strides = array<i32>} : memref<40x128xf32, #tpu.memory_space<vmem>>, vector<16xf32>,
        %scan3A_349 = arith.constant 1 : i32
        %scan3A_350 = arith.addi %scan3A_85, %scan3A_349 : i32
        %broadcast_in_dim3A_351 = arith.constant 0.000000e+00 : f32
        %broadcast_in_dim3A_352 = vector.broadcast %broadcast_in_dim3A_351 : f32 to vector<16xf32>
        %get3A_353 = arith.index_cast %scan3A_350 : i32 to index
        %get3A_354 = arith.constant 0 : index
        %get3A_355 = tpu.vector_load %arg14[%get3A_353, %get3A_354] {strides = array<i32>} : memref<40x128xf32, #tpu.memory_space<vmem>>, vector<16xf32>,
        %get3A_356 = arith.index_cast %scan3A_350 : i32 to index
        %get3A_357 = arith.constant 0 : index
        %get3A_358 = tpu.vector_load %arg15[%get3A_356, %get3A_357] {strides = array<i32>} : memref<40x128xf32, #tpu.memory_space<vmem>>, vector<16xf32>,
        %mul3A_359 = arith.mulf %get3A_355, %get3A_358 : vector<16xf32>
        %reduce_sum3A_360 = arith.constant true
        %reduce_sum3A_361 = vector.broadcast %reduce_sum3A_360 : i1 to vector<16xi1>
        %reduce_sum3A_362 = tpu.scan <sum>, %mul3A_359 masked %reduce_sum3A_361 : vector<16xf32>, vector<16xi1> -> vector<16xf32>
        %reduce_sum3A_363 = vector.extract %reduce_sum3A_362[15] : f32 from vector<16xf32>
        %eq3A_364 = arith.constant 0 : i32
        %eq3A_365 = vector.broadcast %eq3A_364 : i32 to vector<16xi32>
        %eq3A_366 = arith.cmpi eq, %iota3A, %eq3A_365 : vector<16xi32>
        %jit3A_367 = arith.constant 0.000000e+00 : f32
        %broadcast_in_dim3A_368 = vector.broadcast %reduce_sum3A_363 : f32 to vector<16xf32>
        %broadcast_in_dim3A_369 = vector.broadcast %jit3A_367 : f32 to vector<16xf32>
        %select_n3A_370 = arith.select %eq3A_366, %broadcast_in_dim3A_368, %broadcast_in_dim3A_369 : vector<16xi1>, vector<16xf32>
        %add3A_371 = arith.addf %broadcast_in_dim3A_352, %select_n3A_370 : vector<16xf32>
        %get3A_372 = arith.index_cast %scan3A_350 : i32 to index
        %get3A_373 = arith.constant 16 : index
        %get3A_374 = tpu.vector_load %arg14[%get3A_372, %get3A_373] {strides = array<i32>} : memref<40x128xf32, #tpu.memory_space<vmem>>, vector<16xf32>,
        %get3A_375 = arith.index_cast %scan3A_350 : i32 to index
        %get3A_376 = arith.constant 16 : index
        %get3A_377 = tpu.vector_load %arg15[%get3A_375, %get3A_376] {strides = array<i32>} : memref<40x128xf32, #tpu.memory_space<vmem>>, vector<16xf32>,
        %mul3A_378 = arith.mulf %get3A_374, %get3A_377 : vector<16xf32>
        %reduce_sum3A_379 = arith.constant true
        %reduce_sum3A_380 = vector.broadcast %reduce_sum3A_379 : i1 to vector<16xi1>
        %reduce_sum3A_381 = tpu.scan <sum>, %mul3A_378 masked %reduce_sum3A_380 : vector<16xf32>, vector<16xi1> -> vector<16xf32>
        %reduce_sum3A_382 = vector.extract %reduce_sum3A_381[15] : f32 from vector<16xf32>
        %eq3A_383 = arith.constant 1 : i32
        %eq3A_384 = vector.broadcast %eq3A_383 : i32 to vector<16xi32>
        %eq3A_385 = arith.cmpi eq, %iota3A, %eq3A_384 : vector<16xi32>
        %jit3A_386 = arith.constant 0.000000e+00 : f32
        %broadcast_in_dim3A_387 = vector.broadcast %reduce_sum3A_382 : f32 to vector<16xf32>
        %broadcast_in_dim3A_388 = vector.broadcast %jit3A_386 : f32 to vector<16xf32>
        %select_n3A_389 = arith.select %eq3A_385, %broadcast_in_dim3A_387, %broadcast_in_dim3A_388 : vector<16xi1>, vector<16xf32>
        %add3A_390 = arith.addf %add3A_371, %select_n3A_389 : vector<16xf32>
        %get3A_391 = arith.index_cast %scan3A_350 : i32 to index
        %get3A_392 = arith.constant 32 : index
        %get3A_393 = tpu.vector_load %arg14[%get3A_391, %get3A_392] {strides = array<i32>} : memref<40x128xf32, #tpu.memory_space<vmem>>, vector<16xf32>,
        %get3A_394 = arith.index_cast %scan3A_350 : i32 to index
        %get3A_395 = arith.constant 32 : index
        %get3A_396 = tpu.vector_load %arg15[%get3A_394, %get3A_395] {strides = array<i32>} : memref<40x128xf32, #tpu.memory_space<vmem>>, vector<16xf32>,
        %mul3A_397 = arith.mulf %get3A_393, %get3A_396 : vector<16xf32>
        %reduce_sum3A_398 = arith.constant true
        %reduce_sum3A_399 = vector.broadcast %reduce_sum3A_398 : i1 to vector<16xi1>
        %reduce_sum3A_400 = tpu.scan <sum>, %mul3A_397 masked %reduce_sum3A_399 : vector<16xf32>, vector<16xi1> -> vector<16xf32>
        %reduce_sum3A_401 = vector.extract %reduce_sum3A_400[15] : f32 from vector<16xf32>
        %eq3A_402 = arith.constant 2 : i32
        %eq3A_403 = vector.broadcast %eq3A_402 : i32 to vector<16xi32>
        %eq3A_404 = arith.cmpi eq, %iota3A, %eq3A_403 : vector<16xi32>
        %jit3A_405 = arith.constant 0.000000e+00 : f32
        %broadcast_in_dim3A_406 = vector.broadcast %reduce_sum3A_401 : f32 to vector<16xf32>
        %broadcast_in_dim3A_407 = vector.broadcast %jit3A_405 : f32 to vector<16xf32>
        %select_n3A_408 = arith.select %eq3A_404, %broadcast_in_dim3A_406, %broadcast_in_dim3A_407 : vector<16xi1>, vector<16xf32>
        %add3A_409 = arith.addf %add3A_390, %select_n3A_408 : vector<16xf32>
        %get3A_410 = arith.index_cast %scan3A_350 : i32 to index
        %get3A_411 = arith.constant 48 : index
        %get3A_412 = tpu.vector_load %arg14[%get3A_410, %get3A_411] {strides = array<i32>} : memref<40x128xf32, #tpu.memory_space<vmem>>, vector<16xf32>,
        %get3A_413 = arith.index_cast %scan3A_350 : i32 to index
        %get3A_414 = arith.constant 48 : index
        %get3A_415 = tpu.vector_load %arg15[%get3A_413, %get3A_414] {strides = array<i32>} : memref<40x128xf32, #tpu.memory_space<vmem>>, vector<16xf32>,
        %mul3A_416 = arith.mulf %get3A_412, %get3A_415 : vector<16xf32>
        %reduce_sum3A_417 = arith.constant true
        %reduce_sum3A_418 = vector.broadcast %reduce_sum3A_417 : i1 to vector<16xi1>
        %reduce_sum3A_419 = tpu.scan <sum>, %mul3A_416 masked %reduce_sum3A_418 : vector<16xf32>, vector<16xi1> -> vector<16xf32>
        %reduce_sum3A_420 = vector.extract %reduce_sum3A_419[15] : f32 from vector<16xf32>
        %eq3A_421 = arith.constant 3 : i32
        %eq3A_422 = vector.broadcast %eq3A_421 : i32 to vector<16xi32>
        %eq3A_423 = arith.cmpi eq, %iota3A, %eq3A_422 : vector<16xi32>
        %jit3A_424 = arith.constant 0.000000e+00 : f32
        %broadcast_in_dim3A_425 = vector.broadcast %reduce_sum3A_420 : f32 to vector<16xf32>
        %broadcast_in_dim3A_426 = vector.broadcast %jit3A_424 : f32 to vector<16xf32>
        %select_n3A_427 = arith.select %eq3A_423, %broadcast_in_dim3A_425, %broadcast_in_dim3A_426 : vector<16xi1>, vector<16xf32>
        %add3A_428 = arith.addf %add3A_409, %select_n3A_427 : vector<16xf32>
        %get3A_429 = arith.index_cast %scan3A_350 : i32 to index
        %get3A_430 = arith.constant 64 : index
        %get3A_431 = tpu.vector_load %arg14[%get3A_429, %get3A_430] {strides = array<i32>} : memref<40x128xf32, #tpu.memory_space<vmem>>, vector<16xf32>,
        %get3A_432 = arith.index_cast %scan3A_350 : i32 to index
        %get3A_433 = arith.constant 64 : index
        %get3A_434 = tpu.vector_load %arg15[%get3A_432, %get3A_433] {strides = array<i32>} : memref<40x128xf32, #tpu.memory_space<vmem>>, vector<16xf32>,
        %mul3A_435 = arith.mulf %get3A_431, %get3A_434 : vector<16xf32>
        %reduce_sum3A_436 = arith.constant true
        %reduce_sum3A_437 = vector.broadcast %reduce_sum3A_436 : i1 to vector<16xi1>
        %reduce_sum3A_438 = tpu.scan <sum>, %mul3A_435 masked %reduce_sum3A_437 : vector<16xf32>, vector<16xi1> -> vector<16xf32>
        %reduce_sum3A_439 = vector.extract %reduce_sum3A_438[15] : f32 from vector<16xf32>
        %eq3A_440 = arith.constant 4 : i32
        %eq3A_441 = vector.broadcast %eq3A_440 : i32 to vector<16xi32>
        %eq3A_442 = arith.cmpi eq, %iota3A, %eq3A_441 : vector<16xi32>
        %jit3A_443 = arith.constant 0.000000e+00 : f32
        %broadcast_in_dim3A_444 = vector.broadcast %reduce_sum3A_439 : f32 to vector<16xf32>
        %broadcast_in_dim3A_445 = vector.broadcast %jit3A_443 : f32 to vector<16xf32>
        %select_n3A_446 = arith.select %eq3A_442, %broadcast_in_dim3A_444, %broadcast_in_dim3A_445 : vector<16xi1>, vector<16xf32>
        %add3A_447 = arith.addf %add3A_428, %select_n3A_446 : vector<16xf32>
        %get3A_448 = arith.index_cast %scan3A_350 : i32 to index
        %get3A_449 = arith.constant 80 : index
        %get3A_450 = tpu.vector_load %arg14[%get3A_448, %get3A_449] {strides = array<i32>} : memref<40x128xf32, #tpu.memory_space<vmem>>, vector<16xf32>,
        %get3A_451 = arith.index_cast %scan3A_350 : i32 to index
        %get3A_452 = arith.constant 80 : index
        %get3A_453 = tpu.vector_load %arg15[%get3A_451, %get3A_452] {strides = array<i32>} : memref<40x128xf32, #tpu.memory_space<vmem>>, vector<16xf32>,
        %mul3A_454 = arith.mulf %get3A_450, %get3A_453 : vector<16xf32>
        %reduce_sum3A_455 = arith.constant true
        %reduce_sum3A_456 = vector.broadcast %reduce_sum3A_455 : i1 to vector<16xi1>
        %reduce_sum3A_457 = tpu.scan <sum>, %mul3A_454 masked %reduce_sum3A_456 : vector<16xf32>, vector<16xi1> -> vector<16xf32>
        %reduce_sum3A_458 = vector.extract %reduce_sum3A_457[15] : f32 from vector<16xf32>
        %eq3A_459 = arith.constant 5 : i32
        %eq3A_460 = vector.broadcast %eq3A_459 : i32 to vector<16xi32>
        %eq3A_461 = arith.cmpi eq, %iota3A, %eq3A_460 : vector<16xi32>
        %jit3A_462 = arith.constant 0.000000e+00 : f32
        %broadcast_in_dim3A_463 = vector.broadcast %reduce_sum3A_458 : f32 to vector<16xf32>
        %broadcast_in_dim3A_464 = vector.broadcast %jit3A_462 : f32 to vector<16xf32>
        %select_n3A_465 = arith.select %eq3A_461, %broadcast_in_dim3A_463, %broadcast_in_dim3A_464 : vector<16xi1>, vector<16xf32>
        %add3A_466 = arith.addf %add3A_447, %select_n3A_465 : vector<16xf32>
        %get3A_467 = arith.index_cast %scan3A_350 : i32 to index
        %get3A_468 = arith.constant 96 : index
        %get3A_469 = tpu.vector_load %arg14[%get3A_467, %get3A_468] {strides = array<i32>} : memref<40x128xf32, #tpu.memory_space<vmem>>, vector<16xf32>,
        %get3A_470 = arith.index_cast %scan3A_350 : i32 to index
        %get3A_471 = arith.constant 96 : index
        %get3A_472 = tpu.vector_load %arg15[%get3A_470, %get3A_471] {strides = array<i32>} : memref<40x128xf32, #tpu.memory_space<vmem>>, vector<16xf32>,
        %mul3A_473 = arith.mulf %get3A_469, %get3A_472 : vector<16xf32>
        %reduce_sum3A_474 = arith.constant true
        %reduce_sum3A_475 = vector.broadcast %reduce_sum3A_474 : i1 to vector<16xi1>
        %reduce_sum3A_476 = tpu.scan <sum>, %mul3A_473 masked %reduce_sum3A_475 : vector<16xf32>, vector<16xi1> -> vector<16xf32>
        %reduce_sum3A_477 = vector.extract %reduce_sum3A_476[15] : f32 from vector<16xf32>
        %eq3A_478 = arith.constant 6 : i32
        %eq3A_479 = vector.broadcast %eq3A_478 : i32 to vector<16xi32>
        %eq3A_480 = arith.cmpi eq, %iota3A, %eq3A_479 : vector<16xi32>
        %jit3A_481 = arith.constant 0.000000e+00 : f32
        %broadcast_in_dim3A_482 = vector.broadcast %reduce_sum3A_477 : f32 to vector<16xf32>
        %broadcast_in_dim3A_483 = vector.broadcast %jit3A_481 : f32 to vector<16xf32>
        %select_n3A_484 = arith.select %eq3A_480, %broadcast_in_dim3A_482, %broadcast_in_dim3A_483 : vector<16xi1>, vector<16xf32>
        %add3A_485 = arith.addf %add3A_466, %select_n3A_484 : vector<16xf32>
        %get3A_486 = arith.index_cast %scan3A_350 : i32 to index
        %get3A_487 = arith.constant 112 : index
        %get3A_488 = tpu.vector_load %arg14[%get3A_486, %get3A_487] {strides = array<i32>} : memref<40x128xf32, #tpu.memory_space<vmem>>, vector<16xf32>,
        %get3A_489 = arith.index_cast %scan3A_350 : i32 to index
        %get3A_490 = arith.constant 112 : index
        %get3A_491 = tpu.vector_load %arg15[%get3A_489, %get3A_490] {strides = array<i32>} : memref<40x128xf32, #tpu.memory_space<vmem>>, vector<16xf32>,
        %mul3A_492 = arith.mulf %get3A_488, %get3A_491 : vector<16xf32>
        %reduce_sum3A_493 = arith.constant true
        %reduce_sum3A_494 = vector.broadcast %reduce_sum3A_493 : i1 to vector<16xi1>
        %reduce_sum3A_495 = tpu.scan <sum>, %mul3A_492 masked %reduce_sum3A_494 : vector<16xf32>, vector<16xi1> -> vector<16xf32>
        %reduce_sum3A_496 = vector.extract %reduce_sum3A_495[15] : f32 from vector<16xf32>
        %eq3A_497 = arith.constant 7 : i32
        %eq3A_498 = vector.broadcast %eq3A_497 : i32 to vector<16xi32>
        %eq3A_499 = arith.cmpi eq, %iota3A, %eq3A_498 : vector<16xi32>
        %jit3A_500 = arith.constant 0.000000e+00 : f32
        %broadcast_in_dim3A_501 = vector.broadcast %reduce_sum3A_496 : f32 to vector<16xf32>
        %broadcast_in_dim3A_502 = vector.broadcast %jit3A_500 : f32 to vector<16xf32>
        %select_n3A_503 = arith.select %eq3A_499, %broadcast_in_dim3A_501, %broadcast_in_dim3A_502 : vector<16xi1>, vector<16xf32>
        %add3A_504 = arith.addf %add3A_485, %select_n3A_503 : vector<16xf32>
        %exp3A_505 = math.exp %add3A_504 : vector<16xf32>
        %swap3A_506 = arith.index_cast %scan3A_350 : i32 to index
        %swap3A_507 = arith.constant 0 : index
        %swap3A_508 = tpu.vector_load %arg17[%swap3A_506, %swap3A_507] {strides = array<i32>} : memref<40x128xf32, #tpu.memory_space<vmem>>, vector<16xf32>,
        tpu.vector_store %arg17[%swap3A_506, %swap3A_507], %broadcast_in_dim3A_0 {strides = array<i32>} : memref<40x128xf32, #tpu.memory_space<vmem>>, vector<16xf32>,
        %swap3A_509 = arith.index_cast %scan3A_350 : i32 to index
        %swap3A_510 = arith.constant 16 : index
        %swap3A_511 = tpu.vector_load %arg17[%swap3A_509, %swap3A_510] {strides = array<i32>} : memref<40x128xf32, #tpu.memory_space<vmem>>, vector<16xf32>,
        tpu.vector_store %arg17[%swap3A_509, %swap3A_510], %broadcast_in_dim3A_0 {strides = array<i32>} : memref<40x128xf32, #tpu.memory_space<vmem>>, vector<16xf32>,
        %swap3A_512 = arith.index_cast %scan3A_350 : i32 to index
        %swap3A_513 = arith.constant 32 : index
        %swap3A_514 = tpu.vector_load %arg17[%swap3A_512, %swap3A_513] {strides = array<i32>} : memref<40x128xf32, #tpu.memory_space<vmem>>, vector<16xf32>,
        tpu.vector_store %arg17[%swap3A_512, %swap3A_513], %broadcast_in_dim3A_0 {strides = array<i32>} : memref<40x128xf32, #tpu.memory_space<vmem>>, vector<16xf32>,
        %swap3A_515 = arith.index_cast %scan3A_350 : i32 to index
        %swap3A_516 = arith.constant 48 : index
        %swap3A_517 = tpu.vector_load %arg17[%swap3A_515, %swap3A_516] {strides = array<i32>} : memref<40x128xf32, #tpu.memory_space<vmem>>, vector<16xf32>,
        tpu.vector_store %arg17[%swap3A_515, %swap3A_516], %broadcast_in_dim3A_0 {strides = array<i32>} : memref<40x128xf32, #tpu.memory_space<vmem>>, vector<16xf32>,
        %swap3A_518 = arith.index_cast %scan3A_350 : i32 to index
        %swap3A_519 = arith.constant 64 : index
        %swap3A_520 = tpu.vector_load %arg17[%swap3A_518, %swap3A_519] {strides = array<i32>} : memref<40x128xf32, #tpu.memory_space<vmem>>, vector<16xf32>,
        tpu.vector_store %arg17[%swap3A_518, %swap3A_519], %broadcast_in_dim3A_0 {strides = array<i32>} : memref<40x128xf32, #tpu.memory_space<vmem>>, vector<16xf32>,
        %swap3A_521 = arith.index_cast %scan3A_350 : i32 to index
        %swap3A_522 = arith.constant 80 : index
        %swap3A_523 = tpu.vector_load %arg17[%swap3A_521, %swap3A_522] {strides = array<i32>} : memref<40x128xf32, #tpu.memory_space<vmem>>, vector<16xf32>,
        tpu.vector_store %arg17[%swap3A_521, %swap3A_522], %broadcast_in_dim3A_0 {strides = array<i32>} : memref<40x128xf32, #tpu.memory_space<vmem>>, vector<16xf32>,
        %swap3A_524 = arith.index_cast %scan3A_350 : i32 to index
        %swap3A_525 = arith.constant 96 : index
        %swap3A_526 = tpu.vector_load %arg17[%swap3A_524, %swap3A_525] {strides = array<i32>} : memref<40x128xf32, #tpu.memory_space<vmem>>, vector<16xf32>,
        tpu.vector_store %arg17[%swap3A_524, %swap3A_525], %broadcast_in_dim3A_0 {strides = array<i32>} : memref<40x128xf32, #tpu.memory_space<vmem>>, vector<16xf32>,
        %swap3A_527 = arith.index_cast %scan3A_350 : i32 to index
        %swap3A_528 = arith.constant 112 : index
        %swap3A_529 = tpu.vector_load %arg17[%swap3A_527, %swap3A_528] {strides = array<i32>} : memref<40x128xf32, #tpu.memory_space<vmem>>, vector<16xf32>,
        tpu.vector_store %arg17[%swap3A_527, %swap3A_528], %broadcast_in_dim3A_0 {strides = array<i32>} : memref<40x128xf32, #tpu.memory_space<vmem>>, vector<16xf32>,
        %get3A_530 = arith.index_cast %scan3A_350 : i32 to index
        %get3A_531 = tpu.vector_load %arg12[%get3A_530] {strides = array<i32>} : memref<56xi32, #tpu.memory_space<vmem>>, vector<16xi32>,
        %slice3A_532 = vector.extract_strided_slice %get3A_531 {offsets = [0], sizes = [1], strides = [1]} : vector<16xi32> to vector<1xi32>
        %squeeze3A_533 = vector.extract %slice3A_532[0] : i32 from vector<1xi32>
        %and3A_534 = arith.constant 7 : i32
        %and3A_535 = arith.andi %squeeze3A_533, %and3A_534 : i32
        %mul3A_536 = arith.constant 16 : i32
        %mul3A_537 = arith.muli %and3A_535, %mul3A_536 : i32
        %swap3A_538 = arith.index_cast %scan3A_350 : i32 to index
        %swap3A_539 = arith.index_cast %mul3A_537 : i32 to index
        %swap3A_540 = tpu.vector_load %arg17[%swap3A_538, %swap3A_539] {strides = array<i32>} : memref<40x128xf32, #tpu.memory_space<vmem>>, vector<16xf32>,
        tpu.vector_store %arg17[%swap3A_538, %swap3A_539], %exp3A_505 {strides = array<i32>} : memref<40x128xf32, #tpu.memory_space<vmem>>, vector<16xf32>,
        %get3A_541 = arith.index_cast %scan3A_350 : i32 to index
        %get3A_542 = arith.constant 0 : index
        %get3A_543 = tpu.vector_load %arg16[%get3A_541, %get3A_542] {strides = array<i32>} : memref<40x128xf32, #tpu.memory_space<vmem>>, vector<16xf32>,
        %slice3A_544 = vector.extract_strided_slice %exp3A_505 {offsets = [0], sizes = [1], strides = [1]} : vector<16xf32> to vector<1xf32>
        %squeeze3A_545 = vector.extract %slice3A_544[0] : f32 from vector<1xf32>
        %mul3A_546 = vector.broadcast %squeeze3A_545 : f32 to vector<16xf32>
        %mul3A_547 = arith.mulf %get3A_543, %mul3A_546 : vector<16xf32>
        %swap3A_548 = arith.index_cast %scan3A_350 : i32 to index
        %swap3A_549 = arith.constant 0 : index
        %swap3A_550 = tpu.vector_load %arg16[%swap3A_548, %swap3A_549] {strides = array<i32>} : memref<40x128xf32, #tpu.memory_space<vmem>>, vector<16xf32>,
        tpu.vector_store %arg16[%swap3A_548, %swap3A_549], %mul3A_547 {strides = array<i32>} : memref<40x128xf32, #tpu.memory_space<vmem>>, vector<16xf32>,
        %get3A_551 = arith.index_cast %scan3A_350 : i32 to index
        %get3A_552 = arith.constant 16 : index
        %get3A_553 = tpu.vector_load %arg16[%get3A_551, %get3A_552] {strides = array<i32>} : memref<40x128xf32, #tpu.memory_space<vmem>>, vector<16xf32>,
        %slice3A_554 = vector.extract_strided_slice %exp3A_505 {offsets = [1], sizes = [1], strides = [1]} : vector<16xf32> to vector<1xf32>
        %squeeze3A_555 = vector.extract %slice3A_554[0] : f32 from vector<1xf32>
        %mul3A_556 = vector.broadcast %squeeze3A_555 : f32 to vector<16xf32>
        %mul3A_557 = arith.mulf %get3A_553, %mul3A_556 : vector<16xf32>
        %swap3A_558 = arith.index_cast %scan3A_350 : i32 to index
        %swap3A_559 = arith.constant 16 : index
        %swap3A_560 = tpu.vector_load %arg16[%swap3A_558, %swap3A_559] {strides = array<i32>} : memref<40x128xf32, #tpu.memory_space<vmem>>, vector<16xf32>,
        tpu.vector_store %arg16[%swap3A_558, %swap3A_559], %mul3A_557 {strides = array<i32>} : memref<40x128xf32, #tpu.memory_space<vmem>>, vector<16xf32>,
        %get3A_561 = arith.index_cast %scan3A_350 : i32 to index
        %get3A_562 = arith.constant 32 : index
        %get3A_563 = tpu.vector_load %arg16[%get3A_561, %get3A_562] {strides = array<i32>} : memref<40x128xf32, #tpu.memory_space<vmem>>, vector<16xf32>,
        %slice3A_564 = vector.extract_strided_slice %exp3A_505 {offsets = [2], sizes = [1], strides = [1]} : vector<16xf32> to vector<1xf32>
        %squeeze3A_565 = vector.extract %slice3A_564[0] : f32 from vector<1xf32>
        %mul3A_566 = vector.broadcast %squeeze3A_565 : f32 to vector<16xf32>
        %mul3A_567 = arith.mulf %get3A_563, %mul3A_566 : vector<16xf32>
        %swap3A_568 = arith.index_cast %scan3A_350 : i32 to index
        %swap3A_569 = arith.constant 32 : index
        %swap3A_570 = tpu.vector_load %arg16[%swap3A_568, %swap3A_569] {strides = array<i32>} : memref<40x128xf32, #tpu.memory_space<vmem>>, vector<16xf32>,
        tpu.vector_store %arg16[%swap3A_568, %swap3A_569], %mul3A_567 {strides = array<i32>} : memref<40x128xf32, #tpu.memory_space<vmem>>, vector<16xf32>,
        %get3A_571 = arith.index_cast %scan3A_350 : i32 to index
        %get3A_572 = arith.constant 48 : index
        %get3A_573 = tpu.vector_load %arg16[%get3A_571, %get3A_572] {strides = array<i32>} : memref<40x128xf32, #tpu.memory_space<vmem>>, vector<16xf32>,
        %slice3A_574 = vector.extract_strided_slice %exp3A_505 {offsets = [3], sizes = [1], strides = [1]} : vector<16xf32> to vector<1xf32>
        %squeeze3A_575 = vector.extract %slice3A_574[0] : f32 from vector<1xf32>
        %mul3A_576 = vector.broadcast %squeeze3A_575 : f32 to vector<16xf32>
        %mul3A_577 = arith.mulf %get3A_573, %mul3A_576 : vector<16xf32>
        %swap3A_578 = arith.index_cast %scan3A_350 : i32 to index
        %swap3A_579 = arith.constant 48 : index
        %swap3A_580 = tpu.vector_load %arg16[%swap3A_578, %swap3A_579] {strides = array<i32>} : memref<40x128xf32, #tpu.memory_space<vmem>>, vector<16xf32>,
        tpu.vector_store %arg16[%swap3A_578, %swap3A_579], %mul3A_577 {strides = array<i32>} : memref<40x128xf32, #tpu.memory_space<vmem>>, vector<16xf32>,
        %get3A_581 = arith.index_cast %scan3A_350 : i32 to index
        %get3A_582 = arith.constant 64 : index
        %get3A_583 = tpu.vector_load %arg16[%get3A_581, %get3A_582] {strides = array<i32>} : memref<40x128xf32, #tpu.memory_space<vmem>>, vector<16xf32>,
        %slice3A_584 = vector.extract_strided_slice %exp3A_505 {offsets = [4], sizes = [1], strides = [1]} : vector<16xf32> to vector<1xf32>
        %squeeze3A_585 = vector.extract %slice3A_584[0] : f32 from vector<1xf32>
        %mul3A_586 = vector.broadcast %squeeze3A_585 : f32 to vector<16xf32>
        %mul3A_587 = arith.mulf %get3A_583, %mul3A_586 : vector<16xf32>
        %swap3A_588 = arith.index_cast %scan3A_350 : i32 to index
        %swap3A_589 = arith.constant 64 : index
        %swap3A_590 = tpu.vector_load %arg16[%swap3A_588, %swap3A_589] {strides = array<i32>} : memref<40x128xf32, #tpu.memory_space<vmem>>, vector<16xf32>,
        tpu.vector_store %arg16[%swap3A_588, %swap3A_589], %mul3A_587 {strides = array<i32>} : memref<40x128xf32, #tpu.memory_space<vmem>>, vector<16xf32>,
        %get3A_591 = arith.index_cast %scan3A_350 : i32 to index
        %get3A_592 = arith.constant 80 : index
        %get3A_593 = tpu.vector_load %arg16[%get3A_591, %get3A_592] {strides = array<i32>} : memref<40x128xf32, #tpu.memory_space<vmem>>, vector<16xf32>,
        %slice3A_594 = vector.extract_strided_slice %exp3A_505 {offsets = [5], sizes = [1], strides = [1]} : vector<16xf32> to vector<1xf32>
        %squeeze3A_595 = vector.extract %slice3A_594[0] : f32 from vector<1xf32>
        %mul3A_596 = vector.broadcast %squeeze3A_595 : f32 to vector<16xf32>
        %mul3A_597 = arith.mulf %get3A_593, %mul3A_596 : vector<16xf32>
        %swap3A_598 = arith.index_cast %scan3A_350 : i32 to index
        %swap3A_599 = arith.constant 80 : index
        %swap3A_600 = tpu.vector_load %arg16[%swap3A_598, %swap3A_599] {strides = array<i32>} : memref<40x128xf32, #tpu.memory_space<vmem>>, vector<16xf32>,
        tpu.vector_store %arg16[%swap3A_598, %swap3A_599], %mul3A_597 {strides = array<i32>} : memref<40x128xf32, #tpu.memory_space<vmem>>, vector<16xf32>,
        %get3A_601 = arith.index_cast %scan3A_350 : i32 to index
        %get3A_602 = arith.constant 96 : index
        %get3A_603 = tpu.vector_load %arg16[%get3A_601, %get3A_602] {strides = array<i32>} : memref<40x128xf32, #tpu.memory_space<vmem>>, vector<16xf32>,
        %slice3A_604 = vector.extract_strided_slice %exp3A_505 {offsets = [6], sizes = [1], strides = [1]} : vector<16xf32> to vector<1xf32>
        %squeeze3A_605 = vector.extract %slice3A_604[0] : f32 from vector<1xf32>
        %mul3A_606 = vector.broadcast %squeeze3A_605 : f32 to vector<16xf32>
        %mul3A_607 = arith.mulf %get3A_603, %mul3A_606 : vector<16xf32>
        %swap3A_608 = arith.index_cast %scan3A_350 : i32 to index
        %swap3A_609 = arith.constant 96 : index
        %swap3A_610 = tpu.vector_load %arg16[%swap3A_608, %swap3A_609] {strides = array<i32>} : memref<40x128xf32, #tpu.memory_space<vmem>>, vector<16xf32>,
        tpu.vector_store %arg16[%swap3A_608, %swap3A_609], %mul3A_607 {strides = array<i32>} : memref<40x128xf32, #tpu.memory_space<vmem>>, vector<16xf32>,
        %get3A_611 = arith.index_cast %scan3A_350 : i32 to index
        %get3A_612 = arith.constant 112 : index
        %get3A_613 = tpu.vector_load %arg16[%get3A_611, %get3A_612] {strides = array<i32>} : memref<40x128xf32, #tpu.memory_space<vmem>>, vector<16xf32>,
        %slice3A_614 = vector.extract_strided_slice %exp3A_505 {offsets = [7], sizes = [1], strides = [1]} : vector<16xf32> to vector<1xf32>
        %squeeze3A_615 = vector.extract %slice3A_614[0] : f32 from vector<1xf32>
        %mul3A_616 = vector.broadcast %squeeze3A_615 : f32 to vector<16xf32>
        %mul3A_617 = arith.mulf %get3A_613, %mul3A_616 : vector<16xf32>
        %swap3A_618 = arith.index_cast %scan3A_350 : i32 to index
        %swap3A_619 = arith.constant 112 : index
        %swap3A_620 = tpu.vector_load %arg16[%swap3A_618, %swap3A_619] {strides = array<i32>} : memref<40x128xf32, #tpu.memory_space<vmem>>, vector<16xf32>,
        tpu.vector_store %arg16[%swap3A_618, %swap3A_619], %mul3A_617 {strides = array<i32>} : memref<40x128xf32, #tpu.memory_space<vmem>>, vector<16xf32>,
        %scan3A_621 = arith.constant 2 : i32
        %scan3A_622 = arith.addi %scan3A_85, %scan3A_621 : i32
        %broadcast_in_dim3A_623 = arith.constant 0.000000e+00 : f32
        %broadcast_in_dim3A_624 = vector.broadcast %broadcast_in_dim3A_623 : f32 to vector<16xf32>
        %get3A_625 = arith.index_cast %scan3A_622 : i32 to index
        %get3A_626 = arith.constant 0 : index
        %get3A_627 = tpu.vector_load %arg14[%get3A_625, %get3A_626] {strides = array<i32>} : memref<40x128xf32, #tpu.memory_space<vmem>>, vector<16xf32>,
        %get3A_628 = arith.index_cast %scan3A_622 : i32 to index
        %get3A_629 = arith.constant 0 : index
        %get3A_630 = tpu.vector_load %arg15[%get3A_628, %get3A_629] {strides = array<i32>} : memref<40x128xf32, #tpu.memory_space<vmem>>, vector<16xf32>,
        %mul3A_631 = arith.mulf %get3A_627, %get3A_630 : vector<16xf32>
        %reduce_sum3A_632 = arith.constant true
        %reduce_sum3A_633 = vector.broadcast %reduce_sum3A_632 : i1 to vector<16xi1>
        %reduce_sum3A_634 = tpu.scan <sum>, %mul3A_631 masked %reduce_sum3A_633 : vector<16xf32>, vector<16xi1> -> vector<16xf32>
        %reduce_sum3A_635 = vector.extract %reduce_sum3A_634[15] : f32 from vector<16xf32>
        %eq3A_636 = arith.constant 0 : i32
        %eq3A_637 = vector.broadcast %eq3A_636 : i32 to vector<16xi32>
        %eq3A_638 = arith.cmpi eq, %iota3A, %eq3A_637 : vector<16xi32>
        %jit3A_639 = arith.constant 0.000000e+00 : f32
        %broadcast_in_dim3A_640 = vector.broadcast %reduce_sum3A_635 : f32 to vector<16xf32>
        %broadcast_in_dim3A_641 = vector.broadcast %jit3A_639 : f32 to vector<16xf32>
        %select_n3A_642 = arith.select %eq3A_638, %broadcast_in_dim3A_640, %broadcast_in_dim3A_641 : vector<16xi1>, vector<16xf32>
        %add3A_643 = arith.addf %broadcast_in_dim3A_624, %select_n3A_642 : vector<16xf32>
        %get3A_644 = arith.index_cast %scan3A_622 : i32 to index
        %get3A_645 = arith.constant 16 : index
        %get3A_646 = tpu.vector_load %arg14[%get3A_644, %get3A_645] {strides = array<i32>} : memref<40x128xf32, #tpu.memory_space<vmem>>, vector<16xf32>,
        %get3A_647 = arith.index_cast %scan3A_622 : i32 to index
        %get3A_648 = arith.constant 16 : index
        %get3A_649 = tpu.vector_load %arg15[%get3A_647, %get3A_648] {strides = array<i32>} : memref<40x128xf32, #tpu.memory_space<vmem>>, vector<16xf32>,
        %mul3A_650 = arith.mulf %get3A_646, %get3A_649 : vector<16xf32>
        %reduce_sum3A_651 = arith.constant true
        %reduce_sum3A_652 = vector.broadcast %reduce_sum3A_651 : i1 to vector<16xi1>
        %reduce_sum3A_653 = tpu.scan <sum>, %mul3A_650 masked %reduce_sum3A_652 : vector<16xf32>, vector<16xi1> -> vector<16xf32>
        %reduce_sum3A_654 = vector.extract %reduce_sum3A_653[15] : f32 from vector<16xf32>
        %eq3A_655 = arith.constant 1 : i32
        %eq3A_656 = vector.broadcast %eq3A_655 : i32 to vector<16xi32>
        %eq3A_657 = arith.cmpi eq, %iota3A, %eq3A_656 : vector<16xi32>
        %jit3A_658 = arith.constant 0.000000e+00 : f32
        %broadcast_in_dim3A_659 = vector.broadcast %reduce_sum3A_654 : f32 to vector<16xf32>
        %broadcast_in_dim3A_660 = vector.broadcast %jit3A_658 : f32 to vector<16xf32>
        %select_n3A_661 = arith.select %eq3A_657, %broadcast_in_dim3A_659, %broadcast_in_dim3A_660 : vector<16xi1>, vector<16xf32>
        %add3A_662 = arith.addf %add3A_643, %select_n3A_661 : vector<16xf32>
        %get3A_663 = arith.index_cast %scan3A_622 : i32 to index
        %get3A_664 = arith.constant 32 : index
        %get3A_665 = tpu.vector_load %arg14[%get3A_663, %get3A_664] {strides = array<i32>} : memref<40x128xf32, #tpu.memory_space<vmem>>, vector<16xf32>,
        %get3A_666 = arith.index_cast %scan3A_622 : i32 to index
        %get3A_667 = arith.constant 32 : index
        %get3A_668 = tpu.vector_load %arg15[%get3A_666, %get3A_667] {strides = array<i32>} : memref<40x128xf32, #tpu.memory_space<vmem>>, vector<16xf32>,
        %mul3A_669 = arith.mulf %get3A_665, %get3A_668 : vector<16xf32>
        %reduce_sum3A_670 = arith.constant true
        %reduce_sum3A_671 = vector.broadcast %reduce_sum3A_670 : i1 to vector<16xi1>
        %reduce_sum3A_672 = tpu.scan <sum>, %mul3A_669 masked %reduce_sum3A_671 : vector<16xf32>, vector<16xi1> -> vector<16xf32>
        %reduce_sum3A_673 = vector.extract %reduce_sum3A_672[15] : f32 from vector<16xf32>
        %eq3A_674 = arith.constant 2 : i32
        %eq3A_675 = vector.broadcast %eq3A_674 : i32 to vector<16xi32>
        %eq3A_676 = arith.cmpi eq, %iota3A, %eq3A_675 : vector<16xi32>
        %jit3A_677 = arith.constant 0.000000e+00 : f32
        %broadcast_in_dim3A_678 = vector.broadcast %reduce_sum3A_673 : f32 to vector<16xf32>
        %broadcast_in_dim3A_679 = vector.broadcast %jit3A_677 : f32 to vector<16xf32>
        %select_n3A_680 = arith.select %eq3A_676, %broadcast_in_dim3A_678, %broadcast_in_dim3A_679 : vector<16xi1>, vector<16xf32>
        %add3A_681 = arith.addf %add3A_662, %select_n3A_680 : vector<16xf32>
        %get3A_682 = arith.index_cast %scan3A_622 : i32 to index
        %get3A_683 = arith.constant 48 : index
        %get3A_684 = tpu.vector_load %arg14[%get3A_682, %get3A_683] {strides = array<i32>} : memref<40x128xf32, #tpu.memory_space<vmem>>, vector<16xf32>,
        %get3A_685 = arith.index_cast %scan3A_622 : i32 to index
        %get3A_686 = arith.constant 48 : index
        %get3A_687 = tpu.vector_load %arg15[%get3A_685, %get3A_686] {strides = array<i32>} : memref<40x128xf32, #tpu.memory_space<vmem>>, vector<16xf32>,
        %mul3A_688 = arith.mulf %get3A_684, %get3A_687 : vector<16xf32>
        %reduce_sum3A_689 = arith.constant true
        %reduce_sum3A_690 = vector.broadcast %reduce_sum3A_689 : i1 to vector<16xi1>
        %reduce_sum3A_691 = tpu.scan <sum>, %mul3A_688 masked %reduce_sum3A_690 : vector<16xf32>, vector<16xi1> -> vector<16xf32>
        %reduce_sum3A_692 = vector.extract %reduce_sum3A_691[15] : f32 from vector<16xf32>
        %eq3A_693 = arith.constant 3 : i32
        %eq3A_694 = vector.broadcast %eq3A_693 : i32 to vector<16xi32>
        %eq3A_695 = arith.cmpi eq, %iota3A, %eq3A_694 : vector<16xi32>
        %jit3A_696 = arith.constant 0.000000e+00 : f32
        %broadcast_in_dim3A_697 = vector.broadcast %reduce_sum3A_692 : f32 to vector<16xf32>
        %broadcast_in_dim3A_698 = vector.broadcast %jit3A_696 : f32 to vector<16xf32>
        %select_n3A_699 = arith.select %eq3A_695, %broadcast_in_dim3A_697, %broadcast_in_dim3A_698 : vector<16xi1>, vector<16xf32>
        %add3A_700 = arith.addf %add3A_681, %select_n3A_699 : vector<16xf32>
        %get3A_701 = arith.index_cast %scan3A_622 : i32 to index
        %get3A_702 = arith.constant 64 : index
        %get3A_703 = tpu.vector_load %arg14[%get3A_701, %get3A_702] {strides = array<i32>} : memref<40x128xf32, #tpu.memory_space<vmem>>, vector<16xf32>,
        %get3A_704 = arith.index_cast %scan3A_622 : i32 to index
        %get3A_705 = arith.constant 64 : index
        %get3A_706 = tpu.vector_load %arg15[%get3A_704, %get3A_705] {strides = array<i32>} : memref<40x128xf32, #tpu.memory_space<vmem>>, vector<16xf32>,
        %mul3A_707 = arith.mulf %get3A_703, %get3A_706 : vector<16xf32>
        %reduce_sum3A_708 = arith.constant true
        %reduce_sum3A_709 = vector.broadcast %reduce_sum3A_708 : i1 to vector<16xi1>
        %reduce_sum3A_710 = tpu.scan <sum>, %mul3A_707 masked %reduce_sum3A_709 : vector<16xf32>, vector<16xi1> -> vector<16xf32>
        %reduce_sum3A_711 = vector.extract %reduce_sum3A_710[15] : f32 from vector<16xf32>
        %eq3A_712 = arith.constant 4 : i32
        %eq3A_713 = vector.broadcast %eq3A_712 : i32 to vector<16xi32>
        %eq3A_714 = arith.cmpi eq, %iota3A, %eq3A_713 : vector<16xi32>
        %jit3A_715 = arith.constant 0.000000e+00 : f32
        %broadcast_in_dim3A_716 = vector.broadcast %reduce_sum3A_711 : f32 to vector<16xf32>
        %broadcast_in_dim3A_717 = vector.broadcast %jit3A_715 : f32 to vector<16xf32>
        %select_n3A_718 = arith.select %eq3A_714, %broadcast_in_dim3A_716, %broadcast_in_dim3A_717 : vector<16xi1>, vector<16xf32>
        %add3A_719 = arith.addf %add3A_700, %select_n3A_718 : vector<16xf32>
        %get3A_720 = arith.index_cast %scan3A_622 : i32 to index
        %get3A_721 = arith.constant 80 : index
        %get3A_722 = tpu.vector_load %arg14[%get3A_720, %get3A_721] {strides = array<i32>} : memref<40x128xf32, #tpu.memory_space<vmem>>, vector<16xf32>,
        %get3A_723 = arith.index_cast %scan3A_622 : i32 to index
        %get3A_724 = arith.constant 80 : index
        %get3A_725 = tpu.vector_load %arg15[%get3A_723, %get3A_724] {strides = array<i32>} : memref<40x128xf32, #tpu.memory_space<vmem>>, vector<16xf32>,
        %mul3A_726 = arith.mulf %get3A_722, %get3A_725 : vector<16xf32>
        %reduce_sum3A_727 = arith.constant true
        %reduce_sum3A_728 = vector.broadcast %reduce_sum3A_727 : i1 to vector<16xi1>
        %reduce_sum3A_729 = tpu.scan <sum>, %mul3A_726 masked %reduce_sum3A_728 : vector<16xf32>, vector<16xi1> -> vector<16xf32>
        %reduce_sum3A_730 = vector.extract %reduce_sum3A_729[15] : f32 from vector<16xf32>
        %eq3A_731 = arith.constant 5 : i32
        %eq3A_732 = vector.broadcast %eq3A_731 : i32 to vector<16xi32>
        %eq3A_733 = arith.cmpi eq, %iota3A, %eq3A_732 : vector<16xi32>
        %jit3A_734 = arith.constant 0.000000e+00 : f32
        %broadcast_in_dim3A_735 = vector.broadcast %reduce_sum3A_730 : f32 to vector<16xf32>
        %broadcast_in_dim3A_736 = vector.broadcast %jit3A_734 : f32 to vector<16xf32>
        %select_n3A_737 = arith.select %eq3A_733, %broadcast_in_dim3A_735, %broadcast_in_dim3A_736 : vector<16xi1>, vector<16xf32>
        %add3A_738 = arith.addf %add3A_719, %select_n3A_737 : vector<16xf32>
        %get3A_739 = arith.index_cast %scan3A_622 : i32 to index
        %get3A_740 = arith.constant 96 : index
        %get3A_741 = tpu.vector_load %arg14[%get3A_739, %get3A_740] {strides = array<i32>} : memref<40x128xf32, #tpu.memory_space<vmem>>, vector<16xf32>,
        %get3A_742 = arith.index_cast %scan3A_622 : i32 to index
        %get3A_743 = arith.constant 96 : index
        %get3A_744 = tpu.vector_load %arg15[%get3A_742, %get3A_743] {strides = array<i32>} : memref<40x128xf32, #tpu.memory_space<vmem>>, vector<16xf32>,
        %mul3A_745 = arith.mulf %get3A_741, %get3A_744 : vector<16xf32>
        %reduce_sum3A_746 = arith.constant true
        %reduce_sum3A_747 = vector.broadcast %reduce_sum3A_746 : i1 to vector<16xi1>
        %reduce_sum3A_748 = tpu.scan <sum>, %mul3A_745 masked %reduce_sum3A_747 : vector<16xf32>, vector<16xi1> -> vector<16xf32>
        %reduce_sum3A_749 = vector.extract %reduce_sum3A_748[15] : f32 from vector<16xf32>
        %eq3A_750 = arith.constant 6 : i32
        %eq3A_751 = vector.broadcast %eq3A_750 : i32 to vector<16xi32>
        %eq3A_752 = arith.cmpi eq, %iota3A, %eq3A_751 : vector<16xi32>
        %jit3A_753 = arith.constant 0.000000e+00 : f32
        %broadcast_in_dim3A_754 = vector.broadcast %reduce_sum3A_749 : f32 to vector<16xf32>
        %broadcast_in_dim3A_755 = vector.broadcast %jit3A_753 : f32 to vector<16xf32>
        %select_n3A_756 = arith.select %eq3A_752, %broadcast_in_dim3A_754, %broadcast_in_dim3A_755 : vector<16xi1>, vector<16xf32>
        %add3A_757 = arith.addf %add3A_738, %select_n3A_756 : vector<16xf32>
        %get3A_758 = arith.index_cast %scan3A_622 : i32 to index
        %get3A_759 = arith.constant 112 : index
        %get3A_760 = tpu.vector_load %arg14[%get3A_758, %get3A_759] {strides = array<i32>} : memref<40x128xf32, #tpu.memory_space<vmem>>, vector<16xf32>,
        %get3A_761 = arith.index_cast %scan3A_622 : i32 to index
        %get3A_762 = arith.constant 112 : index
        %get3A_763 = tpu.vector_load %arg15[%get3A_761, %get3A_762] {strides = array<i32>} : memref<40x128xf32, #tpu.memory_space<vmem>>, vector<16xf32>,
        %mul3A_764 = arith.mulf %get3A_760, %get3A_763 : vector<16xf32>
        %reduce_sum3A_765 = arith.constant true
        %reduce_sum3A_766 = vector.broadcast %reduce_sum3A_765 : i1 to vector<16xi1>
        %reduce_sum3A_767 = tpu.scan <sum>, %mul3A_764 masked %reduce_sum3A_766 : vector<16xf32>, vector<16xi1> -> vector<16xf32>
        %reduce_sum3A_768 = vector.extract %reduce_sum3A_767[15] : f32 from vector<16xf32>
        %eq3A_769 = arith.constant 7 : i32
        %eq3A_770 = vector.broadcast %eq3A_769 : i32 to vector<16xi32>
        %eq3A_771 = arith.cmpi eq, %iota3A, %eq3A_770 : vector<16xi32>
        %jit3A_772 = arith.constant 0.000000e+00 : f32
        %broadcast_in_dim3A_773 = vector.broadcast %reduce_sum3A_768 : f32 to vector<16xf32>
        %broadcast_in_dim3A_774 = vector.broadcast %jit3A_772 : f32 to vector<16xf32>
        %select_n3A_775 = arith.select %eq3A_771, %broadcast_in_dim3A_773, %broadcast_in_dim3A_774 : vector<16xi1>, vector<16xf32>
        %add3A_776 = arith.addf %add3A_757, %select_n3A_775 : vector<16xf32>
        %exp3A_777 = math.exp %add3A_776 : vector<16xf32>
        %swap3A_778 = arith.index_cast %scan3A_622 : i32 to index
        %swap3A_779 = arith.constant 0 : index
        %swap3A_780 = tpu.vector_load %arg17[%swap3A_778, %swap3A_779] {strides = array<i32>} : memref<40x128xf32, #tpu.memory_space<vmem>>, vector<16xf32>,
        tpu.vector_store %arg17[%swap3A_778, %swap3A_779], %broadcast_in_dim3A_0 {strides = array<i32>} : memref<40x128xf32, #tpu.memory_space<vmem>>, vector<16xf32>,
        %swap3A_781 = arith.index_cast %scan3A_622 : i32 to index
        %swap3A_782 = arith.constant 16 : index
        %swap3A_783 = tpu.vector_load %arg17[%swap3A_781, %swap3A_782] {strides = array<i32>} : memref<40x128xf32, #tpu.memory_space<vmem>>, vector<16xf32>,
        tpu.vector_store %arg17[%swap3A_781, %swap3A_782], %broadcast_in_dim3A_0 {strides = array<i32>} : memref<40x128xf32, #tpu.memory_space<vmem>>, vector<16xf32>,
        %swap3A_784 = arith.index_cast %scan3A_622 : i32 to index
        %swap3A_785 = arith.constant 32 : index
        %swap3A_786 = tpu.vector_load %arg17[%swap3A_784, %swap3A_785] {strides = array<i32>} : memref<40x128xf32, #tpu.memory_space<vmem>>, vector<16xf32>,
        tpu.vector_store %arg17[%swap3A_784, %swap3A_785], %broadcast_in_dim3A_0 {strides = array<i32>} : memref<40x128xf32, #tpu.memory_space<vmem>>, vector<16xf32>,
        %swap3A_787 = arith.index_cast %scan3A_622 : i32 to index
        %swap3A_788 = arith.constant 48 : index
        %swap3A_789 = tpu.vector_load %arg17[%swap3A_787, %swap3A_788] {strides = array<i32>} : memref<40x128xf32, #tpu.memory_space<vmem>>, vector<16xf32>,
        tpu.vector_store %arg17[%swap3A_787, %swap3A_788], %broadcast_in_dim3A_0 {strides = array<i32>} : memref<40x128xf32, #tpu.memory_space<vmem>>, vector<16xf32>,
        %swap3A_790 = arith.index_cast %scan3A_622 : i32 to index
        %swap3A_791 = arith.constant 64 : index
        %swap3A_792 = tpu.vector_load %arg17[%swap3A_790, %swap3A_791] {strides = array<i32>} : memref<40x128xf32, #tpu.memory_space<vmem>>, vector<16xf32>,
        tpu.vector_store %arg17[%swap3A_790, %swap3A_791], %broadcast_in_dim3A_0 {strides = array<i32>} : memref<40x128xf32, #tpu.memory_space<vmem>>, vector<16xf32>,
        %swap3A_793 = arith.index_cast %scan3A_622 : i32 to index
        %swap3A_794 = arith.constant 80 : index
        %swap3A_795 = tpu.vector_load %arg17[%swap3A_793, %swap3A_794] {strides = array<i32>} : memref<40x128xf32, #tpu.memory_space<vmem>>, vector<16xf32>,
        tpu.vector_store %arg17[%swap3A_793, %swap3A_794], %broadcast_in_dim3A_0 {strides = array<i32>} : memref<40x128xf32, #tpu.memory_space<vmem>>, vector<16xf32>,
        %swap3A_796 = arith.index_cast %scan3A_622 : i32 to index
        %swap3A_797 = arith.constant 96 : index
        %swap3A_798 = tpu.vector_load %arg17[%swap3A_796, %swap3A_797] {strides = array<i32>} : memref<40x128xf32, #tpu.memory_space<vmem>>, vector<16xf32>,
        tpu.vector_store %arg17[%swap3A_796, %swap3A_797], %broadcast_in_dim3A_0 {strides = array<i32>} : memref<40x128xf32, #tpu.memory_space<vmem>>, vector<16xf32>,
        %swap3A_799 = arith.index_cast %scan3A_622 : i32 to index
        %swap3A_800 = arith.constant 112 : index
        %swap3A_801 = tpu.vector_load %arg17[%swap3A_799, %swap3A_800] {strides = array<i32>} : memref<40x128xf32, #tpu.memory_space<vmem>>, vector<16xf32>,
        tpu.vector_store %arg17[%swap3A_799, %swap3A_800], %broadcast_in_dim3A_0 {strides = array<i32>} : memref<40x128xf32, #tpu.memory_space<vmem>>, vector<16xf32>,
        %get3A_802 = arith.index_cast %scan3A_622 : i32 to index
        %get3A_803 = tpu.vector_load %arg12[%get3A_802] {strides = array<i32>} : memref<56xi32, #tpu.memory_space<vmem>>, vector<16xi32>,
        %slice3A_804 = vector.extract_strided_slice %get3A_803 {offsets = [0], sizes = [1], strides = [1]} : vector<16xi32> to vector<1xi32>
        %squeeze3A_805 = vector.extract %slice3A_804[0] : i32 from vector<1xi32>
        %and3A_806 = arith.constant 7 : i32
        %and3A_807 = arith.andi %squeeze3A_805, %and3A_806 : i32
        %mul3A_808 = arith.constant 16 : i32
        %mul3A_809 = arith.muli %and3A_807, %mul3A_808 : i32
        %swap3A_810 = arith.index_cast %scan3A_622 : i32 to index
        %swap3A_811 = arith.index_cast %mul3A_809 : i32 to index
        %swap3A_812 = tpu.vector_load %arg17[%swap3A_810, %swap3A_811] {strides = array<i32>} : memref<40x128xf32, #tpu.memory_space<vmem>>, vector<16xf32>,
        tpu.vector_store %arg17[%swap3A_810, %swap3A_811], %exp3A_777 {strides = array<i32>} : memref<40x128xf32, #tpu.memory_space<vmem>>, vector<16xf32>,
        %get3A_813 = arith.index_cast %scan3A_622 : i32 to index
        %get3A_814 = arith.constant 0 : index
        %get3A_815 = tpu.vector_load %arg16[%get3A_813, %get3A_814] {strides = array<i32>} : memref<40x128xf32, #tpu.memory_space<vmem>>, vector<16xf32>,
        %slice3A_816 = vector.extract_strided_slice %exp3A_777 {offsets = [0], sizes = [1], strides = [1]} : vector<16xf32> to vector<1xf32>
        %squeeze3A_817 = vector.extract %slice3A_816[0] : f32 from vector<1xf32>
        %mul3A_818 = vector.broadcast %squeeze3A_817 : f32 to vector<16xf32>
        %mul3A_819 = arith.mulf %get3A_815, %mul3A_818 : vector<16xf32>
        %swap3A_820 = arith.index_cast %scan3A_622 : i32 to index
        %swap3A_821 = arith.constant 0 : index
        %swap3A_822 = tpu.vector_load %arg16[%swap3A_820, %swap3A_821] {strides = array<i32>} : memref<40x128xf32, #tpu.memory_space<vmem>>, vector<16xf32>,
        tpu.vector_store %arg16[%swap3A_820, %swap3A_821], %mul3A_819 {strides = array<i32>} : memref<40x128xf32, #tpu.memory_space<vmem>>, vector<16xf32>,
        %get3A_823 = arith.index_cast %scan3A_622 : i32 to index
        %get3A_824 = arith.constant 16 : index
        %get3A_825 = tpu.vector_load %arg16[%get3A_823, %get3A_824] {strides = array<i32>} : memref<40x128xf32, #tpu.memory_space<vmem>>, vector<16xf32>,
        %slice3A_826 = vector.extract_strided_slice %exp3A_777 {offsets = [1], sizes = [1], strides = [1]} : vector<16xf32> to vector<1xf32>
        %squeeze3A_827 = vector.extract %slice3A_826[0] : f32 from vector<1xf32>
        %mul3A_828 = vector.broadcast %squeeze3A_827 : f32 to vector<16xf32>
        %mul3A_829 = arith.mulf %get3A_825, %mul3A_828 : vector<16xf32>
        %swap3A_830 = arith.index_cast %scan3A_622 : i32 to index
        %swap3A_831 = arith.constant 16 : index
        %swap3A_832 = tpu.vector_load %arg16[%swap3A_830, %swap3A_831] {strides = array<i32>} : memref<40x128xf32, #tpu.memory_space<vmem>>, vector<16xf32>,
        tpu.vector_store %arg16[%swap3A_830, %swap3A_831], %mul3A_829 {strides = array<i32>} : memref<40x128xf32, #tpu.memory_space<vmem>>, vector<16xf32>,
        %get3A_833 = arith.index_cast %scan3A_622 : i32 to index
        %get3A_834 = arith.constant 32 : index
        %get3A_835 = tpu.vector_load %arg16[%get3A_833, %get3A_834] {strides = array<i32>} : memref<40x128xf32, #tpu.memory_space<vmem>>, vector<16xf32>,
        %slice3A_836 = vector.extract_strided_slice %exp3A_777 {offsets = [2], sizes = [1], strides = [1]} : vector<16xf32> to vector<1xf32>
        %squeeze3A_837 = vector.extract %slice3A_836[0] : f32 from vector<1xf32>
        %mul3A_838 = vector.broadcast %squeeze3A_837 : f32 to vector<16xf32>
        %mul3A_839 = arith.mulf %get3A_835, %mul3A_838 : vector<16xf32>
        %swap3A_840 = arith.index_cast %scan3A_622 : i32 to index
        %swap3A_841 = arith.constant 32 : index
        %swap3A_842 = tpu.vector_load %arg16[%swap3A_840, %swap3A_841] {strides = array<i32>} : memref<40x128xf32, #tpu.memory_space<vmem>>, vector<16xf32>,
        tpu.vector_store %arg16[%swap3A_840, %swap3A_841], %mul3A_839 {strides = array<i32>} : memref<40x128xf32, #tpu.memory_space<vmem>>, vector<16xf32>,
        %get3A_843 = arith.index_cast %scan3A_622 : i32 to index
        %get3A_844 = arith.constant 48 : index
        %get3A_845 = tpu.vector_load %arg16[%get3A_843, %get3A_844] {strides = array<i32>} : memref<40x128xf32, #tpu.memory_space<vmem>>, vector<16xf32>,
        %slice3A_846 = vector.extract_strided_slice %exp3A_777 {offsets = [3], sizes = [1], strides = [1]} : vector<16xf32> to vector<1xf32>
        %squeeze3A_847 = vector.extract %slice3A_846[0] : f32 from vector<1xf32>
        %mul3A_848 = vector.broadcast %squeeze3A_847 : f32 to vector<16xf32>
        %mul3A_849 = arith.mulf %get3A_845, %mul3A_848 : vector<16xf32>
        %swap3A_850 = arith.index_cast %scan3A_622 : i32 to index
        %swap3A_851 = arith.constant 48 : index
        %swap3A_852 = tpu.vector_load %arg16[%swap3A_850, %swap3A_851] {strides = array<i32>} : memref<40x128xf32, #tpu.memory_space<vmem>>, vector<16xf32>,
        tpu.vector_store %arg16[%swap3A_850, %swap3A_851], %mul3A_849 {strides = array<i32>} : memref<40x128xf32, #tpu.memory_space<vmem>>, vector<16xf32>,
        %get3A_853 = arith.index_cast %scan3A_622 : i32 to index
        %get3A_854 = arith.constant 64 : index
        %get3A_855 = tpu.vector_load %arg16[%get3A_853, %get3A_854] {strides = array<i32>} : memref<40x128xf32, #tpu.memory_space<vmem>>, vector<16xf32>,
        %slice3A_856 = vector.extract_strided_slice %exp3A_777 {offsets = [4], sizes = [1], strides = [1]} : vector<16xf32> to vector<1xf32>
        %squeeze3A_857 = vector.extract %slice3A_856[0] : f32 from vector<1xf32>
        %mul3A_858 = vector.broadcast %squeeze3A_857 : f32 to vector<16xf32>
        %mul3A_859 = arith.mulf %get3A_855, %mul3A_858 : vector<16xf32>
        %swap3A_860 = arith.index_cast %scan3A_622 : i32 to index
        %swap3A_861 = arith.constant 64 : index
        %swap3A_862 = tpu.vector_load %arg16[%swap3A_860, %swap3A_861] {strides = array<i32>} : memref<40x128xf32, #tpu.memory_space<vmem>>, vector<16xf32>,
        tpu.vector_store %arg16[%swap3A_860, %swap3A_861], %mul3A_859 {strides = array<i32>} : memref<40x128xf32, #tpu.memory_space<vmem>>, vector<16xf32>,
        %get3A_863 = arith.index_cast %scan3A_622 : i32 to index
        %get3A_864 = arith.constant 80 : index
        %get3A_865 = tpu.vector_load %arg16[%get3A_863, %get3A_864] {strides = array<i32>} : memref<40x128xf32, #tpu.memory_space<vmem>>, vector<16xf32>,
        %slice3A_866 = vector.extract_strided_slice %exp3A_777 {offsets = [5], sizes = [1], strides = [1]} : vector<16xf32> to vector<1xf32>
        %squeeze3A_867 = vector.extract %slice3A_866[0] : f32 from vector<1xf32>
        %mul3A_868 = vector.broadcast %squeeze3A_867 : f32 to vector<16xf32>
        %mul3A_869 = arith.mulf %get3A_865, %mul3A_868 : vector<16xf32>
        %swap3A_870 = arith.index_cast %scan3A_622 : i32 to index
        %swap3A_871 = arith.constant 80 : index
        %swap3A_872 = tpu.vector_load %arg16[%swap3A_870, %swap3A_871] {strides = array<i32>} : memref<40x128xf32, #tpu.memory_space<vmem>>, vector<16xf32>,
        tpu.vector_store %arg16[%swap3A_870, %swap3A_871], %mul3A_869 {strides = array<i32>} : memref<40x128xf32, #tpu.memory_space<vmem>>, vector<16xf32>,
        %get3A_873 = arith.index_cast %scan3A_622 : i32 to index
        %get3A_874 = arith.constant 96 : index
        %get3A_875 = tpu.vector_load %arg16[%get3A_873, %get3A_874] {strides = array<i32>} : memref<40x128xf32, #tpu.memory_space<vmem>>, vector<16xf32>,
        %slice3A_876 = vector.extract_strided_slice %exp3A_777 {offsets = [6], sizes = [1], strides = [1]} : vector<16xf32> to vector<1xf32>
        %squeeze3A_877 = vector.extract %slice3A_876[0] : f32 from vector<1xf32>
        %mul3A_878 = vector.broadcast %squeeze3A_877 : f32 to vector<16xf32>
        %mul3A_879 = arith.mulf %get3A_875, %mul3A_878 : vector<16xf32>
        %swap3A_880 = arith.index_cast %scan3A_622 : i32 to index
        %swap3A_881 = arith.constant 96 : index
        %swap3A_882 = tpu.vector_load %arg16[%swap3A_880, %swap3A_881] {strides = array<i32>} : memref<40x128xf32, #tpu.memory_space<vmem>>, vector<16xf32>,
        tpu.vector_store %arg16[%swap3A_880, %swap3A_881], %mul3A_879 {strides = array<i32>} : memref<40x128xf32, #tpu.memory_space<vmem>>, vector<16xf32>,
        %get3A_883 = arith.index_cast %scan3A_622 : i32 to index
        %get3A_884 = arith.constant 112 : index
        %get3A_885 = tpu.vector_load %arg16[%get3A_883, %get3A_884] {strides = array<i32>} : memref<40x128xf32, #tpu.memory_space<vmem>>, vector<16xf32>,
        %slice3A_886 = vector.extract_strided_slice %exp3A_777 {offsets = [7], sizes = [1], strides = [1]} : vector<16xf32> to vector<1xf32>
        %squeeze3A_887 = vector.extract %slice3A_886[0] : f32 from vector<1xf32>
        %mul3A_888 = vector.broadcast %squeeze3A_887 : f32 to vector<16xf32>
        %mul3A_889 = arith.mulf %get3A_885, %mul3A_888 : vector<16xf32>
        %swap3A_890 = arith.index_cast %scan3A_622 : i32 to index
        %swap3A_891 = arith.constant 112 : index
        %swap3A_892 = tpu.vector_load %arg16[%swap3A_890, %swap3A_891] {strides = array<i32>} : memref<40x128xf32, #tpu.memory_space<vmem>>, vector<16xf32>,
        tpu.vector_store %arg16[%swap3A_890, %swap3A_891], %mul3A_889 {strides = array<i32>} : memref<40x128xf32, #tpu.memory_space<vmem>>, vector<16xf32>,
        %scan3A_893 = arith.constant 3 : i32
        %scan3A_894 = arith.addi %scan3A_85, %scan3A_893 : i32
        %broadcast_in_dim3A_895 = arith.constant 0.000000e+00 : f32
        %broadcast_in_dim3A_896 = vector.broadcast %broadcast_in_dim3A_895 : f32 to vector<16xf32>
        %get3A_897 = arith.index_cast %scan3A_894 : i32 to index
        %get3A_898 = arith.constant 0 : index
        %get3A_899 = tpu.vector_load %arg14[%get3A_897, %get3A_898] {strides = array<i32>} : memref<40x128xf32, #tpu.memory_space<vmem>>, vector<16xf32>,
        %get3A_900 = arith.index_cast %scan3A_894 : i32 to index
        %get3A_901 = arith.constant 0 : index
        %get3A_902 = tpu.vector_load %arg15[%get3A_900, %get3A_901] {strides = array<i32>} : memref<40x128xf32, #tpu.memory_space<vmem>>, vector<16xf32>,
        %mul3A_903 = arith.mulf %get3A_899, %get3A_902 : vector<16xf32>
        %reduce_sum3A_904 = arith.constant true
        %reduce_sum3A_905 = vector.broadcast %reduce_sum3A_904 : i1 to vector<16xi1>
        %reduce_sum3A_906 = tpu.scan <sum>, %mul3A_903 masked %reduce_sum3A_905 : vector<16xf32>, vector<16xi1> -> vector<16xf32>
        %reduce_sum3A_907 = vector.extract %reduce_sum3A_906[15] : f32 from vector<16xf32>
        %eq3A_908 = arith.constant 0 : i32
        %eq3A_909 = vector.broadcast %eq3A_908 : i32 to vector<16xi32>
        %eq3A_910 = arith.cmpi eq, %iota3A, %eq3A_909 : vector<16xi32>
        %jit3A_911 = arith.constant 0.000000e+00 : f32
        %broadcast_in_dim3A_912 = vector.broadcast %reduce_sum3A_907 : f32 to vector<16xf32>
        %broadcast_in_dim3A_913 = vector.broadcast %jit3A_911 : f32 to vector<16xf32>
        %select_n3A_914 = arith.select %eq3A_910, %broadcast_in_dim3A_912, %broadcast_in_dim3A_913 : vector<16xi1>, vector<16xf32>
        %add3A_915 = arith.addf %broadcast_in_dim3A_896, %select_n3A_914 : vector<16xf32>
        %get3A_916 = arith.index_cast %scan3A_894 : i32 to index
        %get3A_917 = arith.constant 16 : index
        %get3A_918 = tpu.vector_load %arg14[%get3A_916, %get3A_917] {strides = array<i32>} : memref<40x128xf32, #tpu.memory_space<vmem>>, vector<16xf32>,
        %get3A_919 = arith.index_cast %scan3A_894 : i32 to index
        %get3A_920 = arith.constant 16 : index
        %get3A_921 = tpu.vector_load %arg15[%get3A_919, %get3A_920] {strides = array<i32>} : memref<40x128xf32, #tpu.memory_space<vmem>>, vector<16xf32>,
        %mul3A_922 = arith.mulf %get3A_918, %get3A_921 : vector<16xf32>
        %reduce_sum3A_923 = arith.constant true
        %reduce_sum3A_924 = vector.broadcast %reduce_sum3A_923 : i1 to vector<16xi1>
        %reduce_sum3A_925 = tpu.scan <sum>, %mul3A_922 masked %reduce_sum3A_924 : vector<16xf32>, vector<16xi1> -> vector<16xf32>
        %reduce_sum3A_926 = vector.extract %reduce_sum3A_925[15] : f32 from vector<16xf32>
        %eq3A_927 = arith.constant 1 : i32
        %eq3A_928 = vector.broadcast %eq3A_927 : i32 to vector<16xi32>
        %eq3A_929 = arith.cmpi eq, %iota3A, %eq3A_928 : vector<16xi32>
        %jit3A_930 = arith.constant 0.000000e+00 : f32
        %broadcast_in_dim3A_931 = vector.broadcast %reduce_sum3A_926 : f32 to vector<16xf32>
        %broadcast_in_dim3A_932 = vector.broadcast %jit3A_930 : f32 to vector<16xf32>
        %select_n3A_933 = arith.select %eq3A_929, %broadcast_in_dim3A_931, %broadcast_in_dim3A_932 : vector<16xi1>, vector<16xf32>
        %add3A_934 = arith.addf %add3A_915, %select_n3A_933 : vector<16xf32>
        %get3A_935 = arith.index_cast %scan3A_894 : i32 to index
        %get3A_936 = arith.constant 32 : index
        %get3A_937 = tpu.vector_load %arg14[%get3A_935, %get3A_936] {strides = array<i32>} : memref<40x128xf32, #tpu.memory_space<vmem>>, vector<16xf32>,
        %get3A_938 = arith.index_cast %scan3A_894 : i32 to index
        %get3A_939 = arith.constant 32 : index
        %get3A_940 = tpu.vector_load %arg15[%get3A_938, %get3A_939] {strides = array<i32>} : memref<40x128xf32, #tpu.memory_space<vmem>>, vector<16xf32>,
        %mul3A_941 = arith.mulf %get3A_937, %get3A_940 : vector<16xf32>
        %reduce_sum3A_942 = arith.constant true
        %reduce_sum3A_943 = vector.broadcast %reduce_sum3A_942 : i1 to vector<16xi1>
        %reduce_sum3A_944 = tpu.scan <sum>, %mul3A_941 masked %reduce_sum3A_943 : vector<16xf32>, vector<16xi1> -> vector<16xf32>
        %reduce_sum3A_945 = vector.extract %reduce_sum3A_944[15] : f32 from vector<16xf32>
        %eq3A_946 = arith.constant 2 : i32
        %eq3A_947 = vector.broadcast %eq3A_946 : i32 to vector<16xi32>
        %eq3A_948 = arith.cmpi eq, %iota3A, %eq3A_947 : vector<16xi32>
        %jit3A_949 = arith.constant 0.000000e+00 : f32
        %broadcast_in_dim3A_950 = vector.broadcast %reduce_sum3A_945 : f32 to vector<16xf32>
        %broadcast_in_dim3A_951 = vector.broadcast %jit3A_949 : f32 to vector<16xf32>
        %select_n3A_952 = arith.select %eq3A_948, %broadcast_in_dim3A_950, %broadcast_in_dim3A_951 : vector<16xi1>, vector<16xf32>
        %add3A_953 = arith.addf %add3A_934, %select_n3A_952 : vector<16xf32>
        %get3A_954 = arith.index_cast %scan3A_894 : i32 to index
        %get3A_955 = arith.constant 48 : index
        %get3A_956 = tpu.vector_load %arg14[%get3A_954, %get3A_955] {strides = array<i32>} : memref<40x128xf32, #tpu.memory_space<vmem>>, vector<16xf32>,
        %get3A_957 = arith.index_cast %scan3A_894 : i32 to index
        %get3A_958 = arith.constant 48 : index
        %get3A_959 = tpu.vector_load %arg15[%get3A_957, %get3A_958] {strides = array<i32>} : memref<40x128xf32, #tpu.memory_space<vmem>>, vector<16xf32>,
        %mul3A_960 = arith.mulf %get3A_956, %get3A_959 : vector<16xf32>
        %reduce_sum3A_961 = arith.constant true
        %reduce_sum3A_962 = vector.broadcast %reduce_sum3A_961 : i1 to vector<16xi1>
        %reduce_sum3A_963 = tpu.scan <sum>, %mul3A_960 masked %reduce_sum3A_962 : vector<16xf32>, vector<16xi1> -> vector<16xf32>
        %reduce_sum3A_964 = vector.extract %reduce_sum3A_963[15] : f32 from vector<16xf32>
        %eq3A_965 = arith.constant 3 : i32
        %eq3A_966 = vector.broadcast %eq3A_965 : i32 to vector<16xi32>
        %eq3A_967 = arith.cmpi eq, %iota3A, %eq3A_966 : vector<16xi32>
        %jit3A_968 = arith.constant 0.000000e+00 : f32
        %broadcast_in_dim3A_969 = vector.broadcast %reduce_sum3A_964 : f32 to vector<16xf32>
        %broadcast_in_dim3A_970 = vector.broadcast %jit3A_968 : f32 to vector<16xf32>
        %select_n3A_971 = arith.select %eq3A_967, %broadcast_in_dim3A_969, %broadcast_in_dim3A_970 : vector<16xi1>, vector<16xf32>
        %add3A_972 = arith.addf %add3A_953, %select_n3A_971 : vector<16xf32>
        %get3A_973 = arith.index_cast %scan3A_894 : i32 to index
        %get3A_974 = arith.constant 64 : index
        %get3A_975 = tpu.vector_load %arg14[%get3A_973, %get3A_974] {strides = array<i32>} : memref<40x128xf32, #tpu.memory_space<vmem>>, vector<16xf32>,
        %get3A_976 = arith.index_cast %scan3A_894 : i32 to index
        %get3A_977 = arith.constant 64 : index
        %get3A_978 = tpu.vector_load %arg15[%get3A_976, %get3A_977] {strides = array<i32>} : memref<40x128xf32, #tpu.memory_space<vmem>>, vector<16xf32>,
        %mul3A_979 = arith.mulf %get3A_975, %get3A_978 : vector<16xf32>
        %reduce_sum3A_980 = arith.constant true
        %reduce_sum3A_981 = vector.broadcast %reduce_sum3A_980 : i1 to vector<16xi1>
        %reduce_sum3A_982 = tpu.scan <sum>, %mul3A_979 masked %reduce_sum3A_981 : vector<16xf32>, vector<16xi1> -> vector<16xf32>
        %reduce_sum3A_983 = vector.extract %reduce_sum3A_982[15] : f32 from vector<16xf32>
        %eq3A_984 = arith.constant 4 : i32
        %eq3A_985 = vector.broadcast %eq3A_984 : i32 to vector<16xi32>
        %eq3A_986 = arith.cmpi eq, %iota3A, %eq3A_985 : vector<16xi32>
        %jit3A_987 = arith.constant 0.000000e+00 : f32
        %broadcast_in_dim3A_988 = vector.broadcast %reduce_sum3A_983 : f32 to vector<16xf32>
        %broadcast_in_dim3A_989 = vector.broadcast %jit3A_987 : f32 to vector<16xf32>
        %select_n3A_990 = arith.select %eq3A_986, %broadcast_in_dim3A_988, %broadcast_in_dim3A_989 : vector<16xi1>, vector<16xf32>
        %add3A_991 = arith.addf %add3A_972, %select_n3A_990 : vector<16xf32>
        %get3A_992 = arith.index_cast %scan3A_894 : i32 to index
        %get3A_993 = arith.constant 80 : index
        %get3A_994 = tpu.vector_load %arg14[%get3A_992, %get3A_993] {strides = array<i32>} : memref<40x128xf32, #tpu.memory_space<vmem>>, vector<16xf32>,
        %get3A_995 = arith.index_cast %scan3A_894 : i32 to index
        %get3A_996 = arith.constant 80 : index
        %get3A_997 = tpu.vector_load %arg15[%get3A_995, %get3A_996] {strides = array<i32>} : memref<40x128xf32, #tpu.memory_space<vmem>>, vector<16xf32>,
        %mul3A_998 = arith.mulf %get3A_994, %get3A_997 : vector<16xf32>
        %reduce_sum3A_999 = arith.constant true
        %reduce_sum3A_1000 = vector.broadcast %reduce_sum3A_999 : i1 to vector<16xi1>
        %reduce_sum3A_1001 = tpu.scan <sum>, %mul3A_998 masked %reduce_sum3A_1000 : vector<16xf32>, vector<16xi1> -> vector<16xf32>
        %reduce_sum3A_1002 = vector.extract %reduce_sum3A_1001[15] : f32 from vector<16xf32>
        %eq3A_1003 = arith.constant 5 : i32
        %eq3A_1004 = vector.broadcast %eq3A_1003 : i32 to vector<16xi32>
        %eq3A_1005 = arith.cmpi eq, %iota3A, %eq3A_1004 : vector<16xi32>
        %jit3A_1006 = arith.constant 0.000000e+00 : f32
        %broadcast_in_dim3A_1007 = vector.broadcast %reduce_sum3A_1002 : f32 to vector<16xf32>
        %broadcast_in_dim3A_1008 = vector.broadcast %jit3A_1006 : f32 to vector<16xf32>
        %select_n3A_1009 = arith.select %eq3A_1005, %broadcast_in_dim3A_1007, %broadcast_in_dim3A_1008 : vector<16xi1>, vector<16xf32>
        %add3A_1010 = arith.addf %add3A_991, %select_n3A_1009 : vector<16xf32>
        %get3A_1011 = arith.index_cast %scan3A_894 : i32 to index
        %get3A_1012 = arith.constant 96 : index
        %get3A_1013 = tpu.vector_load %arg14[%get3A_1011, %get3A_1012] {strides = array<i32>} : memref<40x128xf32, #tpu.memory_space<vmem>>, vector<16xf32>,
        %get3A_1014 = arith.index_cast %scan3A_894 : i32 to index
        %get3A_1015 = arith.constant 96 : index
        %get3A_1016 = tpu.vector_load %arg15[%get3A_1014, %get3A_1015] {strides = array<i32>} : memref<40x128xf32, #tpu.memory_space<vmem>>, vector<16xf32>,
        %mul3A_1017 = arith.mulf %get3A_1013, %get3A_1016 : vector<16xf32>
        %reduce_sum3A_1018 = arith.constant true
        %reduce_sum3A_1019 = vector.broadcast %reduce_sum3A_1018 : i1 to vector<16xi1>
        %reduce_sum3A_1020 = tpu.scan <sum>, %mul3A_1017 masked %reduce_sum3A_1019 : vector<16xf32>, vector<16xi1> -> vector<16xf32>
        %reduce_sum3A_1021 = vector.extract %reduce_sum3A_1020[15] : f32 from vector<16xf32>
        %eq3A_1022 = arith.constant 6 : i32
        %eq3A_1023 = vector.broadcast %eq3A_1022 : i32 to vector<16xi32>
        %eq3A_1024 = arith.cmpi eq, %iota3A, %eq3A_1023 : vector<16xi32>
        %jit3A_1025 = arith.constant 0.000000e+00 : f32
        %broadcast_in_dim3A_1026 = vector.broadcast %reduce_sum3A_1021 : f32 to vector<16xf32>
        %broadcast_in_dim3A_1027 = vector.broadcast %jit3A_1025 : f32 to vector<16xf32>
        %select_n3A_1028 = arith.select %eq3A_1024, %broadcast_in_dim3A_1026, %broadcast_in_dim3A_1027 : vector<16xi1>, vector<16xf32>
        %add3A_1029 = arith.addf %add3A_1010, %select_n3A_1028 : vector<16xf32>
        %get3A_1030 = arith.index_cast %scan3A_894 : i32 to index
        %get3A_1031 = arith.constant 112 : index
        %get3A_1032 = tpu.vector_load %arg14[%get3A_1030, %get3A_1031] {strides = array<i32>} : memref<40x128xf32, #tpu.memory_space<vmem>>, vector<16xf32>,
        %get3A_1033 = arith.index_cast %scan3A_894 : i32 to index
        %get3A_1034 = arith.constant 112 : index
        %get3A_1035 = tpu.vector_load %arg15[%get3A_1033, %get3A_1034] {strides = array<i32>} : memref<40x128xf32, #tpu.memory_space<vmem>>, vector<16xf32>,
        %mul3A_1036 = arith.mulf %get3A_1032, %get3A_1035 : vector<16xf32>
        %reduce_sum3A_1037 = arith.constant true
        %reduce_sum3A_1038 = vector.broadcast %reduce_sum3A_1037 : i1 to vector<16xi1>
        %reduce_sum3A_1039 = tpu.scan <sum>, %mul3A_1036 masked %reduce_sum3A_1038 : vector<16xf32>, vector<16xi1> -> vector<16xf32>
        %reduce_sum3A_1040 = vector.extract %reduce_sum3A_1039[15] : f32 from vector<16xf32>
        %eq3A_1041 = arith.constant 7 : i32
        %eq3A_1042 = vector.broadcast %eq3A_1041 : i32 to vector<16xi32>
        %eq3A_1043 = arith.cmpi eq, %iota3A, %eq3A_1042 : vector<16xi32>
        %jit3A_1044 = arith.constant 0.000000e+00 : f32
        %broadcast_in_dim3A_1045 = vector.broadcast %reduce_sum3A_1040 : f32 to vector<16xf32>
        %broadcast_in_dim3A_1046 = vector.broadcast %jit3A_1044 : f32 to vector<16xf32>
        %select_n3A_1047 = arith.select %eq3A_1043, %broadcast_in_dim3A_1045, %broadcast_in_dim3A_1046 : vector<16xi1>, vector<16xf32>
        %add3A_1048 = arith.addf %add3A_1029, %select_n3A_1047 : vector<16xf32>
        %exp3A_1049 = math.exp %add3A_1048 : vector<16xf32>
        %swap3A_1050 = arith.index_cast %scan3A_894 : i32 to index
        %swap3A_1051 = arith.constant 0 : index
        %swap3A_1052 = tpu.vector_load %arg17[%swap3A_1050, %swap3A_1051] {strides = array<i32>} : memref<40x128xf32, #tpu.memory_space<vmem>>, vector<16xf32>,
        tpu.vector_store %arg17[%swap3A_1050, %swap3A_1051], %broadcast_in_dim3A_0 {strides = array<i32>} : memref<40x128xf32, #tpu.memory_space<vmem>>, vector<16xf32>,
        %swap3A_1053 = arith.index_cast %scan3A_894 : i32 to index
        %swap3A_1054 = arith.constant 16 : index
        %swap3A_1055 = tpu.vector_load %arg17[%swap3A_1053, %swap3A_1054] {strides = array<i32>} : memref<40x128xf32, #tpu.memory_space<vmem>>, vector<16xf32>,
        tpu.vector_store %arg17[%swap3A_1053, %swap3A_1054], %broadcast_in_dim3A_0 {strides = array<i32>} : memref<40x128xf32, #tpu.memory_space<vmem>>, vector<16xf32>,
        %swap3A_1056 = arith.index_cast %scan3A_894 : i32 to index
        %swap3A_1057 = arith.constant 32 : index
        %swap3A_1058 = tpu.vector_load %arg17[%swap3A_1056, %swap3A_1057] {strides = array<i32>} : memref<40x128xf32, #tpu.memory_space<vmem>>, vector<16xf32>,
        tpu.vector_store %arg17[%swap3A_1056, %swap3A_1057], %broadcast_in_dim3A_0 {strides = array<i32>} : memref<40x128xf32, #tpu.memory_space<vmem>>, vector<16xf32>,
        %swap3A_1059 = arith.index_cast %scan3A_894 : i32 to index
        %swap3A_1060 = arith.constant 48 : index
        %swap3A_1061 = tpu.vector_load %arg17[%swap3A_1059, %swap3A_1060] {strides = array<i32>} : memref<40x128xf32, #tpu.memory_space<vmem>>, vector<16xf32>,
        tpu.vector_store %arg17[%swap3A_1059, %swap3A_1060], %broadcast_in_dim3A_0 {strides = array<i32>} : memref<40x128xf32, #tpu.memory_space<vmem>>, vector<16xf32>,
        %swap3A_1062 = arith.index_cast %scan3A_894 : i32 to index
        %swap3A_1063 = arith.constant 64 : index
        %swap3A_1064 = tpu.vector_load %arg17[%swap3A_1062, %swap3A_1063] {strides = array<i32>} : memref<40x128xf32, #tpu.memory_space<vmem>>, vector<16xf32>,
        tpu.vector_store %arg17[%swap3A_1062, %swap3A_1063], %broadcast_in_dim3A_0 {strides = array<i32>} : memref<40x128xf32, #tpu.memory_space<vmem>>, vector<16xf32>,
        %swap3A_1065 = arith.index_cast %scan3A_894 : i32 to index
        %swap3A_1066 = arith.constant 80 : index
        %swap3A_1067 = tpu.vector_load %arg17[%swap3A_1065, %swap3A_1066] {strides = array<i32>} : memref<40x128xf32, #tpu.memory_space<vmem>>, vector<16xf32>,
        tpu.vector_store %arg17[%swap3A_1065, %swap3A_1066], %broadcast_in_dim3A_0 {strides = array<i32>} : memref<40x128xf32, #tpu.memory_space<vmem>>, vector<16xf32>,
        %swap3A_1068 = arith.index_cast %scan3A_894 : i32 to index
        %swap3A_1069 = arith.constant 96 : index
        %swap3A_1070 = tpu.vector_load %arg17[%swap3A_1068, %swap3A_1069] {strides = array<i32>} : memref<40x128xf32, #tpu.memory_space<vmem>>, vector<16xf32>,
        tpu.vector_store %arg17[%swap3A_1068, %swap3A_1069], %broadcast_in_dim3A_0 {strides = array<i32>} : memref<40x128xf32, #tpu.memory_space<vmem>>, vector<16xf32>,
        %swap3A_1071 = arith.index_cast %scan3A_894 : i32 to index
        %swap3A_1072 = arith.constant 112 : index
        %swap3A_1073 = tpu.vector_load %arg17[%swap3A_1071, %swap3A_1072] {strides = array<i32>} : memref<40x128xf32, #tpu.memory_space<vmem>>, vector<16xf32>,
        tpu.vector_store %arg17[%swap3A_1071, %swap3A_1072], %broadcast_in_dim3A_0 {strides = array<i32>} : memref<40x128xf32, #tpu.memory_space<vmem>>, vector<16xf32>,
        %get3A_1074 = arith.index_cast %scan3A_894 : i32 to index
        %get3A_1075 = tpu.vector_load %arg12[%get3A_1074] {strides = array<i32>} : memref<56xi32, #tpu.memory_space<vmem>>, vector<16xi32>,
        %slice3A_1076 = vector.extract_strided_slice %get3A_1075 {offsets = [0], sizes = [1], strides = [1]} : vector<16xi32> to vector<1xi32>
        %squeeze3A_1077 = vector.extract %slice3A_1076[0] : i32 from vector<1xi32>
        %and3A_1078 = arith.constant 7 : i32
        %and3A_1079 = arith.andi %squeeze3A_1077, %and3A_1078 : i32
        %mul3A_1080 = arith.constant 16 : i32
        %mul3A_1081 = arith.muli %and3A_1079, %mul3A_1080 : i32
        %swap3A_1082 = arith.index_cast %scan3A_894 : i32 to index
        %swap3A_1083 = arith.index_cast %mul3A_1081 : i32 to index
        %swap3A_1084 = tpu.vector_load %arg17[%swap3A_1082, %swap3A_1083] {strides = array<i32>} : memref<40x128xf32, #tpu.memory_space<vmem>>, vector<16xf32>,
        tpu.vector_store %arg17[%swap3A_1082, %swap3A_1083], %exp3A_1049 {strides = array<i32>} : memref<40x128xf32, #tpu.memory_space<vmem>>, vector<16xf32>,
        %get3A_1085 = arith.index_cast %scan3A_894 : i32 to index
        %get3A_1086 = arith.constant 0 : index
        %get3A_1087 = tpu.vector_load %arg16[%get3A_1085, %get3A_1086] {strides = array<i32>} : memref<40x128xf32, #tpu.memory_space<vmem>>, vector<16xf32>,
        %slice3A_1088 = vector.extract_strided_slice %exp3A_1049 {offsets = [0], sizes = [1], strides = [1]} : vector<16xf32> to vector<1xf32>
        %squeeze3A_1089 = vector.extract %slice3A_1088[0] : f32 from vector<1xf32>
        %mul3A_1090 = vector.broadcast %squeeze3A_1089 : f32 to vector<16xf32>
        %mul3A_1091 = arith.mulf %get3A_1087, %mul3A_1090 : vector<16xf32>
        %swap3A_1092 = arith.index_cast %scan3A_894 : i32 to index
        %swap3A_1093 = arith.constant 0 : index
        %swap3A_1094 = tpu.vector_load %arg16[%swap3A_1092, %swap3A_1093] {strides = array<i32>} : memref<40x128xf32, #tpu.memory_space<vmem>>, vector<16xf32>,
        tpu.vector_store %arg16[%swap3A_1092, %swap3A_1093], %mul3A_1091 {strides = array<i32>} : memref<40x128xf32, #tpu.memory_space<vmem>>, vector<16xf32>,
        %get3A_1095 = arith.index_cast %scan3A_894 : i32 to index
        %get3A_1096 = arith.constant 16 : index
        %get3A_1097 = tpu.vector_load %arg16[%get3A_1095, %get3A_1096] {strides = array<i32>} : memref<40x128xf32, #tpu.memory_space<vmem>>, vector<16xf32>,
        %slice3A_1098 = vector.extract_strided_slice %exp3A_1049 {offsets = [1], sizes = [1], strides = [1]} : vector<16xf32> to vector<1xf32>
        %squeeze3A_1099 = vector.extract %slice3A_1098[0] : f32 from vector<1xf32>
        %mul3A_1100 = vector.broadcast %squeeze3A_1099 : f32 to vector<16xf32>
        %mul3A_1101 = arith.mulf %get3A_1097, %mul3A_1100 : vector<16xf32>
        %swap3A_1102 = arith.index_cast %scan3A_894 : i32 to index
        %swap3A_1103 = arith.constant 16 : index
        %swap3A_1104 = tpu.vector_load %arg16[%swap3A_1102, %swap3A_1103] {strides = array<i32>} : memref<40x128xf32, #tpu.memory_space<vmem>>, vector<16xf32>,
        tpu.vector_store %arg16[%swap3A_1102, %swap3A_1103], %mul3A_1101 {strides = array<i32>} : memref<40x128xf32, #tpu.memory_space<vmem>>, vector<16xf32>,
        %get3A_1105 = arith.index_cast %scan3A_894 : i32 to index
        %get3A_1106 = arith.constant 32 : index
        %get3A_1107 = tpu.vector_load %arg16[%get3A_1105, %get3A_1106] {strides = array<i32>} : memref<40x128xf32, #tpu.memory_space<vmem>>, vector<16xf32>,
        %slice3A_1108 = vector.extract_strided_slice %exp3A_1049 {offsets = [2], sizes = [1], strides = [1]} : vector<16xf32> to vector<1xf32>
        %squeeze3A_1109 = vector.extract %slice3A_1108[0] : f32 from vector<1xf32>
        %mul3A_1110 = vector.broadcast %squeeze3A_1109 : f32 to vector<16xf32>
        %mul3A_1111 = arith.mulf %get3A_1107, %mul3A_1110 : vector<16xf32>
        %swap3A_1112 = arith.index_cast %scan3A_894 : i32 to index
        %swap3A_1113 = arith.constant 32 : index
        %swap3A_1114 = tpu.vector_load %arg16[%swap3A_1112, %swap3A_1113] {strides = array<i32>} : memref<40x128xf32, #tpu.memory_space<vmem>>, vector<16xf32>,
        tpu.vector_store %arg16[%swap3A_1112, %swap3A_1113], %mul3A_1111 {strides = array<i32>} : memref<40x128xf32, #tpu.memory_space<vmem>>, vector<16xf32>,
        %get3A_1115 = arith.index_cast %scan3A_894 : i32 to index
        %get3A_1116 = arith.constant 48 : index
        %get3A_1117 = tpu.vector_load %arg16[%get3A_1115, %get3A_1116] {strides = array<i32>} : memref<40x128xf32, #tpu.memory_space<vmem>>, vector<16xf32>,
        %slice3A_1118 = vector.extract_strided_slice %exp3A_1049 {offsets = [3], sizes = [1], strides = [1]} : vector<16xf32> to vector<1xf32>
        %squeeze3A_1119 = vector.extract %slice3A_1118[0] : f32 from vector<1xf32>
        %mul3A_1120 = vector.broadcast %squeeze3A_1119 : f32 to vector<16xf32>
        %mul3A_1121 = arith.mulf %get3A_1117, %mul3A_1120 : vector<16xf32>
        %swap3A_1122 = arith.index_cast %scan3A_894 : i32 to index
        %swap3A_1123 = arith.constant 48 : index
        %swap3A_1124 = tpu.vector_load %arg16[%swap3A_1122, %swap3A_1123] {strides = array<i32>} : memref<40x128xf32, #tpu.memory_space<vmem>>, vector<16xf32>,
        tpu.vector_store %arg16[%swap3A_1122, %swap3A_1123], %mul3A_1121 {strides = array<i32>} : memref<40x128xf32, #tpu.memory_space<vmem>>, vector<16xf32>,
        %get3A_1125 = arith.index_cast %scan3A_894 : i32 to index
        %get3A_1126 = arith.constant 64 : index
        %get3A_1127 = tpu.vector_load %arg16[%get3A_1125, %get3A_1126] {strides = array<i32>} : memref<40x128xf32, #tpu.memory_space<vmem>>, vector<16xf32>,
        %slice3A_1128 = vector.extract_strided_slice %exp3A_1049 {offsets = [4], sizes = [1], strides = [1]} : vector<16xf32> to vector<1xf32>
        %squeeze3A_1129 = vector.extract %slice3A_1128[0] : f32 from vector<1xf32>
        %mul3A_1130 = vector.broadcast %squeeze3A_1129 : f32 to vector<16xf32>
        %mul3A_1131 = arith.mulf %get3A_1127, %mul3A_1130 : vector<16xf32>
        %swap3A_1132 = arith.index_cast %scan3A_894 : i32 to index
        %swap3A_1133 = arith.constant 64 : index
        %swap3A_1134 = tpu.vector_load %arg16[%swap3A_1132, %swap3A_1133] {strides = array<i32>} : memref<40x128xf32, #tpu.memory_space<vmem>>, vector<16xf32>,
        tpu.vector_store %arg16[%swap3A_1132, %swap3A_1133], %mul3A_1131 {strides = array<i32>} : memref<40x128xf32, #tpu.memory_space<vmem>>, vector<16xf32>,
        %get3A_1135 = arith.index_cast %scan3A_894 : i32 to index
        %get3A_1136 = arith.constant 80 : index
        %get3A_1137 = tpu.vector_load %arg16[%get3A_1135, %get3A_1136] {strides = array<i32>} : memref<40x128xf32, #tpu.memory_space<vmem>>, vector<16xf32>,
        %slice3A_1138 = vector.extract_strided_slice %exp3A_1049 {offsets = [5], sizes = [1], strides = [1]} : vector<16xf32> to vector<1xf32>
        %squeeze3A_1139 = vector.extract %slice3A_1138[0] : f32 from vector<1xf32>
        %mul3A_1140 = vector.broadcast %squeeze3A_1139 : f32 to vector<16xf32>
        %mul3A_1141 = arith.mulf %get3A_1137, %mul3A_1140 : vector<16xf32>
        %swap3A_1142 = arith.index_cast %scan3A_894 : i32 to index
        %swap3A_1143 = arith.constant 80 : index
        %swap3A_1144 = tpu.vector_load %arg16[%swap3A_1142, %swap3A_1143] {strides = array<i32>} : memref<40x128xf32, #tpu.memory_space<vmem>>, vector<16xf32>,
        tpu.vector_store %arg16[%swap3A_1142, %swap3A_1143], %mul3A_1141 {strides = array<i32>} : memref<40x128xf32, #tpu.memory_space<vmem>>, vector<16xf32>,
        %get3A_1145 = arith.index_cast %scan3A_894 : i32 to index
        %get3A_1146 = arith.constant 96 : index
        %get3A_1147 = tpu.vector_load %arg16[%get3A_1145, %get3A_1146] {strides = array<i32>} : memref<40x128xf32, #tpu.memory_space<vmem>>, vector<16xf32>,
        %slice3A_1148 = vector.extract_strided_slice %exp3A_1049 {offsets = [6], sizes = [1], strides = [1]} : vector<16xf32> to vector<1xf32>
        %squeeze3A_1149 = vector.extract %slice3A_1148[0] : f32 from vector<1xf32>
        %mul3A_1150 = vector.broadcast %squeeze3A_1149 : f32 to vector<16xf32>
        %mul3A_1151 = arith.mulf %get3A_1147, %mul3A_1150 : vector<16xf32>
        %swap3A_1152 = arith.index_cast %scan3A_894 : i32 to index
        %swap3A_1153 = arith.constant 96 : index
        %swap3A_1154 = tpu.vector_load %arg16[%swap3A_1152, %swap3A_1153] {strides = array<i32>} : memref<40x128xf32, #tpu.memory_space<vmem>>, vector<16xf32>,
        tpu.vector_store %arg16[%swap3A_1152, %swap3A_1153], %mul3A_1151 {strides = array<i32>} : memref<40x128xf32, #tpu.memory_space<vmem>>, vector<16xf32>,
        %get3A_1155 = arith.index_cast %scan3A_894 : i32 to index
        %get3A_1156 = arith.constant 112 : index
        %get3A_1157 = tpu.vector_load %arg16[%get3A_1155, %get3A_1156] {strides = array<i32>} : memref<40x128xf32, #tpu.memory_space<vmem>>, vector<16xf32>,
        %slice3A_1158 = vector.extract_strided_slice %exp3A_1049 {offsets = [7], sizes = [1], strides = [1]} : vector<16xf32> to vector<1xf32>
        %squeeze3A_1159 = vector.extract %slice3A_1158[0] : f32 from vector<1xf32>
        %mul3A_1160 = vector.broadcast %squeeze3A_1159 : f32 to vector<16xf32>
        %mul3A_1161 = arith.mulf %get3A_1157, %mul3A_1160 : vector<16xf32>
        %swap3A_1162 = arith.index_cast %scan3A_894 : i32 to index
        %swap3A_1163 = arith.constant 112 : index
        %swap3A_1164 = tpu.vector_load %arg16[%swap3A_1162, %swap3A_1163] {strides = array<i32>} : memref<40x128xf32, #tpu.memory_space<vmem>>, vector<16xf32>,
        tpu.vector_store %arg16[%swap3A_1162, %swap3A_1163], %mul3A_1161 {strides = array<i32>} : memref<40x128xf32, #tpu.memory_space<vmem>>, vector<16xf32>,
      }
      %scan3A_84 = arith.constant 40 : i32
      "tpu.region"() ({
        %run_scoped3A = tpu.sem_alloc : memref<!tpu.dma_semaphore, #tpu.memory_space<semaphore_mem>>
        %dma_start3A_85 = arith.constant 0 : i32
        %dma_start3A_86 = arith.constant 0 : i32
        %dma_start3A_87 = tpu.memref_slice %arg9[%dma_start3A_85, %dma_start3A_86] : memref<11250x128xf32, #tpu.memory_space<vmem_shared>> -> memref<11250x128xf32, #tpu.memory_space<vmem_shared>>
        tpu.enqueue_indirect_dma source(%arg16 : memref<40x128xf32, #tpu.memory_space<vmem>>) target(%dma_start3A_87 : memref<11250x128xf32, #tpu.memory_space<vmem_shared>>) offsets(%arg11 : memref<40xi32, #tpu.memory_space<vmem>>) semaphore(%run_scoped3A : memref<!tpu.dma_semaphore, #tpu.memory_space<semaphore_mem>>) {add = true}
        %dma_wait3A_88 = arith.constant 0 : i32
        %dma_wait3A_89 = arith.constant 0 : i32
        %dma_wait3A_90 = tpu.memref_slice %arg9[%dma_wait3A_88, %dma_wait3A_89] : memref<11250x128xf32, #tpu.memory_space<vmem_shared>> -> memref<11250x128xf32, #tpu.memory_space<vmem_shared>>
        tpu.wait_indirect_dma semaphore(%run_scoped3A : memref<!tpu.dma_semaphore, #tpu.memory_space<semaphore_mem>>) src(%arg16 : memref<40x128xf32, #tpu.memory_space<vmem>>) dst(%dma_wait3A_90 : memref<11250x128xf32, #tpu.memory_space<vmem_shared>>)
        tpu.yield
      }) : () -> ()
      "tpu.region"() ({
        %run_scoped3A = tpu.sem_alloc : memref<!tpu.dma_semaphore, #tpu.memory_space<semaphore_mem>>
        %dma_start3A_85 = arith.constant 0 : i32
        %dma_start3A_86 = arith.constant 0 : i32
        %dma_start3A_87 = tpu.memref_slice %arg9[%dma_start3A_85, %dma_start3A_86] : memref<11250x128xf32, #tpu.memory_space<vmem_shared>> -> memref<11250x128xf32, #tpu.memory_space<vmem_shared>>
        tpu.enqueue_indirect_dma source(%arg17 : memref<40x128xf32, #tpu.memory_space<vmem>>) target(%dma_start3A_87 : memref<11250x128xf32, #tpu.memory_space<vmem_shared>>) offsets(%arg13 : memref<40xi32, #tpu.memory_space<vmem>>) semaphore(%run_scoped3A : memref<!tpu.dma_semaphore, #tpu.memory_space<semaphore_mem>>) {add = true}
        %dma_wait3A_88 = arith.constant 0 : i32
        %dma_wait3A_89 = arith.constant 0 : i32
        %dma_wait3A_90 = tpu.memref_slice %arg9[%dma_wait3A_88, %dma_wait3A_89] : memref<11250x128xf32, #tpu.memory_space<vmem_shared>> -> memref<11250x128xf32, #tpu.memory_space<vmem_shared>>
        tpu.wait_indirect_dma semaphore(%run_scoped3A : memref<!tpu.dma_semaphore, #tpu.memory_space<semaphore_mem>>) src(%arg17 : memref<40x128xf32, #tpu.memory_space<vmem>>) dst(%dma_wait3A_90 : memref<11250x128xf32, #tpu.memory_space<vmem_shared>>)
        tpu.yield
      }) : () -> ()
    }
    %scan3A_15 = arith.constant 500 : i32
    %barrier3A_16 = arith.constant 0 : index
    tpu.barrier barrier_id(%barrier3A_16)
    %lt3A_17 = arith.constant 15 : i32
    %lt3A_18 = arith.cmpi slt, %arg1, %lt3A_17 : i32
    %convert_element_type3A_19 = arith.extui %lt3A_18 : i1 to i32
    %cond3A_20 = arith.constant 0 : i32
    %cond3A_21 = arith.cmpi ne, %convert_element_type3A_19, %cond3A_20 : i32
    scf.if %cond3A_21 {
      "tpu.region"() ({
        %run_scoped3A = tpu.sem_alloc : memref<!tpu.dma_semaphore, #tpu.memory_space<semaphore_mem>>
        %dma_start3A = arith.constant 0 : i32
        %dma_start3A_27 = tpu.memref_slice %arg8[%arg0, %mul3A_1, %dma_start3A] : memref<2x11250x128xf32, #tpu.memory_space<hbm>> -> memref<1x704x128xf32, #tpu.memory_space<hbm>>
        %dma_start3A_28 = tpu.memref_squeeze %dma_start3A_27 : memref<1x704x128xf32, #tpu.memory_space<hbm>> -> memref<704x128xf32, #tpu.memory_space<hbm>>
        %dma_start3A_29 = arith.constant 0 : i32
        %dma_start3A_30 = tpu.memref_slice %arg9[%mul3A_1, %dma_start3A_29] : memref<11250x128xf32, #tpu.memory_space<vmem_shared>> -> memref<704x128xf32, #tpu.memory_space<vmem_shared>>
        tpu.enqueue_dma source(%dma_start3A_30 : memref<704x128xf32, #tpu.memory_space<vmem_shared>>) target(%dma_start3A_28 : memref<704x128xf32, #tpu.memory_space<hbm>>) target_semaphore(%run_scoped3A : memref<!tpu.dma_semaphore, #tpu.memory_space<semaphore_mem>>)
        %dma_wait3A = arith.constant 0 : i32
        %dma_wait3A_31 = tpu.memref_slice %arg8[%arg0, %mul3A_1, %dma_wait3A] : memref<2x11250x128xf32, #tpu.memory_space<hbm>> -> memref<1x704x128xf32, #tpu.memory_space<hbm>>
        %dma_wait3A_32 = tpu.memref_squeeze %dma_wait3A_31 : memref<1x704x128xf32, #tpu.memory_space<hbm>> -> memref<704x128xf32, #tpu.memory_space<hbm>>
        %dma_wait3A_33 = arith.constant 0 : i32
        %dma_wait3A_34 = tpu.memref_slice %arg9[%mul3A_1, %dma_wait3A_33] : memref<11250x128xf32, #tpu.memory_space<vmem_shared>> -> memref<704x128xf32, #tpu.memory_space<vmem_shared>>
        tpu.wait_dma2 semaphore(%run_scoped3A : memref<!tpu.dma_semaphore, #tpu.memory_space<semaphore_mem>>) src(%dma_wait3A_34 : memref<704x128xf32, #tpu.memory_space<vmem_shared>>) dst(%dma_wait3A_32 : memref<704x128xf32, #tpu.memory_space<hbm>>)
        tpu.yield
      }) : () -> ()
    } else {
    }
    %eq3A_22 = arith.constant 15 : i32
    %eq3A_23 = arith.cmpi eq, %arg1, %eq3A_22 : i32
    %convert_element_type3A_24 = arith.extui %eq3A_23 : i1 to i32
    %cond3A_25 = arith.constant 0 : i32
    %cond3A_26 = arith.cmpi ne, %convert_element_type3A_24, %cond3A_25 : i32
    scf.if %cond3A_26 {
      "tpu.region"() ({
        %run_scoped3A = tpu.sem_alloc : memref<!tpu.dma_semaphore, #tpu.memory_space<semaphore_mem>>
        %dma_start3A = arith.constant 10560 : i32
        %dma_start3A_27 = arith.constant 0 : i32
        %dma_start3A_28 = tpu.memref_slice %arg8[%arg0, %dma_start3A, %dma_start3A_27] : memref<2x11250x128xf32, #tpu.memory_space<hbm>> -> memref<1x690x128xf32, #tpu.memory_space<hbm>>
        %dma_start3A_29 = tpu.memref_squeeze %dma_start3A_28 : memref<1x690x128xf32, #tpu.memory_space<hbm>> -> memref<690x128xf32, #tpu.memory_space<hbm>>
        %dma_start3A_30 = arith.constant 10560 : i32
        %dma_start3A_31 = arith.constant 0 : i32
        %dma_start3A_32 = tpu.memref_slice %arg9[%dma_start3A_30, %dma_start3A_31] : memref<11250x128xf32, #tpu.memory_space<vmem_shared>> -> memref<690x128xf32, #tpu.memory_space<vmem_shared>>
        tpu.enqueue_dma source(%dma_start3A_32 : memref<690x128xf32, #tpu.memory_space<vmem_shared>>) target(%dma_start3A_29 : memref<690x128xf32, #tpu.memory_space<hbm>>) target_semaphore(%run_scoped3A : memref<!tpu.dma_semaphore, #tpu.memory_space<semaphore_mem>>)
        %dma_wait3A = arith.constant 10560 : i32
        %dma_wait3A_33 = arith.constant 0 : i32
        %dma_wait3A_34 = tpu.memref_slice %arg8[%arg0, %dma_wait3A, %dma_wait3A_33] : memref<2x11250x128xf32, #tpu.memory_space<hbm>> -> memref<1x690x128xf32, #tpu.memory_space<hbm>>
        %dma_wait3A_35 = tpu.memref_squeeze %dma_wait3A_34 : memref<1x690x128xf32, #tpu.memory_space<hbm>> -> memref<690x128xf32, #tpu.memory_space<hbm>>
        %dma_wait3A_36 = arith.constant 10560 : i32
        %dma_wait3A_37 = arith.constant 0 : i32
        %dma_wait3A_38 = tpu.memref_slice %arg9[%dma_wait3A_36, %dma_wait3A_37] : memref<11250x128xf32, #tpu.memory_space<vmem_shared>> -> memref<690x128xf32, #tpu.memory_space<vmem_shared>>
        tpu.wait_dma2 semaphore(%run_scoped3A : memref<!tpu.dma_semaphore, #tpu.memory_space<semaphore_mem>>) src(%dma_wait3A_38 : memref<690x128xf32, #tpu.memory_space<vmem_shared>>) dst(%dma_wait3A_35 : memref<690x128xf32, #tpu.memory_space<hbm>>)
        tpu.yield
      }) : () -> ()
    } else {
    }
    return
  }
}

module attributes {stable_mosaic.version = 14 : i64} {
  func.func @_pre_body(%arg0: memref<10000x128xf32, #tpu.memory_space<vmem>>, %arg1: memref<1x128xf32, #tpu.memory_space<vmem>>, %arg2: memref<1x128xf32, #tpu.memory_space<vmem>>, %arg3: memref<128x128xf32, #tpu.memory_space<vmem>>, %arg4: memref<1x128xf32, #tpu.memory_space<vmem>>, %arg5: memref<1x128xf32, #tpu.memory_space<vmem>>, %arg6: memref<1x128xf32, #tpu.memory_space<vmem>>, %arg7: memref<128x128xf32, #tpu.memory_space<vmem>>, %arg8: memref<1x128xf32, #tpu.memory_space<vmem>>, %arg9: memref<1x128xf32, #tpu.memory_space<vmem>>, %arg10: memref<1x128xf32, #tpu.memory_space<vmem>>, %arg11: memref<128x128xf32, #tpu.memory_space<vmem>>, %arg12: memref<1x128xf32, #tpu.memory_space<vmem>>, %arg13: memref<1x128xf32, #tpu.memory_space<vmem>>, %arg14: memref<1x128xf32, #tpu.memory_space<vmem>>, %arg15: memref<1x1xf32, #tpu.memory_space<vmem>>, %arg16: memref<1x128xf32, #tpu.memory_space<vmem>>, %arg17: memref<128x128xf32, #tpu.memory_space<vmem>>, %arg18: memref<1x128xf32, #tpu.memory_space<vmem>>, %arg19: memref<1x128xf32, #tpu.memory_space<vmem>>, %arg20: memref<1x128xf32, #tpu.memory_space<vmem>>, %arg21: memref<128x128xf32, #tpu.memory_space<vmem>>, %arg22: memref<1x128xf32, #tpu.memory_space<vmem>>, %arg23: memref<10000x128xf32, #tpu.memory_space<vmem>>, %arg24: memref<10000x128xf32, #tpu.memory_space<vmem>>, %arg25: memref<10000x128xf32, #tpu.memory_space<vmem>>, %arg26: memref<2x128xf32, #tpu.memory_space<vmem>>) attributes {dimension_semantics = [], scalar_prefetch = 0 : i64, scratch_operands = 0 : i64, tpu.core_type = #tpu.core_type<tc>} {
    %get3A = arith.constant 0 : index
    %get3A_0 = arith.constant 0 : index
    %get3A_1 = vector.load %arg0[%get3A, %get3A_0] : memref<10000x128xf32, #tpu.memory_space<vmem>>, vector<10000x128xf32>
    %get3A_2 = arith.constant 0 : index
    %get3A_3 = arith.constant 0 : index
    %get3A_4 = vector.load %arg15[%get3A_2, %get3A_3] : memref<1x1xf32, #tpu.memory_space<vmem>>, vector<1x1xf32>
    %get3A_5 = vector.extract %get3A_4[0, 0] : f32 from vector<1x1xf32>
    %neg3A = arith.constant 0.000000e+00 : f32
    %neg3A_6 = arith.subf %neg3A, %get3A_5 : f32
    %exp3A = math.exp %neg3A_6 : f32
    %add3A = arith.constant 1.000000e+00 : f32
    %add3A_7 = arith.addf %add3A, %exp3A : f32
    %div3A = arith.constant 1.000000e+00 : f32
    %div3A_8 = arith.divf %div3A, %add3A_7 : f32
    %add3A_9 = arith.constant 1.000000e+00 : f32
    %add3A_10 = arith.addf %div3A_8, %add3A_9 : f32
    %div3A_11 = arith.constant 4.000000e+00 : f32
    %div3A_12 = arith.divf %add3A_10, %div3A_11 : f32
    %get3A_13 = arith.constant 0 : index
    %get3A_14 = arith.constant 0 : index
    %get3A_15 = vector.load %arg1[%get3A_13, %get3A_14] : memref<1x128xf32, #tpu.memory_space<vmem>>, vector<1x128xf32>
    %get3A_16 = arith.constant 0 : index
    %get3A_17 = arith.constant 0 : index
    %get3A_18 = vector.load %arg2[%get3A_16, %get3A_17] : memref<1x128xf32, #tpu.memory_space<vmem>>, vector<1x128xf32>
    %reduce_sum3A = arith.constant dense<0.000000e+00> : vector<10000xf32>
    %reduce_sum3A_19 = vector.multi_reduction <add>, %get3A_1, %reduce_sum3A [1] : vector<10000x128xf32> to vector<10000xf32>
    %broadcast_in_dim3A = vector.shape_cast %reduce_sum3A_19 : vector<10000xf32> to vector<10000x1xf32>
    %div3A_20 = arith.constant 1.280000e+02 : f32
    %div3A_21 = vector.broadcast %div3A_20 : f32 to vector<10000x1xf32>
    %div3A_22 = arith.divf %broadcast_in_dim3A, %div3A_21 : vector<10000x1xf32>
    %sub3A = vector.broadcast %div3A_22 : vector<10000x1xf32> to vector<10000x128xf32>
    %sub3A_23 = arith.subf %get3A_1, %sub3A : vector<10000x128xf32>
    %integer_pow3A = arith.mulf %sub3A_23, %sub3A_23 : vector<10000x128xf32>
    %reduce_sum3A_24 = arith.constant dense<0.000000e+00> : vector<10000xf32>
    %reduce_sum3A_25 = vector.multi_reduction <add>, %integer_pow3A, %reduce_sum3A_24 [1] : vector<10000x128xf32> to vector<10000xf32>
    %broadcast_in_dim3A_26 = vector.shape_cast %reduce_sum3A_25 : vector<10000xf32> to vector<10000x1xf32>
    %div3A_27 = arith.constant 1.280000e+02 : f32
    %div3A_28 = vector.broadcast %div3A_27 : f32 to vector<10000x1xf32>
    %div3A_29 = arith.divf %broadcast_in_dim3A_26, %div3A_28 : vector<10000x1xf32>
    %sub3A_30 = vector.broadcast %div3A_22 : vector<10000x1xf32> to vector<10000x128xf32>
    %sub3A_31 = arith.subf %get3A_1, %sub3A_30 : vector<10000x128xf32>
    %add3A_32 = arith.constant 9.99999974E-6 : f32
    %add3A_33 = vector.broadcast %add3A_32 : f32 to vector<10000x1xf32>
    %add3A_34 = arith.addf %div3A_29, %add3A_33 : vector<10000x1xf32>
    %rsqrt3A = math.rsqrt %add3A_34 : vector<10000x1xf32>
    %mul3A = vector.broadcast %rsqrt3A : vector<10000x1xf32> to vector<10000x128xf32>
    %mul3A_35 = arith.mulf %sub3A_31, %mul3A : vector<10000x128xf32>
    %mul3A_36 = vector.broadcast %get3A_15 : vector<1x128xf32> to vector<10000x128xf32>
    %mul3A_37 = arith.mulf %mul3A_35, %mul3A_36 : vector<10000x128xf32>
    %add3A_38 = vector.broadcast %get3A_18 : vector<1x128xf32> to vector<10000x128xf32>
    %add3A_39 = arith.addf %mul3A_37, %add3A_38 : vector<10000x128xf32>
    %get3A_40 = arith.constant 0 : index
    %get3A_41 = arith.constant 0 : index
    %get3A_42 = vector.load %arg3[%get3A_40, %get3A_41] : memref<128x128xf32, #tpu.memory_space<vmem>>, vector<128x128xf32>
    %dot_general3A = arith.constant dense<0.000000e+00> : vector<10000x128xf32>
    %dot_general3A_43 = tpu.matmul %add3A_39, %get3A_42, %dot_general3A {dimension_numbers = #tpu.dot_dimension_numbers<[1], [0], [0], [1], [0, 0, 1, 1], [], []>, transpose_lhs_hint = false} : vector<10000x128xf32>, vector<128x128xf32>, vector<10000x128xf32> -> vector<10000x128xf32>
    %get3A_44 = arith.constant 0 : index
    %get3A_45 = arith.constant 0 : index
    %get3A_46 = vector.load %arg4[%get3A_44, %get3A_45] : memref<1x128xf32, #tpu.memory_space<vmem>>, vector<1x128xf32>
    %add3A_47 = vector.broadcast %get3A_46 : vector<1x128xf32> to vector<10000x128xf32>
    %add3A_48 = arith.addf %dot_general3A_43, %add3A_47 : vector<10000x128xf32>
    %mul3A_49 = vector.broadcast %div3A_12 : f32 to vector<10000x128xf32>
    %mul3A_50 = arith.mulf %add3A_48, %mul3A_49 : vector<10000x128xf32>
    %swap3A = arith.constant 0 : index
    %swap3A_51 = arith.constant 0 : index
    %swap3A_52 = vector.load %arg23[%swap3A, %swap3A_51] : memref<10000x128xf32, #tpu.memory_space<vmem>>, vector<10000x128xf32>
    tpu.vector_store %arg23[%swap3A, %swap3A_51], %mul3A_50 {strides = array<i32>} : memref<10000x128xf32, #tpu.memory_space<vmem>>, vector<10000x128xf32>,
    %get3A_53 = arith.constant 0 : index
    %get3A_54 = arith.constant 0 : index
    %get3A_55 = vector.load %arg5[%get3A_53, %get3A_54] : memref<1x128xf32, #tpu.memory_space<vmem>>, vector<1x128xf32>
    %get3A_56 = arith.constant 0 : index
    %get3A_57 = arith.constant 0 : index
    %get3A_58 = vector.load %arg6[%get3A_56, %get3A_57] : memref<1x128xf32, #tpu.memory_space<vmem>>, vector<1x128xf32>
    %reduce_sum3A_59 = arith.constant dense<0.000000e+00> : vector<10000xf32>
    %reduce_sum3A_60 = vector.multi_reduction <add>, %get3A_1, %reduce_sum3A_59 [1] : vector<10000x128xf32> to vector<10000xf32>
    %broadcast_in_dim3A_61 = vector.shape_cast %reduce_sum3A_60 : vector<10000xf32> to vector<10000x1xf32>
    %div3A_62 = arith.constant 1.280000e+02 : f32
    %div3A_63 = vector.broadcast %div3A_62 : f32 to vector<10000x1xf32>
    %div3A_64 = arith.divf %broadcast_in_dim3A_61, %div3A_63 : vector<10000x1xf32>
    %sub3A_65 = vector.broadcast %div3A_64 : vector<10000x1xf32> to vector<10000x128xf32>
    %sub3A_66 = arith.subf %get3A_1, %sub3A_65 : vector<10000x128xf32>
    %integer_pow3A_67 = arith.mulf %sub3A_66, %sub3A_66 : vector<10000x128xf32>
    %reduce_sum3A_68 = arith.constant dense<0.000000e+00> : vector<10000xf32>
    %reduce_sum3A_69 = vector.multi_reduction <add>, %integer_pow3A_67, %reduce_sum3A_68 [1] : vector<10000x128xf32> to vector<10000xf32>
    %broadcast_in_dim3A_70 = vector.shape_cast %reduce_sum3A_69 : vector<10000xf32> to vector<10000x1xf32>
    %div3A_71 = arith.constant 1.280000e+02 : f32
    %div3A_72 = vector.broadcast %div3A_71 : f32 to vector<10000x1xf32>
    %div3A_73 = arith.divf %broadcast_in_dim3A_70, %div3A_72 : vector<10000x1xf32>
    %sub3A_74 = vector.broadcast %div3A_64 : vector<10000x1xf32> to vector<10000x128xf32>
    %sub3A_75 = arith.subf %get3A_1, %sub3A_74 : vector<10000x128xf32>
    %add3A_76 = arith.constant 9.99999974E-6 : f32
    %add3A_77 = vector.broadcast %add3A_76 : f32 to vector<10000x1xf32>
    %add3A_78 = arith.addf %div3A_73, %add3A_77 : vector<10000x1xf32>
    %rsqrt3A_79 = math.rsqrt %add3A_78 : vector<10000x1xf32>
    %mul3A_80 = vector.broadcast %rsqrt3A_79 : vector<10000x1xf32> to vector<10000x128xf32>
    %mul3A_81 = arith.mulf %sub3A_75, %mul3A_80 : vector<10000x128xf32>
    %mul3A_82 = vector.broadcast %get3A_55 : vector<1x128xf32> to vector<10000x128xf32>
    %mul3A_83 = arith.mulf %mul3A_81, %mul3A_82 : vector<10000x128xf32>
    %add3A_84 = vector.broadcast %get3A_58 : vector<1x128xf32> to vector<10000x128xf32>
    %add3A_85 = arith.addf %mul3A_83, %add3A_84 : vector<10000x128xf32>
    %get3A_86 = arith.constant 0 : index
    %get3A_87 = arith.constant 0 : index
    %get3A_88 = vector.load %arg7[%get3A_86, %get3A_87] : memref<128x128xf32, #tpu.memory_space<vmem>>, vector<128x128xf32>
    %dot_general3A_89 = arith.constant dense<0.000000e+00> : vector<10000x128xf32>
    %dot_general3A_90 = tpu.matmul %add3A_85, %get3A_88, %dot_general3A_89 {dimension_numbers = #tpu.dot_dimension_numbers<[1], [0], [0], [1], [0, 0, 1, 1], [], []>, transpose_lhs_hint = false} : vector<10000x128xf32>, vector<128x128xf32>, vector<10000x128xf32> -> vector<10000x128xf32>
    %get3A_91 = arith.constant 0 : index
    %get3A_92 = arith.constant 0 : index
    %get3A_93 = vector.load %arg8[%get3A_91, %get3A_92] : memref<1x128xf32, #tpu.memory_space<vmem>>, vector<1x128xf32>
    %add3A_94 = vector.broadcast %get3A_93 : vector<1x128xf32> to vector<10000x128xf32>
    %add3A_95 = arith.addf %dot_general3A_90, %add3A_94 : vector<10000x128xf32>
    %get3A_96 = arith.constant 0 : index
    %get3A_97 = arith.constant 0 : index
    %get3A_98 = vector.load %arg13[%get3A_96, %get3A_97] : memref<1x128xf32, #tpu.memory_space<vmem>>, vector<1x128xf32>
    %add3A_99 = vector.broadcast %get3A_98 : vector<1x128xf32> to vector<10000x128xf32>
    %add3A_100 = arith.addf %add3A_95, %add3A_99 : vector<10000x128xf32>
    %swap3A_101 = arith.constant 0 : index
    %swap3A_102 = arith.constant 0 : index
    %swap3A_103 = vector.load %arg24[%swap3A_101, %swap3A_102] : memref<10000x128xf32, #tpu.memory_space<vmem>>, vector<10000x128xf32>
    tpu.vector_store %arg24[%swap3A_101, %swap3A_102], %add3A_100 {strides = array<i32>} : memref<10000x128xf32, #tpu.memory_space<vmem>>, vector<10000x128xf32>,
    %get3A_104 = arith.constant 0 : index
    %get3A_105 = arith.constant 0 : index
    %get3A_106 = vector.load %arg9[%get3A_104, %get3A_105] : memref<1x128xf32, #tpu.memory_space<vmem>>, vector<1x128xf32>
    %get3A_107 = arith.constant 0 : index
    %get3A_108 = arith.constant 0 : index
    %get3A_109 = vector.load %arg10[%get3A_107, %get3A_108] : memref<1x128xf32, #tpu.memory_space<vmem>>, vector<1x128xf32>
    %reduce_sum3A_110 = arith.constant dense<0.000000e+00> : vector<10000xf32>
    %reduce_sum3A_111 = vector.multi_reduction <add>, %get3A_1, %reduce_sum3A_110 [1] : vector<10000x128xf32> to vector<10000xf32>
    %broadcast_in_dim3A_112 = vector.shape_cast %reduce_sum3A_111 : vector<10000xf32> to vector<10000x1xf32>
    %div3A_113 = arith.constant 1.280000e+02 : f32
    %div3A_114 = vector.broadcast %div3A_113 : f32 to vector<10000x1xf32>
    %div3A_115 = arith.divf %broadcast_in_dim3A_112, %div3A_114 : vector<10000x1xf32>
    %sub3A_116 = vector.broadcast %div3A_115 : vector<10000x1xf32> to vector<10000x128xf32>
    %sub3A_117 = arith.subf %get3A_1, %sub3A_116 : vector<10000x128xf32>
    %integer_pow3A_118 = arith.mulf %sub3A_117, %sub3A_117 : vector<10000x128xf32>
    %reduce_sum3A_119 = arith.constant dense<0.000000e+00> : vector<10000xf32>
    %reduce_sum3A_120 = vector.multi_reduction <add>, %integer_pow3A_118, %reduce_sum3A_119 [1] : vector<10000x128xf32> to vector<10000xf32>
    %broadcast_in_dim3A_121 = vector.shape_cast %reduce_sum3A_120 : vector<10000xf32> to vector<10000x1xf32>
    %div3A_122 = arith.constant 1.280000e+02 : f32
    %div3A_123 = vector.broadcast %div3A_122 : f32 to vector<10000x1xf32>
    %div3A_124 = arith.divf %broadcast_in_dim3A_121, %div3A_123 : vector<10000x1xf32>
    %sub3A_125 = vector.broadcast %div3A_115 : vector<10000x1xf32> to vector<10000x128xf32>
    %sub3A_126 = arith.subf %get3A_1, %sub3A_125 : vector<10000x128xf32>
    %add3A_127 = arith.constant 9.99999974E-6 : f32
    %add3A_128 = vector.broadcast %add3A_127 : f32 to vector<10000x1xf32>
    %add3A_129 = arith.addf %div3A_124, %add3A_128 : vector<10000x1xf32>
    %rsqrt3A_130 = math.rsqrt %add3A_129 : vector<10000x1xf32>
    %mul3A_131 = vector.broadcast %rsqrt3A_130 : vector<10000x1xf32> to vector<10000x128xf32>
    %mul3A_132 = arith.mulf %sub3A_126, %mul3A_131 : vector<10000x128xf32>
    %mul3A_133 = vector.broadcast %get3A_106 : vector<1x128xf32> to vector<10000x128xf32>
    %mul3A_134 = arith.mulf %mul3A_132, %mul3A_133 : vector<10000x128xf32>
    %add3A_135 = vector.broadcast %get3A_109 : vector<1x128xf32> to vector<10000x128xf32>
    %add3A_136 = arith.addf %mul3A_134, %add3A_135 : vector<10000x128xf32>
    %get3A_137 = arith.constant 0 : index
    %get3A_138 = arith.constant 0 : index
    %get3A_139 = vector.load %arg11[%get3A_137, %get3A_138] : memref<128x128xf32, #tpu.memory_space<vmem>>, vector<128x128xf32>
    %dot_general3A_140 = arith.constant dense<0.000000e+00> : vector<10000x128xf32>
    %dot_general3A_141 = tpu.matmul %add3A_136, %get3A_139, %dot_general3A_140 {dimension_numbers = #tpu.dot_dimension_numbers<[1], [0], [0], [1], [0, 0, 1, 1], [], []>, transpose_lhs_hint = false} : vector<10000x128xf32>, vector<128x128xf32>, vector<10000x128xf32> -> vector<10000x128xf32>
    %get3A_142 = arith.constant 0 : index
    %get3A_143 = arith.constant 0 : index
    %get3A_144 = vector.load %arg12[%get3A_142, %get3A_143] : memref<1x128xf32, #tpu.memory_space<vmem>>, vector<1x128xf32>
    %add3A_145 = vector.broadcast %get3A_144 : vector<1x128xf32> to vector<10000x128xf32>
    %add3A_146 = arith.addf %dot_general3A_141, %add3A_145 : vector<10000x128xf32>
    %get3A_147 = arith.constant 0 : index
    %get3A_148 = arith.constant 0 : index
    %get3A_149 = vector.load %arg14[%get3A_147, %get3A_148] : memref<1x128xf32, #tpu.memory_space<vmem>>, vector<1x128xf32>
    %add3A_150 = vector.broadcast %get3A_149 : vector<1x128xf32> to vector<10000x128xf32>
    %add3A_151 = arith.addf %add3A_146, %add3A_150 : vector<10000x128xf32>
    %swap3A_152 = arith.constant 0 : index
    %swap3A_153 = arith.constant 0 : index
    %swap3A_154 = vector.load %arg25[%swap3A_152, %swap3A_153] : memref<10000x128xf32, #tpu.memory_space<vmem>>, vector<10000x128xf32>
    tpu.vector_store %arg25[%swap3A_152, %swap3A_153], %add3A_151 {strides = array<i32>} : memref<10000x128xf32, #tpu.memory_space<vmem>>, vector<10000x128xf32>,
    %get3A_155 = arith.constant 0 : index
    %get3A_156 = arith.constant 0 : index
    %get3A_157 = vector.load %arg16[%get3A_155, %get3A_156] : memref<1x128xf32, #tpu.memory_space<vmem>>, vector<1x128xf32>
    %get3A_158 = arith.constant 0 : index
    %get3A_159 = arith.constant 0 : index
    %get3A_160 = vector.load %arg17[%get3A_158, %get3A_159] : memref<128x128xf32, #tpu.memory_space<vmem>>, vector<128x128xf32>
    %dot_general3A_161 = arith.constant dense<0.000000e+00> : vector<1x128xf32>
    %dot_general3A_162 = tpu.matmul %get3A_157, %get3A_160, %dot_general3A_161 {dimension_numbers = #tpu.dot_dimension_numbers<[1], [0], [0], [1], [0, 0, 1, 1], [], []>, transpose_lhs_hint = false} : vector<1x128xf32>, vector<128x128xf32>, vector<1x128xf32> -> vector<1x128xf32>
    %get3A_163 = arith.constant 0 : index
    %get3A_164 = arith.constant 0 : index
    %get3A_165 = vector.load %arg18[%get3A_163, %get3A_164] : memref<1x128xf32, #tpu.memory_space<vmem>>, vector<1x128xf32>
    %add3A_166 = arith.addf %dot_general3A_162, %get3A_165 : vector<1x128xf32>
    %reduce_sum3A_167 = arith.constant dense<0.000000e+00> : vector<128xf32>
    %reduce_sum3A_168 = vector.multi_reduction <add>, %get3A_1, %reduce_sum3A_167 [0] : vector<10000x128xf32> to vector<128xf32>
    %broadcast_in_dim3A_169 = vector.shape_cast %reduce_sum3A_168 : vector<128xf32> to vector<1x128xf32>
    %div3A_170 = arith.constant 1.000000e+04 : f32
    %div3A_171 = vector.broadcast %div3A_170 : f32 to vector<1x128xf32>
    %div3A_172 = arith.divf %broadcast_in_dim3A_169, %div3A_171 : vector<1x128xf32>
    %get3A_173 = arith.constant 0 : index
    %get3A_174 = arith.constant 0 : index
    %get3A_175 = vector.load %arg19[%get3A_173, %get3A_174] : memref<1x128xf32, #tpu.memory_space<vmem>>, vector<1x128xf32>
    %get3A_176 = arith.constant 0 : index
    %get3A_177 = arith.constant 0 : index
    %get3A_178 = vector.load %arg20[%get3A_176, %get3A_177] : memref<1x128xf32, #tpu.memory_space<vmem>>, vector<1x128xf32>
    %reduce_sum3A_179 = arith.constant dense<0.000000e+00> : vector<1xf32>
    %reduce_sum3A_180 = vector.multi_reduction <add>, %div3A_172, %reduce_sum3A_179 [1] : vector<1x128xf32> to vector<1xf32>
    %broadcast_in_dim3A_181 = vector.shape_cast %reduce_sum3A_180 : vector<1xf32> to vector<1x1xf32>
    %div3A_182 = arith.constant 1.280000e+02 : f32
    %div3A_183 = vector.broadcast %div3A_182 : f32 to vector<1x1xf32>
    %div3A_184 = arith.divf %broadcast_in_dim3A_181, %div3A_183 : vector<1x1xf32>
    %sub3A_185 = vector.broadcast %div3A_184 : vector<1x1xf32> to vector<1x128xf32>
    %sub3A_186 = arith.subf %div3A_172, %sub3A_185 : vector<1x128xf32>
    %integer_pow3A_187 = arith.mulf %sub3A_186, %sub3A_186 : vector<1x128xf32>
    %reduce_sum3A_188 = arith.constant dense<0.000000e+00> : vector<1xf32>
    %reduce_sum3A_189 = vector.multi_reduction <add>, %integer_pow3A_187, %reduce_sum3A_188 [1] : vector<1x128xf32> to vector<1xf32>
    %broadcast_in_dim3A_190 = vector.shape_cast %reduce_sum3A_189 : vector<1xf32> to vector<1x1xf32>
    %div3A_191 = arith.constant 1.280000e+02 : f32
    %div3A_192 = vector.broadcast %div3A_191 : f32 to vector<1x1xf32>
    %div3A_193 = arith.divf %broadcast_in_dim3A_190, %div3A_192 : vector<1x1xf32>
    %sub3A_194 = vector.broadcast %div3A_184 : vector<1x1xf32> to vector<1x128xf32>
    %sub3A_195 = arith.subf %div3A_172, %sub3A_194 : vector<1x128xf32>
    %add3A_196 = arith.constant 9.99999974E-6 : f32
    %add3A_197 = vector.broadcast %add3A_196 : f32 to vector<1x1xf32>
    %add3A_198 = arith.addf %div3A_193, %add3A_197 : vector<1x1xf32>
    %rsqrt3A_199 = math.rsqrt %add3A_198 : vector<1x1xf32>
    %mul3A_200 = vector.broadcast %rsqrt3A_199 : vector<1x1xf32> to vector<1x128xf32>
    %mul3A_201 = arith.mulf %sub3A_195, %mul3A_200 : vector<1x128xf32>
    %mul3A_202 = arith.mulf %mul3A_201, %get3A_175 : vector<1x128xf32>
    %add3A_203 = arith.addf %mul3A_202, %get3A_178 : vector<1x128xf32>
    %get3A_204 = arith.constant 0 : index
    %get3A_205 = arith.constant 0 : index
    %get3A_206 = vector.load %arg21[%get3A_204, %get3A_205] : memref<128x128xf32, #tpu.memory_space<vmem>>, vector<128x128xf32>
    %dot_general3A_207 = arith.constant dense<0.000000e+00> : vector<1x128xf32>
    %dot_general3A_208 = tpu.matmul %add3A_203, %get3A_206, %dot_general3A_207 {dimension_numbers = #tpu.dot_dimension_numbers<[1], [0], [0], [1], [0, 0, 1, 1], [], []>, transpose_lhs_hint = false} : vector<1x128xf32>, vector<128x128xf32>, vector<1x128xf32> -> vector<1x128xf32>
    %get3A_209 = arith.constant 0 : index
    %get3A_210 = arith.constant 0 : index
    %get3A_211 = vector.load %arg22[%get3A_209, %get3A_210] : memref<1x128xf32, #tpu.memory_space<vmem>>, vector<1x128xf32>
    %add3A_212 = arith.addf %dot_general3A_208, %get3A_211 : vector<1x128xf32>
    %concatenate3A = tpu.concatenate %add3A_166, %add3A_212 in 0 : vector<1x128xf32>, vector<1x128xf32> -> vector<2x128xf32>
    %swap3A_213 = arith.constant 0 : index
    %swap3A_214 = arith.constant 0 : index
    %swap3A_215 = vector.load %arg26[%swap3A_213, %swap3A_214] : memref<2x128xf32, #tpu.memory_space<vmem>>, vector<2x128xf32>
    tpu.vector_store %arg26[%swap3A_213, %swap3A_214], %concatenate3A {strides = array<i32>} : memref<2x128xf32, #tpu.memory_space<vmem>>, vector<2x128xf32>,
    return
  }
}

module attributes {stable_mosaic.version = 14 : i64} {
  func.func @_post_body(%arg0: i32, %arg1: memref<2000x128xf32, #tpu.memory_space<vmem>>, %arg2: memref<2000x128xf32, #tpu.memory_space<vmem>>, %arg3: memref<2000x128xf32, #tpu.memory_space<vmem>>, %arg4: memref<2000x16xf32, #tpu.memory_space<vmem>>, %arg5: memref<2000x16xf32, #tpu.memory_space<vmem>>, %arg6: memref<2x128xf32, #tpu.memory_space<vmem>>, %arg7: memref<1x128xf32, #tpu.memory_space<vmem>>, %arg8: memref<1x128xf32, #tpu.memory_space<vmem>>, %arg9: memref<128x128xf32, #tpu.memory_space<vmem>>, %arg10: memref<1x128xf32, #tpu.memory_space<vmem>>, %arg11: memref<128x128xf32, #tpu.memory_space<vmem>>, %arg12: memref<1x128xf32, #tpu.memory_space<vmem>>, %arg13: memref<512x128xf32, #tpu.memory_space<vmem>>, %arg14: memref<1x128xf32, #tpu.memory_space<vmem>>, %arg15: memref<128x4xf32, #tpu.memory_space<vmem>>, %arg16: memref<1x4xf32, #tpu.memory_space<vmem>>, %arg17: memref<1x128xf32, #tpu.memory_space<vmem>>, %arg18: memref<1x128xf32, #tpu.memory_space<vmem>>, %arg19: memref<128x512xf32, #tpu.memory_space<vmem>>, %arg20: memref<1x512xf32, #tpu.memory_space<vmem>>, %arg21: memref<512x128xf32, #tpu.memory_space<vmem>>, %arg22: memref<1x128xf32, #tpu.memory_space<vmem>>, %arg23: memref<1x128xf32, #tpu.memory_space<vmem>>, %arg24: memref<1x128xf32, #tpu.memory_space<vmem>>, %arg25: memref<1x128xf32, #tpu.memory_space<vmem>>, %arg26: memref<1x128xf32, #tpu.memory_space<vmem>>, %arg27: memref<2000x128xf32, #tpu.memory_space<vmem>>) attributes {dimension_semantics = [#tpu.dimension_semantics<arbitrary>], iteration_bounds = array<i64: 5>, scalar_prefetch = 0 : i64, scratch_operands = 0 : i64, tpu.core_type = #tpu.core_type<tc>, window_params = [{transform_indices = @transform_0, window_bounds = array<i64: 2000, 128>}, {transform_indices = @transform_1, window_bounds = array<i64: 2000, 128>}, {transform_indices = @transform_2, window_bounds = array<i64: 2000, 128>}, {transform_indices = @transform_3, window_bounds = array<i64: 2000, 16>}, {transform_indices = @transform_4, window_bounds = array<i64: 2000, 16>}, {pipeline_mode = #tpu.pipeline_mode<synchronous>, transform_indices = @transform_5, window_bounds = array<i64: 2, 128>}, {pipeline_mode = #tpu.pipeline_mode<synchronous>, transform_indices = @transform_6, window_bounds = array<i64: 1, 128>}, {pipeline_mode = #tpu.pipeline_mode<synchronous>, transform_indices = @transform_7, window_bounds = array<i64: 1, 128>}, {pipeline_mode = #tpu.pipeline_mode<synchronous>, transform_indices = @transform_8, window_bounds = array<i64: 128, 128>}, {pipeline_mode = #tpu.pipeline_mode<synchronous>, transform_indices = @transform_9, window_bounds = array<i64: 1, 128>}, {pipeline_mode = #tpu.pipeline_mode<synchronous>, transform_indices = @transform_10, window_bounds = array<i64: 128, 128>}, {pipeline_mode = #tpu.pipeline_mode<synchronous>, transform_indices = @transform_11, window_bounds = array<i64: 1, 128>}, {pipeline_mode = #tpu.pipeline_mode<synchronous>, transform_indices = @transform_12, window_bounds = array<i64: 512, 128>}, {pipeline_mode = #tpu.pipeline_mode<synchronous>, transform_indices = @transform_13, window_bounds = array<i64: 1, 128>}, {pipeline_mode = #tpu.pipeline_mode<synchronous>, transform_indices = @transform_14, window_bounds = array<i64: 128, 4>}, {pipeline_mode = #tpu.pipeline_mode<synchronous>, transform_indices = @transform_15, window_bounds = array<i64: 1, 4>}, {pipeline_mode = #tpu.pipeline_mode<synchronous>, transform_indices = @transform_16, window_bounds = array<i64: 1, 128>}, {pipeline_mode = #tpu.pipeline_mode<synchronous>, transform_indices = @transform_17, window_bounds = array<i64: 1, 128>}, {pipeline_mode = #tpu.pipeline_mode<synchronous>, transform_indices = @transform_18, window_bounds = array<i64: 128, 512>}, {pipeline_mode = #tpu.pipeline_mode<synchronous>, transform_indices = @transform_19, window_bounds = array<i64: 1, 512>}, {pipeline_mode = #tpu.pipeline_mode<synchronous>, transform_indices = @transform_20, window_bounds = array<i64: 512, 128>}, {pipeline_mode = #tpu.pipeline_mode<synchronous>, transform_indices = @transform_21, window_bounds = array<i64: 1, 128>}, {pipeline_mode = #tpu.pipeline_mode<synchronous>, transform_indices = @transform_22, window_bounds = array<i64: 1, 128>}, {pipeline_mode = #tpu.pipeline_mode<synchronous>, transform_indices = @transform_23, window_bounds = array<i64: 1, 128>}, {pipeline_mode = #tpu.pipeline_mode<synchronous>, transform_indices = @transform_24, window_bounds = array<i64: 1, 128>}, {pipeline_mode = #tpu.pipeline_mode<synchronous>, transform_indices = @transform_25, window_bounds = array<i64: 1, 128>}, {transform_indices = @transform_26, window_bounds = array<i64: 2000, 128>}]} {
    %get3A = arith.constant 0 : index
    %get3A_0 = arith.constant 0 : index
    %get3A_1 = vector.load %arg1[%get3A, %get3A_0] : memref<2000x128xf32, #tpu.memory_space<vmem>>, vector<2000x128xf32>
    %get3A_2 = arith.constant 0 : index
    %get3A_3 = arith.constant 0 : index
    %get3A_4 = vector.load %arg2[%get3A_2, %get3A_3] : memref<2000x128xf32, #tpu.memory_space<vmem>>, vector<2000x128xf32>
    %get3A_5 = arith.constant 0 : index
    %get3A_6 = arith.constant 0 : index
    %get3A_7 = vector.load %arg3[%get3A_5, %get3A_6] : memref<2000x128xf32, #tpu.memory_space<vmem>>, vector<2000x128xf32>
    %add3A = arith.addf %get3A_4, %get3A_7 : vector<2000x128xf32>
    %get3A_8 = arith.constant 0 : index
    %get3A_9 = arith.constant 0 : index
    %get3A_10 = vector.load %arg4[%get3A_8, %get3A_9] : memref<2000x16xf32, #tpu.memory_space<vmem>>, vector<2000x16xf32>
    %get3A_11 = arith.constant 0 : index
    %get3A_12 = arith.constant 0 : index
    %get3A_13 = vector.load %arg5[%get3A_11, %get3A_12] : memref<2000x16xf32, #tpu.memory_space<vmem>>, vector<2000x16xf32>
    %add3A_14 = arith.addf %get3A_10, %get3A_13 : vector<2000x16xf32>
    %slice3A = vector.extract_strided_slice %add3A_14 {offsets = [0, 0], sizes = [2000, 1], strides = [1, 1]} : vector<2000x16xf32> to vector<2000x1xf32>
    %gt3A = arith.constant 0.000000e+00 : f32
    %gt3A_15 = vector.broadcast %gt3A : f32 to vector<2000x1xf32>
    %gt3A_16 = arith.cmpf ogt, %slice3A, %gt3A_15 : vector<2000x1xf32>
    %slice3A_17 = vector.extract_strided_slice %add3A {offsets = [0, 0], sizes = [2000, 16], strides = [1, 1]} : vector<2000x128xf32> to vector<2000x16xf32>
    %div3A = vector.broadcast %slice3A : vector<2000x1xf32> to vector<2000x16xf32>
    %div3A_18 = arith.divf %slice3A_17, %div3A : vector<2000x16xf32>
    %jit3A = arith.constant 0.000000e+00 : f32
    %broadcast_in_dim3A = vector.shape_cast %gt3A_16 : vector<2000x1xi1> to vector<2000x1xi1>
    %broadcast_in_dim3A_19 = vector.broadcast %broadcast_in_dim3A : vector<2000x1xi1> to vector<2000x16xi1>
    %broadcast_in_dim3A_20 = vector.broadcast %jit3A : f32 to vector<2000x16xf32>
    %select_n3A = arith.select %broadcast_in_dim3A_19, %div3A_18, %broadcast_in_dim3A_20 : vector<2000x16xi1>, vector<2000x16xf32>
    %slice3A_21 = vector.extract_strided_slice %add3A_14 {offsets = [0, 1], sizes = [2000, 1], strides = [1, 1]} : vector<2000x16xf32> to vector<2000x1xf32>
    %gt3A_22 = arith.constant 0.000000e+00 : f32
    %gt3A_23 = vector.broadcast %gt3A_22 : f32 to vector<2000x1xf32>
    %gt3A_24 = arith.cmpf ogt, %slice3A_21, %gt3A_23 : vector<2000x1xf32>
    %slice3A_25 = vector.extract_strided_slice %add3A {offsets = [0, 16], sizes = [2000, 16], strides = [1, 1]} : vector<2000x128xf32> to vector<2000x16xf32>
    %div3A_26 = vector.broadcast %slice3A_21 : vector<2000x1xf32> to vector<2000x16xf32>
    %div3A_27 = arith.divf %slice3A_25, %div3A_26 : vector<2000x16xf32>
    %jit3A_28 = arith.constant 0.000000e+00 : f32
    %broadcast_in_dim3A_29 = vector.shape_cast %gt3A_24 : vector<2000x1xi1> to vector<2000x1xi1>
    %broadcast_in_dim3A_30 = vector.broadcast %broadcast_in_dim3A_29 : vector<2000x1xi1> to vector<2000x16xi1>
    %broadcast_in_dim3A_31 = vector.broadcast %jit3A_28 : f32 to vector<2000x16xf32>
    %select_n3A_32 = arith.select %broadcast_in_dim3A_30, %div3A_27, %broadcast_in_dim3A_31 : vector<2000x16xi1>, vector<2000x16xf32>
    %slice3A_33 = vector.extract_strided_slice %add3A_14 {offsets = [0, 2], sizes = [2000, 1], strides = [1, 1]} : vector<2000x16xf32> to vector<2000x1xf32>
    %gt3A_34 = arith.constant 0.000000e+00 : f32
    %gt3A_35 = vector.broadcast %gt3A_34 : f32 to vector<2000x1xf32>
    %gt3A_36 = arith.cmpf ogt, %slice3A_33, %gt3A_35 : vector<2000x1xf32>
    %slice3A_37 = vector.extract_strided_slice %add3A {offsets = [0, 32], sizes = [2000, 16], strides = [1, 1]} : vector<2000x128xf32> to vector<2000x16xf32>
    %div3A_38 = vector.broadcast %slice3A_33 : vector<2000x1xf32> to vector<2000x16xf32>
    %div3A_39 = arith.divf %slice3A_37, %div3A_38 : vector<2000x16xf32>
    %jit3A_40 = arith.constant 0.000000e+00 : f32
    %broadcast_in_dim3A_41 = vector.shape_cast %gt3A_36 : vector<2000x1xi1> to vector<2000x1xi1>
    %broadcast_in_dim3A_42 = vector.broadcast %broadcast_in_dim3A_41 : vector<2000x1xi1> to vector<2000x16xi1>
    %broadcast_in_dim3A_43 = vector.broadcast %jit3A_40 : f32 to vector<2000x16xf32>
    %select_n3A_44 = arith.select %broadcast_in_dim3A_42, %div3A_39, %broadcast_in_dim3A_43 : vector<2000x16xi1>, vector<2000x16xf32>
    %slice3A_45 = vector.extract_strided_slice %add3A_14 {offsets = [0, 3], sizes = [2000, 1], strides = [1, 1]} : vector<2000x16xf32> to vector<2000x1xf32>
    %gt3A_46 = arith.constant 0.000000e+00 : f32
    %gt3A_47 = vector.broadcast %gt3A_46 : f32 to vector<2000x1xf32>
    %gt3A_48 = arith.cmpf ogt, %slice3A_45, %gt3A_47 : vector<2000x1xf32>
    %slice3A_49 = vector.extract_strided_slice %add3A {offsets = [0, 48], sizes = [2000, 16], strides = [1, 1]} : vector<2000x128xf32> to vector<2000x16xf32>
    %div3A_50 = vector.broadcast %slice3A_45 : vector<2000x1xf32> to vector<2000x16xf32>
    %div3A_51 = arith.divf %slice3A_49, %div3A_50 : vector<2000x16xf32>
    %jit3A_52 = arith.constant 0.000000e+00 : f32
    %broadcast_in_dim3A_53 = vector.shape_cast %gt3A_48 : vector<2000x1xi1> to vector<2000x1xi1>
    %broadcast_in_dim3A_54 = vector.broadcast %broadcast_in_dim3A_53 : vector<2000x1xi1> to vector<2000x16xi1>
    %broadcast_in_dim3A_55 = vector.broadcast %jit3A_52 : f32 to vector<2000x16xf32>
    %select_n3A_56 = arith.select %broadcast_in_dim3A_54, %div3A_51, %broadcast_in_dim3A_55 : vector<2000x16xi1>, vector<2000x16xf32>
    %slice3A_57 = vector.extract_strided_slice %add3A_14 {offsets = [0, 4], sizes = [2000, 1], strides = [1, 1]} : vector<2000x16xf32> to vector<2000x1xf32>
    %gt3A_58 = arith.constant 0.000000e+00 : f32
    %gt3A_59 = vector.broadcast %gt3A_58 : f32 to vector<2000x1xf32>
    %gt3A_60 = arith.cmpf ogt, %slice3A_57, %gt3A_59 : vector<2000x1xf32>
    %slice3A_61 = vector.extract_strided_slice %add3A {offsets = [0, 64], sizes = [2000, 16], strides = [1, 1]} : vector<2000x128xf32> to vector<2000x16xf32>
    %div3A_62 = vector.broadcast %slice3A_57 : vector<2000x1xf32> to vector<2000x16xf32>
    %div3A_63 = arith.divf %slice3A_61, %div3A_62 : vector<2000x16xf32>
    %jit3A_64 = arith.constant 0.000000e+00 : f32
    %broadcast_in_dim3A_65 = vector.shape_cast %gt3A_60 : vector<2000x1xi1> to vector<2000x1xi1>
    %broadcast_in_dim3A_66 = vector.broadcast %broadcast_in_dim3A_65 : vector<2000x1xi1> to vector<2000x16xi1>
    %broadcast_in_dim3A_67 = vector.broadcast %jit3A_64 : f32 to vector<2000x16xf32>
    %select_n3A_68 = arith.select %broadcast_in_dim3A_66, %div3A_63, %broadcast_in_dim3A_67 : vector<2000x16xi1>, vector<2000x16xf32>
    %slice3A_69 = vector.extract_strided_slice %add3A_14 {offsets = [0, 5], sizes = [2000, 1], strides = [1, 1]} : vector<2000x16xf32> to vector<2000x1xf32>
    %gt3A_70 = arith.constant 0.000000e+00 : f32
    %gt3A_71 = vector.broadcast %gt3A_70 : f32 to vector<2000x1xf32>
    %gt3A_72 = arith.cmpf ogt, %slice3A_69, %gt3A_71 : vector<2000x1xf32>
    %slice3A_73 = vector.extract_strided_slice %add3A {offsets = [0, 80], sizes = [2000, 16], strides = [1, 1]} : vector<2000x128xf32> to vector<2000x16xf32>
    %div3A_74 = vector.broadcast %slice3A_69 : vector<2000x1xf32> to vector<2000x16xf32>
    %div3A_75 = arith.divf %slice3A_73, %div3A_74 : vector<2000x16xf32>
    %jit3A_76 = arith.constant 0.000000e+00 : f32
    %broadcast_in_dim3A_77 = vector.shape_cast %gt3A_72 : vector<2000x1xi1> to vector<2000x1xi1>
    %broadcast_in_dim3A_78 = vector.broadcast %broadcast_in_dim3A_77 : vector<2000x1xi1> to vector<2000x16xi1>
    %broadcast_in_dim3A_79 = vector.broadcast %jit3A_76 : f32 to vector<2000x16xf32>
    %select_n3A_80 = arith.select %broadcast_in_dim3A_78, %div3A_75, %broadcast_in_dim3A_79 : vector<2000x16xi1>, vector<2000x16xf32>
    %slice3A_81 = vector.extract_strided_slice %add3A_14 {offsets = [0, 6], sizes = [2000, 1], strides = [1, 1]} : vector<2000x16xf32> to vector<2000x1xf32>
    %gt3A_82 = arith.constant 0.000000e+00 : f32
    %gt3A_83 = vector.broadcast %gt3A_82 : f32 to vector<2000x1xf32>
    %gt3A_84 = arith.cmpf ogt, %slice3A_81, %gt3A_83 : vector<2000x1xf32>
    %slice3A_85 = vector.extract_strided_slice %add3A {offsets = [0, 96], sizes = [2000, 16], strides = [1, 1]} : vector<2000x128xf32> to vector<2000x16xf32>
    %div3A_86 = vector.broadcast %slice3A_81 : vector<2000x1xf32> to vector<2000x16xf32>
    %div3A_87 = arith.divf %slice3A_85, %div3A_86 : vector<2000x16xf32>
    %jit3A_88 = arith.constant 0.000000e+00 : f32
    %broadcast_in_dim3A_89 = vector.shape_cast %gt3A_84 : vector<2000x1xi1> to vector<2000x1xi1>
    %broadcast_in_dim3A_90 = vector.broadcast %broadcast_in_dim3A_89 : vector<2000x1xi1> to vector<2000x16xi1>
    %broadcast_in_dim3A_91 = vector.broadcast %jit3A_88 : f32 to vector<2000x16xf32>
    %select_n3A_92 = arith.select %broadcast_in_dim3A_90, %div3A_87, %broadcast_in_dim3A_91 : vector<2000x16xi1>, vector<2000x16xf32>
    %slice3A_93 = vector.extract_strided_slice %add3A_14 {offsets = [0, 7], sizes = [2000, 1], strides = [1, 1]} : vector<2000x16xf32> to vector<2000x1xf32>
    %gt3A_94 = arith.constant 0.000000e+00 : f32
    %gt3A_95 = vector.broadcast %gt3A_94 : f32 to vector<2000x1xf32>
    %gt3A_96 = arith.cmpf ogt, %slice3A_93, %gt3A_95 : vector<2000x1xf32>
    %slice3A_97 = vector.extract_strided_slice %add3A {offsets = [0, 112], sizes = [2000, 16], strides = [1, 1]} : vector<2000x128xf32> to vector<2000x16xf32>
    %div3A_98 = vector.broadcast %slice3A_93 : vector<2000x1xf32> to vector<2000x16xf32>
    %div3A_99 = arith.divf %slice3A_97, %div3A_98 : vector<2000x16xf32>
    %jit3A_100 = arith.constant 0.000000e+00 : f32
    %broadcast_in_dim3A_101 = vector.shape_cast %gt3A_96 : vector<2000x1xi1> to vector<2000x1xi1>
    %broadcast_in_dim3A_102 = vector.broadcast %broadcast_in_dim3A_101 : vector<2000x1xi1> to vector<2000x16xi1>
    %broadcast_in_dim3A_103 = vector.broadcast %jit3A_100 : f32 to vector<2000x16xf32>
    %select_n3A_104 = arith.select %broadcast_in_dim3A_102, %div3A_99, %broadcast_in_dim3A_103 : vector<2000x16xi1>, vector<2000x16xf32>
    %concatenate3A = tpu.concatenate %select_n3A, %select_n3A_32, %select_n3A_44, %select_n3A_56, %select_n3A_68, %select_n3A_80, %select_n3A_92, %select_n3A_104 in 1 : vector<2000x16xf32>, vector<2000x16xf32>, vector<2000x16xf32>, vector<2000x16xf32>, vector<2000x16xf32>, vector<2000x16xf32>, vector<2000x16xf32>, vector<2000x16xf32> -> vector<2000x128xf32>
    %get3A_105 = arith.constant 0 : index
    %get3A_106 = arith.constant 0 : index
    %get3A_107 = vector.load %arg7[%get3A_105, %get3A_106] : memref<1x128xf32, #tpu.memory_space<vmem>>, vector<1x128xf32>
    %get3A_108 = arith.constant 0 : index
    %get3A_109 = arith.constant 0 : index
    %get3A_110 = vector.load %arg8[%get3A_108, %get3A_109] : memref<1x128xf32, #tpu.memory_space<vmem>>, vector<1x128xf32>
    %reduce_sum3A = arith.constant dense<0.000000e+00> : vector<2000xf32>
    %reduce_sum3A_111 = vector.multi_reduction <add>, %concatenate3A, %reduce_sum3A [1] : vector<2000x128xf32> to vector<2000xf32>
    %broadcast_in_dim3A_112 = vector.shape_cast %reduce_sum3A_111 : vector<2000xf32> to vector<2000x1xf32>
    %div3A_113 = arith.constant 1.280000e+02 : f32
    %div3A_114 = vector.broadcast %div3A_113 : f32 to vector<2000x1xf32>
    %div3A_115 = arith.divf %broadcast_in_dim3A_112, %div3A_114 : vector<2000x1xf32>
    %sub3A = vector.broadcast %div3A_115 : vector<2000x1xf32> to vector<2000x128xf32>
    %sub3A_116 = arith.subf %concatenate3A, %sub3A : vector<2000x128xf32>
    %integer_pow3A = arith.mulf %sub3A_116, %sub3A_116 : vector<2000x128xf32>
    %reduce_sum3A_117 = arith.constant dense<0.000000e+00> : vector<2000xf32>
    %reduce_sum3A_118 = vector.multi_reduction <add>, %integer_pow3A, %reduce_sum3A_117 [1] : vector<2000x128xf32> to vector<2000xf32>
    %broadcast_in_dim3A_119 = vector.shape_cast %reduce_sum3A_118 : vector<2000xf32> to vector<2000x1xf32>
    %div3A_120 = arith.constant 1.280000e+02 : f32
    %div3A_121 = vector.broadcast %div3A_120 : f32 to vector<2000x1xf32>
    %div3A_122 = arith.divf %broadcast_in_dim3A_119, %div3A_121 : vector<2000x1xf32>
    %sub3A_123 = vector.broadcast %div3A_115 : vector<2000x1xf32> to vector<2000x128xf32>
    %sub3A_124 = arith.subf %concatenate3A, %sub3A_123 : vector<2000x128xf32>
    %add3A_125 = arith.constant 9.99999974E-6 : f32
    %add3A_126 = vector.broadcast %add3A_125 : f32 to vector<2000x1xf32>
    %add3A_127 = arith.addf %div3A_122, %add3A_126 : vector<2000x1xf32>
    %rsqrt3A = math.rsqrt %add3A_127 : vector<2000x1xf32>
    %mul3A = vector.broadcast %rsqrt3A : vector<2000x1xf32> to vector<2000x128xf32>
    %mul3A_128 = arith.mulf %sub3A_124, %mul3A : vector<2000x128xf32>
    %mul3A_129 = vector.broadcast %get3A_107 : vector<1x128xf32> to vector<2000x128xf32>
    %mul3A_130 = arith.mulf %mul3A_128, %mul3A_129 : vector<2000x128xf32>
    %add3A_131 = vector.broadcast %get3A_110 : vector<1x128xf32> to vector<2000x128xf32>
    %add3A_132 = arith.addf %mul3A_130, %add3A_131 : vector<2000x128xf32>
    %get3A_133 = arith.constant 0 : index
    %get3A_134 = arith.constant 0 : index
    %get3A_135 = vector.load %arg9[%get3A_133, %get3A_134] : memref<128x128xf32, #tpu.memory_space<vmem>>, vector<128x128xf32>
    %dot_general3A = arith.constant dense<0.000000e+00> : vector<2000x128xf32>
    %dot_general3A_136 = tpu.matmul %add3A_132, %get3A_135, %dot_general3A {dimension_numbers = #tpu.dot_dimension_numbers<[1], [0], [0], [1], [0, 0, 1, 1], [], []>, transpose_lhs_hint = false} : vector<2000x128xf32>, vector<128x128xf32>, vector<2000x128xf32> -> vector<2000x128xf32>
    %get3A_137 = arith.constant 0 : index
    %get3A_138 = arith.constant 0 : index
    %get3A_139 = vector.load %arg10[%get3A_137, %get3A_138] : memref<1x128xf32, #tpu.memory_space<vmem>>, vector<1x128xf32>
    %add3A_140 = vector.broadcast %get3A_139 : vector<1x128xf32> to vector<2000x128xf32>
    %add3A_141 = arith.addf %dot_general3A_136, %add3A_140 : vector<2000x128xf32>
    %get3A_142 = arith.constant 0 : index
    %get3A_143 = arith.constant 0 : index
    %get3A_144 = vector.load %arg11[%get3A_142, %get3A_143] : memref<128x128xf32, #tpu.memory_space<vmem>>, vector<128x128xf32>
    %dot_general3A_145 = arith.constant dense<0.000000e+00> : vector<2000x128xf32>
    %dot_general3A_146 = tpu.matmul %get3A_1, %get3A_144, %dot_general3A_145 {dimension_numbers = #tpu.dot_dimension_numbers<[1], [0], [0], [1], [0, 0, 1, 1], [], []>, transpose_lhs_hint = false} : vector<2000x128xf32>, vector<128x128xf32>, vector<2000x128xf32> -> vector<2000x128xf32>
    %get3A_147 = arith.constant 0 : index
    %get3A_148 = arith.constant 0 : index
    %get3A_149 = vector.load %arg12[%get3A_147, %get3A_148] : memref<1x128xf32, #tpu.memory_space<vmem>>, vector<1x128xf32>
    %add3A_150 = vector.broadcast %get3A_149 : vector<1x128xf32> to vector<2000x128xf32>
    %add3A_151 = arith.addf %dot_general3A_146, %add3A_150 : vector<2000x128xf32>
    %neg3A = arith.constant 0.000000e+00 : f32
    %neg3A_152 = vector.broadcast %neg3A : f32 to vector<2000x128xf32>
    %neg3A_153 = arith.subf %neg3A_152, %add3A_151 : vector<2000x128xf32>
    %exp3A = math.exp %neg3A_153 : vector<2000x128xf32>
    %add3A_154 = arith.constant 1.000000e+00 : f32
    %add3A_155 = vector.broadcast %add3A_154 : f32 to vector<2000x128xf32>
    %add3A_156 = arith.addf %add3A_155, %exp3A : vector<2000x128xf32>
    %div3A_157 = arith.constant 1.000000e+00 : f32
    %div3A_158 = vector.broadcast %div3A_157 : f32 to vector<2000x128xf32>
    %div3A_159 = arith.divf %div3A_158, %add3A_156 : vector<2000x128xf32>
    %get3A_160 = arith.constant 0 : index
    %get3A_161 = arith.constant 0 : index
    %get3A_162 = vector.load %arg6[%get3A_160, %get3A_161] : memref<2x128xf32, #tpu.memory_space<vmem>>, vector<1x128xf32>
    %broadcast_in_dim3A_163 = vector.shape_cast %get3A_162 : vector<1x128xf32> to vector<1x128xf32>
    %broadcast_in_dim3A_164 = vector.broadcast %broadcast_in_dim3A_163 : vector<1x128xf32> to vector<2000x128xf32>
    %get3A_165 = arith.constant 1 : index
    %get3A_166 = arith.constant 0 : index
    %get3A_167 = vector.load %arg6[%get3A_165, %get3A_166] : memref<2x128xf32, #tpu.memory_space<vmem>>, vector<1x128xf32>
    %broadcast_in_dim3A_168 = vector.shape_cast %get3A_167 : vector<1x128xf32> to vector<1x128xf32>
    %broadcast_in_dim3A_169 = vector.broadcast %broadcast_in_dim3A_168 : vector<1x128xf32> to vector<2000x128xf32>
    %concatenate3A_170 = tpu.concatenate %add3A_141, %div3A_159, %broadcast_in_dim3A_164, %broadcast_in_dim3A_169 in 1 : vector<2000x128xf32>, vector<2000x128xf32>, vector<2000x128xf32>, vector<2000x128xf32> -> vector<2000x512xf32>
    %get3A_171 = arith.constant 0 : index
    %get3A_172 = arith.constant 0 : index
    %get3A_173 = vector.load %arg13[%get3A_171, %get3A_172] : memref<512x128xf32, #tpu.memory_space<vmem>>, vector<512x128xf32>
    %dot_general3A_174 = arith.constant dense<0.000000e+00> : vector<2000x128xf32>
    %dot_general3A_175 = tpu.matmul %concatenate3A_170, %get3A_173, %dot_general3A_174 {dimension_numbers = #tpu.dot_dimension_numbers<[1], [0], [0], [1], [0, 0, 1, 1], [], []>, transpose_lhs_hint = false} : vector<2000x512xf32>, vector<512x128xf32>, vector<2000x128xf32> -> vector<2000x128xf32>
    %get3A_176 = arith.constant 0 : index
    %get3A_177 = arith.constant 0 : index
    %get3A_178 = vector.load %arg14[%get3A_176, %get3A_177] : memref<1x128xf32, #tpu.memory_space<vmem>>, vector<1x128xf32>
    %add3A_179 = vector.broadcast %get3A_178 : vector<1x128xf32> to vector<2000x128xf32>
    %add3A_180 = arith.addf %dot_general3A_175, %add3A_179 : vector<2000x128xf32>
    %max3A = arith.constant 0.000000e+00 : f32
    %max3A_181 = vector.broadcast %max3A : f32 to vector<2000x128xf32>
    %max3A_182 = arith.maximumf %add3A_180, %max3A_181 : vector<2000x128xf32>
    %get3A_183 = arith.constant 0 : index
    %get3A_184 = arith.constant 0 : index
    %get3A_185 = vector.load %arg15[%get3A_183, %get3A_184] : memref<128x4xf32, #tpu.memory_space<vmem>>, vector<128x4xf32>
    %dot_general3A_186 = arith.constant dense<0.000000e+00> : vector<2000x4xf32>
    %dot_general3A_187 = tpu.matmul %max3A_182, %get3A_185, %dot_general3A_186 {dimension_numbers = #tpu.dot_dimension_numbers<[1], [0], [0], [1], [0, 0, 1, 1], [], []>, transpose_lhs_hint = false} : vector<2000x128xf32>, vector<128x4xf32>, vector<2000x4xf32> -> vector<2000x4xf32>
    %get3A_188 = arith.constant 0 : index
    %get3A_189 = arith.constant 0 : index
    %get3A_190 = vector.load %arg16[%get3A_188, %get3A_189] : memref<1x4xf32, #tpu.memory_space<vmem>>, vector<1x4xf32>
    %add3A_191 = vector.broadcast %get3A_190 : vector<1x4xf32> to vector<2000x4xf32>
    %add3A_192 = arith.addf %dot_general3A_187, %add3A_191 : vector<2000x4xf32>
    %reduce_max3A = arith.constant dense<0xFF800000> : vector<2000xf32>
    %reduce_max3A_193 = vector.multi_reduction <maximumf>, %add3A_192, %reduce_max3A [1] : vector<2000x4xf32> to vector<2000xf32>
    %broadcast_in_dim3A_194 = vector.shape_cast %reduce_max3A_193 : vector<2000xf32> to vector<2000x1xf32>
    %sub3A_195 = vector.broadcast %broadcast_in_dim3A_194 : vector<2000x1xf32> to vector<2000x4xf32>
    %sub3A_196 = arith.subf %add3A_192, %sub3A_195 : vector<2000x4xf32>
    %exp3A_197 = math.exp %sub3A_196 : vector<2000x4xf32>
    %reduce_sum3A_198 = arith.constant dense<0.000000e+00> : vector<2000xf32>
    %reduce_sum3A_199 = vector.multi_reduction <add>, %exp3A_197, %reduce_sum3A_198 [1] : vector<2000x4xf32> to vector<2000xf32>
    %broadcast_in_dim3A_200 = vector.shape_cast %reduce_sum3A_199 : vector<2000xf32> to vector<2000x1xf32>
    %div3A_201 = vector.broadcast %broadcast_in_dim3A_200 : vector<2000x1xf32> to vector<2000x4xf32>
    %div3A_202 = arith.divf %exp3A_197, %div3A_201 : vector<2000x4xf32>
    %slice3A_203 = vector.extract_strided_slice %div3A_202 {offsets = [0, 0], sizes = [2000, 1], strides = [1, 1]} : vector<2000x4xf32> to vector<2000x1xf32>
    %mul3A_204 = vector.broadcast %slice3A_203 : vector<2000x1xf32> to vector<2000x128xf32>
    %mul3A_205 = arith.mulf %mul3A_204, %add3A_141 : vector<2000x128xf32>
    %slice3A_206 = vector.extract_strided_slice %div3A_202 {offsets = [0, 1], sizes = [2000, 1], strides = [1, 1]} : vector<2000x4xf32> to vector<2000x1xf32>
    %mul3A_207 = vector.broadcast %slice3A_206 : vector<2000x1xf32> to vector<2000x128xf32>
    %mul3A_208 = arith.mulf %mul3A_207, %div3A_159 : vector<2000x128xf32>
    %add3A_209 = arith.addf %mul3A_205, %mul3A_208 : vector<2000x128xf32>
    %slice3A_210 = vector.extract_strided_slice %div3A_202 {offsets = [0, 2], sizes = [2000, 1], strides = [1, 1]} : vector<2000x4xf32> to vector<2000x1xf32>
    %mul3A_211 = vector.broadcast %slice3A_210 : vector<2000x1xf32> to vector<2000x128xf32>
    %mul3A_212 = arith.mulf %mul3A_211, %broadcast_in_dim3A_164 : vector<2000x128xf32>
    %add3A_213 = arith.addf %add3A_209, %mul3A_212 : vector<2000x128xf32>
    %slice3A_214 = vector.extract_strided_slice %div3A_202 {offsets = [0, 3], sizes = [2000, 1], strides = [1, 1]} : vector<2000x4xf32> to vector<2000x1xf32>
    %mul3A_215 = vector.broadcast %slice3A_214 : vector<2000x1xf32> to vector<2000x128xf32>
    %mul3A_216 = arith.mulf %mul3A_215, %broadcast_in_dim3A_169 : vector<2000x128xf32>
    %add3A_217 = arith.addf %add3A_213, %mul3A_216 : vector<2000x128xf32>
    %add3A_218 = arith.addf %get3A_1, %add3A_217 : vector<2000x128xf32>
    %get3A_219 = arith.constant 0 : index
    %get3A_220 = arith.constant 0 : index
    %get3A_221 = vector.load %arg23[%get3A_219, %get3A_220] : memref<1x128xf32, #tpu.memory_space<vmem>>, vector<1x128xf32>
    %get3A_222 = arith.constant 0 : index
    %get3A_223 = arith.constant 0 : index
    %get3A_224 = vector.load %arg24[%get3A_222, %get3A_223] : memref<1x128xf32, #tpu.memory_space<vmem>>, vector<1x128xf32>
    %reduce_sum3A_225 = arith.constant dense<0.000000e+00> : vector<2000xf32>
    %reduce_sum3A_226 = vector.multi_reduction <add>, %add3A_218, %reduce_sum3A_225 [1] : vector<2000x128xf32> to vector<2000xf32>
    %broadcast_in_dim3A_227 = vector.shape_cast %reduce_sum3A_226 : vector<2000xf32> to vector<2000x1xf32>
    %div3A_228 = arith.constant 1.280000e+02 : f32
    %div3A_229 = vector.broadcast %div3A_228 : f32 to vector<2000x1xf32>
    %div3A_230 = arith.divf %broadcast_in_dim3A_227, %div3A_229 : vector<2000x1xf32>
    %sub3A_231 = vector.broadcast %div3A_230 : vector<2000x1xf32> to vector<2000x128xf32>
    %sub3A_232 = arith.subf %add3A_218, %sub3A_231 : vector<2000x128xf32>
    %integer_pow3A_233 = arith.mulf %sub3A_232, %sub3A_232 : vector<2000x128xf32>
    %reduce_sum3A_234 = arith.constant dense<0.000000e+00> : vector<2000xf32>
    %reduce_sum3A_235 = vector.multi_reduction <add>, %integer_pow3A_233, %reduce_sum3A_234 [1] : vector<2000x128xf32> to vector<2000xf32>
    %broadcast_in_dim3A_236 = vector.shape_cast %reduce_sum3A_235 : vector<2000xf32> to vector<2000x1xf32>
    %div3A_237 = arith.constant 1.280000e+02 : f32
    %div3A_238 = vector.broadcast %div3A_237 : f32 to vector<2000x1xf32>
    %div3A_239 = arith.divf %broadcast_in_dim3A_236, %div3A_238 : vector<2000x1xf32>
    %sub3A_240 = vector.broadcast %div3A_230 : vector<2000x1xf32> to vector<2000x128xf32>
    %sub3A_241 = arith.subf %add3A_218, %sub3A_240 : vector<2000x128xf32>
    %add3A_242 = arith.constant 9.99999974E-6 : f32
    %add3A_243 = vector.broadcast %add3A_242 : f32 to vector<2000x1xf32>
    %add3A_244 = arith.addf %div3A_239, %add3A_243 : vector<2000x1xf32>
    %rsqrt3A_245 = math.rsqrt %add3A_244 : vector<2000x1xf32>
    %mul3A_246 = vector.broadcast %rsqrt3A_245 : vector<2000x1xf32> to vector<2000x128xf32>
    %mul3A_247 = arith.mulf %sub3A_241, %mul3A_246 : vector<2000x128xf32>
    %mul3A_248 = vector.broadcast %get3A_221 : vector<1x128xf32> to vector<2000x128xf32>
    %mul3A_249 = arith.mulf %mul3A_247, %mul3A_248 : vector<2000x128xf32>
    %add3A_250 = vector.broadcast %get3A_224 : vector<1x128xf32> to vector<2000x128xf32>
    %add3A_251 = arith.addf %mul3A_249, %add3A_250 : vector<2000x128xf32>
    %get3A_252 = arith.constant 0 : index
    %get3A_253 = arith.constant 0 : index
    %get3A_254 = vector.load %arg17[%get3A_252, %get3A_253] : memref<1x128xf32, #tpu.memory_space<vmem>>, vector<1x128xf32>
    %get3A_255 = arith.constant 0 : index
    %get3A_256 = arith.constant 0 : index
    %get3A_257 = vector.load %arg18[%get3A_255, %get3A_256] : memref<1x128xf32, #tpu.memory_space<vmem>>, vector<1x128xf32>
    %reduce_sum3A_258 = arith.constant dense<0.000000e+00> : vector<2000xf32>
    %reduce_sum3A_259 = vector.multi_reduction <add>, %add3A_251, %reduce_sum3A_258 [1] : vector<2000x128xf32> to vector<2000xf32>
    %broadcast_in_dim3A_260 = vector.shape_cast %reduce_sum3A_259 : vector<2000xf32> to vector<2000x1xf32>
    %div3A_261 = arith.constant 1.280000e+02 : f32
    %div3A_262 = vector.broadcast %div3A_261 : f32 to vector<2000x1xf32>
    %div3A_263 = arith.divf %broadcast_in_dim3A_260, %div3A_262 : vector<2000x1xf32>
    %sub3A_264 = vector.broadcast %div3A_263 : vector<2000x1xf32> to vector<2000x128xf32>
    %sub3A_265 = arith.subf %add3A_251, %sub3A_264 : vector<2000x128xf32>
    %integer_pow3A_266 = arith.mulf %sub3A_265, %sub3A_265 : vector<2000x128xf32>
    %reduce_sum3A_267 = arith.constant dense<0.000000e+00> : vector<2000xf32>
    %reduce_sum3A_268 = vector.multi_reduction <add>, %integer_pow3A_266, %reduce_sum3A_267 [1] : vector<2000x128xf32> to vector<2000xf32>
    %broadcast_in_dim3A_269 = vector.shape_cast %reduce_sum3A_268 : vector<2000xf32> to vector<2000x1xf32>
    %div3A_270 = arith.constant 1.280000e+02 : f32
    %div3A_271 = vector.broadcast %div3A_270 : f32 to vector<2000x1xf32>
    %div3A_272 = arith.divf %broadcast_in_dim3A_269, %div3A_271 : vector<2000x1xf32>
    %sub3A_273 = vector.broadcast %div3A_263 : vector<2000x1xf32> to vector<2000x128xf32>
    %sub3A_274 = arith.subf %add3A_251, %sub3A_273 : vector<2000x128xf32>
    %add3A_275 = arith.constant 9.99999974E-6 : f32
    %add3A_276 = vector.broadcast %add3A_275 : f32 to vector<2000x1xf32>
    %add3A_277 = arith.addf %div3A_272, %add3A_276 : vector<2000x1xf32>
    %rsqrt3A_278 = math.rsqrt %add3A_277 : vector<2000x1xf32>
    %mul3A_279 = vector.broadcast %rsqrt3A_278 : vector<2000x1xf32> to vector<2000x128xf32>
    %mul3A_280 = arith.mulf %sub3A_274, %mul3A_279 : vector<2000x128xf32>
    %mul3A_281 = vector.broadcast %get3A_254 : vector<1x128xf32> to vector<2000x128xf32>
    %mul3A_282 = arith.mulf %mul3A_280, %mul3A_281 : vector<2000x128xf32>
    %add3A_283 = vector.broadcast %get3A_257 : vector<1x128xf32> to vector<2000x128xf32>
    %add3A_284 = arith.addf %mul3A_282, %add3A_283 : vector<2000x128xf32>
    %get3A_285 = arith.constant 0 : index
    %get3A_286 = arith.constant 0 : index
    %get3A_287 = vector.load %arg19[%get3A_285, %get3A_286] : memref<128x512xf32, #tpu.memory_space<vmem>>, vector<128x512xf32>
    %dot_general3A_288 = arith.constant dense<0.000000e+00> : vector<2000x512xf32>
    %dot_general3A_289 = tpu.matmul %add3A_284, %get3A_287, %dot_general3A_288 {dimension_numbers = #tpu.dot_dimension_numbers<[1], [0], [0], [1], [0, 0, 1, 1], [], []>, transpose_lhs_hint = false} : vector<2000x128xf32>, vector<128x512xf32>, vector<2000x512xf32> -> vector<2000x512xf32>
    %get3A_290 = arith.constant 0 : index
    %get3A_291 = arith.constant 0 : index
    %get3A_292 = vector.load %arg20[%get3A_290, %get3A_291] : memref<1x512xf32, #tpu.memory_space<vmem>>, vector<1x512xf32>
    %add3A_293 = vector.broadcast %get3A_292 : vector<1x512xf32> to vector<2000x512xf32>
    %add3A_294 = arith.addf %dot_general3A_289, %add3A_293 : vector<2000x512xf32>
    %mul3A_295 = arith.constant 5.000000e-01 : f32
    %mul3A_296 = vector.broadcast %mul3A_295 : f32 to vector<2000x512xf32>
    %mul3A_297 = arith.mulf %mul3A_296, %add3A_294 : vector<2000x512xf32>
    %mul3A_298 = arith.constant 0.707106769 : f32
    %mul3A_299 = vector.broadcast %mul3A_298 : f32 to vector<2000x512xf32>
    %mul3A_300 = arith.mulf %add3A_294, %mul3A_299 : vector<2000x512xf32>
    %erf3A = math.erf %mul3A_300 : vector<2000x512xf32>
    %add3A_301 = arith.constant 1.000000e+00 : f32
    %add3A_302 = vector.broadcast %add3A_301 : f32 to vector<2000x512xf32>
    %add3A_303 = arith.addf %add3A_302, %erf3A : vector<2000x512xf32>
    %mul3A_304 = arith.mulf %mul3A_297, %add3A_303 : vector<2000x512xf32>
    %get3A_305 = arith.constant 0 : index
    %get3A_306 = arith.constant 0 : index
    %get3A_307 = vector.load %arg21[%get3A_305, %get3A_306] : memref<512x128xf32, #tpu.memory_space<vmem>>, vector<512x128xf32>
    %dot_general3A_308 = arith.constant dense<0.000000e+00> : vector<2000x128xf32>
    %dot_general3A_309 = tpu.matmul %mul3A_304, %get3A_307, %dot_general3A_308 {dimension_numbers = #tpu.dot_dimension_numbers<[1], [0], [0], [1], [0, 0, 1, 1], [], []>, transpose_lhs_hint = false} : vector<2000x512xf32>, vector<512x128xf32>, vector<2000x128xf32> -> vector<2000x128xf32>
    %get3A_310 = arith.constant 0 : index
    %get3A_311 = arith.constant 0 : index
    %get3A_312 = vector.load %arg22[%get3A_310, %get3A_311] : memref<1x128xf32, #tpu.memory_space<vmem>>, vector<1x128xf32>
    %add3A_313 = vector.broadcast %get3A_312 : vector<1x128xf32> to vector<2000x128xf32>
    %add3A_314 = arith.addf %dot_general3A_309, %add3A_313 : vector<2000x128xf32>
    %add3A_315 = arith.addf %add3A_251, %add3A_314 : vector<2000x128xf32>
    %get3A_316 = arith.constant 0 : index
    %get3A_317 = arith.constant 0 : index
    %get3A_318 = vector.load %arg25[%get3A_316, %get3A_317] : memref<1x128xf32, #tpu.memory_space<vmem>>, vector<1x128xf32>
    %get3A_319 = arith.constant 0 : index
    %get3A_320 = arith.constant 0 : index
    %get3A_321 = vector.load %arg26[%get3A_319, %get3A_320] : memref<1x128xf32, #tpu.memory_space<vmem>>, vector<1x128xf32>
    %reduce_sum3A_322 = arith.constant dense<0.000000e+00> : vector<2000xf32>
    %reduce_sum3A_323 = vector.multi_reduction <add>, %add3A_315, %reduce_sum3A_322 [1] : vector<2000x128xf32> to vector<2000xf32>
    %broadcast_in_dim3A_324 = vector.shape_cast %reduce_sum3A_323 : vector<2000xf32> to vector<2000x1xf32>
    %div3A_325 = arith.constant 1.280000e+02 : f32
    %div3A_326 = vector.broadcast %div3A_325 : f32 to vector<2000x1xf32>
    %div3A_327 = arith.divf %broadcast_in_dim3A_324, %div3A_326 : vector<2000x1xf32>
    %sub3A_328 = vector.broadcast %div3A_327 : vector<2000x1xf32> to vector<2000x128xf32>
    %sub3A_329 = arith.subf %add3A_315, %sub3A_328 : vector<2000x128xf32>
    %integer_pow3A_330 = arith.mulf %sub3A_329, %sub3A_329 : vector<2000x128xf32>
    %reduce_sum3A_331 = arith.constant dense<0.000000e+00> : vector<2000xf32>
    %reduce_sum3A_332 = vector.multi_reduction <add>, %integer_pow3A_330, %reduce_sum3A_331 [1] : vector<2000x128xf32> to vector<2000xf32>
    %broadcast_in_dim3A_333 = vector.shape_cast %reduce_sum3A_332 : vector<2000xf32> to vector<2000x1xf32>
    %div3A_334 = arith.constant 1.280000e+02 : f32
    %div3A_335 = vector.broadcast %div3A_334 : f32 to vector<2000x1xf32>
    %div3A_336 = arith.divf %broadcast_in_dim3A_333, %div3A_335 : vector<2000x1xf32>
    %sub3A_337 = vector.broadcast %div3A_327 : vector<2000x1xf32> to vector<2000x128xf32>
    %sub3A_338 = arith.subf %add3A_315, %sub3A_337 : vector<2000x128xf32>
    %add3A_339 = arith.constant 9.99999974E-6 : f32
    %add3A_340 = vector.broadcast %add3A_339 : f32 to vector<2000x1xf32>
    %add3A_341 = arith.addf %div3A_336, %add3A_340 : vector<2000x1xf32>
    %rsqrt3A_342 = math.rsqrt %add3A_341 : vector<2000x1xf32>
    %mul3A_343 = vector.broadcast %rsqrt3A_342 : vector<2000x1xf32> to vector<2000x128xf32>
    %mul3A_344 = arith.mulf %sub3A_338, %mul3A_343 : vector<2000x128xf32>
    %mul3A_345 = vector.broadcast %get3A_318 : vector<1x128xf32> to vector<2000x128xf32>
    %mul3A_346 = arith.mulf %mul3A_344, %mul3A_345 : vector<2000x128xf32>
    %add3A_347 = vector.broadcast %get3A_321 : vector<1x128xf32> to vector<2000x128xf32>
    %add3A_348 = arith.addf %mul3A_346, %add3A_347 : vector<2000x128xf32>
    %swap3A = arith.constant 0 : index
    %swap3A_349 = arith.constant 0 : index
    %swap3A_350 = vector.load %arg27[%swap3A, %swap3A_349] : memref<2000x128xf32, #tpu.memory_space<vmem>>, vector<2000x128xf32>
    tpu.vector_store %arg27[%swap3A, %swap3A_349], %add3A_348 {strides = array<i32>} : memref<2000x128xf32, #tpu.memory_space<vmem>>, vector<2000x128xf32>,
    return
  }
  func.func @transform_0(%arg0: i32) -> (i32, i32) {
    %c0_i32 = arith.constant 0 : i32
    %c0_i32_0 = arith.constant 0 : i32
    return %arg0, %c0_i32 : i32, i32
  }
  func.func @transform_1(%arg0: i32) -> (i32, i32) {
    %c0_i32 = arith.constant 0 : i32
    %c0_i32_0 = arith.constant 0 : i32
    return %arg0, %c0_i32 : i32, i32
  }
  func.func @transform_2(%arg0: i32) -> (i32, i32) {
    %c0_i32 = arith.constant 0 : i32
    %c0_i32_0 = arith.constant 0 : i32
    return %arg0, %c0_i32 : i32, i32
  }
  func.func @transform_3(%arg0: i32) -> (i32, i32) {
    %c0_i32 = arith.constant 0 : i32
    %c0_i32_0 = arith.constant 0 : i32
    return %arg0, %c0_i32 : i32, i32
  }
  func.func @transform_4(%arg0: i32) -> (i32, i32) {
    %c0_i32 = arith.constant 0 : i32
    %c0_i32_0 = arith.constant 0 : i32
    return %arg0, %c0_i32 : i32, i32
  }
  func.func @transform_5(%arg0: i32) -> (i32, i32) {
    %c0_i32 = arith.constant 0 : i32
    %c0_i32_0 = arith.constant 0 : i32
    %c0_i32_1 = arith.constant 0 : i32
    return %c0_i32, %c0_i32_0 : i32, i32
  }
  func.func @transform_6(%arg0: i32) -> (i32, i32) {
    %c0_i32 = arith.constant 0 : i32
    %c0_i32_0 = arith.constant 0 : i32
    %c0_i32_1 = arith.constant 0 : i32
    return %c0_i32, %c0_i32_0 : i32, i32
  }
  func.func @transform_7(%arg0: i32) -> (i32, i32) {
    %c0_i32 = arith.constant 0 : i32
    %c0_i32_0 = arith.constant 0 : i32
    %c0_i32_1 = arith.constant 0 : i32
    return %c0_i32, %c0_i32_0 : i32, i32
  }
  func.func @transform_8(%arg0: i32) -> (i32, i32) {
    %c0_i32 = arith.constant 0 : i32
    %c0_i32_0 = arith.constant 0 : i32
    %c0_i32_1 = arith.constant 0 : i32
    return %c0_i32, %c0_i32_0 : i32, i32
  }
  func.func @transform_9(%arg0: i32) -> (i32, i32) {
    %c0_i32 = arith.constant 0 : i32
    %c0_i32_0 = arith.constant 0 : i32
    %c0_i32_1 = arith.constant 0 : i32
    return %c0_i32, %c0_i32_0 : i32, i32
  }
  func.func @transform_10(%arg0: i32) -> (i32, i32) {
    %c0_i32 = arith.constant 0 : i32
    %c0_i32_0 = arith.constant 0 : i32
    %c0_i32_1 = arith.constant 0 : i32
    return %c0_i32, %c0_i32_0 : i32, i32
  }
  func.func @transform_11(%arg0: i32) -> (i32, i32) {
    %c0_i32 = arith.constant 0 : i32
    %c0_i32_0 = arith.constant 0 : i32
    %c0_i32_1 = arith.constant 0 : i32
    return %c0_i32, %c0_i32_0 : i32, i32
  }
  func.func @transform_12(%arg0: i32) -> (i32, i32) {
    %c0_i32 = arith.constant 0 : i32
    %c0_i32_0 = arith.constant 0 : i32
    %c0_i32_1 = arith.constant 0 : i32
    return %c0_i32, %c0_i32_0 : i32, i32
  }
  func.func @transform_13(%arg0: i32) -> (i32, i32) {
    %c0_i32 = arith.constant 0 : i32
    %c0_i32_0 = arith.constant 0 : i32
    %c0_i32_1 = arith.constant 0 : i32
    return %c0_i32, %c0_i32_0 : i32, i32
  }
  func.func @transform_14(%arg0: i32) -> (i32, i32) {
    %c0_i32 = arith.constant 0 : i32
    %c0_i32_0 = arith.constant 0 : i32
    %c0_i32_1 = arith.constant 0 : i32
    return %c0_i32, %c0_i32_0 : i32, i32
  }
  func.func @transform_15(%arg0: i32) -> (i32, i32) {
    %c0_i32 = arith.constant 0 : i32
    %c0_i32_0 = arith.constant 0 : i32
    %c0_i32_1 = arith.constant 0 : i32
    return %c0_i32, %c0_i32_0 : i32, i32
  }
  func.func @transform_16(%arg0: i32) -> (i32, i32) {
    %c0_i32 = arith.constant 0 : i32
    %c0_i32_0 = arith.constant 0 : i32
    %c0_i32_1 = arith.constant 0 : i32
    return %c0_i32, %c0_i32_0 : i32, i32
  }
  func.func @transform_17(%arg0: i32) -> (i32, i32) {
    %c0_i32 = arith.constant 0 : i32
    %c0_i32_0 = arith.constant 0 : i32
    %c0_i32_1 = arith.constant 0 : i32
    return %c0_i32, %c0_i32_0 : i32, i32
  }
  func.func @transform_18(%arg0: i32) -> (i32, i32) {
    %c0_i32 = arith.constant 0 : i32
    %c0_i32_0 = arith.constant 0 : i32
    %c0_i32_1 = arith.constant 0 : i32
    return %c0_i32, %c0_i32_0 : i32, i32
  }
  func.func @transform_19(%arg0: i32) -> (i32, i32) {
    %c0_i32 = arith.constant 0 : i32
    %c0_i32_0 = arith.constant 0 : i32
    %c0_i32_1 = arith.constant 0 : i32
    return %c0_i32, %c0_i32_0 : i32, i32
  }
  func.func @transform_20(%arg0: i32) -> (i32, i32) {
    %c0_i32 = arith.constant 0 : i32
    %c0_i32_0 = arith.constant 0 : i32
    %c0_i32_1 = arith.constant 0 : i32
    return %c0_i32, %c0_i32_0 : i32, i32
  }
  func.func @transform_21(%arg0: i32) -> (i32, i32) {
    %c0_i32 = arith.constant 0 : i32
    %c0_i32_0 = arith.constant 0 : i32
    %c0_i32_1 = arith.constant 0 : i32
    return %c0_i32, %c0_i32_0 : i32, i32
  }
  func.func @transform_22(%arg0: i32) -> (i32, i32) {
    %c0_i32 = arith.constant 0 : i32
    %c0_i32_0 = arith.constant 0 : i32
    %c0_i32_1 = arith.constant 0 : i32
    return %c0_i32, %c0_i32_0 : i32, i32
  }
  func.func @transform_23(%arg0: i32) -> (i32, i32) {
    %c0_i32 = arith.constant 0 : i32
    %c0_i32_0 = arith.constant 0 : i32
    %c0_i32_1 = arith.constant 0 : i32
    return %c0_i32, %c0_i32_0 : i32, i32
  }
  func.func @transform_24(%arg0: i32) -> (i32, i32) {
    %c0_i32 = arith.constant 0 : i32
    %c0_i32_0 = arith.constant 0 : i32
    %c0_i32_1 = arith.constant 0 : i32
    return %c0_i32, %c0_i32_0 : i32, i32
  }
  func.func @transform_25(%arg0: i32) -> (i32, i32) {
    %c0_i32 = arith.constant 0 : i32
    %c0_i32_0 = arith.constant 0 : i32
    %c0_i32_1 = arith.constant 0 : i32
    return %c0_i32, %c0_i32_0 : i32, i32
  }
  func.func @transform_26(%arg0: i32) -> (i32, i32) {
    %c0_i32 = arith.constant 0 : i32
    %c0_i32_0 = arith.constant 0 : i32
    return %arg0, %c0_i32 : i32, i32
  }
}

</mosaic_0001>

<sc_bundles>
// kernel: kernel.11.cloned.1.call-start
scs
__scs_entry_jumppad:
0x0: {  	(pc) =	sbr.rel $0x88, $3  }
0x1: {  	(tag) =	ssettag $0x0;
	lr =	simm.s32 $0x1  }
0x2: {  	[smem:$0x3F4C] =	sst lr;
	_ =	strace $0xD0000000  }
0x3: {  	_ = 	snop  }
0x4: {  	_ = 	snop  }
0x5: {  	_ = 	snop  }
0x6: {  	_ = 	snop  }
0x7: {  	_ = 	snop  }
__scs_overlays_trampoline_lowered:
0x8: {  	[smem:$0x3F5B] =	sst s0  }
0x9: {  	[smem:$0x3F5C] =	sst s1  }
0xa: {  	[smem:$0x3F5D] =	sst s2  }
0xb: {  	[smem:$0x3F5E] =	sst s3  }
0xc: {  	[smem:$0x3F5F] =	sst s4  }
0xd: {  	[smem:$0x3F60] =	sst s5  }
0xe: {  	[smem:$0x3F61] =	sst s6  }
0xf: {  	[smem:$0x3F62] =	sst s7  }
0x10: {  	[smem:$0x3F63] =	sst s8  }
0x11: {  	[smem:$0x3F64] =	sst s9;
	s0 =	simm.s32 @!p0 $0x0  }
0x12: {  	s1 =	sld [smem:$0x3F4A];
	s0 =	simm.s32 @p0 $0x1  }
0x13: {  	[smem:$0x3F65] =	sst s0;
	s0 =	simm.s32 @!p1 $0x0  }
0x14: {  	s2 =	sld [smem:$0x3F49];
	s0 =	simm.s32 @p1 $0x1  }
0x15: {  	[smem:$0x3F66] =	sst s0;
	s0 =	simm.s32 @!p2 $0x0  }
0x16: {  	s3 =	sld [smem:$0x3FDB];
	s0 =	simm.s32 @p2 $0x1  }
0x17: {  	s4 =	simm.s32 $0x1BF5;
	[smem:$0x3F68] =	sst s0  }
0x18: {  	s0 =	sld [smem:$0x3F4B];
	_ =	swait.ge [sflag:s4], $0x0  }
0x19: {  	s7 =	sld [smem:$0x3F4C]  }
0x1a: {  	s8 =	sadd.s32 $0xFFFFE003, lr  }
0x1b: {  	s9 =	sadd.s32 $0xFFFFFEF7, lr;
	s5 =	simm.s32 $0xFFFFFFFF;
	p2 =	slt.u32 s8, $0xFFFFF086  }
0x1c: {  	p1 =	slt.u32 s9, $0xF7A;
	s5 =	simm.s32 @!p2 $0x0  }
0x1d: {  	s5 =	simm.s32 @p1 $0x1;
	p0 =	seq.s32 s7, s2  }
0x1e: {  	s7 =	smul.u32 @!p0 $0xF7A, s2;
	p2 =	seq.s32 @!p0 s5, $0x0  }
0x1f: {  	s9 =	smul.u32 $0xF7A, s1;
	s8 =	simm.s32 @!p0 $0x1BF5;
	p2 =	por !p2, p0  }
0x20: {  	[sflag:s8] =	ssyncset.s32 @!p0 $0xFFFFF086;
	s6 =	sadd.s32 @!p0 s3, s7;
	s7 =	simm.s32 @!p0 $0x108  }
0x21: {  	s3 =	sadd.s32 s3, s9;
	s6 =	sadd.s32 @!p0 $0x88, s6;
	s7 =	simm.s32 @p2 $0x1082  }
0x22: {  	[simem:s7], [sflag:s8] =	dma.local @!p0 [hbm:s6], $0xF7A  }
0x23: {  	s9 =	sor.u32 $0xD0000000, s2;
	s6 =	simm.s32 $0x108;
	_ =	swait.ge @!p0 [sflag:s8], $0x0  }
0x24: {  	s3 =	sadd.s32 $0x88, s3;
	s6 =	simm.s32 @!p1 $0x1082;
	[sflag:s4] =	ssyncset.s32 $0xFFFFF086  }
0x25: {  	[simem:s6], [sflag:s4] =	dma.local [hbm:s3], $0xF7A  }
0x26: {  	[smem:$0x3F4C] =	sst s1;
	(tag) =	ssettag s2;
	_ =	strace s9  }
0x27: {  	s1 =	sld [smem:$0x3F5C]  }
0x28: {  	s2 =	sld [smem:$0x3F5D]  }
0x29: {  	s4 =	sld [smem:$0x3F5F]  }
0x2a: {  	p0 =	seq.s32 s5, $0x0;
	s5 =	sld [smem:$0x3F60]  }
0x2b: {  	s6 =	sld [smem:$0x3F61]  }
0x2c: {  	s7 =	sld [smem:$0x3F62]  }
0x2d: {  	s3 =	simm.s32 $0x108;
	s8 =	sld [smem:$0x3F63]  }
0x2e: {  	s3 =	simm.s32 @!p0 $0x1082;
	s9 =	sld [smem:$0x3F64]  }
0x2f: {  	lr =	sadd.s32 s0, s3;
	s0 =	sld [smem:$0x3F5B]  }
0x30: {  	s3 =	sld [smem:$0x3F5E]  }
0x31: {  	[smem:$0x3F67] =	sst s10  }
0x32: {  	s10 =	sld [smem:$0x3F65];
	_ =	sdelay $0x3  }
0x33: {  	p0 =	seq.s32 s10, $0x1;
	s10 =	sld [smem:$0x3F67];
	_ =	sdelay $0x3  }
0x34: {  	[smem:$0x3F67] =	sst s10  }
0x35: {  	s10 =	sld [smem:$0x3F66];
	_ =	sdelay $0x3  }
0x36: {  	p1 =	seq.s32 s10, $0x1;
	s10 =	sld [smem:$0x3F67];
	_ =	sdelay $0x3  }
0x37: {  	[smem:$0x3F67] =	sst s10  }
0x38: {  	s10 =	sld [smem:$0x3F68]  }
0x39: {  	_ = 	snop;
	(pc) =	sbr.ind lr, $3  }
0x3a: {  	_ = 	snop  }
0x3b: {  	_ = 	snop  }
0x3c: {  	p2 =	seq.s32 s10, $0x1;
	s10 =	sld [smem:$0x3F67]  }
0x3d: {  	_ =	shalt  }
0x3e: {  	_ =	shalt  }
0x3f: {  	_ =	shalt  }
0x40: {  	_ =	shalt  }
0x41: {  	_ =	shalt  }
0x42: {  	_ =	shalt  }
0x43: {  	_ =	shalt  }
0x44: {  	_ =	shalt  }
0x45: {  	_ =	shalt  }
0x46: {  	_ =	shalt  }
0x47: {  	_ =	shalt  }
0x48: {  	_ =	shalt  }
0x49: {  	_ =	shalt  }
0x4a: {  	_ =	shalt  }
0x4b: {  	_ =	shalt  }
0x4c: {  	_ =	shalt  }
0x4d: {  	_ =	shalt  }
0x4e: {  	_ =	shalt  }
0x4f: {  	_ =	shalt  }
0x50: {  	_ =	shalt  }
0x51: {  	_ =	shalt  }
0x52: {  	_ =	shalt  }
0x53: {  	_ =	shalt  }
0x54: {  	_ =	shalt  }
0x55: {  	_ =	shalt  }
0x56: {  	_ =	shalt  }
0x57: {  	_ =	shalt  }
0x58: {  	_ =	shalt  }
0x59: {  	_ =	shalt  }
0x5a: {  	_ =	shalt  }
0x5b: {  	_ =	shalt  }
0x5c: {  	_ =	shalt  }
0x5d: {  	_ =	shalt  }
0x5e: {  	_ =	shalt  }
0x5f: {  	_ =	shalt  }
0x60: {  	_ =	shalt  }
0x61: {  	_ =	shalt  }
0x62: {  	_ =	shalt  }
0x63: {  	_ =	shalt  }
0x64: {  	_ =	shalt  }
0x65: {  	_ =	shalt  }
0x66: {  	_ =	shalt  }
0x67: {  	_ =	shalt  }
0x68: {  	_ =	shalt  }
0x69: {  	_ =	shalt  }
0x6a: {  	_ =	shalt  }
0x6b: {  	_ =	shalt  }
0x6c: {  	_ =	shalt  }
0x6d: {  	_ =	shalt  }
0x6e: {  	_ =	shalt  }
0x6f: {  	_ =	shalt  }
0x70: {  	_ =	shalt  }
0x71: {  	_ =	shalt  }
0x72: {  	_ =	shalt  }
0x73: {  	_ =	shalt  }
0x74: {  	_ =	shalt  }
0x75: {  	_ =	shalt  }
0x76: {  	_ =	shalt  }
0x77: {  	_ =	shalt  }
0x78: {  	_ =	shalt  }
0x79: {  	_ =	shalt  }
0x7a: {  	_ =	shalt  }
0x7b: {  	_ =	shalt  }
0x7c: {  	_ =	shalt  }
0x7d: {  	_ =	shalt  }
0x7e: {  	_ =	shalt  }
0x7f: {  	_ =	shalt  }
0x80: {  	_ =	shalt  }
0x81: {  	_ =	shalt  }
0x82: {  	_ =	shalt  }
0x83: {  	_ =	shalt  }
0x84: {  	_ =	shalt  }
0x85: {  	_ =	shalt  }
0x86: {  	_ =	shalt  }
0x87: {  	_ =	shalt  }
.Lfunc_end0:
.L_simem_size_0:
called_computation.1_lowered:
.L_overlay_start_0:
0x88: {  	s2 =	sld [smem:$0x3FD9]  }
0x89: {  	s3 =	sld [smem:$0x3FFE];
	_ =	sdelay $0x1  }
0x8a: {  	s1 =	srdreg.scid  }
0x8b: {  	s0 =	sand.u32 $0x1, s1  }
0x8c: {  	s17 =	sshll.u32 s0, $0xA;
	s2 =	sadd.s32 s3, s2  }
0x8d: {  	s2 =	sadd.s32 s2, s17  }
0x8e: {  	[smem:$0x3F73] =	sst s2  }
0x8f: {  	_ = 	snop  }
0x90: {  	s2 =	sld [smem:$0x3FD0];
	(tm) =	ssettm $0x1  }
0x91: {  	s18 =	sld [smem:$0x3FFB];
	_ =	sdelay $0x3  }
0x92: {  	_ =	strace s18  }
0x93: {  	s3 =	sld [smem:$0x3FFC];
	_ =	sdelay $0x3  }
0x94: {  	_ =	strace s3  }
0x95: {  	s3 =	sld [smem:$0x3FFD];
	_ =	sdelay $0x3  }
0x96: {  	_ =	strace s3  }
0x97: {  	_ =	strace $0x8FFFFFFF  }
0x98: {  	s19 =	sld [smem:$0x3FDB];
	_ =	sdelay $0x1  }
0x99: {  	s4 =	simm.s32 $_scs_section_size  }
0x9a: {  	s5 =	simm.s32 $_size__tile_overlayer_lowered;
	s6 =	simm.s32 $_tile_overlayer_lowered  }
0x9b: {  	s22 =	simm.s32 $0x1BFF;
	s21 =	sshll.u32 s6, $0x1;
	s3 =	sadd.s32 s4, s19  }
0x9c: {  	s7 =	simm.s32 $0x0;
	s20 =	sshll.u32 s5, $0x1;
	s5 =	sadd.s32 s21, s3  }
0x9d: {  	[timem:s7], [sflag:s22] =	dma.local [hbm:s5], s20  }
0x9e: {  	_ =	swait.ge [sflag:s22], s20  }
0x9f: {  	s4 =	ssub.s32 $0x0, s20;
	[sflag:s22] =	ssyncset.done $0x0  }
0xa0: {  	[sflag:s22] =	ssyncadd.s32 s4;
	_ =	sdelay $0x1  }
0xa1: {  	s23 =	simm.s32 $0x1B8B  }
0xa2: {  	_ =	swait.ge [sflag:s23], $0x1  }
0xa3: {  	[sflag:s23] =	ssyncset.done $0x0  }
0xa4: {  	s25 =	simm.s32 $0x1B8E;
	s24 =	sld [smem:$0x3FFE];
	[sflag:s23] =	ssyncadd.s32 $0xFFFFFFFF  }
0xa5: {  	s26 =	simm.s32 $execute0_lowered;
	[smem:$0x3FD2] =	sst s25  }
0xa6: {  	s5 =	sshll.u32 s26, $0x1;
	_ =	strace $0x80000046;
	[dreg:$0x1] =	wrdreg $0xFFFFFFFF  }
0xa7: {  	s28 =	simm.s32 $_size_execute0_lowered;
	s3 =	sadd.s32 s3, s5;
	[dreg:$0x0] =	wrdreg $0x0  }
0xa8: {  	s5 =	sshll.u32 s28, $0x1;
	[dreg:$0x2] =	wrdreg s3  }
0xa9: {  	[dreg:$0x3] =	wrdreg s5  }
0xaa: {  	[dreg:$0x4] =	wrdreg $0xC0  }
0xab: {  	_ =	task [dreg:s7], $0x5FFFF  }
0xac: {  	[dreg:$0x1] =	wrdreg $0xFFFFFFFF  }
0xad: {  	[dreg:$0x0] =	wrdreg $0x60  }
0xae: {  	[dreg:$0x2] =	wrdreg s24  }
0xaf: {  	[dreg:$0x3] =	wrdreg s2  }
0xb0: {  	[dreg:$0x4] =	wrdreg $0x0  }
0xb1: {  	[dreg:$0x5] =	wrdreg $0xA  }
0xb2: {  	_ =	task.clear_ibuf [dreg:s7], $0x6FFFF;
	_ =	strace $0x90000046  }
0xb3: {  	s29 =	simm.s32 $0xA;
	_ =	strace $0x80000048  }
0xb4: {  	_ =	swait.ge [sflag:s29], $0x1  }
0xb5: {  	[sflag:s29] =	ssyncadd.s32 $0xFFFFFFFF  }
0xb6: {  	_ =	strace $0x90000048  }
0xb7: {  	_ =	sfence  }
0xb8: {  	s30 =	sld [smem:$0x0];
	_ =	sdelay $0x2  }
0xb9: {  	s31 =	sshll.u32 s1, $0xD;
	s1 =	sshrl.u32 s1, $0x2  }
0xba: {  	s3 =	sand.u32 $0x4000, s31;
	s1 =	sadd.s32 s1, s30  }
0xbb: {  	s0 =	sor.u32 s3, s0;
	s1 =	sshll.u32 s1, $0x11  }
0xbc: {  	s0 =	sor.u32 s1, s0  }
0xbd: {  	s0 =	sadd.s32 $0x8F2B, s0  }
0xbe: {  	[sflag:s0] =	ssyncadd.remote.s32 $0x1  }
0xbf: {  	_ =	sfence.sel $0xFFFF  }
0xc0: {  	[dreg:$0x0] =	wrdreg $0xFFFFFFFF;
	(pc) =	sbr.abs _section_cstart, $3  }
0xc1: {  	[dreg:$0x1] =	wrdreg $0xFFFFFFFF  }
0xc2: {  	_ =	task.clear_ibuf [dreg:s7], $0x2FFFF;
	_ =	strace $0x9FFFFFFF  }
0xc3: {  	(tm) =	ssettm $0x7FFFFFFF  }
tec
execute0_lowered:
.L_overlay_start_1:
0x0: {  	(tag) =	ssettag $0x1  }
0x1: {  	s0 =	rddreg [dreg:$0x0]  }
0x2: {  	s3 =	rddreg [dreg:$0x1]  }
0x3: {  	s1 =	rddreg [dreg:$0x2];
	s2 =	simm.s32 $0x0  }
0x4: {  	s16 =	stileid.u32;
	s8 =	srdreg.scid;
	s18 =	simm.s32 $0x15F90  }
0x5: {  	s19 =	simm.s32 $0x4;
	s20 =	simm.s32 $0x16010;
	s21 =	simm.s32 $0x28  }
0x6: {  	s22 =	simm.s32 $0x16190;
	s23 =	simm.s32 $0x17590;
	s24 =	simm.s32 $0x18990  }
0x7: {  	s28 =	simm.s32 $0x3;
	s29 =	simm.s32 $0x16110;
	s30 =	simm.s32 $0x19D90  }
0x8: {  	[smem:$0x7FF] =	sst s2;
	s4 =	sadd.s32 $0x35800, s0;
	s9 =	smul.u32 $0x58000, s16  }
0x9: {  	s5 =	sadd.s32 $0xAAE00, s0;
	s6 =	sadd.s32 $0x83C00, s0;
	s11 =	smul.u32 $0x2C00, s16  }
0xa: {  	s7 =	sadd.s32 $0x21E00, s0;
	s10 =	sand.u32 $0x1, s8;
	s25 =	smul.u32 $0x16000, s16  }
0xb: {  	s8 =	sadd.s32 $0xE400, s0;
	s0 =	sadd.s32 $0x120400, s0;
	s26 =	smul.u32 $0x4E20, s16  }
0xc: {  	s15 =	sadd.s32 $0x14A000, s1;
	p0 =	seq.s32 s16, $0xF;
	s13 =	smul.u32 $0x4E200, s10  }
0xd: {  	_ =	strace $0x80000047;
	s12 =	ssub.s32 $0x2, s10;
	s10 =	smul.u32 $0x15FC00, s10  }
0xe: {  	s15 =	sshrl.u32 @p0 s15, $0x3;
	s14 =	sshrl.u32 s12, $0x1;
	s9 =	sshrl.u32 s9, $0x2  }
0xf: {  	s11 =	sadd.s32 s3, s11;
	s3 =	sadd.s32 $0x29400, s3;
	s12 =	ssub.s32 s12, s14  }
0x10: {  	s9 =	sadd.s32 s9, s1;
	[dreg:$0x4] =	wrdreg s11;
	s31 =	sadd.s32 s25, s10  }
0x11: {  	[dreg:$0x5] =	wrdreg s3;
	s10 =	sshrl.u32 s10, $0x3;
	s3 =	sshrl.u32 s31, $0x3  }
0x12: {  	s11 =	sadd.s32 s26, s13;
	s3 =	sadd.s32 s0, s3;
	s0 =	sadd.s32 s0, s10  }
0x13: {  	vm0 =	vmmov $0x1;
	vm1 =	vcmask $0x704;
	vm2 =	vcmask $0xB08;
	s25 =	simm.s32 $0x1;
	s26 =	simm.s32 $0x2;
	s0 =	sadd.s32 $0x29400, s0  }
0x14: {  	vm3 =	vcmask $0xF0C;
	vm4 =	vcmask $0x1310;
	vm5 =	vcmask $0x1714;
	s14 =	smax.u32 s12, $0x1;
	[dreg:$0x7] =	wrdreg s0;
	s0 =	sshll.u32 @!p0 s16, $0x6  }
0x15: {  	vm6 =	vcmask $0x1B18;
	vm7 =	vcmask $0x1F1C;
	v0 =	vimm.f32 $0.0e+00;
	s17 =	sshrl.u32 @!p0 s9, $0x3;
	[dreg:$0x6] =	wrdreg s3;
	s16 =	sor.u32 @!p0 $0x1C04, s0  }
.LBB2_1:
0x16: {  	s0 =	simm.s32 @p0 $0x1FC4;
	s3 =	rddreg [dreg:$0x5]  }
0x17: {  	[spmem:s15], [sflag:s0] =	dma.local @p0 [hbm:s3], $0x2B20  }
0x18: {  	s0 =	simm.s32 @p0 $0x4  }
0x19: {  	_ =	swait.ge @p0 [sflag:s0], $0x2B20  }
0x1a: {  	[sflag:s0] =	ssyncset.done @p0 $0x0  }
0x1b: {  	[sflag:s0] =	ssyncadd.s32 @p0 $0xFFFFD4E0;
	s0 =	rddreg [dreg:$0x4]  }
0x1c: {  	[spmem:s17], [sflag:s16] =	dma.local @!p0 [hbm:s0], $0x2C00  }
0x1d: {  	s0 =	simm.s32 @!p0 $0x4  }
0x1e: {  	_ =	swait.ge @!p0 [sflag:s0], $0x2C00  }
0x1f: {  	[sflag:s0] =	ssyncset.done @!p0 $0x0  }
0x20: {  	[sflag:s0] =	ssyncadd.s32 @!p0 $0xFFFFD400  }
0x21: {  	s31 =	simm.s32 $0x0;
	[bflag:$0x0] =	sbarrier.arrive $0xFFFF  }
.LBB2_2:
0x22: {  	s0 =	smul.u32 $0x28, s31;
	_ =	sdelay $0x1  }
0x23: {  	s0 =	sadd.s32 s0, s11  }
0x24: {  	s3 =	sshrl.u32 s0, $0x3  }
0x25: {  	s0 =	simm.s32 $0x0;
	s9 =	sadd.s32 s7, s3  }
0x26: {  	[tilespmem:s18], [sflag:$0x4] =	stream.linear.gather [hbm4b:s9+s0], $0x28, $0x38;
	[tilespmem:$0x1B190] =	vst v63  }
0x27: {  	_ =	swait.ge [sflag:s19], $0x28  }
0x28: {  	[sflag:s19] =	ssyncset.done $0x0  }
0x29: {  	s3 =	sadd.s32 s8, s3;
	[sflag:s19] =	ssyncadd.s32 $0xFFFFFFD8  }
0x2a: {  	[tilespmem:s20], [sflag:$0x4] =	stream.linear.gather [hbm4b:s3+s0], $0x28, $0x38;
	[tilespmem:$0x1B190] =	vst v63  }
0x2b: {  	_ =	swait.ge [sflag:s19], $0x28  }
0x2c: {  	[sflag:s19] =	ssyncset.done $0x0  }
0x2d: {  	[sflag:s19] =	ssyncadd.s32 $0xFFFFFFD8  }
0x2e: {  	[tilespmem:s22], [sflag:$0x1] =	stream.indirect.gather [hbm4b:s4+s21], $0x80, s18, s21, $0xb8;
	[tilespmem:$0x1B190] =	vst v63  }
0x2f: {  	_ = 	snop  }
0x30: {  	[tilespmem:s23], [sflag:$0x2] =	stream.indirect.gather [hbm4b:s5+s21], $0x80, s20, s21, $0xb8;
	[tilespmem:$0x1B190] =	vst v63  }
0x31: {  	_ = 	snop  }
0x32: {  	[tilespmem:s24], [sflag:$0x3] =	stream.indirect.gather [hbm4b:s6+s21], $0x80, s18, s21, $0xb8;
	[tilespmem:$0x1B190] =	vst v63  }
0x33: {  	v1 =	vld [tilespmem:$0x16010];
	_ =	sdelay $0x1  }
0x34: {  	v2 =	vld [tilespmem:$0x16020];
	_ =	sdelay $0x1  }
0x35: {  	v3 =	vld [tilespmem:$0x16028]  }
0x36: {  	v4 =	vshra.s32 v1, $0x3  }
0x37: {  	[tilespmem:$0x16090] =	vst v1;
	v1 =	vadd.s32 $0x2710, v4  }
0x38: {  	[tilespmem:$0x16110] =	vst v1;
	v1 =	vshra.s32 v2, $0x3  }
0x39: {  	[tilespmem:$0x160A0] =	vst v2;
	v1 =	vadd.s32 $0x2710, v1  }
0x3a: {  	[tilespmem:$0x16120] =	vst v1;
	v1 =	vshra.s32 v3, $0x3  }
0x3b: {  	[tilespmem:$0x160A8] =	vst v3;
	v1 =	vadd.s32 $0x2710, v1  }
0x3c: {  	[tilespmem:$0x16128] =	vst v1  }
0x3d: {  	_ =	swait.ge [sflag:s25], $0x1400  }
0x3e: {  	[sflag:s25] =	ssyncset.done $0x0  }
0x3f: {  	[sflag:s25] =	ssyncadd.s32 $0xFFFFEC00  }
0x40: {  	_ =	swait.ge [sflag:s26], $0x1400  }
0x41: {  	[sflag:s26] =	ssyncset.done $0x0  }
0x42: {  	[sflag:s26] =	ssyncadd.s32 $0xFFFFEC00  }
0x43: {  	_ =	swait.ge [sflag:s28], $0x1400  }
0x44: {  	[sflag:s28] =	ssyncset.done $0x0  }
0x45: {  	s9 =	simm.s32 $0x16092;
	s3 =	simm.s32 $0xFFFFFFFC;
	[sflag:s28] =	ssyncadd.s32 $0xFFFFEC00  }
.LBB2_3:
0x46: {  	s10 =	sshra.s32 s0, $0x2  }
0x47: {  	v1 =	vld [tilespmem:s10+$0x16190]  }
0x48: {  	v2 =	vld [tilespmem:s10+$0x17590];
	_ =	sdelay $0x1  }
0x49: {  	v3 =	vld [tilespmem:s10+$0x161A0]  }
0x4a: {  	v4 =	vld [tilespmem:s10+$0x175A0]  }
0x4b: {  	v5 =	vld [tilespmem:s10+$0x161B0]  }
0x4c: {  	v6 =	vld [tilespmem:s10+$0x175B0];
	v1 =	vmul.f32 v2, v1  }
0x4d: {  	v7 =	vld [tilespmem:s10+$0x175C0]  }
0x4e: {  	v2 =	vld [tilespmem:s10+$0x161C0];
	(xrf2) =	vadd.scan.msk.f32 $0xffff, v1  }
0x4f: {  	v29 =	vld [tilespmem:s10+$0x175D0];
	v1 =	vmul.f32 v4, v3  }
0x50: {  	v3 =	vld [tilespmem:s10+$0x161D0]  }
0x51: {  	v30 =	vld [tilespmem:s10+$0x161E0];
	(xrf2) =	vadd.scan.msk.f32 $0xffff, v1;
	v1 =	vmul.f32 v6, v5  }
0x52: {  	v31 =	vld [tilespmem:s10+$0x175E0]  }
0x53: {  	v32 =	vld [tilespmem:s10+$0x175F0];
	(xrf2) =	vadd.scan.msk.f32 $0xffff, v1;
	v1 =	vmul.f32 v7, v2  }
0x54: {  	v2 =	vld [tilespmem:s10+$0x161F0]  }
0x55: {  	(xrf2) =	vadd.scan.msk.f32 $0xffff, v1;
	v1 =	vmul.f32 v29, v3;
	_ =	sdelay $0x1  }
0x56: {  	v33 =	vld [tilespmem:s10+$0x17600];
	(xrf2) =	vadd.scan.msk.f32 $0xffff, v1;
	v1 =	vmul.f32 v31, v30  }
0x57: {  	v3 =	vld [tilespmem:s10+$0x16200];
	v34, _, _ =	vpop (xrf2)  }
0x58: {  	(xrf2) =	vadd.scan.msk.f32 $0xffff, v1;
	v1 =	vmul.f32 v32, v2;
	v2 =	vbroadcast v34, $0xF;
	_ =	sdelay $0x1  }
0x59: {  	v2 =	vnsel vm0, $0x0, v2  }
0x5a: {  	v35, _, _ =	vpop (xrf2);
	v2 =	vadd.f32 $0.0e+00, v2  }
0x5b: {  	(xrf2) =	vadd.scan.msk.f32 $0xffff, v1;
	v1 =	vmul.f32 v33, v3;
	v3 =	vbroadcast v35, $0xF  }
0x5c: {  	[tilespmem:s10+$0x19D90] =	vst v0;
	v36, _, _ =	vpop (xrf2)  }
0x5d: {  	[tilespmem:s10+$0x19DA0] =	vst v0;
	(xrf2) =	vadd.scan.msk.f32 $0xffff, v1;
	v1 =	vnsel vm1, $0x0, v3;
	v3 =	vbroadcast v36, $0xF  }
0x5e: {  	[tilespmem:s10+$0x19DB0] =	vst v0;
	v1 =	vadd.f32 v1, v2;
	v2, _, _ =	vpop (xrf2)  }
0x5f: {  	[tilespmem:s10+$0x19DC0] =	vst v0;
	v3 =	vnsel vm2, $0x0, v3;
	v2 =	vbroadcast v2, $0xF  }
0x60: {  	[tilespmem:s10+$0x19DD0] =	vst v0  }
0x61: {  	[tilespmem:s10+$0x19DE0] =	vst v0;
	v2 =	vnsel vm3, $0x0, v2  }
0x62: {  	[tilespmem:s10+$0x19DF0] =	vst v0;
	v1 =	vadd.f32 v3, v1;
	v3, _, _ =	vpop (xrf2)  }
0x63: {  	[tilespmem:s10+$0x19E00] =	vst v0;
	v3 =	vbroadcast v3, $0xF  }
0x64: {  	v37 =	vld [tilespmem:s9+$0xFFFFFFFE];
	v1 =	vadd.f32 v2, v1;
	v2, _, _ =	vpop (xrf2)  }
0x65: {  	v3 =	vnsel vm4, $0x0, v3;
	v2 =	vbroadcast v2, $0xF;
	_ =	sdelay $0x1  }
0x66: {  	v2 =	vnsel vm5, $0x0, v2  }
0x67: {  	v1 =	vadd.f32 v3, v1;
	v3, _, _ =	vpop (xrf2)  }
0x68: {  	(v2sf) =	vpush v37, $0x0;
	v3 =	vbroadcast v3, $0xF  }
0x69: {  	v1 =	vadd.f32 v2, v1;
	v2, _, _ =	vpop (xrf2)  }
0x6a: {  	v3 =	vnsel vm6, $0x0, v3;
	v2 =	vbroadcast v2, $0xF  }
0x6b: {  	v1 =	vadd.f32 v3, v1  }
0x6c: {  	v2 =	vnsel vm7, $0x0, v2  }
0x6d: {  	v1 =	vadd.f32 v2, v1;
	_ =	sdelay $0x1  }
0x6e: {  	v1 =	vmul.f32 $1.442695020e+00, v1;
	_ =	sdelay $0x1  }
0x6f: {  	(erf) = vpow2.f32 v1;
	_ =	sdelay $0x5  }
0x70: {  	s12 =	spop (v2sf)  }
0x71: {  	s13 =	sand.u32 $0x7, s12  }
0x72: {  	s12 =	sadd.s32 $0x19D90, s10;
	s13 =	sshll.u32 s13, $0x4  }
0x73: {  	s13 =	sadd.s32 s13, s12;
	v1 =	vpop (erf)  }
0x74: {  	[tilespmem:s13+$0x0] =	vst v1  }
0x75: {  	v2 =	vld [tilespmem:s10+$0x18990]  }
0x76: {  	v3 =	vld [tilespmem:s10+$0x189A0]  }
0x77: {  	v39 =	vld [tilespmem:s10+$0x189C0]  }
0x78: {  	v40 =	vld [tilespmem:s10+$0x189D0]  }
0x79: {  	v41 =	vld [tilespmem:s10+$0x189E0]  }
0x7a: {  	v8 =	vld [tilespmem:s10+$0x189F0]  }
0x7b: {  	v9 =	vld [tilespmem:s10+$0x18A00]  }
0x7c: {  	v10 =	vld [tilespmem:s10+$0x16210]  }
0x7d: {  	v11 =	vld [tilespmem:s10+$0x17610]  }
0x7e: {  	v12 =	vld [tilespmem:s10+$0x16220]  }
0x7f: {  	v13 =	vld [tilespmem:s10+$0x17620]  }
0x80: {  	v15 =	vld [tilespmem:s10+$0x16230]  }
0x81: {  	v17 =	vld [tilespmem:s10+$0x17630]  }
0x82: {  	v14 =	vbroadcast v1, $0x0;
	v16 =	vbroadcast v1, $0x1;
	v42 =	vld [tilespmem:s10+$0x16240]  }
0x83: {  	v43 =	vbroadcast v1, $0x2;
	v44 =	vld [tilespmem:s10+$0x17640];
	v10 =	vmul.f32 v11, v10  }
0x84: {  	v18 =	vbroadcast v1, $0x3;
	v46 =	vld [tilespmem:s10+$0x16250];
	v45 =	vmul.f32 v13, v12  }
0x85: {  	v47 =	vbroadcast v1, $0x4;
	v48 =	vld [tilespmem:s10+$0x17650];
	v2 =	vmul.f32 v2, v14;
	(xrf2) =	vadd.scan.msk.f32 $0xffff, v10  }
0x86: {  	v51 =	vbroadcast v1, $0x5;
	v50 =	vld [tilespmem:s10+$0x16260];
	v3 =	vmul.f32 v3, v16;
	(xrf2) =	vadd.scan.msk.f32 $0xffff, v45  }
0x87: {  	v52 =	vld [tilespmem:s10+$0x17660];
	v49 =	vmul.f32 v17, v15;
	[tilespmem:s10+$0x18990] =	vst v2;
	v2 =	vmul.f32 v39, v18  }
0x88: {  	v53 =	vbroadcast v1, $0x6;
	v55 =	vld [tilespmem:s10+$0x16270];
	[tilespmem:s10+$0x189A0] =	vst v3;
	v3 =	vmul.f32 v40, v47  }
0x89: {  	v1 =	vbroadcast v1, $0x7;
	v56 =	vld [tilespmem:s10+$0x17670];
	(xrf2) =	vadd.scan.msk.f32 $0xffff, v49;
	[tilespmem:s10+$0x189C0] =	vst v2;
	v2 =	vmul.f32 v41, v51  }
0x8a: {  	v58 =	vld [tilespmem:s10+$0x16280];
	v54 =	vmul.f32 v44, v42;
	[tilespmem:s10+$0x189D0] =	vst v3  }
0x8b: {  	v1 =	vmul.f32 v9, v1;
	v3 =	vmul.f32 v8, v53;
	[tilespmem:s10+$0x189E0] =	vst v2;
	v2 =	vld [tilespmem:s10+$0x17680]  }
0x8c: {  	v57 =	vmul.f32 v48, v46;
	(xrf2) =	vadd.scan.msk.f32 $0xffff, v54  }
0x8d: {  	[tilespmem:s10+$0x189F0] =	vst v3;
	v3 =	vmul.f32 v52, v50  }
0x8e: {  	(xrf2) =	vadd.scan.msk.f32 $0xffff, v57  }
0x8f: {  	[tilespmem:s10+$0x18A00] =	vst v1;
	v1, _, _ =	vpop (xrf2);
	(xrf2) =	vadd.scan.msk.f32 $0xffff, v3;
	v3 =	vmul.f32 v56, v55  }
0x90: {  	v2 =	vmul.f32 v2, v58;
	v59, _, _ =	vpop (xrf2)  }
0x91: {  	v1 =	vbroadcast v1, $0xF;
	(xrf2) =	vadd.scan.msk.f32 $0xffff, v3;
	v3 =	vbroadcast v59, $0xF;
	_ =	sdelay $0x1  }
0x92: {  	[tilespmem:s10+$0x19E10] =	vst v0;
	v60, _, _ =	vpop (xrf2);
	v1 =	vnsel vm0, $0x0, v1;
	(xrf2) =	vadd.scan.msk.f32 $0xffff, v2;
	v2 =	vnsel vm1, $0x0, v3  }
0x93: {  	v38 =	vld [tilespmem:s10+$0x189B0];
	[tilespmem:s10+$0x19E20] =	vst v0;
	v1 =	vadd.f32 $0.0e+00, v1  }
0x94: {  	[tilespmem:s10+$0x19E30] =	vst v0;
	v3 =	vbroadcast v60, $0xF  }
0x95: {  	[tilespmem:s10+$0x19E40] =	vst v0;
	v1 =	vadd.f32 v2, v1;
	v2, _, _ =	vpop (xrf2)  }
0x96: {  	[tilespmem:s10+$0x19E50] =	vst v0;
	v3 =	vnsel vm2, $0x0, v3;
	v2 =	vbroadcast v2, $0xF  }
0x97: {  	[tilespmem:s10+$0x19E60] =	vst v0  }
0x98: {  	[tilespmem:s10+$0x19E70] =	vst v0;
	v4 =	vmul.f32 v38, v43;
	v2 =	vnsel vm3, $0x0, v2  }
0x99: {  	[tilespmem:s10+$0x19E80] =	vst v0;
	v1 =	vadd.f32 v3, v1;
	v3, _, _ =	vpop (xrf2)  }
0x9a: {  	[tilespmem:s10+$0x189B0] =	vst v4;
	v3 =	vbroadcast v3, $0xF  }
0x9b: {  	v61 =	vld [tilespmem:s9+$0xFFFFFFFF];
	v1 =	vadd.f32 v2, v1;
	v2, _, _ =	vpop (xrf2)  }
0x9c: {  	v3 =	vnsel vm4, $0x0, v3;
	v2 =	vbroadcast v2, $0xF;
	_ =	sdelay $0x1  }
0x9d: {  	v2 =	vnsel vm5, $0x0, v2  }
0x9e: {  	v1 =	vadd.f32 v3, v1;
	v3, _, _ =	vpop (xrf2)  }
0x9f: {  	(v2sf) =	vpush v61, $0x0;
	v3 =	vbroadcast v3, $0xF  }
0xa0: {  	v1 =	vadd.f32 v2, v1;
	v2, _, _ =	vpop (xrf2)  }
0xa1: {  	v3 =	vnsel vm6, $0x0, v3;
	v2 =	vbroadcast v2, $0xF  }
0xa2: {  	v1 =	vadd.f32 v3, v1  }
0xa3: {  	v2 =	vnsel vm7, $0x0, v2  }
0xa4: {  	v1 =	vadd.f32 v2, v1;
	_ =	sdelay $0x1  }
0xa5: {  	v1 =	vmul.f32 $1.442695020e+00, v1;
	_ =	sdelay $0x1  }
0xa6: {  	(erf) = vpow2.f32 v1;
	_ =	sdelay $0x5  }
0xa7: {  	s13 =	spop (v2sf)  }
0xa8: {  	s13 =	sand.u32 $0x7, s13  }
0xa9: {  	s13 =	sshll.u32 s13, $0x4  }
0xaa: {  	s13 =	sadd.s32 s13, s12;
	v1 =	vpop (erf)  }
0xab: {  	[tilespmem:s13+$0x80] =	vst v1  }
0xac: {  	v2 =	vld [tilespmem:s10+$0x18A10]  }
0xad: {  	v3 =	vld [tilespmem:s10+$0x18A20]  }
0xae: {  	v63 =	vld [tilespmem:s10+$0x18A40]  }
0xaf: {  	v21 =	vld [tilespmem:s10+$0x18A50]  }
0xb0: {  	v22 =	vld [tilespmem:s10+$0x18A60]  }
0xb1: {  	v23 =	vld [tilespmem:s10+$0x18A70]  }
0xb2: {  	v24 =	vld [tilespmem:s10+$0x18A80]  }
0xb3: {  	v25 =	vld [tilespmem:s10+$0x16290]  }
0xb4: {  	v26 =	vld [tilespmem:s10+$0x17690]  }
0xb5: {  	v27 =	vld [tilespmem:s10+$0x162A0]  }
0xb6: {  	v28 =	vld [tilespmem:s10+$0x176A0]  }
0xb7: {  	v30 =	vld [tilespmem:s10+$0x162B0]  }
0xb8: {  	v32 =	vld [tilespmem:s10+$0x176B0]  }
0xb9: {  	v29 =	vbroadcast v1, $0x0;
	v31 =	vbroadcast v1, $0x1;
	v33 =	vld [tilespmem:s10+$0x162C0]  }
0xba: {  	v34 =	vbroadcast v1, $0x2;
	v35 =	vld [tilespmem:s10+$0x176C0];
	v10 =	vmul.f32 v26, v25  }
0xbb: {  	v36 =	vbroadcast v1, $0x3;
	v38 =	vld [tilespmem:s10+$0x162D0];
	v37 =	vmul.f32 v28, v27  }
0xbc: {  	v39 =	vbroadcast v1, $0x4;
	v40 =	vld [tilespmem:s10+$0x176D0];
	v2 =	vmul.f32 v2, v29;
	(xrf2) =	vadd.scan.msk.f32 $0xffff, v10  }
0xbd: {  	v43 =	vbroadcast v1, $0x5;
	v42 =	vld [tilespmem:s10+$0x162E0];
	v3 =	vmul.f32 v3, v31;
	(xrf2) =	vadd.scan.msk.f32 $0xffff, v37  }
0xbe: {  	v44 =	vld [tilespmem:s10+$0x176E0];
	v41 =	vmul.f32 v32, v30;
	[tilespmem:s10+$0x18A10] =	vst v2;
	v2 =	vmul.f32 v63, v36  }
0xbf: {  	v45 =	vbroadcast v1, $0x6;
	v47 =	vld [tilespmem:s10+$0x162F0];
	[tilespmem:s10+$0x18A20] =	vst v3;
	v3 =	vmul.f32 v21, v39  }
0xc0: {  	v1 =	vbroadcast v1, $0x7;
	v48 =	vld [tilespmem:s10+$0x176F0];
	(xrf2) =	vadd.scan.msk.f32 $0xffff, v41;
	[tilespmem:s10+$0x18A40] =	vst v2;
	v2 =	vmul.f32 v22, v43  }
0xc1: {  	v50 =	vld [tilespmem:s10+$0x16300];
	v46 =	vmul.f32 v35, v33;
	[tilespmem:s10+$0x18A50] =	vst v3  }
0xc2: {  	v1 =	vmul.f32 v24, v1;
	v3 =	vmul.f32 v23, v45;
	[tilespmem:s10+$0x18A60] =	vst v2;
	v2 =	vld [tilespmem:s10+$0x17700]  }
0xc3: {  	v49 =	vmul.f32 v40, v38;
	(xrf2) =	vadd.scan.msk.f32 $0xffff, v46  }
0xc4: {  	[tilespmem:s10+$0x18A70] =	vst v3;
	v3 =	vmul.f32 v44, v42  }
0xc5: {  	(xrf2) =	vadd.scan.msk.f32 $0xffff, v49  }
0xc6: {  	[tilespmem:s10+$0x18A80] =	vst v1;
	v1, _, _ =	vpop (xrf2);
	(xrf2) =	vadd.scan.msk.f32 $0xffff, v3;
	v3 =	vmul.f32 v48, v47  }
0xc7: {  	v2 =	vmul.f32 v2, v50;
	v51, _, _ =	vpop (xrf2)  }
0xc8: {  	v1 =	vbroadcast v1, $0xF;
	(xrf2) =	vadd.scan.msk.f32 $0xffff, v3;
	v3 =	vbroadcast v51, $0xF;
	_ =	sdelay $0x1  }
0xc9: {  	[tilespmem:s10+$0x19E90] =	vst v0;
	v52, _, _ =	vpop (xrf2);
	v1 =	vnsel vm0, $0x0, v1;
	(xrf2) =	vadd.scan.msk.f32 $0xffff, v2;
	v2 =	vnsel vm1, $0x0, v3  }
0xca: {  	v62 =	vld [tilespmem:s10+$0x18A30];
	[tilespmem:s10+$0x19EA0] =	vst v0;
	v1 =	vadd.f32 $0.0e+00, v1  }
0xcb: {  	[tilespmem:s10+$0x19EB0] =	vst v0;
	v3 =	vbroadcast v52, $0xF  }
0xcc: {  	[tilespmem:s10+$0x19EC0] =	vst v0;
	v1 =	vadd.f32 v2, v1;
	v2, _, _ =	vpop (xrf2)  }
0xcd: {  	[tilespmem:s10+$0x19ED0] =	vst v0;
	v3 =	vnsel vm2, $0x0, v3;
	v2 =	vbroadcast v2, $0xF  }
0xce: {  	[tilespmem:s10+$0x19EE0] =	vst v0  }
0xcf: {  	[tilespmem:s10+$0x19EF0] =	vst v0;
	v4 =	vmul.f32 v62, v34;
	v2 =	vnsel vm3, $0x0, v2  }
0xd0: {  	[tilespmem:s10+$0x19F00] =	vst v0;
	v1 =	vadd.f32 v3, v1;
	v3, _, _ =	vpop (xrf2)  }
0xd1: {  	[tilespmem:s10+$0x18A30] =	vst v4;
	v3 =	vbroadcast v3, $0xF  }
0xd2: {  	v53 =	vld [tilespmem:s9+$0x0];
	v1 =	vadd.f32 v2, v1;
	v2, _, _ =	vpop (xrf2)  }
0xd3: {  	v3 =	vnsel vm4, $0x0, v3;
	v2 =	vbroadcast v2, $0xF;
	_ =	sdelay $0x1  }
0xd4: {  	v2 =	vnsel vm5, $0x0, v2  }
0xd5: {  	v1 =	vadd.f32 v3, v1;
	v3, _, _ =	vpop (xrf2)  }
0xd6: {  	(v2sf) =	vpush v53, $0x0;
	v3 =	vbroadcast v3, $0xF  }
0xd7: {  	v1 =	vadd.f32 v2, v1;
	v2, _, _ =	vpop (xrf2)  }
0xd8: {  	v3 =	vnsel vm6, $0x0, v3;
	v2 =	vbroadcast v2, $0xF  }
0xd9: {  	v1 =	vadd.f32 v3, v1  }
0xda: {  	v2 =	vnsel vm7, $0x0, v2  }
0xdb: {  	v1 =	vadd.f32 v2, v1;
	_ =	sdelay $0x1  }
0xdc: {  	v1 =	vmul.f32 $1.442695020e+00, v1;
	_ =	sdelay $0x1  }
0xdd: {  	(erf) = vpow2.f32 v1;
	_ =	sdelay $0x5  }
0xde: {  	s13 =	spop (v2sf)  }
0xdf: {  	s13 =	sand.u32 $0x7, s13  }
0xe0: {  	s13 =	sshll.u32 s13, $0x4  }
0xe1: {  	s13 =	sadd.s32 s13, s12;
	v1 =	vpop (erf)  }
0xe2: {  	[tilespmem:s13+$0x100] =	vst v1  }
0xe3: {  	v2 =	vld [tilespmem:s10+$0x18A90]  }
0xe4: {  	v3 =	vld [tilespmem:s10+$0x18AA0]  }
0xe5: {  	v55 =	vld [tilespmem:s10+$0x18AC0]  }
0xe6: {  	v56 =	vld [tilespmem:s10+$0x18AD0]  }
0xe7: {  	v57 =	vld [tilespmem:s10+$0x18AE0]  }
0xe8: {  	v58 =	vld [tilespmem:s10+$0x18AF0]  }
0xe9: {  	v60 =	vld [tilespmem:s10+$0x16310]  }
0xea: {  	v61 =	vld [tilespmem:s10+$0x17710]  }
0xeb: {  	v62 =	vld [tilespmem:s10+$0x16320]  }
0xec: {  	v63 =	vld [tilespmem:s10+$0x17720]  }
0xed: {  	v22 =	vld [tilespmem:s10+$0x16330]  }
0xee: {  	v24 =	vld [tilespmem:s10+$0x17730]  }
0xef: {  	v21 =	vbroadcast v1, $0x0;
	v23 =	vbroadcast v1, $0x1;
	v25 =	vld [tilespmem:s10+$0x16340]  }
0xf0: {  	v26 =	vbroadcast v1, $0x2;
	v27 =	vld [tilespmem:s10+$0x17740];
	v10 =	vmul.f32 v61, v60  }
0xf1: {  	v28 =	vbroadcast v1, $0x3;
	v31 =	vbroadcast v1, $0x4;
	v30 =	vld [tilespmem:s10+$0x16350]  }
0xf2: {  	v35 =	vbroadcast v1, $0x5;
	v32 =	vld [tilespmem:s10+$0x17750];
	v29 =	vmul.f32 v63, v62;
	(xrf2) =	vadd.scan.msk.f32 $0xffff, v10  }
0xf3: {  	v37 =	vbroadcast v1, $0x6;
	v59 =	vld [tilespmem:s10+$0x18B00];
	v2 =	vmul.f32 v2, v21  }
0xf4: {  	v34 =	vld [tilespmem:s10+$0x16360];
	[tilespmem:s10+$0x19F10] =	vst v0;
	v3 =	vmul.f32 v3, v23;
	v33 =	vmul.f32 v24, v22;
	(xrf2) =	vadd.scan.msk.f32 $0xffff, v29  }
0xf5: {  	v1 =	vbroadcast v1, $0x7;
	v36 =	vld [tilespmem:s10+$0x17760];
	[tilespmem:s10+$0x18A90] =	vst v2;
	v2 =	vmul.f32 v55, v28  }
0xf6: {  	v39 =	vld [tilespmem:s10+$0x16370];
	v38 =	vmul.f32 v27, v25;
	[tilespmem:s10+$0x18AA0] =	vst v3;
	v3 =	vmul.f32 v56, v31;
	(xrf2) =	vadd.scan.msk.f32 $0xffff, v33  }
0xf7: {  	v40 =	vld [tilespmem:s10+$0x17770];
	v41 =	vmul.f32 v32, v30;
	[tilespmem:s10+$0x18AC0] =	vst v2;
	v2 =	vmul.f32 v57, v35  }
0xf8: {  	v42 =	vld [tilespmem:s10+$0x16380];
	v1 =	vmul.f32 v59, v1;
	[tilespmem:s10+$0x18AD0] =	vst v3;
	v3 =	vmul.f32 v58, v37;
	(xrf2) =	vadd.scan.msk.f32 $0xffff, v38  }
0xf9: {  	[tilespmem:s10+$0x18AE0] =	vst v2;
	v2 =	vld [tilespmem:s10+$0x17780]  }
0xfa: {  	[tilespmem:s10+$0x18AF0] =	vst v3;
	(xrf2) =	vadd.scan.msk.f32 $0xffff, v41;
	v3 =	vmul.f32 v36, v34  }
0xfb: {  	[tilespmem:s10+$0x19F20] =	vst v0  }
0xfc: {  	v54 =	vld [tilespmem:s10+$0x18AB0];
	[tilespmem:s10+$0x18B00] =	vst v1;
	v1, _, _ =	vpop (xrf2);
	(xrf2) =	vadd.scan.msk.f32 $0xffff, v3;
	v3 =	vmul.f32 v40, v39  }
0xfd: {  	[tilespmem:s10+$0x19F30] =	vst v0;
	v1 =	vbroadcast v1, $0xF  }
0xfe: {  	[tilespmem:s10+$0x19F40] =	vst v0;
	v2 =	vmul.f32 v2, v42;
	v43, _, _ =	vpop (xrf2);
	(xrf2) =	vadd.scan.msk.f32 $0xffff, v3  }
0xff: {  	[tilespmem:s10+$0x19F50] =	vst v0;
	v3 =	vbroadcast v43, $0xF;
	v1 =	vnsel vm0, $0x0, v1  }
0x100: {  	[tilespmem:s10+$0x19F60] =	vst v0;
	v44, _, _ =	vpop (xrf2);
	(xrf2) =	vadd.scan.msk.f32 $0xffff, v2;
	v1 =	vadd.f32 $0.0e+00, v1  }
0x101: {  	[tilespmem:s10+$0x19F70] =	vst v0;
	v4 =	vmul.f32 v54, v26;
	v2 =	vnsel vm1, $0x0, v3;
	v3 =	vbroadcast v44, $0xF  }
0x102: {  	[tilespmem:s10+$0x19F80] =	vst v0;
	v45, _, _ =	vpop (xrf2);
	v1 =	vadd.f32 v2, v1  }
0x103: {  	[tilespmem:s10+$0x18AB0] =	vst v4;
	v2 =	vnsel vm2, $0x0, v3;
	v3 =	vbroadcast v45, $0xF  }
0x104: {  	v46, _, _ =	vpop (xrf2);
	v1 =	vadd.f32 v2, v1;
	v2 =	vld [tilespmem:s9+$0x1]  }
0x105: {  	v4 =	vbroadcast v46, $0xF;
	v3 =	vnsel vm3, $0x0, v3  }
0x106: {  	v47, _, _ =	vpop (xrf2);
	v1 =	vadd.f32 v3, v1  }
0x107: {  	v3 =	vnsel vm4, $0x0, v4;
	v48 =	vbroadcast v47, $0xF  }
0x108: {  	v49, _, _ =	vpop (xrf2);
	v1 =	vadd.f32 v3, v1  }
0x109: {  	v3 =	vnsel vm5, $0x0, v48;
	v50 =	vbroadcast v49, $0xF;
	(v2sf) =	vpush v2, $0x0  }
0x10a: {  	v2, _, _ =	vpop (xrf2);
	v1 =	vadd.f32 v3, v1  }
0x10b: {  	v2 =	vbroadcast v2, $0xF;
	v3 =	vnsel vm6, $0x0, v50  }
0x10c: {  	v1 =	vadd.f32 v3, v1  }
0x10d: {  	v2 =	vnsel vm7, $0x0, v2  }
0x10e: {  	v1 =	vadd.f32 v2, v1;
	_ =	sdelay $0x1  }
0x10f: {  	v1 =	vmul.f32 $1.442695020e+00, v1;
	_ =	sdelay $0x1  }
0x110: {  	(erf) = vpow2.f32 v1;
	_ =	sdelay $0x5  }
0x111: {  	s13 =	spop (v2sf)  }
0x112: {  	s13 =	sand.u32 $0x7, s13  }
0x113: {  	s13 =	sshll.u32 s13, $0x4  }
0x114: {  	v1 =	vpop (erf);
	s12 =	sadd.s32 s13, s12  }
0x115: {  	[tilespmem:s12+$0x180] =	vst v1  }
0x116: {  	v2 =	vld [tilespmem:s10+$0x18B10]  }
0x117: {  	v52 =	vbroadcast v1, $0x0;
	v3 =	vld [tilespmem:s10+$0x18B20]  }
0x118: {  	v54 =	vbroadcast v1, $0x1;
	v56 =	vbroadcast v1, $0x2;
	v61 =	vld [tilespmem:s10+$0x18B80]  }
0x119: {  	v58 =	vbroadcast v1, $0x3;
	v60 =	vbroadcast v1, $0x4;
	v51 =	vld [tilespmem:s10+$0x18B30]  }
0x11a: {  	v62 =	vbroadcast v1, $0x5;
	v63 =	vbroadcast v1, $0x6;
	v53 =	vld [tilespmem:s10+$0x18B40]  }
0x11b: {  	v1 =	vbroadcast v1, $0x7;
	v55 =	vld [tilespmem:s10+$0x18B50];
	v2 =	vmul.f32 v2, v52  }
0x11c: {  	v57 =	vld [tilespmem:s10+$0x18B60];
	v3 =	vmul.f32 v3, v54  }
0x11d: {  	v59 =	vld [tilespmem:s10+$0x18B70];
	v1 =	vmul.f32 v61, v1;
	[tilespmem:s10+$0x18B10] =	vst v2  }
0x11e: {  	s3 =	sadd.s32 $0x4, s3;
	v2 =	vmul.f32 v51, v56;
	[tilespmem:s10+$0x18B20] =	vst v3  }
0x11f: {  	p1 =	slt.u32 s3, $0x24;
	v3 =	vmul.f32 v53, v58;
	[tilespmem:s10+$0x18B80] =	vst v1  }
.Ltmp0:
0x120: {  	[tilespmem:s10+$0x18B30] =	vst v2;
	v2 =	vmul.f32 v55, v60;
	(pc) =	sbr.rel @p1 .LBB2_3-.Ltmp0, $4  }
0x121: {  	[tilespmem:s10+$0x18B40] =	vst v3;
	v3 =	vmul.f32 v57, v62  }
0x122: {  	[tilespmem:s10+$0x18B50] =	vst v2;
	v2 =	vmul.f32 v59, v63  }
0x123: {  	[tilespmem:s10+$0x18B60] =	vst v3  }
0x124: {  	s0 =	sadd.s32 $0x800, s0;
	s9 =	sadd.s32 $0x4, s9;
	[tilespmem:s10+$0x18B70] =	vst v2  }
0x125: {  	[spmem:s1] =	stream.indirect.scatter.add.f32 [tilespmem:s24], [sflag:$0x4], $0x80, s20, s21, $0xb8;
	[tilespmem:$0x1B190] =	vst v63  }
0x126: {  	s31 =	sadd.s32 $0x1, s31;
	_ =	swait.ge [sflag:s19], $0x1400  }
0x127: {  	p1 =	sne.s32 s31, $0x1F4;
	[sflag:s19] =	ssyncset.done $0x0  }
.Ltmp1:
0x128: {  	[sflag:s19] =	ssyncadd.s32 $0xFFFFEC00;
	(pc) =	sbr.rel @p1 .LBB2_2-.Ltmp1, $4  }
0x129: {  	[spmem:s1] =	stream.indirect.scatter.add.f32 [tilespmem:s30], [sflag:$0x4], $0x80, s29, s21, $0xb8;
	[tilespmem:$0x1B190] =	vst v63  }
0x12a: {  	_ =	swait.ge [sflag:s19], $0x1400  }
0x12b: {  	[sflag:s19] =	ssyncset.done $0x0  }
0x12c: {  	[sflag:s19] =	ssyncadd.s32 $0xFFFFEC00  }
0x12d: {  	[bflag:$0x0] =	sbarrier.arrive $0xFFFF  }
0x12e: {  	s0 =	simm.s32 @p0 $0x1FC4;
	s3 =	rddreg [dreg:$0x7]  }
0x12f: {  	[hbm:s3], [sflag:s0] =	dma.local @p0 [spmem:s15], $0x2B20  }
0x130: {  	s0 =	simm.s32 @p0 $0x4  }
0x131: {  	_ =	swait.ge @p0 [sflag:s0], $0x2B20  }
0x132: {  	s2 =	sadd.s32 $0x1, s2;
	[sflag:s0] =	ssyncset.done @p0 $0x0  }
0x133: {  	p1 =	sne.s32 s2, s14;
	[sflag:s0] =	ssyncadd.s32 @p0 $0xFFFFD4E0;
	s0 =	rddreg [dreg:$0x6]  }
0x134: {  	[hbm:s0], [sflag:s16] =	dma.local @!p0 [spmem:s17], $0x2C00  }
.Ltmp2:
0x135: {  	_ = 	snop;
	(pc) =	sbr.rel @p1 .LBB2_1-.Ltmp2, $4  }
0x136: {  	s0 =	simm.s32 @!p0 $0x4  }
0x137: {  	_ =	swait.ge @!p0 [sflag:s0], $0x2C00  }
0x138: {  	[sflag:s0] =	ssyncset.done @!p0 $0x0  }
0x139: {  	[sflag:s0] =	ssyncadd.s32 @!p0 $0xFFFFD400  }
0x13a: {  	_ =	sfence.sel $0x180000  }
0x13b: {  	[bflag:$0x0] =	sbarrier.arrive $0xFFFF  }
0x13c: {  	_ =	strace $0x90000047  }
0x13d: {  	s0 =	stileid.u32;
	[bflag:$0x2] =	sbarrier.arrive $0xFFFF  }
0x13e: {  	p0 =	sne.s32 s0, $0x0;
	s0 =	rddreg [dreg:$0x3]  }
0x13f: {  	s0 =	sadd.s32 @!p0 $0x100000, s0  }
0x140: {  	[sflag:s0] =	ssyncadd.tile.s32 @!p0 $0x1;
	_ =	shalt  }
.Lfunc_end2:
_tile_overlayer_lowered:
.L_overlay_start_2:
0x141: {  	(tag) =	ssettag $0x2  }
0x142: {  	s0 =	rddreg [dreg:$0x0];
	s2 =	stileid.u32  }
0x143: {  	s1 =	rddreg [dreg:$0x1];
	p0 =	sne.s32 s2, $0x0  }
0x144: {  	s3 =	rddreg [dreg:$0x2];
	[bflag:$0x3] =	sbarrier.arrive $0xFFFF;
	s2 =	simm.s32 @!p0 $0x1C04  }
0x145: {  	[timem:s3], [sflag:s2] =	dma.local @!p0 [hbm:s0], s1  }
0x146: {  	s0 =	simm.s32 @!p0 $0x4  }
0x147: {  	_ =	swait.ge @!p0 [sflag:s0], s1  }
0x148: {  	s1 =	ssub.s32 @!p0 $0x0, s1;
	[sflag:s0] =	ssyncset.done @!p0 $0x0  }
0x149: {  	[sflag:s0] =	ssyncadd.s32 @!p0 s1  }
0x14a: {  	[bflag:$0x3] =	sbarrier.arrive $0xFFFF  }
0x14b: {  	_ =	shalt  }

// kernel: kernel.8.cloned.1.call-start
scs
__scs_entry_jumppad:
0x0: {  	(pc) =	sbr.rel $0x88, $3  }
0x1: {  	(tag) =	ssettag $0x0;
	lr =	simm.s32 $0x1  }
0x2: {  	[smem:$0x3F4C] =	sst lr;
	_ =	strace $0xD0000000  }
0x3: {  	_ = 	snop  }
0x4: {  	_ = 	snop  }
0x5: {  	_ = 	snop  }
0x6: {  	_ = 	snop  }
0x7: {  	_ = 	snop  }
__scs_overlays_trampoline_lowered:
0x8: {  	[smem:$0x3F5B] =	sst s0  }
0x9: {  	[smem:$0x3F5C] =	sst s1  }
0xa: {  	[smem:$0x3F5D] =	sst s2  }
0xb: {  	[smem:$0x3F5E] =	sst s3  }
0xc: {  	[smem:$0x3F5F] =	sst s4  }
0xd: {  	[smem:$0x3F60] =	sst s5  }
0xe: {  	[smem:$0x3F61] =	sst s6  }
0xf: {  	[smem:$0x3F62] =	sst s7  }
0x10: {  	[smem:$0x3F63] =	sst s8  }
0x11: {  	[smem:$0x3F64] =	sst s9;
	s0 =	simm.s32 @!p0 $0x0  }
0x12: {  	s1 =	sld [smem:$0x3F4A];
	s0 =	simm.s32 @p0 $0x1  }
0x13: {  	[smem:$0x3F65] =	sst s0;
	s0 =	simm.s32 @!p1 $0x0  }
0x14: {  	s2 =	sld [smem:$0x3F49];
	s0 =	simm.s32 @p1 $0x1  }
0x15: {  	[smem:$0x3F66] =	sst s0;
	s0 =	simm.s32 @!p2 $0x0  }
0x16: {  	s3 =	sld [smem:$0x3FDB];
	s0 =	simm.s32 @p2 $0x1  }
0x17: {  	s4 =	simm.s32 $0x1BF5;
	[smem:$0x3F68] =	sst s0  }
0x18: {  	s0 =	sld [smem:$0x3F4B];
	_ =	swait.ge [sflag:s4], $0x0  }
0x19: {  	s7 =	sld [smem:$0x3F4C]  }
0x1a: {  	s8 =	sadd.s32 $0xFFFFE003, lr  }
0x1b: {  	s9 =	sadd.s32 $0xFFFFFEF7, lr;
	s5 =	simm.s32 $0xFFFFFFFF;
	p2 =	slt.u32 s8, $0xFFFFF086  }
0x1c: {  	p1 =	slt.u32 s9, $0xF7A;
	s5 =	simm.s32 @!p2 $0x0  }
0x1d: {  	s5 =	simm.s32 @p1 $0x1;
	p0 =	seq.s32 s7, s2  }
0x1e: {  	s7 =	smul.u32 @!p0 $0xF7A, s2;
	p2 =	seq.s32 @!p0 s5, $0x0  }
0x1f: {  	s9 =	smul.u32 $0xF7A, s1;
	s8 =	simm.s32 @!p0 $0x1BF5;
	p2 =	por !p2, p0  }
0x20: {  	[sflag:s8] =	ssyncset.s32 @!p0 $0xFFFFF086;
	s6 =	sadd.s32 @!p0 s3, s7;
	s7 =	simm.s32 @!p0 $0x108  }
0x21: {  	s3 =	sadd.s32 s3, s9;
	s6 =	sadd.s32 @!p0 $0x88, s6;
	s7 =	simm.s32 @p2 $0x1082  }
0x22: {  	[simem:s7], [sflag:s8] =	dma.local @!p0 [hbm:s6], $0xF7A  }
0x23: {  	s9 =	sor.u32 $0xD0000000, s2;
	s6 =	simm.s32 $0x108;
	_ =	swait.ge @!p0 [sflag:s8], $0x0  }
0x24: {  	s3 =	sadd.s32 $0x88, s3;
	s6 =	simm.s32 @!p1 $0x1082;
	[sflag:s4] =	ssyncset.s32 $0xFFFFF086  }
0x25: {  	[simem:s6], [sflag:s4] =	dma.local [hbm:s3], $0xF7A  }
0x26: {  	[smem:$0x3F4C] =	sst s1;
	(tag) =	ssettag s2;
	_ =	strace s9  }
0x27: {  	s1 =	sld [smem:$0x3F5C]  }
0x28: {  	s2 =	sld [smem:$0x3F5D]  }
0x29: {  	s4 =	sld [smem:$0x3F5F]  }
0x2a: {  	p0 =	seq.s32 s5, $0x0;
	s5 =	sld [smem:$0x3F60]  }
0x2b: {  	s6 =	sld [smem:$0x3F61]  }
0x2c: {  	s7 =	sld [smem:$0x3F62]  }
0x2d: {  	s3 =	simm.s32 $0x108;
	s8 =	sld [smem:$0x3F63]  }
0x2e: {  	s3 =	simm.s32 @!p0 $0x1082;
	s9 =	sld [smem:$0x3F64]  }
0x2f: {  	lr =	sadd.s32 s0, s3;
	s0 =	sld [smem:$0x3F5B]  }
0x30: {  	s3 =	sld [smem:$0x3F5E]  }
0x31: {  	[smem:$0x3F67] =	sst s10  }
0x32: {  	s10 =	sld [smem:$0x3F65];
	_ =	sdelay $0x3  }
0x33: {  	p0 =	seq.s32 s10, $0x1;
	s10 =	sld [smem:$0x3F67];
	_ =	sdelay $0x3  }
0x34: {  	[smem:$0x3F67] =	sst s10  }
0x35: {  	s10 =	sld [smem:$0x3F66];
	_ =	sdelay $0x3  }
0x36: {  	p1 =	seq.s32 s10, $0x1;
	s10 =	sld [smem:$0x3F67];
	_ =	sdelay $0x3  }
0x37: {  	[smem:$0x3F67] =	sst s10  }
0x38: {  	s10 =	sld [smem:$0x3F68]  }
0x39: {  	_ = 	snop;
	(pc) =	sbr.ind lr, $3  }
0x3a: {  	_ = 	snop  }
0x3b: {  	_ = 	snop  }
0x3c: {  	p2 =	seq.s32 s10, $0x1;
	s10 =	sld [smem:$0x3F67]  }
0x3d: {  	_ =	shalt  }
0x3e: {  	_ =	shalt  }
0x3f: {  	_ =	shalt  }
0x40: {  	_ =	shalt  }
0x41: {  	_ =	shalt  }
0x42: {  	_ =	shalt  }
0x43: {  	_ =	shalt  }
0x44: {  	_ =	shalt  }
0x45: {  	_ =	shalt  }
0x46: {  	_ =	shalt  }
0x47: {  	_ =	shalt  }
0x48: {  	_ =	shalt  }
0x49: {  	_ =	shalt  }
0x4a: {  	_ =	shalt  }
0x4b: {  	_ =	shalt  }
0x4c: {  	_ =	shalt  }
0x4d: {  	_ =	shalt  }
0x4e: {  	_ =	shalt  }
0x4f: {  	_ =	shalt  }
0x50: {  	_ =	shalt  }
0x51: {  	_ =	shalt  }
0x52: {  	_ =	shalt  }
0x53: {  	_ =	shalt  }
0x54: {  	_ =	shalt  }
0x55: {  	_ =	shalt  }
0x56: {  	_ =	shalt  }
0x57: {  	_ =	shalt  }
0x58: {  	_ =	shalt  }
0x59: {  	_ =	shalt  }
0x5a: {  	_ =	shalt  }
0x5b: {  	_ =	shalt  }
0x5c: {  	_ =	shalt  }
0x5d: {  	_ =	shalt  }
0x5e: {  	_ =	shalt  }
0x5f: {  	_ =	shalt  }
0x60: {  	_ =	shalt  }
0x61: {  	_ =	shalt  }
0x62: {  	_ =	shalt  }
0x63: {  	_ =	shalt  }
0x64: {  	_ =	shalt  }
0x65: {  	_ =	shalt  }
0x66: {  	_ =	shalt  }
0x67: {  	_ =	shalt  }
0x68: {  	_ =	shalt  }
0x69: {  	_ =	shalt  }
0x6a: {  	_ =	shalt  }
0x6b: {  	_ =	shalt  }
0x6c: {  	_ =	shalt  }
0x6d: {  	_ =	shalt  }
0x6e: {  	_ =	shalt  }
0x6f: {  	_ =	shalt  }
0x70: {  	_ =	shalt  }
0x71: {  	_ =	shalt  }
0x72: {  	_ =	shalt  }
0x73: {  	_ =	shalt  }
0x74: {  	_ =	shalt  }
0x75: {  	_ =	shalt  }
0x76: {  	_ =	shalt  }
0x77: {  	_ =	shalt  }
0x78: {  	_ =	shalt  }
0x79: {  	_ =	shalt  }
0x7a: {  	_ =	shalt  }
0x7b: {  	_ =	shalt  }
0x7c: {  	_ =	shalt  }
0x7d: {  	_ =	shalt  }
0x7e: {  	_ =	shalt  }
0x7f: {  	_ =	shalt  }
0x80: {  	_ =	shalt  }
0x81: {  	_ =	shalt  }
0x82: {  	_ =	shalt  }
0x83: {  	_ =	shalt  }
0x84: {  	_ =	shalt  }
0x85: {  	_ =	shalt  }
0x86: {  	_ =	shalt  }
0x87: {  	_ =	shalt  }
.Lfunc_end0:
.L_simem_size_0:
called_computation_lowered:
.L_overlay_start_0:
0x88: {  	s2 =	sld [smem:$0x3FD9]  }
0x89: {  	s3 =	sld [smem:$0x3FFE];
	_ =	sdelay $0x1  }
0x8a: {  	s1 =	srdreg.scid  }
0x8b: {  	s0 =	sand.u32 $0x1, s1  }
0x8c: {  	s17 =	sshll.u32 s0, $0xA;
	s2 =	sadd.s32 s3, s2  }
0x8d: {  	s2 =	sadd.s32 s2, s17  }
0x8e: {  	[smem:$0x3F73] =	sst s2  }
0x8f: {  	_ = 	snop  }
0x90: {  	s18 =	sld [smem:$0x3FD0];
	(tm) =	ssettm $0x1  }
0x91: {  	s19 =	sld [smem:$0x3FFB];
	_ =	sdelay $0x3  }
0x92: {  	_ =	strace s19  }
0x93: {  	s2 =	sld [smem:$0x3FFC];
	_ =	sdelay $0x3  }
0x94: {  	_ =	strace s2  }
0x95: {  	s2 =	sld [smem:$0x3FFD];
	_ =	sdelay $0x3  }
0x96: {  	_ =	strace s2  }
0x97: {  	_ =	strace $0x8FFFFFFF  }
0x98: {  	s20 =	sld [smem:$0x3FDB];
	_ =	sdelay $0x1  }
0x99: {  	s4 =	simm.s32 $_scs_section_size  }
0x9a: {  	s5 =	simm.s32 $_size__tile_overlayer_lowered;
	s6 =	simm.s32 $_tile_overlayer_lowered  }
0x9b: {  	s7 =	simm.s32 $0x1BFF;
	s21 =	sshll.u32 s6, $0x1;
	s4 =	sadd.s32 s4, s20  }
0x9c: {  	s22 =	simm.s32 $0x0;
	s5 =	sshll.u32 s5, $0x1;
	s6 =	sadd.s32 s21, s4  }
0x9d: {  	[timem:s22], [sflag:s7] =	dma.local [hbm:s6], s5  }
0x9e: {  	_ =	swait.ge [sflag:s7], s5  }
0x9f: {  	s5 =	ssub.s32 $0x0, s5;
	[sflag:s7] =	ssyncset.done $0x0  }
0xa0: {  	[sflag:s7] =	ssyncadd.s32 s5;
	_ =	sdelay $0x1  }
0xa1: {  	s23 =	simm.s32 $0x1B8B  }
0xa2: {  	_ =	swait.ge [sflag:s23], $0x1  }
0xa3: {  	[sflag:s23] =	ssyncset.done $0x0  }
0xa4: {  	[sflag:s23] =	ssyncadd.s32 $0xFFFFFFFF  }
0xa5: {  	s5 =	sld [smem:$0x0]  }
0xa6: {  	s6 =	sand.u32 $0xFFFFFFFE, s1  }
0xa7: {  	p0 =	sne.s32 s1, s6  }
0xa8: {  	s6 =	sshll.u32 @p0 s6, $0xE  }
0xa9: {  	s6 =	sadd.s32 @p0 $0x11B8D, s6;
	s7 =	sshll.u32 @p0 s5, $0x11  }
0xaa: {  	s6 =	sor.u32 @p0 s7, s6  }
0xab: {  	[sflag:s6] =	ssyncadd.remote.s32 @p0 $0x1;
	_ =	sdelay $0x1  }
0xac: {  	s6 =	simm.s32 @p0 $0x1B8D  }
0xad: {  	_ =	swait.eq @p0 [sflag:s6], $0x1  }
0xae: {  	[sflag:s6] =	ssyncadd.s32 @p0 $0xFFFFFFFF  }
0xaf: {  	s7 =	sshll.u32 @!p0 s1, $0xE  }
0xb0: {  	s7 =	sor.u32 @!p0 $0x4000, s7;
	s6 =	simm.s32 @!p0 $0x1B8D  }
0xb1: {  	s5 =	sshll.u32 @!p0 s5, $0x11;
	s7 =	sadd.s32 @!p0 $0x11B8D, s7;
	_ =	swait.eq @!p0 [sflag:s6], $0x1  }
0xb2: {  	s5 =	sor.u32 @!p0 s5, s7;
	[sflag:s6] =	ssyncadd.s32 @!p0 $0xFFFFFFFF  }
0xb3: {  	s25 =	simm.s32 $0x1B8E;
	s24 =	sld [smem:$0x3FFE];
	[sflag:s5] =	ssyncadd.remote.s32 @!p0 $0x1  }
0xb4: {  	s26 =	simm.s32 $execute0_lowered;
	[smem:$0x3FD2] =	sst s25  }
0xb5: {  	s6 =	sshll.u32 s26, $0x1;
	_ =	strace $0x80000049;
	[dreg:$0x1] =	wrdreg $0xFFFFFFFF  }
0xb6: {  	s28 =	simm.s32 $_size_execute0_lowered;
	s4 =	sadd.s32 s4, s6;
	[dreg:$0x0] =	wrdreg $0x0  }
0xb7: {  	s6 =	sshll.u32 s28, $0x1;
	[dreg:$0x2] =	wrdreg s4  }
0xb8: {  	[dreg:$0x3] =	wrdreg s6  }
0xb9: {  	[dreg:$0x4] =	wrdreg $0xC0  }
0xba: {  	_ =	task [dreg:s22], $0x5FFFF  }
0xbb: {  	[dreg:$0x1] =	wrdreg $0xFFFFFFFF  }
0xbc: {  	[dreg:$0x0] =	wrdreg $0x60  }
0xbd: {  	[dreg:$0x2] =	wrdreg s24  }
0xbe: {  	[dreg:$0x3] =	wrdreg s18  }
0xbf: {  	[dreg:$0x4] =	wrdreg $0x0  }
0xc0: {  	[dreg:$0x5] =	wrdreg $0x9  }
0xc1: {  	_ =	task.clear_ibuf [dreg:s22], $0x6FFFF;
	_ =	strace $0x90000049  }
0xc2: {  	s29 =	simm.s32 $0x9;
	_ =	strace $0x8000004B  }
0xc3: {  	_ =	swait.ge [sflag:s29], $0x1  }
0xc4: {  	[sflag:s29] =	ssyncadd.s32 $0xFFFFFFFF  }
0xc5: {  	_ =	strace $0x9000004B  }
0xc6: {  	_ =	sfence  }
0xc7: {  	s30 =	sld [smem:$0x0];
	_ =	sdelay $0x2  }
0xc8: {  	s31 =	sshll.u32 s1, $0xD;
	s1 =	sshrl.u32 s1, $0x2  }
0xc9: {  	s4 =	sand.u32 $0x4000, s31;
	s1 =	sadd.s32 s1, s30  }
0xca: {  	s0 =	sor.u32 s4, s0;
	s1 =	sshll.u32 s1, $0x11  }
0xcb: {  	s0 =	sor.u32 s1, s0  }
0xcc: {  	s0 =	sadd.s32 $0x8F2B, s0  }
0xcd: {  	[sflag:s0] =	ssyncadd.remote.s32 $0x1  }
0xce: {  	_ =	sfence.sel $0xFFFF  }
0xcf: {  	[dreg:$0x0] =	wrdreg $0xFFFFFFFF;
	(pc) =	sbr.abs _section_cstart, $3  }
0xd0: {  	[dreg:$0x1] =	wrdreg $0xFFFFFFFF  }
0xd1: {  	_ =	task.clear_ibuf [dreg:s22], $0x2FFFF;
	_ =	strace $0x9FFFFFFF  }
0xd2: {  	(tm) =	ssettm $0x7FFFFFFF  }
0xd3: {  	_ =	shalt  }
tec
execute0_lowered:
.L_overlay_start_1:
0x0: {  	(tag) =	ssettag $0x1  }
0x1: {  	s0 =	rddreg [dreg:$0x0]  }
0x2: {  	s3 =	rddreg [dreg:$0x1]  }
0x3: {  	s1 =	rddreg [dreg:$0x2];
	s2 =	simm.s32 $0x0  }
0x4: {  	s16 =	stileid.u32;
	s8 =	srdreg.scid;
	s18 =	simm.s32 $0x15F90  }
0x5: {  	s19 =	simm.s32 $0x4;
	s20 =	simm.s32 $0x16010;
	s21 =	simm.s32 $0x28  }
0x6: {  	s22 =	simm.s32 $0x16190;
	s23 =	simm.s32 $0x17590;
	s24 =	simm.s32 $0x18990  }
0x7: {  	s28 =	simm.s32 $0x3;
	s29 =	simm.s32 $0x16110;
	s30 =	simm.s32 $0x19D90  }
0x8: {  	[smem:$0x7FF] =	sst s2;
	s4 =	sadd.s32 $0xD2000, s0;
	s9 =	smul.u32 $0x58000, s16  }
0x9: {  	s5 =	sadd.s32 $0x5CA00, s0;
	s7 =	sadd.s32 $0x18BE00, s0;
	s11 =	smul.u32 $0x2C00, s16  }
0xa: {  	s10 =	sand.u32 $0x1, s8;
	s8 =	sadd.s32 $0x178400, s0;
	s25 =	smul.u32 $0x16000, s16  }
0xb: {  	s6 =	sadd.s32 $0xF9200, s0;
	s0 =	sadd.s32 $0x19F800, s0;
	s26 =	smul.u32 $0x4E20, s16  }
0xc: {  	s15 =	sadd.s32 $0x14A000, s1;
	p0 =	seq.s32 s16, $0xF;
	s13 =	smul.u32 $0x4E200, s10  }
0xd: {  	_ =	strace $0x8000004A;
	s12 =	ssub.s32 $0x2, s10;
	s10 =	smul.u32 $0x15FC00, s10  }
0xe: {  	s15 =	sshrl.u32 @p0 s15, $0x3;
	s14 =	sshrl.u32 s12, $0x1;
	s9 =	sshrl.u32 s9, $0x2  }
0xf: {  	s11 =	sadd.s32 s3, s11;
	s3 =	sadd.s32 $0x29400, s3;
	s12 =	ssub.s32 s12, s14  }
0x10: {  	s9 =	sadd.s32 s9, s1;
	[dreg:$0x4] =	wrdreg s11;
	s31 =	sadd.s32 s25, s10  }
0x11: {  	[dreg:$0x5] =	wrdreg s3;
	s10 =	sshrl.u32 s10, $0x3;
	s3 =	sshrl.u32 s31, $0x3  }
0x12: {  	s11 =	sadd.s32 s26, s13;
	s3 =	sadd.s32 s0, s3;
	s0 =	sadd.s32 s0, s10  }
0x13: {  	vm0 =	vmmov $0x1;
	vm1 =	vcmask $0x704;
	vm2 =	vcmask $0xB08;
	s25 =	simm.s32 $0x1;
	s26 =	simm.s32 $0x2;
	s0 =	sadd.s32 $0x29400, s0  }
0x14: {  	vm3 =	vcmask $0xF0C;
	vm4 =	vcmask $0x1310;
	vm5 =	vcmask $0x1714;
	s14 =	smax.u32 s12, $0x1;
	[dreg:$0x7] =	wrdreg s0;
	s0 =	sshll.u32 @!p0 s16, $0x6  }
0x15: {  	vm6 =	vcmask $0x1B18;
	vm7 =	vcmask $0x1F1C;
	v0 =	vimm.f32 $0.0e+00;
	s17 =	sshrl.u32 @!p0 s9, $0x3;
	[dreg:$0x6] =	wrdreg s3;
	s16 =	sor.u32 @!p0 $0x1C04, s0  }
.LBB2_1:
0x16: {  	s0 =	simm.s32 @p0 $0x1FC4;
	s3 =	rddreg [dreg:$0x5]  }
0x17: {  	[spmem:s15], [sflag:s0] =	dma.local @p0 [hbm:s3], $0x2B20  }
0x18: {  	s0 =	simm.s32 @p0 $0x4  }
0x19: {  	_ =	swait.ge @p0 [sflag:s0], $0x2B20  }
0x1a: {  	[sflag:s0] =	ssyncset.done @p0 $0x0  }
0x1b: {  	[sflag:s0] =	ssyncadd.s32 @p0 $0xFFFFD4E0;
	s0 =	rddreg [dreg:$0x4]  }
0x1c: {  	[spmem:s17], [sflag:s16] =	dma.local @!p0 [hbm:s0], $0x2C00  }
0x1d: {  	s0 =	simm.s32 @!p0 $0x4  }
0x1e: {  	_ =	swait.ge @!p0 [sflag:s0], $0x2C00  }
0x1f: {  	[sflag:s0] =	ssyncset.done @!p0 $0x0  }
0x20: {  	[sflag:s0] =	ssyncadd.s32 @!p0 $0xFFFFD400  }
0x21: {  	s31 =	simm.s32 $0x0;
	[bflag:$0x0] =	sbarrier.arrive $0xFFFF  }
.LBB2_2:
0x22: {  	s0 =	smul.u32 $0x28, s31;
	_ =	sdelay $0x1  }
0x23: {  	s0 =	sadd.s32 s0, s11  }
0x24: {  	s3 =	sshrl.u32 s0, $0x3  }
0x25: {  	s0 =	simm.s32 $0x0;
	s9 =	sadd.s32 s7, s3  }
0x26: {  	[tilespmem:s18], [sflag:$0x4] =	stream.linear.gather [hbm4b:s9+s0], $0x28, $0x38;
	[tilespmem:$0x1B190] =	vst v63  }
0x27: {  	_ =	swait.ge [sflag:s19], $0x28  }
0x28: {  	[sflag:s19] =	ssyncset.done $0x0  }
0x29: {  	s3 =	sadd.s32 s8, s3;
	[sflag:s19] =	ssyncadd.s32 $0xFFFFFFD8  }
0x2a: {  	[tilespmem:s20], [sflag:$0x4] =	stream.linear.gather [hbm4b:s3+s0], $0x28, $0x38;
	[tilespmem:$0x1B190] =	vst v63  }
0x2b: {  	_ =	swait.ge [sflag:s19], $0x28  }
0x2c: {  	[sflag:s19] =	ssyncset.done $0x0  }
0x2d: {  	[sflag:s19] =	ssyncadd.s32 $0xFFFFFFD8  }
0x2e: {  	[tilespmem:s22], [sflag:$0x1] =	stream.indirect.gather [hbm4b:s4+s21], $0x80, s18, s21, $0xb8;
	[tilespmem:$0x1B190] =	vst v63  }
0x2f: {  	_ = 	snop  }
0x30: {  	[tilespmem:s23], [sflag:$0x2] =	stream.indirect.gather [hbm4b:s5+s21], $0x80, s20, s21, $0xb8;
	[tilespmem:$0x1B190] =	vst v63  }
0x31: {  	_ = 	snop  }
0x32: {  	[tilespmem:s24], [sflag:$0x3] =	stream.indirect.gather [hbm4b:s6+s21], $0x80, s18, s21, $0xb8;
	[tilespmem:$0x1B190] =	vst v63  }
0x33: {  	v1 =	vld [tilespmem:$0x16010];
	_ =	sdelay $0x1  }
0x34: {  	v2 =	vld [tilespmem:$0x16020];
	_ =	sdelay $0x1  }
0x35: {  	v3 =	vld [tilespmem:$0x16028]  }
0x36: {  	v4 =	vshra.s32 v1, $0x3  }
0x37: {  	[tilespmem:$0x16090] =	vst v1;
	v1 =	vadd.s32 $0x2710, v4  }
0x38: {  	[tilespmem:$0x16110] =	vst v1;
	v1 =	vshra.s32 v2, $0x3  }
0x39: {  	[tilespmem:$0x160A0] =	vst v2;
	v1 =	vadd.s32 $0x2710, v1  }
0x3a: {  	[tilespmem:$0x16120] =	vst v1;
	v1 =	vshra.s32 v3, $0x3  }
0x3b: {  	[tilespmem:$0x160A8] =	vst v3;
	v1 =	vadd.s32 $0x2710, v1  }
0x3c: {  	[tilespmem:$0x16128] =	vst v1  }
0x3d: {  	_ =	swait.ge [sflag:s25], $0x1400  }
0x3e: {  	[sflag:s25] =	ssyncset.done $0x0  }
0x3f: {  	[sflag:s25] =	ssyncadd.s32 $0xFFFFEC00  }
0x40: {  	_ =	swait.ge [sflag:s26], $0x1400  }
0x41: {  	[sflag:s26] =	ssyncset.done $0x0  }
0x42: {  	[sflag:s26] =	ssyncadd.s32 $0xFFFFEC00  }
0x43: {  	_ =	swait.ge [sflag:s28], $0x1400  }
0x44: {  	[sflag:s28] =	ssyncset.done $0x0  }
0x45: {  	s9 =	simm.s32 $0x16092;
	s3 =	simm.s32 $0xFFFFFFFC;
	[sflag:s28] =	ssyncadd.s32 $0xFFFFEC00  }
.LBB2_3:
0x46: {  	s10 =	sshra.s32 s0, $0x2  }
0x47: {  	v1 =	vld [tilespmem:s10+$0x16190]  }
0x48: {  	v2 =	vld [tilespmem:s10+$0x17590];
	_ =	sdelay $0x1  }
0x49: {  	v3 =	vld [tilespmem:s10+$0x161A0]  }
0x4a: {  	v4 =	vld [tilespmem:s10+$0x175A0]  }
0x4b: {  	v5 =	vld [tilespmem:s10+$0x161B0]  }
0x4c: {  	v6 =	vld [tilespmem:s10+$0x175B0];
	v1 =	vmul.f32 v2, v1  }
0x4d: {  	v7 =	vld [tilespmem:s10+$0x175C0]  }
0x4e: {  	v2 =	vld [tilespmem:s10+$0x161C0];
	(xrf2) =	vadd.scan.msk.f32 $0xffff, v1  }
0x4f: {  	v29 =	vld [tilespmem:s10+$0x175D0];
	v1 =	vmul.f32 v4, v3  }
0x50: {  	v3 =	vld [tilespmem:s10+$0x161D0]  }
0x51: {  	v30 =	vld [tilespmem:s10+$0x161E0];
	(xrf2) =	vadd.scan.msk.f32 $0xffff, v1;
	v1 =	vmul.f32 v6, v5  }
0x52: {  	v31 =	vld [tilespmem:s10+$0x175E0]  }
0x53: {  	v32 =	vld [tilespmem:s10+$0x175F0];
	(xrf2) =	vadd.scan.msk.f32 $0xffff, v1;
	v1 =	vmul.f32 v7, v2  }
0x54: {  	v2 =	vld [tilespmem:s10+$0x161F0]  }
0x55: {  	(xrf2) =	vadd.scan.msk.f32 $0xffff, v1;
	v1 =	vmul.f32 v29, v3;
	_ =	sdelay $0x1  }
0x56: {  	v33 =	vld [tilespmem:s10+$0x17600];
	(xrf2) =	vadd.scan.msk.f32 $0xffff, v1;
	v1 =	vmul.f32 v31, v30  }
0x57: {  	v3 =	vld [tilespmem:s10+$0x16200];
	v34, _, _ =	vpop (xrf2)  }
0x58: {  	(xrf2) =	vadd.scan.msk.f32 $0xffff, v1;
	v1 =	vmul.f32 v32, v2;
	v2 =	vbroadcast v34, $0xF;
	_ =	sdelay $0x1  }
0x59: {  	v2 =	vnsel vm0, $0x0, v2  }
0x5a: {  	v35, _, _ =	vpop (xrf2);
	v2 =	vadd.f32 $0.0e+00, v2  }
0x5b: {  	(xrf2) =	vadd.scan.msk.f32 $0xffff, v1;
	v1 =	vmul.f32 v33, v3;
	v3 =	vbroadcast v35, $0xF  }
0x5c: {  	[tilespmem:s10+$0x19D90] =	vst v0;
	v36, _, _ =	vpop (xrf2)  }
0x5d: {  	[tilespmem:s10+$0x19DA0] =	vst v0;
	(xrf2) =	vadd.scan.msk.f32 $0xffff, v1;
	v1 =	vnsel vm1, $0x0, v3;
	v3 =	vbroadcast v36, $0xF  }
0x5e: {  	[tilespmem:s10+$0x19DB0] =	vst v0;
	v1 =	vadd.f32 v1, v2;
	v2, _, _ =	vpop (xrf2)  }
0x5f: {  	[tilespmem:s10+$0x19DC0] =	vst v0;
	v3 =	vnsel vm2, $0x0, v3;
	v2 =	vbroadcast v2, $0xF  }
0x60: {  	[tilespmem:s10+$0x19DD0] =	vst v0  }
0x61: {  	[tilespmem:s10+$0x19DE0] =	vst v0;
	v2 =	vnsel vm3, $0x0, v2  }
0x62: {  	[tilespmem:s10+$0x19DF0] =	vst v0;
	v1 =	vadd.f32 v3, v1;
	v3, _, _ =	vpop (xrf2)  }
0x63: {  	[tilespmem:s10+$0x19E00] =	vst v0;
	v3 =	vbroadcast v3, $0xF  }
0x64: {  	v37 =	vld [tilespmem:s9+$0xFFFFFFFE];
	v1 =	vadd.f32 v2, v1;
	v2, _, _ =	vpop (xrf2)  }
0x65: {  	v3 =	vnsel vm4, $0x0, v3;
	v2 =	vbroadcast v2, $0xF;
	_ =	sdelay $0x1  }
0x66: {  	v2 =	vnsel vm5, $0x0, v2  }
0x67: {  	v1 =	vadd.f32 v3, v1;
	v3, _, _ =	vpop (xrf2)  }
0x68: {  	(v2sf) =	vpush v37, $0x0;
	v3 =	vbroadcast v3, $0xF  }
0x69: {  	v1 =	vadd.f32 v2, v1;
	v2, _, _ =	vpop (xrf2)  }
0x6a: {  	v3 =	vnsel vm6, $0x0, v3;
	v2 =	vbroadcast v2, $0xF  }
0x6b: {  	v1 =	vadd.f32 v3, v1  }
0x6c: {  	v2 =	vnsel vm7, $0x0, v2  }
0x6d: {  	v1 =	vadd.f32 v2, v1;
	_ =	sdelay $0x1  }
0x6e: {  	v1 =	vmul.f32 $1.442695020e+00, v1;
	_ =	sdelay $0x1  }
0x6f: {  	(erf) = vpow2.f32 v1;
	_ =	sdelay $0x5  }
0x70: {  	s12 =	spop (v2sf)  }
0x71: {  	s13 =	sand.u32 $0x7, s12  }
0x72: {  	s12 =	sadd.s32 $0x19D90, s10;
	s13 =	sshll.u32 s13, $0x4  }
0x73: {  	s13 =	sadd.s32 s13, s12;
	v1 =	vpop (erf)  }
0x74: {  	[tilespmem:s13+$0x0] =	vst v1  }
0x75: {  	v2 =	vld [tilespmem:s10+$0x18990]  }
0x76: {  	v3 =	vld [tilespmem:s10+$0x189A0]  }
0x77: {  	v39 =	vld [tilespmem:s10+$0x189C0]  }
0x78: {  	v40 =	vld [tilespmem:s10+$0x189D0]  }
0x79: {  	v41 =	vld [tilespmem:s10+$0x189E0]  }
0x7a: {  	v8 =	vld [tilespmem:s10+$0x189F0]  }
0x7b: {  	v9 =	vld [tilespmem:s10+$0x18A00]  }
0x7c: {  	v10 =	vld [tilespmem:s10+$0x16210]  }
0x7d: {  	v11 =	vld [tilespmem:s10+$0x17610]  }
0x7e: {  	v12 =	vld [tilespmem:s10+$0x16220]  }
0x7f: {  	v13 =	vld [tilespmem:s10+$0x17620]  }
0x80: {  	v15 =	vld [tilespmem:s10+$0x16230]  }
0x81: {  	v17 =	vld [tilespmem:s10+$0x17630]  }
0x82: {  	v14 =	vbroadcast v1, $0x0;
	v16 =	vbroadcast v1, $0x1;
	v42 =	vld [tilespmem:s10+$0x16240]  }
0x83: {  	v43 =	vbroadcast v1, $0x2;
	v44 =	vld [tilespmem:s10+$0x17640];
	v10 =	vmul.f32 v11, v10  }
0x84: {  	v18 =	vbroadcast v1, $0x3;
	v46 =	vld [tilespmem:s10+$0x16250];
	v45 =	vmul.f32 v13, v12  }
0x85: {  	v47 =	vbroadcast v1, $0x4;
	v48 =	vld [tilespmem:s10+$0x17650];
	v2 =	vmul.f32 v2, v14;
	(xrf2) =	vadd.scan.msk.f32 $0xffff, v10  }
0x86: {  	v51 =	vbroadcast v1, $0x5;
	v50 =	vld [tilespmem:s10+$0x16260];
	v3 =	vmul.f32 v3, v16;
	(xrf2) =	vadd.scan.msk.f32 $0xffff, v45  }
0x87: {  	v52 =	vld [tilespmem:s10+$0x17660];
	v49 =	vmul.f32 v17, v15;
	[tilespmem:s10+$0x18990] =	vst v2;
	v2 =	vmul.f32 v39, v18  }
0x88: {  	v53 =	vbroadcast v1, $0x6;
	v55 =	vld [tilespmem:s10+$0x16270];
	[tilespmem:s10+$0x189A0] =	vst v3;
	v3 =	vmul.f32 v40, v47  }
0x89: {  	v1 =	vbroadcast v1, $0x7;
	v56 =	vld [tilespmem:s10+$0x17670];
	(xrf2) =	vadd.scan.msk.f32 $0xffff, v49;
	[tilespmem:s10+$0x189C0] =	vst v2;
	v2 =	vmul.f32 v41, v51  }
0x8a: {  	v58 =	vld [tilespmem:s10+$0x16280];
	v54 =	vmul.f32 v44, v42;
	[tilespmem:s10+$0x189D0] =	vst v3  }
0x8b: {  	v1 =	vmul.f32 v9, v1;
	v3 =	vmul.f32 v8, v53;
	[tilespmem:s10+$0x189E0] =	vst v2;
	v2 =	vld [tilespmem:s10+$0x17680]  }
0x8c: {  	v57 =	vmul.f32 v48, v46;
	(xrf2) =	vadd.scan.msk.f32 $0xffff, v54  }
0x8d: {  	[tilespmem:s10+$0x189F0] =	vst v3;
	v3 =	vmul.f32 v52, v50  }
0x8e: {  	(xrf2) =	vadd.scan.msk.f32 $0xffff, v57  }
0x8f: {  	[tilespmem:s10+$0x18A00] =	vst v1;
	v1, _, _ =	vpop (xrf2);
	(xrf2) =	vadd.scan.msk.f32 $0xffff, v3;
	v3 =	vmul.f32 v56, v55  }
0x90: {  	v2 =	vmul.f32 v2, v58;
	v59, _, _ =	vpop (xrf2)  }
0x91: {  	v1 =	vbroadcast v1, $0xF;
	(xrf2) =	vadd.scan.msk.f32 $0xffff, v3;
	v3 =	vbroadcast v59, $0xF;
	_ =	sdelay $0x1  }
0x92: {  	[tilespmem:s10+$0x19E10] =	vst v0;
	v60, _, _ =	vpop (xrf2);
	v1 =	vnsel vm0, $0x0, v1;
	(xrf2) =	vadd.scan.msk.f32 $0xffff, v2;
	v2 =	vnsel vm1, $0x0, v3  }
0x93: {  	v38 =	vld [tilespmem:s10+$0x189B0];
	[tilespmem:s10+$0x19E20] =	vst v0;
	v1 =	vadd.f32 $0.0e+00, v1  }
0x94: {  	[tilespmem:s10+$0x19E30] =	vst v0;
	v3 =	vbroadcast v60, $0xF  }
0x95: {  	[tilespmem:s10+$0x19E40] =	vst v0;
	v1 =	vadd.f32 v2, v1;
	v2, _, _ =	vpop (xrf2)  }
0x96: {  	[tilespmem:s10+$0x19E50] =	vst v0;
	v3 =	vnsel vm2, $0x0, v3;
	v2 =	vbroadcast v2, $0xF  }
0x97: {  	[tilespmem:s10+$0x19E60] =	vst v0  }
0x98: {  	[tilespmem:s10+$0x19E70] =	vst v0;
	v4 =	vmul.f32 v38, v43;
	v2 =	vnsel vm3, $0x0, v2  }
0x99: {  	[tilespmem:s10+$0x19E80] =	vst v0;
	v1 =	vadd.f32 v3, v1;
	v3, _, _ =	vpop (xrf2)  }
0x9a: {  	[tilespmem:s10+$0x189B0] =	vst v4;
	v3 =	vbroadcast v3, $0xF  }
0x9b: {  	v61 =	vld [tilespmem:s9+$0xFFFFFFFF];
	v1 =	vadd.f32 v2, v1;
	v2, _, _ =	vpop (xrf2)  }
0x9c: {  	v3 =	vnsel vm4, $0x0, v3;
	v2 =	vbroadcast v2, $0xF;
	_ =	sdelay $0x1  }
0x9d: {  	v2 =	vnsel vm5, $0x0, v2  }
0x9e: {  	v1 =	vadd.f32 v3, v1;
	v3, _, _ =	vpop (xrf2)  }
0x9f: {  	(v2sf) =	vpush v61, $0x0;
	v3 =	vbroadcast v3, $0xF  }
0xa0: {  	v1 =	vadd.f32 v2, v1;
	v2, _, _ =	vpop (xrf2)  }
0xa1: {  	v3 =	vnsel vm6, $0x0, v3;
	v2 =	vbroadcast v2, $0xF  }
0xa2: {  	v1 =	vadd.f32 v3, v1  }
0xa3: {  	v2 =	vnsel vm7, $0x0, v2  }
0xa4: {  	v1 =	vadd.f32 v2, v1;
	_ =	sdelay $0x1  }
0xa5: {  	v1 =	vmul.f32 $1.442695020e+00, v1;
	_ =	sdelay $0x1  }
0xa6: {  	(erf) = vpow2.f32 v1;
	_ =	sdelay $0x5  }
0xa7: {  	s13 =	spop (v2sf)  }
0xa8: {  	s13 =	sand.u32 $0x7, s13  }
0xa9: {  	s13 =	sshll.u32 s13, $0x4  }
0xaa: {  	s13 =	sadd.s32 s13, s12;
	v1 =	vpop (erf)  }
0xab: {  	[tilespmem:s13+$0x80] =	vst v1  }
0xac: {  	v2 =	vld [tilespmem:s10+$0x18A10]  }
0xad: {  	v3 =	vld [tilespmem:s10+$0x18A20]  }
0xae: {  	v63 =	vld [tilespmem:s10+$0x18A40]  }
0xaf: {  	v21 =	vld [tilespmem:s10+$0x18A50]  }
0xb0: {  	v22 =	vld [tilespmem:s10+$0x18A60]  }
0xb1: {  	v23 =	vld [tilespmem:s10+$0x18A70]  }
0xb2: {  	v24 =	vld [tilespmem:s10+$0x18A80]  }
0xb3: {  	v25 =	vld [tilespmem:s10+$0x16290]  }
0xb4: {  	v26 =	vld [tilespmem:s10+$0x17690]  }
0xb5: {  	v27 =	vld [tilespmem:s10+$0x162A0]  }
0xb6: {  	v28 =	vld [tilespmem:s10+$0x176A0]  }
0xb7: {  	v30 =	vld [tilespmem:s10+$0x162B0]  }
0xb8: {  	v32 =	vld [tilespmem:s10+$0x176B0]  }
0xb9: {  	v29 =	vbroadcast v1, $0x0;
	v31 =	vbroadcast v1, $0x1;
	v33 =	vld [tilespmem:s10+$0x162C0]  }
0xba: {  	v34 =	vbroadcast v1, $0x2;
	v35 =	vld [tilespmem:s10+$0x176C0];
	v10 =	vmul.f32 v26, v25  }
0xbb: {  	v36 =	vbroadcast v1, $0x3;
	v38 =	vld [tilespmem:s10+$0x162D0];
	v37 =	vmul.f32 v28, v27  }
0xbc: {  	v39 =	vbroadcast v1, $0x4;
	v40 =	vld [tilespmem:s10+$0x176D0];
	v2 =	vmul.f32 v2, v29;
	(xrf2) =	vadd.scan.msk.f32 $0xffff, v10  }
0xbd: {  	v43 =	vbroadcast v1, $0x5;
	v42 =	vld [tilespmem:s10+$0x162E0];
	v3 =	vmul.f32 v3, v31;
	(xrf2) =	vadd.scan.msk.f32 $0xffff, v37  }
0xbe: {  	v44 =	vld [tilespmem:s10+$0x176E0];
	v41 =	vmul.f32 v32, v30;
	[tilespmem:s10+$0x18A10] =	vst v2;
	v2 =	vmul.f32 v63, v36  }
0xbf: {  	v45 =	vbroadcast v1, $0x6;
	v47 =	vld [tilespmem:s10+$0x162F0];
	[tilespmem:s10+$0x18A20] =	vst v3;
	v3 =	vmul.f32 v21, v39  }
0xc0: {  	v1 =	vbroadcast v1, $0x7;
	v48 =	vld [tilespmem:s10+$0x176F0];
	(xrf2) =	vadd.scan.msk.f32 $0xffff, v41;
	[tilespmem:s10+$0x18A40] =	vst v2;
	v2 =	vmul.f32 v22, v43  }
0xc1: {  	v50 =	vld [tilespmem:s10+$0x16300];
	v46 =	vmul.f32 v35, v33;
	[tilespmem:s10+$0x18A50] =	vst v3  }
0xc2: {  	v1 =	vmul.f32 v24, v1;
	v3 =	vmul.f32 v23, v45;
	[tilespmem:s10+$0x18A60] =	vst v2;
	v2 =	vld [tilespmem:s10+$0x17700]  }
0xc3: {  	v49 =	vmul.f32 v40, v38;
	(xrf2) =	vadd.scan.msk.f32 $0xffff, v46  }
0xc4: {  	[tilespmem:s10+$0x18A70] =	vst v3;
	v3 =	vmul.f32 v44, v42  }
0xc5: {  	(xrf2) =	vadd.scan.msk.f32 $0xffff, v49  }
0xc6: {  	[tilespmem:s10+$0x18A80] =	vst v1;
	v1, _, _ =	vpop (xrf2);
	(xrf2) =	vadd.scan.msk.f32 $0xffff, v3;
	v3 =	vmul.f32 v48, v47  }
0xc7: {  	v2 =	vmul.f32 v2, v50;
	v51, _, _ =	vpop (xrf2)  }
0xc8: {  	v1 =	vbroadcast v1, $0xF;
	(xrf2) =	vadd.scan.msk.f32 $0xffff, v3;
	v3 =	vbroadcast v51, $0xF;
	_ =	sdelay $0x1  }
0xc9: {  	[tilespmem:s10+$0x19E90] =	vst v0;
	v52, _, _ =	vpop (xrf2);
	v1 =	vnsel vm0, $0x0, v1;
	(xrf2) =	vadd.scan.msk.f32 $0xffff, v2;
	v2 =	vnsel vm1, $0x0, v3  }
0xca: {  	v62 =	vld [tilespmem:s10+$0x18A30];
	[tilespmem:s10+$0x19EA0] =	vst v0;
	v1 =	vadd.f32 $0.0e+00, v1  }
0xcb: {  	[tilespmem:s10+$0x19EB0] =	vst v0;
	v3 =	vbroadcast v52, $0xF  }
0xcc: {  	[tilespmem:s10+$0x19EC0] =	vst v0;
	v1 =	vadd.f32 v2, v1;
	v2, _, _ =	vpop (xrf2)  }
0xcd: {  	[tilespmem:s10+$0x19ED0] =	vst v0;
	v3 =	vnsel vm2, $0x0, v3;
	v2 =	vbroadcast v2, $0xF  }
0xce: {  	[tilespmem:s10+$0x19EE0] =	vst v0  }
0xcf: {  	[tilespmem:s10+$0x19EF0] =	vst v0;
	v4 =	vmul.f32 v62, v34;
	v2 =	vnsel vm3, $0x0, v2  }
0xd0: {  	[tilespmem:s10+$0x19F00] =	vst v0;
	v1 =	vadd.f32 v3, v1;
	v3, _, _ =	vpop (xrf2)  }
0xd1: {  	[tilespmem:s10+$0x18A30] =	vst v4;
	v3 =	vbroadcast v3, $0xF  }
0xd2: {  	v53 =	vld [tilespmem:s9+$0x0];
	v1 =	vadd.f32 v2, v1;
	v2, _, _ =	vpop (xrf2)  }
0xd3: {  	v3 =	vnsel vm4, $0x0, v3;
	v2 =	vbroadcast v2, $0xF;
	_ =	sdelay $0x1  }
0xd4: {  	v2 =	vnsel vm5, $0x0, v2  }
0xd5: {  	v1 =	vadd.f32 v3, v1;
	v3, _, _ =	vpop (xrf2)  }
0xd6: {  	(v2sf) =	vpush v53, $0x0;
	v3 =	vbroadcast v3, $0xF  }
0xd7: {  	v1 =	vadd.f32 v2, v1;
	v2, _, _ =	vpop (xrf2)  }
0xd8: {  	v3 =	vnsel vm6, $0x0, v3;
	v2 =	vbroadcast v2, $0xF  }
0xd9: {  	v1 =	vadd.f32 v3, v1  }
0xda: {  	v2 =	vnsel vm7, $0x0, v2  }
0xdb: {  	v1 =	vadd.f32 v2, v1;
	_ =	sdelay $0x1  }
0xdc: {  	v1 =	vmul.f32 $1.442695020e+00, v1;
	_ =	sdelay $0x1  }
0xdd: {  	(erf) = vpow2.f32 v1;
	_ =	sdelay $0x5  }
0xde: {  	s13 =	spop (v2sf)  }
0xdf: {  	s13 =	sand.u32 $0x7, s13  }
0xe0: {  	s13 =	sshll.u32 s13, $0x4  }
0xe1: {  	s13 =	sadd.s32 s13, s12;
	v1 =	vpop (erf)  }
0xe2: {  	[tilespmem:s13+$0x100] =	vst v1  }
0xe3: {  	v2 =	vld [tilespmem:s10+$0x18A90]  }
0xe4: {  	v3 =	vld [tilespmem:s10+$0x18AA0]  }
0xe5: {  	v55 =	vld [tilespmem:s10+$0x18AC0]  }
0xe6: {  	v56 =	vld [tilespmem:s10+$0x18AD0]  }
0xe7: {  	v57 =	vld [tilespmem:s10+$0x18AE0]  }
0xe8: {  	v58 =	vld [tilespmem:s10+$0x18AF0]  }
0xe9: {  	v60 =	vld [tilespmem:s10+$0x16310]  }
0xea: {  	v61 =	vld [tilespmem:s10+$0x17710]  }
0xeb: {  	v62 =	vld [tilespmem:s10+$0x16320]  }
0xec: {  	v63 =	vld [tilespmem:s10+$0x17720]  }
0xed: {  	v22 =	vld [tilespmem:s10+$0x16330]  }
0xee: {  	v24 =	vld [tilespmem:s10+$0x17730]  }
0xef: {  	v21 =	vbroadcast v1, $0x0;
	v23 =	vbroadcast v1, $0x1;
	v25 =	vld [tilespmem:s10+$0x16340]  }
0xf0: {  	v26 =	vbroadcast v1, $0x2;
	v27 =	vld [tilespmem:s10+$0x17740];
	v10 =	vmul.f32 v61, v60  }
0xf1: {  	v28 =	vbroadcast v1, $0x3;
	v31 =	vbroadcast v1, $0x4;
	v30 =	vld [tilespmem:s10+$0x16350]  }
0xf2: {  	v35 =	vbroadcast v1, $0x5;
	v32 =	vld [tilespmem:s10+$0x17750];
	v29 =	vmul.f32 v63, v62;
	(xrf2) =	vadd.scan.msk.f32 $0xffff, v10  }
0xf3: {  	v37 =	vbroadcast v1, $0x6;
	v59 =	vld [tilespmem:s10+$0x18B00];
	v2 =	vmul.f32 v2, v21  }
0xf4: {  	v34 =	vld [tilespmem:s10+$0x16360];
	[tilespmem:s10+$0x19F10] =	vst v0;
	v3 =	vmul.f32 v3, v23;
	v33 =	vmul.f32 v24, v22;
	(xrf2) =	vadd.scan.msk.f32 $0xffff, v29  }
0xf5: {  	v1 =	vbroadcast v1, $0x7;
	v36 =	vld [tilespmem:s10+$0x17760];
	[tilespmem:s10+$0x18A90] =	vst v2;
	v2 =	vmul.f32 v55, v28  }
0xf6: {  	v39 =	vld [tilespmem:s10+$0x16370];
	v38 =	vmul.f32 v27, v25;
	[tilespmem:s10+$0x18AA0] =	vst v3;
	v3 =	vmul.f32 v56, v31;
	(xrf2) =	vadd.scan.msk.f32 $0xffff, v33  }
0xf7: {  	v40 =	vld [tilespmem:s10+$0x17770];
	v41 =	vmul.f32 v32, v30;
	[tilespmem:s10+$0x18AC0] =	vst v2;
	v2 =	vmul.f32 v57, v35  }
0xf8: {  	v42 =	vld [tilespmem:s10+$0x16380];
	v1 =	vmul.f32 v59, v1;
	[tilespmem:s10+$0x18AD0] =	vst v3;
	v3 =	vmul.f32 v58, v37;
	(xrf2) =	vadd.scan.msk.f32 $0xffff, v38  }
0xf9: {  	[tilespmem:s10+$0x18AE0] =	vst v2;
	v2 =	vld [tilespmem:s10+$0x17780]  }
0xfa: {  	[tilespmem:s10+$0x18AF0] =	vst v3;
	(xrf2) =	vadd.scan.msk.f32 $0xffff, v41;
	v3 =	vmul.f32 v36, v34  }
0xfb: {  	[tilespmem:s10+$0x19F20] =	vst v0  }
0xfc: {  	v54 =	vld [tilespmem:s10+$0x18AB0];
	[tilespmem:s10+$0x18B00] =	vst v1;
	v1, _, _ =	vpop (xrf2);
	(xrf2) =	vadd.scan.msk.f32 $0xffff, v3;
	v3 =	vmul.f32 v40, v39  }
0xfd: {  	[tilespmem:s10+$0x19F30] =	vst v0;
	v1 =	vbroadcast v1, $0xF  }
0xfe: {  	[tilespmem:s10+$0x19F40] =	vst v0;
	v2 =	vmul.f32 v2, v42;
	v43, _, _ =	vpop (xrf2);
	(xrf2) =	vadd.scan.msk.f32 $0xffff, v3  }
0xff: {  	[tilespmem:s10+$0x19F50] =	vst v0;
	v3 =	vbroadcast v43, $0xF;
	v1 =	vnsel vm0, $0x0, v1  }
0x100: {  	[tilespmem:s10+$0x19F60] =	vst v0;
	v44, _, _ =	vpop (xrf2);
	(xrf2) =	vadd.scan.msk.f32 $0xffff, v2;
	v1 =	vadd.f32 $0.0e+00, v1  }
0x101: {  	[tilespmem:s10+$0x19F70] =	vst v0;
	v4 =	vmul.f32 v54, v26;
	v2 =	vnsel vm1, $0x0, v3;
	v3 =	vbroadcast v44, $0xF  }
0x102: {  	[tilespmem:s10+$0x19F80] =	vst v0;
	v45, _, _ =	vpop (xrf2);
	v1 =	vadd.f32 v2, v1  }
0x103: {  	[tilespmem:s10+$0x18AB0] =	vst v4;
	v2 =	vnsel vm2, $0x0, v3;
	v3 =	vbroadcast v45, $0xF  }
0x104: {  	v46, _, _ =	vpop (xrf2);
	v1 =	vadd.f32 v2, v1;
	v2 =	vld [tilespmem:s9+$0x1]  }
0x105: {  	v4 =	vbroadcast v46, $0xF;
	v3 =	vnsel vm3, $0x0, v3  }
0x106: {  	v47, _, _ =	vpop (xrf2);
	v1 =	vadd.f32 v3, v1  }
0x107: {  	v3 =	vnsel vm4, $0x0, v4;
	v48 =	vbroadcast v47, $0xF  }
0x108: {  	v49, _, _ =	vpop (xrf2);
	v1 =	vadd.f32 v3, v1  }
0x109: {  	v3 =	vnsel vm5, $0x0, v48;
	v50 =	vbroadcast v49, $0xF;
	(v2sf) =	vpush v2, $0x0  }
0x10a: {  	v2, _, _ =	vpop (xrf2);
	v1 =	vadd.f32 v3, v1  }
0x10b: {  	v2 =	vbroadcast v2, $0xF;
	v3 =	vnsel vm6, $0x0, v50  }
0x10c: {  	v1 =	vadd.f32 v3, v1  }
0x10d: {  	v2 =	vnsel vm7, $0x0, v2  }
0x10e: {  	v1 =	vadd.f32 v2, v1;
	_ =	sdelay $0x1  }
0x10f: {  	v1 =	vmul.f32 $1.442695020e+00, v1;
	_ =	sdelay $0x1  }
0x110: {  	(erf) = vpow2.f32 v1;
	_ =	sdelay $0x5  }
0x111: {  	s13 =	spop (v2sf)  }
0x112: {  	s13 =	sand.u32 $0x7, s13  }
0x113: {  	s13 =	sshll.u32 s13, $0x4  }
0x114: {  	v1 =	vpop (erf);
	s12 =	sadd.s32 s13, s12  }
0x115: {  	[tilespmem:s12+$0x180] =	vst v1  }
0x116: {  	v2 =	vld [tilespmem:s10+$0x18B10]  }
0x117: {  	v52 =	vbroadcast v1, $0x0;
	v3 =	vld [tilespmem:s10+$0x18B20]  }
0x118: {  	v54 =	vbroadcast v1, $0x1;
	v56 =	vbroadcast v1, $0x2;
	v61 =	vld [tilespmem:s10+$0x18B80]  }
0x119: {  	v58 =	vbroadcast v1, $0x3;
	v60 =	vbroadcast v1, $0x4;
	v51 =	vld [tilespmem:s10+$0x18B30]  }
0x11a: {  	v62 =	vbroadcast v1, $0x5;
	v63 =	vbroadcast v1, $0x6;
	v53 =	vld [tilespmem:s10+$0x18B40]  }
0x11b: {  	v1 =	vbroadcast v1, $0x7;
	v55 =	vld [tilespmem:s10+$0x18B50];
	v2 =	vmul.f32 v2, v52  }
0x11c: {  	v57 =	vld [tilespmem:s10+$0x18B60];
	v3 =	vmul.f32 v3, v54  }
0x11d: {  	v59 =	vld [tilespmem:s10+$0x18B70];
	v1 =	vmul.f32 v61, v1;
	[tilespmem:s10+$0x18B10] =	vst v2  }
0x11e: {  	s3 =	sadd.s32 $0x4, s3;
	v2 =	vmul.f32 v51, v56;
	[tilespmem:s10+$0x18B20] =	vst v3  }
0x11f: {  	p1 =	slt.u32 s3, $0x24;
	v3 =	vmul.f32 v53, v58;
	[tilespmem:s10+$0x18B80] =	vst v1  }
.Ltmp0:
0x120: {  	[tilespmem:s10+$0x18B30] =	vst v2;
	v2 =	vmul.f32 v55, v60;
	(pc) =	sbr.rel @p1 .LBB2_3-.Ltmp0, $4  }
0x121: {  	[tilespmem:s10+$0x18B40] =	vst v3;
	v3 =	vmul.f32 v57, v62  }
0x122: {  	[tilespmem:s10+$0x18B50] =	vst v2;
	v2 =	vmul.f32 v59, v63  }
0x123: {  	[tilespmem:s10+$0x18B60] =	vst v3  }
0x124: {  	s0 =	sadd.s32 $0x800, s0;
	s9 =	sadd.s32 $0x4, s9;
	[tilespmem:s10+$0x18B70] =	vst v2  }
0x125: {  	[spmem:s1] =	stream.indirect.scatter.add.f32 [tilespmem:s24], [sflag:$0x4], $0x80, s20, s21, $0xb8;
	[tilespmem:$0x1B190] =	vst v63  }
0x126: {  	s31 =	sadd.s32 $0x1, s31;
	_ =	swait.ge [sflag:s19], $0x1400  }
0x127: {  	p1 =	sne.s32 s31, $0x1F4;
	[sflag:s19] =	ssyncset.done $0x0  }
.Ltmp1:
0x128: {  	[sflag:s19] =	ssyncadd.s32 $0xFFFFEC00;
	(pc) =	sbr.rel @p1 .LBB2_2-.Ltmp1, $4  }
0x129: {  	[spmem:s1] =	stream.indirect.scatter.add.f32 [tilespmem:s30], [sflag:$0x4], $0x80, s29, s21, $0xb8;
	[tilespmem:$0x1B190] =	vst v63  }
0x12a: {  	_ =	swait.ge [sflag:s19], $0x1400  }
0x12b: {  	[sflag:s19] =	ssyncset.done $0x0  }
0x12c: {  	[sflag:s19] =	ssyncadd.s32 $0xFFFFEC00  }
0x12d: {  	[bflag:$0x0] =	sbarrier.arrive $0xFFFF  }
0x12e: {  	s0 =	simm.s32 @p0 $0x1FC4;
	s3 =	rddreg [dreg:$0x7]  }
0x12f: {  	[hbm:s3], [sflag:s0] =	dma.local @p0 [spmem:s15], $0x2B20  }
0x130: {  	s0 =	simm.s32 @p0 $0x4  }
0x131: {  	_ =	swait.ge @p0 [sflag:s0], $0x2B20  }
0x132: {  	s2 =	sadd.s32 $0x1, s2;
	[sflag:s0] =	ssyncset.done @p0 $0x0  }
0x133: {  	p1 =	sne.s32 s2, s14;
	[sflag:s0] =	ssyncadd.s32 @p0 $0xFFFFD4E0;
	s0 =	rddreg [dreg:$0x6]  }
0x134: {  	[hbm:s0], [sflag:s16] =	dma.local @!p0 [spmem:s17], $0x2C00  }
.Ltmp2:
0x135: {  	_ = 	snop;
	(pc) =	sbr.rel @p1 .LBB2_1-.Ltmp2, $4  }
0x136: {  	s0 =	simm.s32 @!p0 $0x4  }
0x137: {  	_ =	swait.ge @!p0 [sflag:s0], $0x2C00  }
0x138: {  	[sflag:s0] =	ssyncset.done @!p0 $0x0  }
0x139: {  	[sflag:s0] =	ssyncadd.s32 @!p0 $0xFFFFD400  }
0x13a: {  	_ =	sfence.sel $0x180000  }
0x13b: {  	[bflag:$0x0] =	sbarrier.arrive $0xFFFF  }
0x13c: {  	_ =	strace $0x9000004A  }
0x13d: {  	s0 =	stileid.u32;
	[bflag:$0x2] =	sbarrier.arrive $0xFFFF  }
0x13e: {  	p0 =	sne.s32 s0, $0x0;
	s0 =	rddreg [dreg:$0x3]  }
0x13f: {  	s0 =	sadd.s32 @!p0 $0x100000, s0  }
0x140: {  	[sflag:s0] =	ssyncadd.tile.s32 @!p0 $0x1;
	_ =	shalt  }
.Lfunc_end2:
_tile_overlayer_lowered:
.L_overlay_start_2:
0x141: {  	(tag) =	ssettag $0x2  }
0x142: {  	s0 =	rddreg [dreg:$0x0];
	s2 =	stileid.u32  }
0x143: {  	s1 =	rddreg [dreg:$0x1];
	p0 =	sne.s32 s2, $0x0  }
0x144: {  	s3 =	rddreg [dreg:$0x2];
	[bflag:$0x3] =	sbarrier.arrive $0xFFFF;
	s2 =	simm.s32 @!p0 $0x1C04  }
0x145: {  	[timem:s3], [sflag:s2] =	dma.local @!p0 [hbm:s0], s1  }
0x146: {  	s0 =	simm.s32 @!p0 $0x4  }
0x147: {  	_ =	swait.ge @!p0 [sflag:s0], s1  }
0x148: {  	s1 =	ssub.s32 @!p0 $0x0, s1;
	[sflag:s0] =	ssyncset.done @!p0 $0x0  }
0x149: {  	[sflag:s0] =	ssyncadd.s32 @!p0 s1  }
0x14a: {  	[bflag:$0x3] =	sbarrier.arrive $0xFFFF  }
0x14b: {  	_ =	shalt  }

</sc_bundles>
